<compile_context>
chip_gen: v7x
topology: tpu7x:2x2x1
jax: 0.10.2.dev20260603
libtpu: 0.0.44.dev20260713+nightly
codegen_flags: <defaults>
</compile_context>

<pallas_src>
import functools
import math

import jax
import jax.numpy as jnp
from jax import lax
from jax.experimental import pallas as pl
from jax.experimental.pallas import tpu as pltpu
from jax.experimental.pallas import tpu_sc as plsc

NUM_EMB = 100000
DIM = 128
_SCALE = math.sqrt(DIM)

NC = 2
NS = 16
NW = NC * NS

BATCH = 4096
SEQ = 50
CHUNK = BATCH // NW
GCH = 32
SPLIT = CHUNK // GCH
N_CHUNKS = SEQ * SPLIT
NB = 10
G = 8


def _make_lookup():
    mesh = plsc.VectorSubcoreMesh(core_axis_name="c", subcore_axis_name="s")

    @functools.partial(
        pl.kernel,
        mesh=mesh,
        out_type=jax.ShapeDtypeStruct((SEQ, BATCH, DIM), jnp.float32),
        scratch_types=[
            pltpu.VMEM((SEQ, CHUNK), jnp.int32),
            pltpu.VMEM((NB, GCH, DIM), jnp.float32),
            pltpu.SemaphoreType.DMA((NB,)),
            pltpu.SemaphoreType.DMA((NB,)),
        ],
    )
    def lookup(idx_hbm, table_hbm, out_hbm, idx_v, rows_v, gsem, osem):
        wid = lax.axis_index("s") * NC + lax.axis_index("c")
        col0 = wid * CHUNK
        pltpu.sync_copy(idx_hbm.at[:, pl.ds(col0, CHUNK)], idx_v)

        def gather(j, b):
            return pltpu.make_async_copy(
                table_hbm.at[idx_v.at[j // SPLIT, pl.ds((j % SPLIT) * GCH, GCH)]],
                rows_v.at[b],
                gsem.at[b],
            )

        def outcp(j, b):
            return pltpu.make_async_copy(
                rows_v.at[b],
                out_hbm.at[j // SPLIT].at[
                    pl.ds(col0 + (j % SPLIT) * GCH, GCH)
                ],
                osem.at[b],
            )

        for b in range(G):
            gather(b, b).start()

        def outer(g, carry):
            for b in range(NB):
                j = g * NB + b
                jn = j + G
                bn = (b + G) % NB

                @pl.when(jn < N_CHUNKS)
                def _():
                    @pl.when(jn >= NB)
                    def _():
                        outcp(jn - NB, bn).wait()

                    gather(jn, bn).start()

                gather(j, b).wait()
                rv = rows_v.at[b]

                def row_body(r, c2):
                    for c in range(DIM // 16):
                        sl = (r, pl.ds(c * 16, 16))
                        rv[sl] = rv[sl] * _SCALE
                    return c2

                lax.fori_loop(0, GCH, row_body, 0)
                outcp(j, b).start()
            return carry

        lax.fori_loop(0, N_CHUNKS // NB, outer, 0)

        for b in range(NB):
            outcp(N_CHUNKS - NB + b, b).wait()

    return lookup


_lookup = _make_lookup()


@jax.jit
def kernel(x, weight):
    out = _lookup(x.T, weight)
    return out.transpose(1, 0, 2)

# --- scband reference (transcript-rebuilt; emitter-appended) ---
"""Pipeline reference for scband-embedding-11166914970235 (READ-ONLY COPY).

The authoritative reference and input builder live on the scoring server;
editing this copy changes nothing except your own understanding.
"""

import jax, jax.numpy as jnp
import numpy as np
import math

NUM_EMBEDDING = 100000
EMBEDDING_DIM = 128
SCALE = math.sqrt(EMBEDDING_DIM)

def setup_inputs(seed: int = 0) -> dict:
    key = jax.random.key(seed)
    k1, k2 = jax.random.split(key)
    x = jax.random.randint(k1, (4096, 50), 0, NUM_EMBEDDING, dtype=jnp.int64 if jax.config.jax_enable_x64 else jnp.int32).astype(jnp.int32)
    weight = jax.random.normal(k2, (NUM_EMBEDDING, EMBEDDING_DIM), dtype=jnp.float32)
    weight = weight / jnp.linalg.norm(weight, axis=1, keepdims=True)
    return {"x": x, "weight": weight}

def reference(x, weight):
    # scale * F.embedding(x, weight)
    return SCALE * jnp.take(weight, x, axis=0)

if __name__ == "__main__":
    import jax
    _d = setup_inputs()
    print(jax.jit(kernel)(*tuple(_d.values())))

</pallas_src>

<mosaic_0001>
#map = affine_map<(d0, d1) -> (0, 0)>
#map1 = affine_map<(d0, d1) -> (0, 0, 0)>
module attributes {stable_mosaic.version = 14 : i64} {
  func.func @lookup(%arg0: i32, %arg1: i32, %arg2: memref<50x4096xi32, #tpu.memory_space<hbm>>, %arg3: memref<100000x128xf32, #tpu.memory_space<hbm>>, %arg4: memref<50x4096x128xf32, #tpu.memory_space<hbm>>, %arg5: memref<50x128xi32, #tpu.memory_space<vmem>>, %arg6: memref<10x32x128xf32, #tpu.memory_space<vmem>>, %arg7: memref<10x!tpu.dma_semaphore, #tpu.memory_space<semaphore_mem>>, %arg8: memref<10x!tpu.dma_semaphore, #tpu.memory_space<semaphore_mem>>) attributes {dimension_semantics = [#tpu.dimension_semantics<core_parallel>, #tpu.dimension_semantics<subcore_parallel>], iteration_bounds = array<i64: 2, 16>, scalar_prefetch = 0 : i64, scratch_operands = 4 : i64, tpu.core_type = #tpu.core_type<sc_vector_subcore>, window_params = [{transform_indices = #map}, {transform_indices = #map}, {transform_indices = #map1}]} {
    %mul3A = arith.constant 2 : i32
    %mul3A_0 = arith.muli %arg1, %mul3A : i32
    %add3A = arith.addi %mul3A_0, %arg0 : i32
    %mul3A_1 = arith.constant 128 : i32
    %mul3A_2 = arith.muli %add3A, %mul3A_1 : i32
    "tpu.region"() ({
      %run_scoped3A = tpu.sem_alloc : memref<!tpu.dma_semaphore, #tpu.memory_space<semaphore_mem>>
      %dma_start3A_396 = arith.constant 0 : i32
      %dma_start3A_397 = tpu.memref_slice %arg2[%dma_start3A_396, %mul3A_2] : memref<50x4096xi32, #tpu.memory_space<hbm>> -> memref<50x128xi32, #tpu.memory_space<hbm>>
      %dma_start3A_398 = arith.constant 0 : i32
      %dma_start3A_399 = tpu.memref_slice %arg2[%dma_start3A_398, %mul3A_2] : memref<50x4096xi32, #tpu.memory_space<hbm>> -> memref<50x128xi32, #tpu.memory_space<hbm>>
      tpu.enqueue_dma source(%dma_start3A_399 : memref<50x128xi32, #tpu.memory_space<hbm>>) target(%arg5 : memref<50x128xi32, #tpu.memory_space<vmem>>) target_semaphore(%run_scoped3A : memref<!tpu.dma_semaphore, #tpu.memory_space<semaphore_mem>>)
      %dma_wait3A_400 = arith.constant 0 : i32
      %dma_wait3A_401 = tpu.memref_slice %arg2[%dma_wait3A_400, %mul3A_2] : memref<50x4096xi32, #tpu.memory_space<hbm>> -> memref<50x128xi32, #tpu.memory_space<hbm>>
      %dma_wait3A_402 = arith.constant 0 : i32
      %dma_wait3A_403 = tpu.memref_slice %arg2[%dma_wait3A_402, %mul3A_2] : memref<50x4096xi32, #tpu.memory_space<hbm>> -> memref<50x128xi32, #tpu.memory_space<hbm>>
      tpu.wait_dma2 semaphore(%run_scoped3A : memref<!tpu.dma_semaphore, #tpu.memory_space<semaphore_mem>>) src(%dma_wait3A_403 : memref<50x128xi32, #tpu.memory_space<hbm>>) dst(%arg5 : memref<50x128xi32, #tpu.memory_space<vmem>>)
      tpu.yield
    }) : () -> ()
    %dma_start3A = arith.constant 0 : i32
    %dma_start3A_3 = arith.constant 0 : i32
    %dma_start3A_4 = arith.constant 0 : i32
    %dma_start3A_5 = arith.constant 0 : i32
    %dma_start3A_6 = arith.constant 0 : i32
    %dma_start3A_7 = tpu.memref_slice %arg6[%dma_start3A_3, %dma_start3A_5, %dma_start3A_6] : memref<10x32x128xf32, #tpu.memory_space<vmem>> -> memref<1x32x128xf32, #tpu.memory_space<vmem>>
    %dma_start3A_8 = tpu.memref_squeeze %dma_start3A_7 : memref<1x32x128xf32, #tpu.memory_space<vmem>> -> memref<32x128xf32, #tpu.memory_space<vmem>>
    %dma_start3A_9 = arith.constant 0 : i32
    %dma_start3A_10 = tpu.memref_slice %arg5[%dma_start3A, %dma_start3A_9] : memref<50x128xi32, #tpu.memory_space<vmem>> -> memref<1x32xi32, #tpu.memory_space<vmem>>
    %dma_start3A_11 = tpu.memref_squeeze %dma_start3A_10 : memref<1x32xi32, #tpu.memory_space<vmem>> -> memref<32xi32, #tpu.memory_space<vmem>>
    %dma_start3A_12 = arith.constant 0 : i32
    %dma_start3A_13 = arith.constant 0 : i32
    %dma_start3A_14 = tpu.memref_slice %arg3[%dma_start3A_12, %dma_start3A_13] : memref<100000x128xf32, #tpu.memory_space<hbm>> -> memref<100000x128xf32, #tpu.memory_space<hbm>>
    %dma_start3A_15 = tpu.memref_slice %arg7[%dma_start3A_4] : memref<10x!tpu.dma_semaphore, #tpu.memory_space<semaphore_mem>> -> memref<1x!tpu.dma_semaphore, #tpu.memory_space<semaphore_mem>>
    %dma_start3A_16 = tpu.memref_squeeze %dma_start3A_15 : memref<1x!tpu.dma_semaphore, #tpu.memory_space<semaphore_mem>> -> memref<!tpu.dma_semaphore, #tpu.memory_space<semaphore_mem>>
    tpu.enqueue_indirect_dma source(%dma_start3A_14 : memref<100000x128xf32, #tpu.memory_space<hbm>>) target(%dma_start3A_8 : memref<32x128xf32, #tpu.memory_space<vmem>>) offsets(%dma_start3A_11 : memref<32xi32, #tpu.memory_space<vmem>>) semaphore(%dma_start3A_16 : memref<!tpu.dma_semaphore, #tpu.memory_space<semaphore_mem>>)
    %dma_start3A_17 = arith.constant 0 : i32
    %dma_start3A_18 = arith.constant 1 : i32
    %dma_start3A_19 = arith.constant 1 : i32
    %dma_start3A_20 = arith.constant 0 : i32
    %dma_start3A_21 = arith.constant 0 : i32
    %dma_start3A_22 = tpu.memref_slice %arg6[%dma_start3A_18, %dma_start3A_20, %dma_start3A_21] : memref<10x32x128xf32, #tpu.memory_space<vmem>> -> memref<1x32x128xf32, #tpu.memory_space<vmem>>
    %dma_start3A_23 = tpu.memref_squeeze %dma_start3A_22 : memref<1x32x128xf32, #tpu.memory_space<vmem>> -> memref<32x128xf32, #tpu.memory_space<vmem>>
    %dma_start3A_24 = arith.constant 32 : i32
    %dma_start3A_25 = tpu.memref_slice %arg5[%dma_start3A_17, %dma_start3A_24] : memref<50x128xi32, #tpu.memory_space<vmem>> -> memref<1x32xi32, #tpu.memory_space<vmem>>
    %dma_start3A_26 = tpu.memref_squeeze %dma_start3A_25 : memref<1x32xi32, #tpu.memory_space<vmem>> -> memref<32xi32, #tpu.memory_space<vmem>>
    %dma_start3A_27 = arith.constant 0 : i32
    %dma_start3A_28 = arith.constant 0 : i32
    %dma_start3A_29 = tpu.memref_slice %arg3[%dma_start3A_27, %dma_start3A_28] : memref<100000x128xf32, #tpu.memory_space<hbm>> -> memref<100000x128xf32, #tpu.memory_space<hbm>>
    %dma_start3A_30 = tpu.memref_slice %arg7[%dma_start3A_19] : memref<10x!tpu.dma_semaphore, #tpu.memory_space<semaphore_mem>> -> memref<1x!tpu.dma_semaphore, #tpu.memory_space<semaphore_mem>>
    %dma_start3A_31 = tpu.memref_squeeze %dma_start3A_30 : memref<1x!tpu.dma_semaphore, #tpu.memory_space<semaphore_mem>> -> memref<!tpu.dma_semaphore, #tpu.memory_space<semaphore_mem>>
    tpu.enqueue_indirect_dma source(%dma_start3A_29 : memref<100000x128xf32, #tpu.memory_space<hbm>>) target(%dma_start3A_23 : memref<32x128xf32, #tpu.memory_space<vmem>>) offsets(%dma_start3A_26 : memref<32xi32, #tpu.memory_space<vmem>>) semaphore(%dma_start3A_31 : memref<!tpu.dma_semaphore, #tpu.memory_space<semaphore_mem>>)
    %dma_start3A_32 = arith.constant 0 : i32
    %dma_start3A_33 = arith.constant 2 : i32
    %dma_start3A_34 = arith.constant 2 : i32
    %dma_start3A_35 = arith.constant 0 : i32
    %dma_start3A_36 = arith.constant 0 : i32
    %dma_start3A_37 = tpu.memref_slice %arg6[%dma_start3A_33, %dma_start3A_35, %dma_start3A_36] : memref<10x32x128xf32, #tpu.memory_space<vmem>> -> memref<1x32x128xf32, #tpu.memory_space<vmem>>
    %dma_start3A_38 = tpu.memref_squeeze %dma_start3A_37 : memref<1x32x128xf32, #tpu.memory_space<vmem>> -> memref<32x128xf32, #tpu.memory_space<vmem>>
    %dma_start3A_39 = arith.constant 64 : i32
    %dma_start3A_40 = tpu.memref_slice %arg5[%dma_start3A_32, %dma_start3A_39] : memref<50x128xi32, #tpu.memory_space<vmem>> -> memref<1x32xi32, #tpu.memory_space<vmem>>
    %dma_start3A_41 = tpu.memref_squeeze %dma_start3A_40 : memref<1x32xi32, #tpu.memory_space<vmem>> -> memref<32xi32, #tpu.memory_space<vmem>>
    %dma_start3A_42 = arith.constant 0 : i32
    %dma_start3A_43 = arith.constant 0 : i32
    %dma_start3A_44 = tpu.memref_slice %arg3[%dma_start3A_42, %dma_start3A_43] : memref<100000x128xf32, #tpu.memory_space<hbm>> -> memref<100000x128xf32, #tpu.memory_space<hbm>>
    %dma_start3A_45 = tpu.memref_slice %arg7[%dma_start3A_34] : memref<10x!tpu.dma_semaphore, #tpu.memory_space<semaphore_mem>> -> memref<1x!tpu.dma_semaphore, #tpu.memory_space<semaphore_mem>>
    %dma_start3A_46 = tpu.memref_squeeze %dma_start3A_45 : memref<1x!tpu.dma_semaphore, #tpu.memory_space<semaphore_mem>> -> memref<!tpu.dma_semaphore, #tpu.memory_space<semaphore_mem>>
    tpu.enqueue_indirect_dma source(%dma_start3A_44 : memref<100000x128xf32, #tpu.memory_space<hbm>>) target(%dma_start3A_38 : memref<32x128xf32, #tpu.memory_space<vmem>>) offsets(%dma_start3A_41 : memref<32xi32, #tpu.memory_space<vmem>>) semaphore(%dma_start3A_46 : memref<!tpu.dma_semaphore, #tpu.memory_space<semaphore_mem>>)
    %dma_start3A_47 = arith.constant 0 : i32
    %dma_start3A_48 = arith.constant 3 : i32
    %dma_start3A_49 = arith.constant 3 : i32
    %dma_start3A_50 = arith.constant 0 : i32
    %dma_start3A_51 = arith.constant 0 : i32
    %dma_start3A_52 = tpu.memref_slice %arg6[%dma_start3A_48, %dma_start3A_50, %dma_start3A_51] : memref<10x32x128xf32, #tpu.memory_space<vmem>> -> memref<1x32x128xf32, #tpu.memory_space<vmem>>
    %dma_start3A_53 = tpu.memref_squeeze %dma_start3A_52 : memref<1x32x128xf32, #tpu.memory_space<vmem>> -> memref<32x128xf32, #tpu.memory_space<vmem>>
    %dma_start3A_54 = arith.constant 96 : i32
    %dma_start3A_55 = tpu.memref_slice %arg5[%dma_start3A_47, %dma_start3A_54] : memref<50x128xi32, #tpu.memory_space<vmem>> -> memref<1x32xi32, #tpu.memory_space<vmem>>
    %dma_start3A_56 = tpu.memref_squeeze %dma_start3A_55 : memref<1x32xi32, #tpu.memory_space<vmem>> -> memref<32xi32, #tpu.memory_space<vmem>>
    %dma_start3A_57 = arith.constant 0 : i32
    %dma_start3A_58 = arith.constant 0 : i32
    %dma_start3A_59 = tpu.memref_slice %arg3[%dma_start3A_57, %dma_start3A_58] : memref<100000x128xf32, #tpu.memory_space<hbm>> -> memref<100000x128xf32, #tpu.memory_space<hbm>>
    %dma_start3A_60 = tpu.memref_slice %arg7[%dma_start3A_49] : memref<10x!tpu.dma_semaphore, #tpu.memory_space<semaphore_mem>> -> memref<1x!tpu.dma_semaphore, #tpu.memory_space<semaphore_mem>>
    %dma_start3A_61 = tpu.memref_squeeze %dma_start3A_60 : memref<1x!tpu.dma_semaphore, #tpu.memory_space<semaphore_mem>> -> memref<!tpu.dma_semaphore, #tpu.memory_space<semaphore_mem>>
    tpu.enqueue_indirect_dma source(%dma_start3A_59 : memref<100000x128xf32, #tpu.memory_space<hbm>>) target(%dma_start3A_53 : memref<32x128xf32, #tpu.memory_space<vmem>>) offsets(%dma_start3A_56 : memref<32xi32, #tpu.memory_space<vmem>>) semaphore(%dma_start3A_61 : memref<!tpu.dma_semaphore, #tpu.memory_space<semaphore_mem>>)
    %dma_start3A_62 = arith.constant 1 : i32
    %dma_start3A_63 = arith.constant 4 : i32
    %dma_start3A_64 = arith.constant 4 : i32
    %dma_start3A_65 = arith.constant 0 : i32
    %dma_start3A_66 = arith.constant 0 : i32
    %dma_start3A_67 = tpu.memref_slice %arg6[%dma_start3A_63, %dma_start3A_65, %dma_start3A_66] : memref<10x32x128xf32, #tpu.memory_space<vmem>> -> memref<1x32x128xf32, #tpu.memory_space<vmem>>
    %dma_start3A_68 = tpu.memref_squeeze %dma_start3A_67 : memref<1x32x128xf32, #tpu.memory_space<vmem>> -> memref<32x128xf32, #tpu.memory_space<vmem>>
    %dma_start3A_69 = arith.constant 0 : i32
    %dma_start3A_70 = tpu.memref_slice %arg5[%dma_start3A_62, %dma_start3A_69] : memref<50x128xi32, #tpu.memory_space<vmem>> -> memref<1x32xi32, #tpu.memory_space<vmem>>
    %dma_start3A_71 = tpu.memref_squeeze %dma_start3A_70 : memref<1x32xi32, #tpu.memory_space<vmem>> -> memref<32xi32, #tpu.memory_space<vmem>>
    %dma_start3A_72 = arith.constant 0 : i32
    %dma_start3A_73 = arith.constant 0 : i32
    %dma_start3A_74 = tpu.memref_slice %arg3[%dma_start3A_72, %dma_start3A_73] : memref<100000x128xf32, #tpu.memory_space<hbm>> -> memref<100000x128xf32, #tpu.memory_space<hbm>>
    %dma_start3A_75 = tpu.memref_slice %arg7[%dma_start3A_64] : memref<10x!tpu.dma_semaphore, #tpu.memory_space<semaphore_mem>> -> memref<1x!tpu.dma_semaphore, #tpu.memory_space<semaphore_mem>>
    %dma_start3A_76 = tpu.memref_squeeze %dma_start3A_75 : memref<1x!tpu.dma_semaphore, #tpu.memory_space<semaphore_mem>> -> memref<!tpu.dma_semaphore, #tpu.memory_space<semaphore_mem>>
    tpu.enqueue_indirect_dma source(%dma_start3A_74 : memref<100000x128xf32, #tpu.memory_space<hbm>>) target(%dma_start3A_68 : memref<32x128xf32, #tpu.memory_space<vmem>>) offsets(%dma_start3A_71 : memref<32xi32, #tpu.memory_space<vmem>>) semaphore(%dma_start3A_76 : memref<!tpu.dma_semaphore, #tpu.memory_space<semaphore_mem>>)
    %dma_start3A_77 = arith.constant 1 : i32
    %dma_start3A_78 = arith.constant 5 : i32
    %dma_start3A_79 = arith.constant 5 : i32
    %dma_start3A_80 = arith.constant 0 : i32
    %dma_start3A_81 = arith.constant 0 : i32
    %dma_start3A_82 = tpu.memref_slice %arg6[%dma_start3A_78, %dma_start3A_80, %dma_start3A_81] : memref<10x32x128xf32, #tpu.memory_space<vmem>> -> memref<1x32x128xf32, #tpu.memory_space<vmem>>
    %dma_start3A_83 = tpu.memref_squeeze %dma_start3A_82 : memref<1x32x128xf32, #tpu.memory_space<vmem>> -> memref<32x128xf32, #tpu.memory_space<vmem>>
    %dma_start3A_84 = arith.constant 32 : i32
    %dma_start3A_85 = tpu.memref_slice %arg5[%dma_start3A_77, %dma_start3A_84] : memref<50x128xi32, #tpu.memory_space<vmem>> -> memref<1x32xi32, #tpu.memory_space<vmem>>
    %dma_start3A_86 = tpu.memref_squeeze %dma_start3A_85 : memref<1x32xi32, #tpu.memory_space<vmem>> -> memref<32xi32, #tpu.memory_space<vmem>>
    %dma_start3A_87 = arith.constant 0 : i32
    %dma_start3A_88 = arith.constant 0 : i32
    %dma_start3A_89 = tpu.memref_slice %arg3[%dma_start3A_87, %dma_start3A_88] : memref<100000x128xf32, #tpu.memory_space<hbm>> -> memref<100000x128xf32, #tpu.memory_space<hbm>>
    %dma_start3A_90 = tpu.memref_slice %arg7[%dma_start3A_79] : memref<10x!tpu.dma_semaphore, #tpu.memory_space<semaphore_mem>> -> memref<1x!tpu.dma_semaphore, #tpu.memory_space<semaphore_mem>>
    %dma_start3A_91 = tpu.memref_squeeze %dma_start3A_90 : memref<1x!tpu.dma_semaphore, #tpu.memory_space<semaphore_mem>> -> memref<!tpu.dma_semaphore, #tpu.memory_space<semaphore_mem>>
    tpu.enqueue_indirect_dma source(%dma_start3A_89 : memref<100000x128xf32, #tpu.memory_space<hbm>>) target(%dma_start3A_83 : memref<32x128xf32, #tpu.memory_space<vmem>>) offsets(%dma_start3A_86 : memref<32xi32, #tpu.memory_space<vmem>>) semaphore(%dma_start3A_91 : memref<!tpu.dma_semaphore, #tpu.memory_space<semaphore_mem>>)
    %dma_start3A_92 = arith.constant 1 : i32
    %dma_start3A_93 = arith.constant 6 : i32
    %dma_start3A_94 = arith.constant 6 : i32
    %dma_start3A_95 = arith.constant 0 : i32
    %dma_start3A_96 = arith.constant 0 : i32
    %dma_start3A_97 = tpu.memref_slice %arg6[%dma_start3A_93, %dma_start3A_95, %dma_start3A_96] : memref<10x32x128xf32, #tpu.memory_space<vmem>> -> memref<1x32x128xf32, #tpu.memory_space<vmem>>
    %dma_start3A_98 = tpu.memref_squeeze %dma_start3A_97 : memref<1x32x128xf32, #tpu.memory_space<vmem>> -> memref<32x128xf32, #tpu.memory_space<vmem>>
    %dma_start3A_99 = arith.constant 64 : i32
    %dma_start3A_100 = tpu.memref_slice %arg5[%dma_start3A_92, %dma_start3A_99] : memref<50x128xi32, #tpu.memory_space<vmem>> -> memref<1x32xi32, #tpu.memory_space<vmem>>
    %dma_start3A_101 = tpu.memref_squeeze %dma_start3A_100 : memref<1x32xi32, #tpu.memory_space<vmem>> -> memref<32xi32, #tpu.memory_space<vmem>>
    %dma_start3A_102 = arith.constant 0 : i32
    %dma_start3A_103 = arith.constant 0 : i32
    %dma_start3A_104 = tpu.memref_slice %arg3[%dma_start3A_102, %dma_start3A_103] : memref<100000x128xf32, #tpu.memory_space<hbm>> -> memref<100000x128xf32, #tpu.memory_space<hbm>>
    %dma_start3A_105 = tpu.memref_slice %arg7[%dma_start3A_94] : memref<10x!tpu.dma_semaphore, #tpu.memory_space<semaphore_mem>> -> memref<1x!tpu.dma_semaphore, #tpu.memory_space<semaphore_mem>>
    %dma_start3A_106 = tpu.memref_squeeze %dma_start3A_105 : memref<1x!tpu.dma_semaphore, #tpu.memory_space<semaphore_mem>> -> memref<!tpu.dma_semaphore, #tpu.memory_space<semaphore_mem>>
    tpu.enqueue_indirect_dma source(%dma_start3A_104 : memref<100000x128xf32, #tpu.memory_space<hbm>>) target(%dma_start3A_98 : memref<32x128xf32, #tpu.memory_space<vmem>>) offsets(%dma_start3A_101 : memref<32xi32, #tpu.memory_space<vmem>>) semaphore(%dma_start3A_106 : memref<!tpu.dma_semaphore, #tpu.memory_space<semaphore_mem>>)
    %dma_start3A_107 = arith.constant 1 : i32
    %dma_start3A_108 = arith.constant 7 : i32
    %dma_start3A_109 = arith.constant 7 : i32
    %dma_start3A_110 = arith.constant 0 : i32
    %dma_start3A_111 = arith.constant 0 : i32
    %dma_start3A_112 = tpu.memref_slice %arg6[%dma_start3A_108, %dma_start3A_110, %dma_start3A_111] : memref<10x32x128xf32, #tpu.memory_space<vmem>> -> memref<1x32x128xf32, #tpu.memory_space<vmem>>
    %dma_start3A_113 = tpu.memref_squeeze %dma_start3A_112 : memref<1x32x128xf32, #tpu.memory_space<vmem>> -> memref<32x128xf32, #tpu.memory_space<vmem>>
    %dma_start3A_114 = arith.constant 96 : i32
    %dma_start3A_115 = tpu.memref_slice %arg5[%dma_start3A_107, %dma_start3A_114] : memref<50x128xi32, #tpu.memory_space<vmem>> -> memref<1x32xi32, #tpu.memory_space<vmem>>
    %dma_start3A_116 = tpu.memref_squeeze %dma_start3A_115 : memref<1x32xi32, #tpu.memory_space<vmem>> -> memref<32xi32, #tpu.memory_space<vmem>>
    %dma_start3A_117 = arith.constant 0 : i32
    %dma_start3A_118 = arith.constant 0 : i32
    %dma_start3A_119 = tpu.memref_slice %arg3[%dma_start3A_117, %dma_start3A_118] : memref<100000x128xf32, #tpu.memory_space<hbm>> -> memref<100000x128xf32, #tpu.memory_space<hbm>>
    %dma_start3A_120 = tpu.memref_slice %arg7[%dma_start3A_109] : memref<10x!tpu.dma_semaphore, #tpu.memory_space<semaphore_mem>> -> memref<1x!tpu.dma_semaphore, #tpu.memory_space<semaphore_mem>>
    %dma_start3A_121 = tpu.memref_squeeze %dma_start3A_120 : memref<1x!tpu.dma_semaphore, #tpu.memory_space<semaphore_mem>> -> memref<!tpu.dma_semaphore, #tpu.memory_space<semaphore_mem>>
    tpu.enqueue_indirect_dma source(%dma_start3A_119 : memref<100000x128xf32, #tpu.memory_space<hbm>>) target(%dma_start3A_113 : memref<32x128xf32, #tpu.memory_space<vmem>>) offsets(%dma_start3A_116 : memref<32xi32, #tpu.memory_space<vmem>>) semaphore(%dma_start3A_121 : memref<!tpu.dma_semaphore, #tpu.memory_space<semaphore_mem>>)
    %scan3A = arith.constant 0 : i32
    %scan3A_122 = arith.constant 0 : i32
    %scan3A_123 = arith.constant 20 : i32
    %scan3A_124 = arith.addi %scan3A_122, %scan3A_123 : i32
    %scan3A_125 = arith.constant 1 : i32
    scf.for %scan3A_396 = %scan3A_122 to %scan3A_124 step %scan3A_125  : i32 {
      %mul3A_397 = arith.constant 10 : i32
      %mul3A_398 = arith.muli %scan3A_396, %mul3A_397 : i32
      %add3A_399 = arith.constant 0 : i32
      %add3A_400 = arith.addi %mul3A_398, %add3A_399 : i32
      %add3A_401 = arith.constant 8 : i32
      %add3A_402 = arith.addi %add3A_400, %add3A_401 : i32
      %lt3A = arith.constant 200 : i32
      %lt3A_403 = arith.cmpi slt, %add3A_402, %lt3A : i32
      %convert_element_type3A = arith.extui %lt3A_403 : i1 to i32
      %cond3A = arith.constant 0 : i32
      %cond3A_404 = arith.cmpi ne, %convert_element_type3A, %cond3A : i32
      scf.if %cond3A_404 {
        %ge3A = arith.constant 10 : i32
        %ge3A_1785 = arith.cmpi sge, %add3A_402, %ge3A : i32
        %convert_element_type3A_1786 = arith.extui %ge3A_1785 : i1 to i32
        %cond3A_1787 = arith.constant 0 : i32
        %cond3A_1788 = arith.cmpi ne, %convert_element_type3A_1786, %cond3A_1787 : i32
        scf.if %cond3A_1788 {
          %sub3A_1844 = arith.constant 10 : i32
          %sub3A_1845 = arith.subi %add3A_402, %sub3A_1844 : i32
          %jit3A_1846 = arith.constant 4 : i32
          %div3A_1847 = arith.divsi %sub3A_1845, %jit3A_1846 : i32
          %sign3A_1848 = arith.constant 0 : i32
          %sign3A_1849 = arith.cmpi sgt, %sub3A_1845, %sign3A_1848 : i32
          %sign3A_1850 = arith.extui %sign3A_1849 : i1 to i32
          %sign3A_1851 = arith.constant 0 : i32
          %sign3A_1852 = arith.cmpi slt, %sub3A_1845, %sign3A_1851 : i32
          %sign3A_1853 = arith.extui %sign3A_1852 : i1 to i32
          %sign3A_1854 = arith.subi %sign3A_1850, %sign3A_1853 : i32
          %sign3A_1855 = arith.constant 0 : i32
          %sign3A_1856 = arith.cmpi sgt, %jit3A_1846, %sign3A_1855 : i32
          %sign3A_1857 = arith.extui %sign3A_1856 : i1 to i32
          %sign3A_1858 = arith.constant 0 : i32
          %sign3A_1859 = arith.cmpi slt, %jit3A_1846, %sign3A_1858 : i32
          %sign3A_1860 = arith.extui %sign3A_1859 : i1 to i32
          %sign3A_1861 = arith.subi %sign3A_1857, %sign3A_1860 : i32
          %ne3A_1862 = arith.cmpi ne, %sign3A_1854, %sign3A_1861 : i32
          %rem3A_1863 = arith.remsi %sub3A_1845, %jit3A_1846 : i32
          %ne3A_1864 = arith.constant 0 : i32
          %ne3A_1865 = arith.cmpi ne, %rem3A_1863, %ne3A_1864 : i32
          %and3A_1866 = arith.andi %ne3A_1862, %ne3A_1865 : i1
          %sub3A_1867 = arith.constant 1 : i32
          %sub3A_1868 = arith.subi %div3A_1847, %sub3A_1867 : i32
          %select_n3A_1869 = arith.select %and3A_1866, %sub3A_1868, %div3A_1847 : i32
          %jit3A_1870 = arith.constant 4 : i32
          %eq3A_1871 = arith.constant 0 : i32
          %eq3A_1872 = arith.cmpi eq, %jit3A_1870, %eq3A_1871 : i32
          %jit3A_1873 = arith.constant 1 : i32
          %select_n3A_1874 = arith.select %eq3A_1872, %jit3A_1873, %jit3A_1870 : i32
          %rem3A_1875 = arith.remsi %sub3A_1845, %select_n3A_1874 : i32
          %ne3A_1876 = arith.constant 0 : i32
          %ne3A_1877 = arith.cmpi ne, %rem3A_1875, %ne3A_1876 : i32
          %lt3A_1878 = arith.constant 0 : i32
          %lt3A_1879 = arith.cmpi slt, %rem3A_1875, %lt3A_1878 : i32
          %lt3A_1880 = arith.constant 0 : i32
          %lt3A_1881 = arith.cmpi slt, %select_n3A_1874, %lt3A_1880 : i32
          %ne3A_1882 = arith.xori %lt3A_1879, %lt3A_1881 : i1
          %and3A_1883 = arith.andi %ne3A_1882, %ne3A_1877 : i1
          %add3A_1884 = arith.addi %rem3A_1875, %select_n3A_1874 : i32
          %select_n3A_1885 = arith.select %and3A_1883, %add3A_1884, %rem3A_1875 : i32
          %mul3A_1886 = arith.constant 32 : i32
          %mul3A_1887 = arith.muli %select_n3A_1885, %mul3A_1886 : i32
          %add3A_1888 = arith.addi %mul3A_2, %mul3A_1887 : i32
          %dma_wait3A_1889 = arith.constant 8 : i32
          %dma_wait3A_1890 = arith.constant 8 : i32
          %dma_wait3A_1891 = arith.constant 0 : i32
          %dma_wait3A_1892 = arith.constant 0 : i32
          %dma_wait3A_1893 = tpu.memref_slice %arg6[%dma_wait3A_1889, %dma_wait3A_1891, %dma_wait3A_1892] : memref<10x32x128xf32, #tpu.memory_space<vmem>> -> memref<1x32x128xf32, #tpu.memory_space<vmem>>
          %dma_wait3A_1894 = tpu.memref_squeeze %dma_wait3A_1893 : memref<1x32x128xf32, #tpu.memory_space<vmem>> -> memref<32x128xf32, #tpu.memory_space<vmem>>
          %dma_wait3A_1895 = arith.constant 0 : i32
          %dma_wait3A_1896 = arith.constant 0 : i32
          %dma_wait3A_1897 = tpu.memref_slice %arg4[%select_n3A_1869, %dma_wait3A_1895, %dma_wait3A_1896] : memref<50x4096x128xf32, #tpu.memory_space<hbm>> -> memref<1x4096x128xf32, #tpu.memory_space<hbm>>
          %dma_wait3A_1898 = tpu.memref_squeeze %dma_wait3A_1897 : memref<1x4096x128xf32, #tpu.memory_space<hbm>> -> memref<4096x128xf32, #tpu.memory_space<hbm>>
          %dma_wait3A_1899 = arith.constant 0 : i32
          %dma_wait3A_1900 = tpu.memref_slice %dma_wait3A_1898[%add3A_1888, %dma_wait3A_1899] : memref<4096x128xf32, #tpu.memory_space<hbm>> -> memref<32x128xf32, #tpu.memory_space<hbm>>
          %dma_wait3A_1901 = tpu.memref_slice %arg8[%dma_wait3A_1890] : memref<10x!tpu.dma_semaphore, #tpu.memory_space<semaphore_mem>> -> memref<1x!tpu.dma_semaphore, #tpu.memory_space<semaphore_mem>>
          %dma_wait3A_1902 = tpu.memref_squeeze %dma_wait3A_1901 : memref<1x!tpu.dma_semaphore, #tpu.memory_space<semaphore_mem>> -> memref<!tpu.dma_semaphore, #tpu.memory_space<semaphore_mem>>
          %dma_wait3A_1903 = arith.constant 0 : i32
          %dma_wait3A_1904 = arith.constant 0 : i32
          %dma_wait3A_1905 = tpu.memref_slice %arg4[%select_n3A_1869, %dma_wait3A_1903, %dma_wait3A_1904] : memref<50x4096x128xf32, #tpu.memory_space<hbm>> -> memref<1x4096x128xf32, #tpu.memory_space<hbm>>
          %dma_wait3A_1906 = tpu.memref_squeeze %dma_wait3A_1905 : memref<1x4096x128xf32, #tpu.memory_space<hbm>> -> memref<4096x128xf32, #tpu.memory_space<hbm>>
          %dma_wait3A_1907 = arith.constant 0 : i32
          %dma_wait3A_1908 = tpu.memref_slice %dma_wait3A_1906[%add3A_1888, %dma_wait3A_1907] : memref<4096x128xf32, #tpu.memory_space<hbm>> -> memref<32x128xf32, #tpu.memory_space<hbm>>
          %dma_wait3A_1909 = arith.constant 0 : i32
          %dma_wait3A_1910 = arith.constant 0 : i32
          %dma_wait3A_1911 = tpu.memref_slice %arg6[%dma_wait3A_1889, %dma_wait3A_1909, %dma_wait3A_1910] : memref<10x32x128xf32, #tpu.memory_space<vmem>> -> memref<1x32x128xf32, #tpu.memory_space<vmem>>
          %dma_wait3A_1912 = tpu.memref_squeeze %dma_wait3A_1911 : memref<1x32x128xf32, #tpu.memory_space<vmem>> -> memref<32x128xf32, #tpu.memory_space<vmem>>
          tpu.wait_dma2 semaphore(%dma_wait3A_1902 : memref<!tpu.dma_semaphore, #tpu.memory_space<semaphore_mem>>) src(%dma_wait3A_1912 : memref<32x128xf32, #tpu.memory_space<vmem>>) dst(%dma_wait3A_1908 : memref<32x128xf32, #tpu.memory_space<hbm>>)
        } else {
        }
        %jit3A_1789 = arith.constant 4 : i32
        %div3A_1790 = arith.divsi %add3A_402, %jit3A_1789 : i32
        %sign3A_1791 = arith.constant 0 : i32
        %sign3A_1792 = arith.cmpi sgt, %add3A_402, %sign3A_1791 : i32
        %sign3A_1793 = arith.extui %sign3A_1792 : i1 to i32
        %sign3A_1794 = arith.constant 0 : i32
        %sign3A_1795 = arith.cmpi slt, %add3A_402, %sign3A_1794 : i32
        %sign3A_1796 = arith.extui %sign3A_1795 : i1 to i32
        %sign3A_1797 = arith.subi %sign3A_1793, %sign3A_1796 : i32
        %sign3A_1798 = arith.constant 0 : i32
        %sign3A_1799 = arith.cmpi sgt, %jit3A_1789, %sign3A_1798 : i32
        %sign3A_1800 = arith.extui %sign3A_1799 : i1 to i32
        %sign3A_1801 = arith.constant 0 : i32
        %sign3A_1802 = arith.cmpi slt, %jit3A_1789, %sign3A_1801 : i32
        %sign3A_1803 = arith.extui %sign3A_1802 : i1 to i32
        %sign3A_1804 = arith.subi %sign3A_1800, %sign3A_1803 : i32
        %ne3A_1805 = arith.cmpi ne, %sign3A_1797, %sign3A_1804 : i32
        %rem3A_1806 = arith.remsi %add3A_402, %jit3A_1789 : i32
        %ne3A_1807 = arith.constant 0 : i32
        %ne3A_1808 = arith.cmpi ne, %rem3A_1806, %ne3A_1807 : i32
        %and3A_1809 = arith.andi %ne3A_1805, %ne3A_1808 : i1
        %sub3A_1810 = arith.constant 1 : i32
        %sub3A_1811 = arith.subi %div3A_1790, %sub3A_1810 : i32
        %select_n3A_1812 = arith.select %and3A_1809, %sub3A_1811, %div3A_1790 : i32
        %jit3A_1813 = arith.constant 4 : i32
        %eq3A_1814 = arith.constant 0 : i32
        %eq3A_1815 = arith.cmpi eq, %jit3A_1813, %eq3A_1814 : i32
        %jit3A_1816 = arith.constant 1 : i32
        %select_n3A_1817 = arith.select %eq3A_1815, %jit3A_1816, %jit3A_1813 : i32
        %rem3A_1818 = arith.remsi %add3A_402, %select_n3A_1817 : i32
        %ne3A_1819 = arith.constant 0 : i32
        %ne3A_1820 = arith.cmpi ne, %rem3A_1818, %ne3A_1819 : i32
        %lt3A_1821 = arith.constant 0 : i32
        %lt3A_1822 = arith.cmpi slt, %rem3A_1818, %lt3A_1821 : i32
        %lt3A_1823 = arith.constant 0 : i32
        %lt3A_1824 = arith.cmpi slt, %select_n3A_1817, %lt3A_1823 : i32
        %ne3A_1825 = arith.xori %lt3A_1822, %lt3A_1824 : i1
        %and3A_1826 = arith.andi %ne3A_1825, %ne3A_1820 : i1
        %add3A_1827 = arith.addi %rem3A_1818, %select_n3A_1817 : i32
        %select_n3A_1828 = arith.select %and3A_1826, %add3A_1827, %rem3A_1818 : i32
        %mul3A_1829 = arith.constant 32 : i32
        %mul3A_1830 = arith.muli %select_n3A_1828, %mul3A_1829 : i32
        %dma_start3A_1831 = arith.constant 8 : i32
        %dma_start3A_1832 = arith.constant 8 : i32
        %dma_start3A_1833 = arith.constant 0 : i32
        %dma_start3A_1834 = arith.constant 0 : i32
        %dma_start3A_1835 = tpu.memref_slice %arg6[%dma_start3A_1831, %dma_start3A_1833, %dma_start3A_1834] : memref<10x32x128xf32, #tpu.memory_space<vmem>> -> memref<1x32x128xf32, #tpu.memory_space<vmem>>
        %dma_start3A_1836 = tpu.memref_squeeze %dma_start3A_1835 : memref<1x32x128xf32, #tpu.memory_space<vmem>> -> memref<32x128xf32, #tpu.memory_space<vmem>>
        %dma_start3A_1837 = tpu.memref_slice %arg5[%select_n3A_1812, %mul3A_1830] : memref<50x128xi32, #tpu.memory_space<vmem>> -> memref<1x32xi32, #tpu.memory_space<vmem>>
        %dma_start3A_1838 = tpu.memref_squeeze %dma_start3A_1837 : memref<1x32xi32, #tpu.memory_space<vmem>> -> memref<32xi32, #tpu.memory_space<vmem>>
        %dma_start3A_1839 = arith.constant 0 : i32
        %dma_start3A_1840 = arith.constant 0 : i32
        %dma_start3A_1841 = tpu.memref_slice %arg3[%dma_start3A_1839, %dma_start3A_1840] : memref<100000x128xf32, #tpu.memory_space<hbm>> -> memref<100000x128xf32, #tpu.memory_space<hbm>>
        %dma_start3A_1842 = tpu.memref_slice %arg7[%dma_start3A_1832] : memref<10x!tpu.dma_semaphore, #tpu.memory_space<semaphore_mem>> -> memref<1x!tpu.dma_semaphore, #tpu.memory_space<semaphore_mem>>
        %dma_start3A_1843 = tpu.memref_squeeze %dma_start3A_1842 : memref<1x!tpu.dma_semaphore, #tpu.memory_space<semaphore_mem>> -> memref<!tpu.dma_semaphore, #tpu.memory_space<semaphore_mem>>
        tpu.enqueue_indirect_dma source(%dma_start3A_1841 : memref<100000x128xf32, #tpu.memory_space<hbm>>) target(%dma_start3A_1836 : memref<32x128xf32, #tpu.memory_space<vmem>>) offsets(%dma_start3A_1838 : memref<32xi32, #tpu.memory_space<vmem>>) semaphore(%dma_start3A_1843 : memref<!tpu.dma_semaphore, #tpu.memory_space<semaphore_mem>>)
      } else {
      }
      %jit3A = arith.constant 4 : i32
      %div3A = arith.divsi %add3A_400, %jit3A : i32
      %sign3A = arith.constant 0 : i32
      %sign3A_405 = arith.cmpi sgt, %add3A_400, %sign3A : i32
      %sign3A_406 = arith.extui %sign3A_405 : i1 to i32
      %sign3A_407 = arith.constant 0 : i32
      %sign3A_408 = arith.cmpi slt, %add3A_400, %sign3A_407 : i32
      %sign3A_409 = arith.extui %sign3A_408 : i1 to i32
      %sign3A_410 = arith.subi %sign3A_406, %sign3A_409 : i32
      %sign3A_411 = arith.constant 0 : i32
      %sign3A_412 = arith.cmpi sgt, %jit3A, %sign3A_411 : i32
      %sign3A_413 = arith.extui %sign3A_412 : i1 to i32
      %sign3A_414 = arith.constant 0 : i32
      %sign3A_415 = arith.cmpi slt, %jit3A, %sign3A_414 : i32
      %sign3A_416 = arith.extui %sign3A_415 : i1 to i32
      %sign3A_417 = arith.subi %sign3A_413, %sign3A_416 : i32
      %ne3A = arith.cmpi ne, %sign3A_410, %sign3A_417 : i32
      %rem3A = arith.remsi %add3A_400, %jit3A : i32
      %ne3A_418 = arith.constant 0 : i32
      %ne3A_419 = arith.cmpi ne, %rem3A, %ne3A_418 : i32
      %and3A = arith.andi %ne3A, %ne3A_419 : i1
      %sub3A = arith.constant 1 : i32
      %sub3A_420 = arith.subi %div3A, %sub3A : i32
      %select_n3A = arith.select %and3A, %sub3A_420, %div3A : i32
      %jit3A_421 = arith.constant 4 : i32
      %eq3A = arith.constant 0 : i32
      %eq3A_422 = arith.cmpi eq, %jit3A_421, %eq3A : i32
      %jit3A_423 = arith.constant 1 : i32
      %select_n3A_424 = arith.select %eq3A_422, %jit3A_423, %jit3A_421 : i32
      %rem3A_425 = arith.remsi %add3A_400, %select_n3A_424 : i32
      %ne3A_426 = arith.constant 0 : i32
      %ne3A_427 = arith.cmpi ne, %rem3A_425, %ne3A_426 : i32
      %lt3A_428 = arith.constant 0 : i32
      %lt3A_429 = arith.cmpi slt, %rem3A_425, %lt3A_428 : i32
      %lt3A_430 = arith.constant 0 : i32
      %lt3A_431 = arith.cmpi slt, %select_n3A_424, %lt3A_430 : i32
      %ne3A_432 = arith.xori %lt3A_429, %lt3A_431 : i1
      %and3A_433 = arith.andi %ne3A_432, %ne3A_427 : i1
      %add3A_434 = arith.addi %rem3A_425, %select_n3A_424 : i32
      %select_n3A_435 = arith.select %and3A_433, %add3A_434, %rem3A_425 : i32
      %mul3A_436 = arith.constant 32 : i32
      %mul3A_437 = arith.muli %select_n3A_435, %mul3A_436 : i32
      %dma_wait3A_438 = arith.constant 0 : i32
      %dma_wait3A_439 = arith.constant 0 : i32
      %dma_wait3A_440 = arith.constant 0 : i32
      %dma_wait3A_441 = arith.constant 0 : i32
      %dma_wait3A_442 = tpu.memref_slice %arg6[%dma_wait3A_438, %dma_wait3A_440, %dma_wait3A_441] : memref<10x32x128xf32, #tpu.memory_space<vmem>> -> memref<1x32x128xf32, #tpu.memory_space<vmem>>
      %dma_wait3A_443 = tpu.memref_squeeze %dma_wait3A_442 : memref<1x32x128xf32, #tpu.memory_space<vmem>> -> memref<32x128xf32, #tpu.memory_space<vmem>>
      %dma_wait3A_444 = tpu.memref_slice %arg5[%select_n3A, %mul3A_437] : memref<50x128xi32, #tpu.memory_space<vmem>> -> memref<1x32xi32, #tpu.memory_space<vmem>>
      %dma_wait3A_445 = tpu.memref_squeeze %dma_wait3A_444 : memref<1x32xi32, #tpu.memory_space<vmem>> -> memref<32xi32, #tpu.memory_space<vmem>>
      %dma_wait3A_446 = arith.constant 0 : i32
      %dma_wait3A_447 = arith.constant 0 : i32
      %dma_wait3A_448 = tpu.memref_slice %arg3[%dma_wait3A_446, %dma_wait3A_447] : memref<100000x128xf32, #tpu.memory_space<hbm>> -> memref<100000x128xf32, #tpu.memory_space<hbm>>
      %dma_wait3A_449 = tpu.memref_slice %arg7[%dma_wait3A_439] : memref<10x!tpu.dma_semaphore, #tpu.memory_space<semaphore_mem>> -> memref<1x!tpu.dma_semaphore, #tpu.memory_space<semaphore_mem>>
      %dma_wait3A_450 = tpu.memref_squeeze %dma_wait3A_449 : memref<1x!tpu.dma_semaphore, #tpu.memory_space<semaphore_mem>> -> memref<!tpu.dma_semaphore, #tpu.memory_space<semaphore_mem>>
      tpu.wait_indirect_dma semaphore(%dma_wait3A_450 : memref<!tpu.dma_semaphore, #tpu.memory_space<semaphore_mem>>) src(%dma_wait3A_448 : memref<100000x128xf32, #tpu.memory_space<hbm>>) dst(%dma_wait3A_443 : memref<32x128xf32, #tpu.memory_space<vmem>>)
      %scan3A_451 = arith.constant 0 : i32
      %scan3A_452 = arith.constant 0 : i32
      %scan3A_453 = arith.constant 0 : i32
      %scan3A_454 = arith.constant 32 : i32
      %scan3A_455 = arith.addi %scan3A_453, %scan3A_454 : i32
      %scan3A_456 = arith.constant 1 : i32
      scf.for %scan3A_1785 = %scan3A_453 to %scan3A_455 step %scan3A_456  : i32 {
        %get3A = arith.constant 0 : i32
        %get3A_1786 = arith.constant 0 : i32
        %get3A_1787 = tpu.memref_slice %arg6[%scan3A_452, %get3A, %get3A_1786] : memref<10x32x128xf32, #tpu.memory_space<vmem>> -> memref<1x32x128xf32, #tpu.memory_space<vmem>>
        %get3A_1788 = tpu.memref_squeeze %get3A_1787 : memref<1x32x128xf32, #tpu.memory_space<vmem>> -> memref<32x128xf32, #tpu.memory_space<vmem>>
        %get3A_1789 = arith.index_cast %scan3A_1785 : i32 to index
        %get3A_1790 = arith.constant 0 : index
        %get3A_1791 = tpu.vector_load %get3A_1788[%get3A_1789, %get3A_1790] {strides = array<i32>} : memref<32x128xf32, #tpu.memory_space<vmem>>, vector<1x16xf32>,
        %get3A_1792 = vector.shape_cast %get3A_1791 : vector<1x16xf32> to vector<16xf32>
        %mul3A_1793 = arith.constant 11.3137083 : f32
        %mul3A_1794 = vector.broadcast %mul3A_1793 : f32 to vector<16xf32>
        %mul3A_1795 = arith.mulf %get3A_1792, %mul3A_1794 : vector<16xf32>
        %swap3A = arith.constant 0 : i32
        %swap3A_1796 = arith.constant 0 : i32
        %swap3A_1797 = tpu.memref_slice %arg6[%scan3A_452, %swap3A, %swap3A_1796] : memref<10x32x128xf32, #tpu.memory_space<vmem>> -> memref<1x32x128xf32, #tpu.memory_space<vmem>>
        %swap3A_1798 = tpu.memref_squeeze %swap3A_1797 : memref<1x32x128xf32, #tpu.memory_space<vmem>> -> memref<32x128xf32, #tpu.memory_space<vmem>>
        %swap3A_1799 = arith.index_cast %scan3A_1785 : i32 to index
        %swap3A_1800 = arith.constant 0 : index
        %swap3A_1801 = tpu.vector_load %swap3A_1798[%swap3A_1799, %swap3A_1800] {strides = array<i32>} : memref<32x128xf32, #tpu.memory_space<vmem>>, vector<1x16xf32>,
        %swap3A_1802 = vector.shape_cast %swap3A_1801 : vector<1x16xf32> to vector<16xf32>
        %swap3A_1803 = vector.shape_cast %mul3A_1795 : vector<16xf32> to vector<1x16xf32>
        tpu.vector_store %swap3A_1798[%swap3A_1799, %swap3A_1800], %swap3A_1803 {strides = array<i32>} : memref<32x128xf32, #tpu.memory_space<vmem>>, vector<1x16xf32>,
        %get3A_1804 = arith.constant 0 : i32
        %get3A_1805 = arith.constant 0 : i32
        %get3A_1806 = tpu.memref_slice %arg6[%scan3A_452, %get3A_1804, %get3A_1805] : memref<10x32x128xf32, #tpu.memory_space<vmem>> -> memref<1x32x128xf32, #tpu.memory_space<vmem>>
        %get3A_1807 = tpu.memref_squeeze %get3A_1806 : memref<1x32x128xf32, #tpu.memory_space<vmem>> -> memref<32x128xf32, #tpu.memory_space<vmem>>
        %get3A_1808 = arith.index_cast %scan3A_1785 : i32 to index
        %get3A_1809 = arith.constant 16 : index
        %get3A_1810 = tpu.vector_load %get3A_1807[%get3A_1808, %get3A_1809] {strides = array<i32>} : memref<32x128xf32, #tpu.memory_space<vmem>>, vector<1x16xf32>,
        %get3A_1811 = vector.shape_cast %get3A_1810 : vector<1x16xf32> to vector<16xf32>
        %mul3A_1812 = arith.constant 11.3137083 : f32
        %mul3A_1813 = vector.broadcast %mul3A_1812 : f32 to vector<16xf32>
        %mul3A_1814 = arith.mulf %get3A_1811, %mul3A_1813 : vector<16xf32>
        %swap3A_1815 = arith.constant 0 : i32
        %swap3A_1816 = arith.constant 0 : i32
        %swap3A_1817 = tpu.memref_slice %arg6[%scan3A_452, %swap3A_1815, %swap3A_1816] : memref<10x32x128xf32, #tpu.memory_space<vmem>> -> memref<1x32x128xf32, #tpu.memory_space<vmem>>
        %swap3A_1818 = tpu.memref_squeeze %swap3A_1817 : memref<1x32x128xf32, #tpu.memory_space<vmem>> -> memref<32x128xf32, #tpu.memory_space<vmem>>
        %swap3A_1819 = arith.index_cast %scan3A_1785 : i32 to index
        %swap3A_1820 = arith.constant 16 : index
        %swap3A_1821 = tpu.vector_load %swap3A_1818[%swap3A_1819, %swap3A_1820] {strides = array<i32>} : memref<32x128xf32, #tpu.memory_space<vmem>>, vector<1x16xf32>,
        %swap3A_1822 = vector.shape_cast %swap3A_1821 : vector<1x16xf32> to vector<16xf32>
        %swap3A_1823 = vector.shape_cast %mul3A_1814 : vector<16xf32> to vector<1x16xf32>
        tpu.vector_store %swap3A_1818[%swap3A_1819, %swap3A_1820], %swap3A_1823 {strides = array<i32>} : memref<32x128xf32, #tpu.memory_space<vmem>>, vector<1x16xf32>,
        %get3A_1824 = arith.constant 0 : i32
        %get3A_1825 = arith.constant 0 : i32
        %get3A_1826 = tpu.memref_slice %arg6[%scan3A_452, %get3A_1824, %get3A_1825] : memref<10x32x128xf32, #tpu.memory_space<vmem>> -> memref<1x32x128xf32, #tpu.memory_space<vmem>>
        %get3A_1827 = tpu.memref_squeeze %get3A_1826 : memref<1x32x128xf32, #tpu.memory_space<vmem>> -> memref<32x128xf32, #tpu.memory_space<vmem>>
        %get3A_1828 = arith.index_cast %scan3A_1785 : i32 to index
        %get3A_1829 = arith.constant 32 : index
        %get3A_1830 = tpu.vector_load %get3A_1827[%get3A_1828, %get3A_1829] {strides = array<i32>} : memref<32x128xf32, #tpu.memory_space<vmem>>, vector<1x16xf32>,
        %get3A_1831 = vector.shape_cast %get3A_1830 : vector<1x16xf32> to vector<16xf32>
        %mul3A_1832 = arith.constant 11.3137083 : f32
        %mul3A_1833 = vector.broadcast %mul3A_1832 : f32 to vector<16xf32>
        %mul3A_1834 = arith.mulf %get3A_1831, %mul3A_1833 : vector<16xf32>
        %swap3A_1835 = arith.constant 0 : i32
        %swap3A_1836 = arith.constant 0 : i32
        %swap3A_1837 = tpu.memref_slice %arg6[%scan3A_452, %swap3A_1835, %swap3A_1836] : memref<10x32x128xf32, #tpu.memory_space<vmem>> -> memref<1x32x128xf32, #tpu.memory_space<vmem>>
        %swap3A_1838 = tpu.memref_squeeze %swap3A_1837 : memref<1x32x128xf32, #tpu.memory_space<vmem>> -> memref<32x128xf32, #tpu.memory_space<vmem>>
        %swap3A_1839 = arith.index_cast %scan3A_1785 : i32 to index
        %swap3A_1840 = arith.constant 32 : index
        %swap3A_1841 = tpu.vector_load %swap3A_1838[%swap3A_1839, %swap3A_1840] {strides = array<i32>} : memref<32x128xf32, #tpu.memory_space<vmem>>, vector<1x16xf32>,
        %swap3A_1842 = vector.shape_cast %swap3A_1841 : vector<1x16xf32> to vector<16xf32>
        %swap3A_1843 = vector.shape_cast %mul3A_1834 : vector<16xf32> to vector<1x16xf32>
        tpu.vector_store %swap3A_1838[%swap3A_1839, %swap3A_1840], %swap3A_1843 {strides = array<i32>} : memref<32x128xf32, #tpu.memory_space<vmem>>, vector<1x16xf32>,
        %get3A_1844 = arith.constant 0 : i32
        %get3A_1845 = arith.constant 0 : i32
        %get3A_1846 = tpu.memref_slice %arg6[%scan3A_452, %get3A_1844, %get3A_1845] : memref<10x32x128xf32, #tpu.memory_space<vmem>> -> memref<1x32x128xf32, #tpu.memory_space<vmem>>
        %get3A_1847 = tpu.memref_squeeze %get3A_1846 : memref<1x32x128xf32, #tpu.memory_space<vmem>> -> memref<32x128xf32, #tpu.memory_space<vmem>>
        %get3A_1848 = arith.index_cast %scan3A_1785 : i32 to index
        %get3A_1849 = arith.constant 48 : index
        %get3A_1850 = tpu.vector_load %get3A_1847[%get3A_1848, %get3A_1849] {strides = array<i32>} : memref<32x128xf32, #tpu.memory_space<vmem>>, vector<1x16xf32>,
        %get3A_1851 = vector.shape_cast %get3A_1850 : vector<1x16xf32> to vector<16xf32>
        %mul3A_1852 = arith.constant 11.3137083 : f32
        %mul3A_1853 = vector.broadcast %mul3A_1852 : f32 to vector<16xf32>
        %mul3A_1854 = arith.mulf %get3A_1851, %mul3A_1853 : vector<16xf32>
        %swap3A_1855 = arith.constant 0 : i32
        %swap3A_1856 = arith.constant 0 : i32
        %swap3A_1857 = tpu.memref_slice %arg6[%scan3A_452, %swap3A_1855, %swap3A_1856] : memref<10x32x128xf32, #tpu.memory_space<vmem>> -> memref<1x32x128xf32, #tpu.memory_space<vmem>>
        %swap3A_1858 = tpu.memref_squeeze %swap3A_1857 : memref<1x32x128xf32, #tpu.memory_space<vmem>> -> memref<32x128xf32, #tpu.memory_space<vmem>>
        %swap3A_1859 = arith.index_cast %scan3A_1785 : i32 to index
        %swap3A_1860 = arith.constant 48 : index
        %swap3A_1861 = tpu.vector_load %swap3A_1858[%swap3A_1859, %swap3A_1860] {strides = array<i32>} : memref<32x128xf32, #tpu.memory_space<vmem>>, vector<1x16xf32>,
        %swap3A_1862 = vector.shape_cast %swap3A_1861 : vector<1x16xf32> to vector<16xf32>
        %swap3A_1863 = vector.shape_cast %mul3A_1854 : vector<16xf32> to vector<1x16xf32>
        tpu.vector_store %swap3A_1858[%swap3A_1859, %swap3A_1860], %swap3A_1863 {strides = array<i32>} : memref<32x128xf32, #tpu.memory_space<vmem>>, vector<1x16xf32>,
        %get3A_1864 = arith.constant 0 : i32
        %get3A_1865 = arith.constant 0 : i32
        %get3A_1866 = tpu.memref_slice %arg6[%scan3A_452, %get3A_1864, %get3A_1865] : memref<10x32x128xf32, #tpu.memory_space<vmem>> -> memref<1x32x128xf32, #tpu.memory_space<vmem>>
        %get3A_1867 = tpu.memref_squeeze %get3A_1866 : memref<1x32x128xf32, #tpu.memory_space<vmem>> -> memref<32x128xf32, #tpu.memory_space<vmem>>
        %get3A_1868 = arith.index_cast %scan3A_1785 : i32 to index
        %get3A_1869 = arith.constant 64 : index
        %get3A_1870 = tpu.vector_load %get3A_1867[%get3A_1868, %get3A_1869] {strides = array<i32>} : memref<32x128xf32, #tpu.memory_space<vmem>>, vector<1x16xf32>,
        %get3A_1871 = vector.shape_cast %get3A_1870 : vector<1x16xf32> to vector<16xf32>
        %mul3A_1872 = arith.constant 11.3137083 : f32
        %mul3A_1873 = vector.broadcast %mul3A_1872 : f32 to vector<16xf32>
        %mul3A_1874 = arith.mulf %get3A_1871, %mul3A_1873 : vector<16xf32>
        %swap3A_1875 = arith.constant 0 : i32
        %swap3A_1876 = arith.constant 0 : i32
        %swap3A_1877 = tpu.memref_slice %arg6[%scan3A_452, %swap3A_1875, %swap3A_1876] : memref<10x32x128xf32, #tpu.memory_space<vmem>> -> memref<1x32x128xf32, #tpu.memory_space<vmem>>
        %swap3A_1878 = tpu.memref_squeeze %swap3A_1877 : memref<1x32x128xf32, #tpu.memory_space<vmem>> -> memref<32x128xf32, #tpu.memory_space<vmem>>
        %swap3A_1879 = arith.index_cast %scan3A_1785 : i32 to index
        %swap3A_1880 = arith.constant 64 : index
        %swap3A_1881 = tpu.vector_load %swap3A_1878[%swap3A_1879, %swap3A_1880] {strides = array<i32>} : memref<32x128xf32, #tpu.memory_space<vmem>>, vector<1x16xf32>,
        %swap3A_1882 = vector.shape_cast %swap3A_1881 : vector<1x16xf32> to vector<16xf32>
        %swap3A_1883 = vector.shape_cast %mul3A_1874 : vector<16xf32> to vector<1x16xf32>
        tpu.vector_store %swap3A_1878[%swap3A_1879, %swap3A_1880], %swap3A_1883 {strides = array<i32>} : memref<32x128xf32, #tpu.memory_space<vmem>>, vector<1x16xf32>,
        %get3A_1884 = arith.constant 0 : i32
        %get3A_1885 = arith.constant 0 : i32
        %get3A_1886 = tpu.memref_slice %arg6[%scan3A_452, %get3A_1884, %get3A_1885] : memref<10x32x128xf32, #tpu.memory_space<vmem>> -> memref<1x32x128xf32, #tpu.memory_space<vmem>>
        %get3A_1887 = tpu.memref_squeeze %get3A_1886 : memref<1x32x128xf32, #tpu.memory_space<vmem>> -> memref<32x128xf32, #tpu.memory_space<vmem>>
        %get3A_1888 = arith.index_cast %scan3A_1785 : i32 to index
        %get3A_1889 = arith.constant 80 : index
        %get3A_1890 = tpu.vector_load %get3A_1887[%get3A_1888, %get3A_1889] {strides = array<i32>} : memref<32x128xf32, #tpu.memory_space<vmem>>, vector<1x16xf32>,
        %get3A_1891 = vector.shape_cast %get3A_1890 : vector<1x16xf32> to vector<16xf32>
        %mul3A_1892 = arith.constant 11.3137083 : f32
        %mul3A_1893 = vector.broadcast %mul3A_1892 : f32 to vector<16xf32>
        %mul3A_1894 = arith.mulf %get3A_1891, %mul3A_1893 : vector<16xf32>
        %swap3A_1895 = arith.constant 0 : i32
        %swap3A_1896 = arith.constant 0 : i32
        %swap3A_1897 = tpu.memref_slice %arg6[%scan3A_452, %swap3A_1895, %swap3A_1896] : memref<10x32x128xf32, #tpu.memory_space<vmem>> -> memref<1x32x128xf32, #tpu.memory_space<vmem>>
        %swap3A_1898 = tpu.memref_squeeze %swap3A_1897 : memref<1x32x128xf32, #tpu.memory_space<vmem>> -> memref<32x128xf32, #tpu.memory_space<vmem>>
        %swap3A_1899 = arith.index_cast %scan3A_1785 : i32 to index
        %swap3A_1900 = arith.constant 80 : index
        %swap3A_1901 = tpu.vector_load %swap3A_1898[%swap3A_1899, %swap3A_1900] {strides = array<i32>} : memref<32x128xf32, #tpu.memory_space<vmem>>, vector<1x16xf32>,
        %swap3A_1902 = vector.shape_cast %swap3A_1901 : vector<1x16xf32> to vector<16xf32>
        %swap3A_1903 = vector.shape_cast %mul3A_1894 : vector<16xf32> to vector<1x16xf32>
        tpu.vector_store %swap3A_1898[%swap3A_1899, %swap3A_1900], %swap3A_1903 {strides = array<i32>} : memref<32x128xf32, #tpu.memory_space<vmem>>, vector<1x16xf32>,
        %get3A_1904 = arith.constant 0 : i32
        %get3A_1905 = arith.constant 0 : i32
        %get3A_1906 = tpu.memref_slice %arg6[%scan3A_452, %get3A_1904, %get3A_1905] : memref<10x32x128xf32, #tpu.memory_space<vmem>> -> memref<1x32x128xf32, #tpu.memory_space<vmem>>
        %get3A_1907 = tpu.memref_squeeze %get3A_1906 : memref<1x32x128xf32, #tpu.memory_space<vmem>> -> memref<32x128xf32, #tpu.memory_space<vmem>>
        %get3A_1908 = arith.index_cast %scan3A_1785 : i32 to index
        %get3A_1909 = arith.constant 96 : index
        %get3A_1910 = tpu.vector_load %get3A_1907[%get3A_1908, %get3A_1909] {strides = array<i32>} : memref<32x128xf32, #tpu.memory_space<vmem>>, vector<1x16xf32>,
        %get3A_1911 = vector.shape_cast %get3A_1910 : vector<1x16xf32> to vector<16xf32>
        %mul3A_1912 = arith.constant 11.3137083 : f32
        %mul3A_1913 = vector.broadcast %mul3A_1912 : f32 to vector<16xf32>
        %mul3A_1914 = arith.mulf %get3A_1911, %mul3A_1913 : vector<16xf32>
        %swap3A_1915 = arith.constant 0 : i32
        %swap3A_1916 = arith.constant 0 : i32
        %swap3A_1917 = tpu.memref_slice %arg6[%scan3A_452, %swap3A_1915, %swap3A_1916] : memref<10x32x128xf32, #tpu.memory_space<vmem>> -> memref<1x32x128xf32, #tpu.memory_space<vmem>>
        %swap3A_1918 = tpu.memref_squeeze %swap3A_1917 : memref<1x32x128xf32, #tpu.memory_space<vmem>> -> memref<32x128xf32, #tpu.memory_space<vmem>>
        %swap3A_1919 = arith.index_cast %scan3A_1785 : i32 to index
        %swap3A_1920 = arith.constant 96 : index
        %swap3A_1921 = tpu.vector_load %swap3A_1918[%swap3A_1919, %swap3A_1920] {strides = array<i32>} : memref<32x128xf32, #tpu.memory_space<vmem>>, vector<1x16xf32>,
        %swap3A_1922 = vector.shape_cast %swap3A_1921 : vector<1x16xf32> to vector<16xf32>
        %swap3A_1923 = vector.shape_cast %mul3A_1914 : vector<16xf32> to vector<1x16xf32>
        tpu.vector_store %swap3A_1918[%swap3A_1919, %swap3A_1920], %swap3A_1923 {strides = array<i32>} : memref<32x128xf32, #tpu.memory_space<vmem>>, vector<1x16xf32>,
        %get3A_1924 = arith.constant 0 : i32
        %get3A_1925 = arith.constant 0 : i32
        %get3A_1926 = tpu.memref_slice %arg6[%scan3A_452, %get3A_1924, %get3A_1925] : memref<10x32x128xf32, #tpu.memory_space<vmem>> -> memref<1x32x128xf32, #tpu.memory_space<vmem>>
        %get3A_1927 = tpu.memref_squeeze %get3A_1926 : memref<1x32x128xf32, #tpu.memory_space<vmem>> -> memref<32x128xf32, #tpu.memory_space<vmem>>
        %get3A_1928 = arith.index_cast %scan3A_1785 : i32 to index
        %get3A_1929 = arith.constant 112 : index
        %get3A_1930 = tpu.vector_load %get3A_1927[%get3A_1928, %get3A_1929] {strides = array<i32>} : memref<32x128xf32, #tpu.memory_space<vmem>>, vector<1x16xf32>,
        %get3A_1931 = vector.shape_cast %get3A_1930 : vector<1x16xf32> to vector<16xf32>
        %mul3A_1932 = arith.constant 11.3137083 : f32
        %mul3A_1933 = vector.broadcast %mul3A_1932 : f32 to vector<16xf32>
        %mul3A_1934 = arith.mulf %get3A_1931, %mul3A_1933 : vector<16xf32>
        %swap3A_1935 = arith.constant 0 : i32
        %swap3A_1936 = arith.constant 0 : i32
        %swap3A_1937 = tpu.memref_slice %arg6[%scan3A_452, %swap3A_1935, %swap3A_1936] : memref<10x32x128xf32, #tpu.memory_space<vmem>> -> memref<1x32x128xf32, #tpu.memory_space<vmem>>
        %swap3A_1938 = tpu.memref_squeeze %swap3A_1937 : memref<1x32x128xf32, #tpu.memory_space<vmem>> -> memref<32x128xf32, #tpu.memory_space<vmem>>
        %swap3A_1939 = arith.index_cast %scan3A_1785 : i32 to index
        %swap3A_1940 = arith.constant 112 : index
        %swap3A_1941 = tpu.vector_load %swap3A_1938[%swap3A_1939, %swap3A_1940] {strides = array<i32>} : memref<32x128xf32, #tpu.memory_space<vmem>>, vector<1x16xf32>,
        %swap3A_1942 = vector.shape_cast %swap3A_1941 : vector<1x16xf32> to vector<16xf32>
        %swap3A_1943 = vector.shape_cast %mul3A_1934 : vector<16xf32> to vector<1x16xf32>
        tpu.vector_store %swap3A_1938[%swap3A_1939, %swap3A_1940], %swap3A_1943 {strides = array<i32>} : memref<32x128xf32, #tpu.memory_space<vmem>>, vector<1x16xf32>,
      }
      %scan3A_457 = arith.constant 32 : i32
      %jit3A_458 = arith.constant 4 : i32
      %div3A_459 = arith.divsi %add3A_400, %jit3A_458 : i32
      %sign3A_460 = arith.constant 0 : i32
      %sign3A_461 = arith.cmpi sgt, %add3A_400, %sign3A_460 : i32
      %sign3A_462 = arith.extui %sign3A_461 : i1 to i32
      %sign3A_463 = arith.constant 0 : i32
      %sign3A_464 = arith.cmpi slt, %add3A_400, %sign3A_463 : i32
      %sign3A_465 = arith.extui %sign3A_464 : i1 to i32
      %sign3A_466 = arith.subi %sign3A_462, %sign3A_465 : i32
      %sign3A_467 = arith.constant 0 : i32
      %sign3A_468 = arith.cmpi sgt, %jit3A_458, %sign3A_467 : i32
      %sign3A_469 = arith.extui %sign3A_468 : i1 to i32
      %sign3A_470 = arith.constant 0 : i32
      %sign3A_471 = arith.cmpi slt, %jit3A_458, %sign3A_470 : i32
      %sign3A_472 = arith.extui %sign3A_471 : i1 to i32
      %sign3A_473 = arith.subi %sign3A_469, %sign3A_472 : i32
      %ne3A_474 = arith.cmpi ne, %sign3A_466, %sign3A_473 : i32
      %rem3A_475 = arith.remsi %add3A_400, %jit3A_458 : i32
      %ne3A_476 = arith.constant 0 : i32
      %ne3A_477 = arith.cmpi ne, %rem3A_475, %ne3A_476 : i32
      %and3A_478 = arith.andi %ne3A_474, %ne3A_477 : i1
      %sub3A_479 = arith.constant 1 : i32
      %sub3A_480 = arith.subi %div3A_459, %sub3A_479 : i32
      %select_n3A_481 = arith.select %and3A_478, %sub3A_480, %div3A_459 : i32
      %jit3A_482 = arith.constant 4 : i32
      %eq3A_483 = arith.constant 0 : i32
      %eq3A_484 = arith.cmpi eq, %jit3A_482, %eq3A_483 : i32
      %jit3A_485 = arith.constant 1 : i32
      %select_n3A_486 = arith.select %eq3A_484, %jit3A_485, %jit3A_482 : i32
      %rem3A_487 = arith.remsi %add3A_400, %select_n3A_486 : i32
      %ne3A_488 = arith.constant 0 : i32
      %ne3A_489 = arith.cmpi ne, %rem3A_487, %ne3A_488 : i32
      %lt3A_490 = arith.constant 0 : i32
      %lt3A_491 = arith.cmpi slt, %rem3A_487, %lt3A_490 : i32
      %lt3A_492 = arith.constant 0 : i32
      %lt3A_493 = arith.cmpi slt, %select_n3A_486, %lt3A_492 : i32
      %ne3A_494 = arith.xori %lt3A_491, %lt3A_493 : i1
      %and3A_495 = arith.andi %ne3A_494, %ne3A_489 : i1
      %add3A_496 = arith.addi %rem3A_487, %select_n3A_486 : i32
      %select_n3A_497 = arith.select %and3A_495, %add3A_496, %rem3A_487 : i32
      %mul3A_498 = arith.constant 32 : i32
      %mul3A_499 = arith.muli %select_n3A_497, %mul3A_498 : i32
      %add3A_500 = arith.addi %mul3A_2, %mul3A_499 : i32
      %dma_start3A_501 = arith.constant 0 : i32
      %dma_start3A_502 = arith.constant 0 : i32
      %dma_start3A_503 = arith.constant 0 : i32
      %dma_start3A_504 = arith.constant 0 : i32
      %dma_start3A_505 = tpu.memref_slice %arg6[%dma_start3A_501, %dma_start3A_503, %dma_start3A_504] : memref<10x32x128xf32, #tpu.memory_space<vmem>> -> memref<1x32x128xf32, #tpu.memory_space<vmem>>
      %dma_start3A_506 = tpu.memref_squeeze %dma_start3A_505 : memref<1x32x128xf32, #tpu.memory_space<vmem>> -> memref<32x128xf32, #tpu.memory_space<vmem>>
      %dma_start3A_507 = arith.constant 0 : i32
      %dma_start3A_508 = arith.constant 0 : i32
      %dma_start3A_509 = tpu.memref_slice %arg4[%select_n3A_481, %dma_start3A_507, %dma_start3A_508] : memref<50x4096x128xf32, #tpu.memory_space<hbm>> -> memref<1x4096x128xf32, #tpu.memory_space<hbm>>
      %dma_start3A_510 = tpu.memref_squeeze %dma_start3A_509 : memref<1x4096x128xf32, #tpu.memory_space<hbm>> -> memref<4096x128xf32, #tpu.memory_space<hbm>>
      %dma_start3A_511 = arith.constant 0 : i32
      %dma_start3A_512 = tpu.memref_slice %dma_start3A_510[%add3A_500, %dma_start3A_511] : memref<4096x128xf32, #tpu.memory_space<hbm>> -> memref<32x128xf32, #tpu.memory_space<hbm>>
      %dma_start3A_513 = tpu.memref_slice %arg8[%dma_start3A_502] : memref<10x!tpu.dma_semaphore, #tpu.memory_space<semaphore_mem>> -> memref<1x!tpu.dma_semaphore, #tpu.memory_space<semaphore_mem>>
      %dma_start3A_514 = tpu.memref_squeeze %dma_start3A_513 : memref<1x!tpu.dma_semaphore, #tpu.memory_space<semaphore_mem>> -> memref<!tpu.dma_semaphore, #tpu.memory_space<semaphore_mem>>
      %dma_start3A_515 = arith.constant 0 : i32
      %dma_start3A_516 = arith.constant 0 : i32
      %dma_start3A_517 = tpu.memref_slice %arg4[%select_n3A_481, %dma_start3A_515, %dma_start3A_516] : memref<50x4096x128xf32, #tpu.memory_space<hbm>> -> memref<1x4096x128xf32, #tpu.memory_space<hbm>>
      %dma_start3A_518 = tpu.memref_squeeze %dma_start3A_517 : memref<1x4096x128xf32, #tpu.memory_space<hbm>> -> memref<4096x128xf32, #tpu.memory_space<hbm>>
      %dma_start3A_519 = arith.constant 0 : i32
      %dma_start3A_520 = tpu.memref_slice %dma_start3A_518[%add3A_500, %dma_start3A_519] : memref<4096x128xf32, #tpu.memory_space<hbm>> -> memref<32x128xf32, #tpu.memory_space<hbm>>
      %dma_start3A_521 = arith.constant 0 : i32
      %dma_start3A_522 = arith.constant 0 : i32
      %dma_start3A_523 = tpu.memref_slice %arg6[%dma_start3A_501, %dma_start3A_521, %dma_start3A_522] : memref<10x32x128xf32, #tpu.memory_space<vmem>> -> memref<1x32x128xf32, #tpu.memory_space<vmem>>
      %dma_start3A_524 = tpu.memref_squeeze %dma_start3A_523 : memref<1x32x128xf32, #tpu.memory_space<vmem>> -> memref<32x128xf32, #tpu.memory_space<vmem>>
      tpu.enqueue_dma source(%dma_start3A_524 : memref<32x128xf32, #tpu.memory_space<vmem>>) target(%dma_start3A_520 : memref<32x128xf32, #tpu.memory_space<hbm>>) target_semaphore(%dma_start3A_514 : memref<!tpu.dma_semaphore, #tpu.memory_space<semaphore_mem>>)
      %mul3A_525 = arith.constant 10 : i32
      %mul3A_526 = arith.muli %scan3A_396, %mul3A_525 : i32
      %add3A_527 = arith.constant 1 : i32
      %add3A_528 = arith.addi %mul3A_526, %add3A_527 : i32
      %add3A_529 = arith.constant 8 : i32
      %add3A_530 = arith.addi %add3A_528, %add3A_529 : i32
      %lt3A_531 = arith.constant 200 : i32
      %lt3A_532 = arith.cmpi slt, %add3A_530, %lt3A_531 : i32
      %convert_element_type3A_533 = arith.extui %lt3A_532 : i1 to i32
      %cond3A_534 = arith.constant 0 : i32
      %cond3A_535 = arith.cmpi ne, %convert_element_type3A_533, %cond3A_534 : i32
      scf.if %cond3A_535 {
        %ge3A = arith.constant 10 : i32
        %ge3A_1785 = arith.cmpi sge, %add3A_530, %ge3A : i32
        %convert_element_type3A_1786 = arith.extui %ge3A_1785 : i1 to i32
        %cond3A_1787 = arith.constant 0 : i32
        %cond3A_1788 = arith.cmpi ne, %convert_element_type3A_1786, %cond3A_1787 : i32
        scf.if %cond3A_1788 {
          %sub3A_1844 = arith.constant 10 : i32
          %sub3A_1845 = arith.subi %add3A_530, %sub3A_1844 : i32
          %jit3A_1846 = arith.constant 4 : i32
          %div3A_1847 = arith.divsi %sub3A_1845, %jit3A_1846 : i32
          %sign3A_1848 = arith.constant 0 : i32
          %sign3A_1849 = arith.cmpi sgt, %sub3A_1845, %sign3A_1848 : i32
          %sign3A_1850 = arith.extui %sign3A_1849 : i1 to i32
          %sign3A_1851 = arith.constant 0 : i32
          %sign3A_1852 = arith.cmpi slt, %sub3A_1845, %sign3A_1851 : i32
          %sign3A_1853 = arith.extui %sign3A_1852 : i1 to i32
          %sign3A_1854 = arith.subi %sign3A_1850, %sign3A_1853 : i32
          %sign3A_1855 = arith.constant 0 : i32
          %sign3A_1856 = arith.cmpi sgt, %jit3A_1846, %sign3A_1855 : i32
          %sign3A_1857 = arith.extui %sign3A_1856 : i1 to i32
          %sign3A_1858 = arith.constant 0 : i32
          %sign3A_1859 = arith.cmpi slt, %jit3A_1846, %sign3A_1858 : i32
          %sign3A_1860 = arith.extui %sign3A_1859 : i1 to i32
          %sign3A_1861 = arith.subi %sign3A_1857, %sign3A_1860 : i32
          %ne3A_1862 = arith.cmpi ne, %sign3A_1854, %sign3A_1861 : i32
          %rem3A_1863 = arith.remsi %sub3A_1845, %jit3A_1846 : i32
          %ne3A_1864 = arith.constant 0 : i32
          %ne3A_1865 = arith.cmpi ne, %rem3A_1863, %ne3A_1864 : i32
          %and3A_1866 = arith.andi %ne3A_1862, %ne3A_1865 : i1
          %sub3A_1867 = arith.constant 1 : i32
          %sub3A_1868 = arith.subi %div3A_1847, %sub3A_1867 : i32
          %select_n3A_1869 = arith.select %and3A_1866, %sub3A_1868, %div3A_1847 : i32
          %jit3A_1870 = arith.constant 4 : i32
          %eq3A_1871 = arith.constant 0 : i32
          %eq3A_1872 = arith.cmpi eq, %jit3A_1870, %eq3A_1871 : i32
          %jit3A_1873 = arith.constant 1 : i32
          %select_n3A_1874 = arith.select %eq3A_1872, %jit3A_1873, %jit3A_1870 : i32
          %rem3A_1875 = arith.remsi %sub3A_1845, %select_n3A_1874 : i32
          %ne3A_1876 = arith.constant 0 : i32
          %ne3A_1877 = arith.cmpi ne, %rem3A_1875, %ne3A_1876 : i32
          %lt3A_1878 = arith.constant 0 : i32
          %lt3A_1879 = arith.cmpi slt, %rem3A_1875, %lt3A_1878 : i32
          %lt3A_1880 = arith.constant 0 : i32
          %lt3A_1881 = arith.cmpi slt, %select_n3A_1874, %lt3A_1880 : i32
          %ne3A_1882 = arith.xori %lt3A_1879, %lt3A_1881 : i1
          %and3A_1883 = arith.andi %ne3A_1882, %ne3A_1877 : i1
          %add3A_1884 = arith.addi %rem3A_1875, %select_n3A_1874 : i32
          %select_n3A_1885 = arith.select %and3A_1883, %add3A_1884, %rem3A_1875 : i32
          %mul3A_1886 = arith.constant 32 : i32
          %mul3A_1887 = arith.muli %select_n3A_1885, %mul3A_1886 : i32
          %add3A_1888 = arith.addi %mul3A_2, %mul3A_1887 : i32
          %dma_wait3A_1889 = arith.constant 9 : i32
          %dma_wait3A_1890 = arith.constant 9 : i32
          %dma_wait3A_1891 = arith.constant 0 : i32
          %dma_wait3A_1892 = arith.constant 0 : i32
          %dma_wait3A_1893 = tpu.memref_slice %arg6[%dma_wait3A_1889, %dma_wait3A_1891, %dma_wait3A_1892] : memref<10x32x128xf32, #tpu.memory_space<vmem>> -> memref<1x32x128xf32, #tpu.memory_space<vmem>>
          %dma_wait3A_1894 = tpu.memref_squeeze %dma_wait3A_1893 : memref<1x32x128xf32, #tpu.memory_space<vmem>> -> memref<32x128xf32, #tpu.memory_space<vmem>>
          %dma_wait3A_1895 = arith.constant 0 : i32
          %dma_wait3A_1896 = arith.constant 0 : i32
          %dma_wait3A_1897 = tpu.memref_slice %arg4[%select_n3A_1869, %dma_wait3A_1895, %dma_wait3A_1896] : memref<50x4096x128xf32, #tpu.memory_space<hbm>> -> memref<1x4096x128xf32, #tpu.memory_space<hbm>>
          %dma_wait3A_1898 = tpu.memref_squeeze %dma_wait3A_1897 : memref<1x4096x128xf32, #tpu.memory_space<hbm>> -> memref<4096x128xf32, #tpu.memory_space<hbm>>
          %dma_wait3A_1899 = arith.constant 0 : i32
          %dma_wait3A_1900 = tpu.memref_slice %dma_wait3A_1898[%add3A_1888, %dma_wait3A_1899] : memref<4096x128xf32, #tpu.memory_space<hbm>> -> memref<32x128xf32, #tpu.memory_space<hbm>>
          %dma_wait3A_1901 = tpu.memref_slice %arg8[%dma_wait3A_1890] : memref<10x!tpu.dma_semaphore, #tpu.memory_space<semaphore_mem>> -> memref<1x!tpu.dma_semaphore, #tpu.memory_space<semaphore_mem>>
          %dma_wait3A_1902 = tpu.memref_squeeze %dma_wait3A_1901 : memref<1x!tpu.dma_semaphore, #tpu.memory_space<semaphore_mem>> -> memref<!tpu.dma_semaphore, #tpu.memory_space<semaphore_mem>>
          %dma_wait3A_1903 = arith.constant 0 : i32
          %dma_wait3A_1904 = arith.constant 0 : i32
          %dma_wait3A_1905 = tpu.memref_slice %arg4[%select_n3A_1869, %dma_wait3A_1903, %dma_wait3A_1904] : memref<50x4096x128xf32, #tpu.memory_space<hbm>> -> memref<1x4096x128xf32, #tpu.memory_space<hbm>>
          %dma_wait3A_1906 = tpu.memref_squeeze %dma_wait3A_1905 : memref<1x4096x128xf32, #tpu.memory_space<hbm>> -> memref<4096x128xf32, #tpu.memory_space<hbm>>
          %dma_wait3A_1907 = arith.constant 0 : i32
          %dma_wait3A_1908 = tpu.memref_slice %dma_wait3A_1906[%add3A_1888, %dma_wait3A_1907] : memref<4096x128xf32, #tpu.memory_space<hbm>> -> memref<32x128xf32, #tpu.memory_space<hbm>>
          %dma_wait3A_1909 = arith.constant 0 : i32
          %dma_wait3A_1910 = arith.constant 0 : i32
          %dma_wait3A_1911 = tpu.memref_slice %arg6[%dma_wait3A_1889, %dma_wait3A_1909, %dma_wait3A_1910] : memref<10x32x128xf32, #tpu.memory_space<vmem>> -> memref<1x32x128xf32, #tpu.memory_space<vmem>>
          %dma_wait3A_1912 = tpu.memref_squeeze %dma_wait3A_1911 : memref<1x32x128xf32, #tpu.memory_space<vmem>> -> memref<32x128xf32, #tpu.memory_space<vmem>>
          tpu.wait_dma2 semaphore(%dma_wait3A_1902 : memref<!tpu.dma_semaphore, #tpu.memory_space<semaphore_mem>>) src(%dma_wait3A_1912 : memref<32x128xf32, #tpu.memory_space<vmem>>) dst(%dma_wait3A_1908 : memref<32x128xf32, #tpu.memory_space<hbm>>)
        } else {
        }
        %jit3A_1789 = arith.constant 4 : i32
        %div3A_1790 = arith.divsi %add3A_530, %jit3A_1789 : i32
        %sign3A_1791 = arith.constant 0 : i32
        %sign3A_1792 = arith.cmpi sgt, %add3A_530, %sign3A_1791 : i32
        %sign3A_1793 = arith.extui %sign3A_1792 : i1 to i32
        %sign3A_1794 = arith.constant 0 : i32
        %sign3A_1795 = arith.cmpi slt, %add3A_530, %sign3A_1794 : i32
        %sign3A_1796 = arith.extui %sign3A_1795 : i1 to i32
        %sign3A_1797 = arith.subi %sign3A_1793, %sign3A_1796 : i32
        %sign3A_1798 = arith.constant 0 : i32
        %sign3A_1799 = arith.cmpi sgt, %jit3A_1789, %sign3A_1798 : i32
        %sign3A_1800 = arith.extui %sign3A_1799 : i1 to i32
        %sign3A_1801 = arith.constant 0 : i32
        %sign3A_1802 = arith.cmpi slt, %jit3A_1789, %sign3A_1801 : i32
        %sign3A_1803 = arith.extui %sign3A_1802 : i1 to i32
        %sign3A_1804 = arith.subi %sign3A_1800, %sign3A_1803 : i32
        %ne3A_1805 = arith.cmpi ne, %sign3A_1797, %sign3A_1804 : i32
        %rem3A_1806 = arith.remsi %add3A_530, %jit3A_1789 : i32
        %ne3A_1807 = arith.constant 0 : i32
        %ne3A_1808 = arith.cmpi ne, %rem3A_1806, %ne3A_1807 : i32
        %and3A_1809 = arith.andi %ne3A_1805, %ne3A_1808 : i1
        %sub3A_1810 = arith.constant 1 : i32
        %sub3A_1811 = arith.subi %div3A_1790, %sub3A_1810 : i32
        %select_n3A_1812 = arith.select %and3A_1809, %sub3A_1811, %div3A_1790 : i32
        %jit3A_1813 = arith.constant 4 : i32
        %eq3A_1814 = arith.constant 0 : i32
        %eq3A_1815 = arith.cmpi eq, %jit3A_1813, %eq3A_1814 : i32
        %jit3A_1816 = arith.constant 1 : i32
        %select_n3A_1817 = arith.select %eq3A_1815, %jit3A_1816, %jit3A_1813 : i32
        %rem3A_1818 = arith.remsi %add3A_530, %select_n3A_1817 : i32
        %ne3A_1819 = arith.constant 0 : i32
        %ne3A_1820 = arith.cmpi ne, %rem3A_1818, %ne3A_1819 : i32
        %lt3A_1821 = arith.constant 0 : i32
        %lt3A_1822 = arith.cmpi slt, %rem3A_1818, %lt3A_1821 : i32
        %lt3A_1823 = arith.constant 0 : i32
        %lt3A_1824 = arith.cmpi slt, %select_n3A_1817, %lt3A_1823 : i32
        %ne3A_1825 = arith.xori %lt3A_1822, %lt3A_1824 : i1
        %and3A_1826 = arith.andi %ne3A_1825, %ne3A_1820 : i1
        %add3A_1827 = arith.addi %rem3A_1818, %select_n3A_1817 : i32
        %select_n3A_1828 = arith.select %and3A_1826, %add3A_1827, %rem3A_1818 : i32
        %mul3A_1829 = arith.constant 32 : i32
        %mul3A_1830 = arith.muli %select_n3A_1828, %mul3A_1829 : i32
        %dma_start3A_1831 = arith.constant 9 : i32
        %dma_start3A_1832 = arith.constant 9 : i32
        %dma_start3A_1833 = arith.constant 0 : i32
        %dma_start3A_1834 = arith.constant 0 : i32
        %dma_start3A_1835 = tpu.memref_slice %arg6[%dma_start3A_1831, %dma_start3A_1833, %dma_start3A_1834] : memref<10x32x128xf32, #tpu.memory_space<vmem>> -> memref<1x32x128xf32, #tpu.memory_space<vmem>>
        %dma_start3A_1836 = tpu.memref_squeeze %dma_start3A_1835 : memref<1x32x128xf32, #tpu.memory_space<vmem>> -> memref<32x128xf32, #tpu.memory_space<vmem>>
        %dma_start3A_1837 = tpu.memref_slice %arg5[%select_n3A_1812, %mul3A_1830] : memref<50x128xi32, #tpu.memory_space<vmem>> -> memref<1x32xi32, #tpu.memory_space<vmem>>
        %dma_start3A_1838 = tpu.memref_squeeze %dma_start3A_1837 : memref<1x32xi32, #tpu.memory_space<vmem>> -> memref<32xi32, #tpu.memory_space<vmem>>
        %dma_start3A_1839 = arith.constant 0 : i32
        %dma_start3A_1840 = arith.constant 0 : i32
        %dma_start3A_1841 = tpu.memref_slice %arg3[%dma_start3A_1839, %dma_start3A_1840] : memref<100000x128xf32, #tpu.memory_space<hbm>> -> memref<100000x128xf32, #tpu.memory_space<hbm>>
        %dma_start3A_1842 = tpu.memref_slice %arg7[%dma_start3A_1832] : memref<10x!tpu.dma_semaphore, #tpu.memory_space<semaphore_mem>> -> memref<1x!tpu.dma_semaphore, #tpu.memory_space<semaphore_mem>>
        %dma_start3A_1843 = tpu.memref_squeeze %dma_start3A_1842 : memref<1x!tpu.dma_semaphore, #tpu.memory_space<semaphore_mem>> -> memref<!tpu.dma_semaphore, #tpu.memory_space<semaphore_mem>>
        tpu.enqueue_indirect_dma source(%dma_start3A_1841 : memref<100000x128xf32, #tpu.memory_space<hbm>>) target(%dma_start3A_1836 : memref<32x128xf32, #tpu.memory_space<vmem>>) offsets(%dma_start3A_1838 : memref<32xi32, #tpu.memory_space<vmem>>) semaphore(%dma_start3A_1843 : memref<!tpu.dma_semaphore, #tpu.memory_space<semaphore_mem>>)
      } else {
      }
      %jit3A_536 = arith.constant 4 : i32
      %div3A_537 = arith.divsi %add3A_528, %jit3A_536 : i32
      %sign3A_538 = arith.constant 0 : i32
      %sign3A_539 = arith.cmpi sgt, %add3A_528, %sign3A_538 : i32
      %sign3A_540 = arith.extui %sign3A_539 : i1 to i32
      %sign3A_541 = arith.constant 0 : i32
      %sign3A_542 = arith.cmpi slt, %add3A_528, %sign3A_541 : i32
      %sign3A_543 = arith.extui %sign3A_542 : i1 to i32
      %sign3A_544 = arith.subi %sign3A_540, %sign3A_543 : i32
      %sign3A_545 = arith.constant 0 : i32
      %sign3A_546 = arith.cmpi sgt, %jit3A_536, %sign3A_545 : i32
      %sign3A_547 = arith.extui %sign3A_546 : i1 to i32
      %sign3A_548 = arith.constant 0 : i32
      %sign3A_549 = arith.cmpi slt, %jit3A_536, %sign3A_548 : i32
      %sign3A_550 = arith.extui %sign3A_549 : i1 to i32
      %sign3A_551 = arith.subi %sign3A_547, %sign3A_550 : i32
      %ne3A_552 = arith.cmpi ne, %sign3A_544, %sign3A_551 : i32
      %rem3A_553 = arith.remsi %add3A_528, %jit3A_536 : i32
      %ne3A_554 = arith.constant 0 : i32
      %ne3A_555 = arith.cmpi ne, %rem3A_553, %ne3A_554 : i32
      %and3A_556 = arith.andi %ne3A_552, %ne3A_555 : i1
      %sub3A_557 = arith.constant 1 : i32
      %sub3A_558 = arith.subi %div3A_537, %sub3A_557 : i32
      %select_n3A_559 = arith.select %and3A_556, %sub3A_558, %div3A_537 : i32
      %jit3A_560 = arith.constant 4 : i32
      %eq3A_561 = arith.constant 0 : i32
      %eq3A_562 = arith.cmpi eq, %jit3A_560, %eq3A_561 : i32
      %jit3A_563 = arith.constant 1 : i32
      %select_n3A_564 = arith.select %eq3A_562, %jit3A_563, %jit3A_560 : i32
      %rem3A_565 = arith.remsi %add3A_528, %select_n3A_564 : i32
      %ne3A_566 = arith.constant 0 : i32
      %ne3A_567 = arith.cmpi ne, %rem3A_565, %ne3A_566 : i32
      %lt3A_568 = arith.constant 0 : i32
      %lt3A_569 = arith.cmpi slt, %rem3A_565, %lt3A_568 : i32
      %lt3A_570 = arith.constant 0 : i32
      %lt3A_571 = arith.cmpi slt, %select_n3A_564, %lt3A_570 : i32
      %ne3A_572 = arith.xori %lt3A_569, %lt3A_571 : i1
      %and3A_573 = arith.andi %ne3A_572, %ne3A_567 : i1
      %add3A_574 = arith.addi %rem3A_565, %select_n3A_564 : i32
      %select_n3A_575 = arith.select %and3A_573, %add3A_574, %rem3A_565 : i32
      %mul3A_576 = arith.constant 32 : i32
      %mul3A_577 = arith.muli %select_n3A_575, %mul3A_576 : i32
      %dma_wait3A_578 = arith.constant 1 : i32
      %dma_wait3A_579 = arith.constant 1 : i32
      %dma_wait3A_580 = arith.constant 0 : i32
      %dma_wait3A_581 = arith.constant 0 : i32
      %dma_wait3A_582 = tpu.memref_slice %arg6[%dma_wait3A_578, %dma_wait3A_580, %dma_wait3A_581] : memref<10x32x128xf32, #tpu.memory_space<vmem>> -> memref<1x32x128xf32, #tpu.memory_space<vmem>>
      %dma_wait3A_583 = tpu.memref_squeeze %dma_wait3A_582 : memref<1x32x128xf32, #tpu.memory_space<vmem>> -> memref<32x128xf32, #tpu.memory_space<vmem>>
      %dma_wait3A_584 = tpu.memref_slice %arg5[%select_n3A_559, %mul3A_577] : memref<50x128xi32, #tpu.memory_space<vmem>> -> memref<1x32xi32, #tpu.memory_space<vmem>>
      %dma_wait3A_585 = tpu.memref_squeeze %dma_wait3A_584 : memref<1x32xi32, #tpu.memory_space<vmem>> -> memref<32xi32, #tpu.memory_space<vmem>>
      %dma_wait3A_586 = arith.constant 0 : i32
      %dma_wait3A_587 = arith.constant 0 : i32
      %dma_wait3A_588 = tpu.memref_slice %arg3[%dma_wait3A_586, %dma_wait3A_587] : memref<100000x128xf32, #tpu.memory_space<hbm>> -> memref<100000x128xf32, #tpu.memory_space<hbm>>
      %dma_wait3A_589 = tpu.memref_slice %arg7[%dma_wait3A_579] : memref<10x!tpu.dma_semaphore, #tpu.memory_space<semaphore_mem>> -> memref<1x!tpu.dma_semaphore, #tpu.memory_space<semaphore_mem>>
      %dma_wait3A_590 = tpu.memref_squeeze %dma_wait3A_589 : memref<1x!tpu.dma_semaphore, #tpu.memory_space<semaphore_mem>> -> memref<!tpu.dma_semaphore, #tpu.memory_space<semaphore_mem>>
      tpu.wait_indirect_dma semaphore(%dma_wait3A_590 : memref<!tpu.dma_semaphore, #tpu.memory_space<semaphore_mem>>) src(%dma_wait3A_588 : memref<100000x128xf32, #tpu.memory_space<hbm>>) dst(%dma_wait3A_583 : memref<32x128xf32, #tpu.memory_space<vmem>>)
      %scan3A_591 = arith.constant 0 : i32
      %scan3A_592 = arith.constant 1 : i32
      %scan3A_593 = arith.constant 0 : i32
      %scan3A_594 = arith.constant 32 : i32
      %scan3A_595 = arith.addi %scan3A_593, %scan3A_594 : i32
      %scan3A_596 = arith.constant 1 : i32
      scf.for %scan3A_1785 = %scan3A_593 to %scan3A_595 step %scan3A_596  : i32 {
        %get3A = arith.constant 0 : i32
        %get3A_1786 = arith.constant 0 : i32
        %get3A_1787 = tpu.memref_slice %arg6[%scan3A_592, %get3A, %get3A_1786] : memref<10x32x128xf32, #tpu.memory_space<vmem>> -> memref<1x32x128xf32, #tpu.memory_space<vmem>>
        %get3A_1788 = tpu.memref_squeeze %get3A_1787 : memref<1x32x128xf32, #tpu.memory_space<vmem>> -> memref<32x128xf32, #tpu.memory_space<vmem>>
        %get3A_1789 = arith.index_cast %scan3A_1785 : i32 to index
        %get3A_1790 = arith.constant 0 : index
        %get3A_1791 = tpu.vector_load %get3A_1788[%get3A_1789, %get3A_1790] {strides = array<i32>} : memref<32x128xf32, #tpu.memory_space<vmem>>, vector<1x16xf32>,
        %get3A_1792 = vector.shape_cast %get3A_1791 : vector<1x16xf32> to vector<16xf32>
        %mul3A_1793 = arith.constant 11.3137083 : f32
        %mul3A_1794 = vector.broadcast %mul3A_1793 : f32 to vector<16xf32>
        %mul3A_1795 = arith.mulf %get3A_1792, %mul3A_1794 : vector<16xf32>
        %swap3A = arith.constant 0 : i32
        %swap3A_1796 = arith.constant 0 : i32
        %swap3A_1797 = tpu.memref_slice %arg6[%scan3A_592, %swap3A, %swap3A_1796] : memref<10x32x128xf32, #tpu.memory_space<vmem>> -> memref<1x32x128xf32, #tpu.memory_space<vmem>>
        %swap3A_1798 = tpu.memref_squeeze %swap3A_1797 : memref<1x32x128xf32, #tpu.memory_space<vmem>> -> memref<32x128xf32, #tpu.memory_space<vmem>>
        %swap3A_1799 = arith.index_cast %scan3A_1785 : i32 to index
        %swap3A_1800 = arith.constant 0 : index
        %swap3A_1801 = tpu.vector_load %swap3A_1798[%swap3A_1799, %swap3A_1800] {strides = array<i32>} : memref<32x128xf32, #tpu.memory_space<vmem>>, vector<1x16xf32>,
        %swap3A_1802 = vector.shape_cast %swap3A_1801 : vector<1x16xf32> to vector<16xf32>
        %swap3A_1803 = vector.shape_cast %mul3A_1795 : vector<16xf32> to vector<1x16xf32>
        tpu.vector_store %swap3A_1798[%swap3A_1799, %swap3A_1800], %swap3A_1803 {strides = array<i32>} : memref<32x128xf32, #tpu.memory_space<vmem>>, vector<1x16xf32>,
        %get3A_1804 = arith.constant 0 : i32
        %get3A_1805 = arith.constant 0 : i32
        %get3A_1806 = tpu.memref_slice %arg6[%scan3A_592, %get3A_1804, %get3A_1805] : memref<10x32x128xf32, #tpu.memory_space<vmem>> -> memref<1x32x128xf32, #tpu.memory_space<vmem>>
        %get3A_1807 = tpu.memref_squeeze %get3A_1806 : memref<1x32x128xf32, #tpu.memory_space<vmem>> -> memref<32x128xf32, #tpu.memory_space<vmem>>
        %get3A_1808 = arith.index_cast %scan3A_1785 : i32 to index
        %get3A_1809 = arith.constant 16 : index
        %get3A_1810 = tpu.vector_load %get3A_1807[%get3A_1808, %get3A_1809] {strides = array<i32>} : memref<32x128xf32, #tpu.memory_space<vmem>>, vector<1x16xf32>,
        %get3A_1811 = vector.shape_cast %get3A_1810 : vector<1x16xf32> to vector<16xf32>
        %mul3A_1812 = arith.constant 11.3137083 : f32
        %mul3A_1813 = vector.broadcast %mul3A_1812 : f32 to vector<16xf32>
        %mul3A_1814 = arith.mulf %get3A_1811, %mul3A_1813 : vector<16xf32>
        %swap3A_1815 = arith.constant 0 : i32
        %swap3A_1816 = arith.constant 0 : i32
        %swap3A_1817 = tpu.memref_slice %arg6[%scan3A_592, %swap3A_1815, %swap3A_1816] : memref<10x32x128xf32, #tpu.memory_space<vmem>> -> memref<1x32x128xf32, #tpu.memory_space<vmem>>
        %swap3A_1818 = tpu.memref_squeeze %swap3A_1817 : memref<1x32x128xf32, #tpu.memory_space<vmem>> -> memref<32x128xf32, #tpu.memory_space<vmem>>
        %swap3A_1819 = arith.index_cast %scan3A_1785 : i32 to index
        %swap3A_1820 = arith.constant 16 : index
        %swap3A_1821 = tpu.vector_load %swap3A_1818[%swap3A_1819, %swap3A_1820] {strides = array<i32>} : memref<32x128xf32, #tpu.memory_space<vmem>>, vector<1x16xf32>,
        %swap3A_1822 = vector.shape_cast %swap3A_1821 : vector<1x16xf32> to vector<16xf32>
        %swap3A_1823 = vector.shape_cast %mul3A_1814 : vector<16xf32> to vector<1x16xf32>
        tpu.vector_store %swap3A_1818[%swap3A_1819, %swap3A_1820], %swap3A_1823 {strides = array<i32>} : memref<32x128xf32, #tpu.memory_space<vmem>>, vector<1x16xf32>,
        %get3A_1824 = arith.constant 0 : i32
        %get3A_1825 = arith.constant 0 : i32
        %get3A_1826 = tpu.memref_slice %arg6[%scan3A_592, %get3A_1824, %get3A_1825] : memref<10x32x128xf32, #tpu.memory_space<vmem>> -> memref<1x32x128xf32, #tpu.memory_space<vmem>>
        %get3A_1827 = tpu.memref_squeeze %get3A_1826 : memref<1x32x128xf32, #tpu.memory_space<vmem>> -> memref<32x128xf32, #tpu.memory_space<vmem>>
        %get3A_1828 = arith.index_cast %scan3A_1785 : i32 to index
        %get3A_1829 = arith.constant 32 : index
        %get3A_1830 = tpu.vector_load %get3A_1827[%get3A_1828, %get3A_1829] {strides = array<i32>} : memref<32x128xf32, #tpu.memory_space<vmem>>, vector<1x16xf32>,
        %get3A_1831 = vector.shape_cast %get3A_1830 : vector<1x16xf32> to vector<16xf32>
        %mul3A_1832 = arith.constant 11.3137083 : f32
        %mul3A_1833 = vector.broadcast %mul3A_1832 : f32 to vector<16xf32>
        %mul3A_1834 = arith.mulf %get3A_1831, %mul3A_1833 : vector<16xf32>
        %swap3A_1835 = arith.constant 0 : i32
        %swap3A_1836 = arith.constant 0 : i32
        %swap3A_1837 = tpu.memref_slice %arg6[%scan3A_592, %swap3A_1835, %swap3A_1836] : memref<10x32x128xf32, #tpu.memory_space<vmem>> -> memref<1x32x128xf32, #tpu.memory_space<vmem>>
        %swap3A_1838 = tpu.memref_squeeze %swap3A_1837 : memref<1x32x128xf32, #tpu.memory_space<vmem>> -> memref<32x128xf32, #tpu.memory_space<vmem>>
        %swap3A_1839 = arith.index_cast %scan3A_1785 : i32 to index
        %swap3A_1840 = arith.constant 32 : index
        %swap3A_1841 = tpu.vector_load %swap3A_1838[%swap3A_1839, %swap3A_1840] {strides = array<i32>} : memref<32x128xf32, #tpu.memory_space<vmem>>, vector<1x16xf32>,
        %swap3A_1842 = vector.shape_cast %swap3A_1841 : vector<1x16xf32> to vector<16xf32>
        %swap3A_1843 = vector.shape_cast %mul3A_1834 : vector<16xf32> to vector<1x16xf32>
        tpu.vector_store %swap3A_1838[%swap3A_1839, %swap3A_1840], %swap3A_1843 {strides = array<i32>} : memref<32x128xf32, #tpu.memory_space<vmem>>, vector<1x16xf32>,
        %get3A_1844 = arith.constant 0 : i32
        %get3A_1845 = arith.constant 0 : i32
        %get3A_1846 = tpu.memref_slice %arg6[%scan3A_592, %get3A_1844, %get3A_1845] : memref<10x32x128xf32, #tpu.memory_space<vmem>> -> memref<1x32x128xf32, #tpu.memory_space<vmem>>
        %get3A_1847 = tpu.memref_squeeze %get3A_1846 : memref<1x32x128xf32, #tpu.memory_space<vmem>> -> memref<32x128xf32, #tpu.memory_space<vmem>>
        %get3A_1848 = arith.index_cast %scan3A_1785 : i32 to index
        %get3A_1849 = arith.constant 48 : index
        %get3A_1850 = tpu.vector_load %get3A_1847[%get3A_1848, %get3A_1849] {strides = array<i32>} : memref<32x128xf32, #tpu.memory_space<vmem>>, vector<1x16xf32>,
        %get3A_1851 = vector.shape_cast %get3A_1850 : vector<1x16xf32> to vector<16xf32>
        %mul3A_1852 = arith.constant 11.3137083 : f32
        %mul3A_1853 = vector.broadcast %mul3A_1852 : f32 to vector<16xf32>
        %mul3A_1854 = arith.mulf %get3A_1851, %mul3A_1853 : vector<16xf32>
        %swap3A_1855 = arith.constant 0 : i32
        %swap3A_1856 = arith.constant 0 : i32
        %swap3A_1857 = tpu.memref_slice %arg6[%scan3A_592, %swap3A_1855, %swap3A_1856] : memref<10x32x128xf32, #tpu.memory_space<vmem>> -> memref<1x32x128xf32, #tpu.memory_space<vmem>>
        %swap3A_1858 = tpu.memref_squeeze %swap3A_1857 : memref<1x32x128xf32, #tpu.memory_space<vmem>> -> memref<32x128xf32, #tpu.memory_space<vmem>>
        %swap3A_1859 = arith.index_cast %scan3A_1785 : i32 to index
        %swap3A_1860 = arith.constant 48 : index
        %swap3A_1861 = tpu.vector_load %swap3A_1858[%swap3A_1859, %swap3A_1860] {strides = array<i32>} : memref<32x128xf32, #tpu.memory_space<vmem>>, vector<1x16xf32>,
        %swap3A_1862 = vector.shape_cast %swap3A_1861 : vector<1x16xf32> to vector<16xf32>
        %swap3A_1863 = vector.shape_cast %mul3A_1854 : vector<16xf32> to vector<1x16xf32>
        tpu.vector_store %swap3A_1858[%swap3A_1859, %swap3A_1860], %swap3A_1863 {strides = array<i32>} : memref<32x128xf32, #tpu.memory_space<vmem>>, vector<1x16xf32>,
        %get3A_1864 = arith.constant 0 : i32
        %get3A_1865 = arith.constant 0 : i32
        %get3A_1866 = tpu.memref_slice %arg6[%scan3A_592, %get3A_1864, %get3A_1865] : memref<10x32x128xf32, #tpu.memory_space<vmem>> -> memref<1x32x128xf32, #tpu.memory_space<vmem>>
        %get3A_1867 = tpu.memref_squeeze %get3A_1866 : memref<1x32x128xf32, #tpu.memory_space<vmem>> -> memref<32x128xf32, #tpu.memory_space<vmem>>
        %get3A_1868 = arith.index_cast %scan3A_1785 : i32 to index
        %get3A_1869 = arith.constant 64 : index
        %get3A_1870 = tpu.vector_load %get3A_1867[%get3A_1868, %get3A_1869] {strides = array<i32>} : memref<32x128xf32, #tpu.memory_space<vmem>>, vector<1x16xf32>,
        %get3A_1871 = vector.shape_cast %get3A_1870 : vector<1x16xf32> to vector<16xf32>
        %mul3A_1872 = arith.constant 11.3137083 : f32
        %mul3A_1873 = vector.broadcast %mul3A_1872 : f32 to vector<16xf32>
        %mul3A_1874 = arith.mulf %get3A_1871, %mul3A_1873 : vector<16xf32>
        %swap3A_1875 = arith.constant 0 : i32
        %swap3A_1876 = arith.constant 0 : i32
        %swap3A_1877 = tpu.memref_slice %arg6[%scan3A_592, %swap3A_1875, %swap3A_1876] : memref<10x32x128xf32, #tpu.memory_space<vmem>> -> memref<1x32x128xf32, #tpu.memory_space<vmem>>
        %swap3A_1878 = tpu.memref_squeeze %swap3A_1877 : memref<1x32x128xf32, #tpu.memory_space<vmem>> -> memref<32x128xf32, #tpu.memory_space<vmem>>
        %swap3A_1879 = arith.index_cast %scan3A_1785 : i32 to index
        %swap3A_1880 = arith.constant 64 : index
        %swap3A_1881 = tpu.vector_load %swap3A_1878[%swap3A_1879, %swap3A_1880] {strides = array<i32>} : memref<32x128xf32, #tpu.memory_space<vmem>>, vector<1x16xf32>,
        %swap3A_1882 = vector.shape_cast %swap3A_1881 : vector<1x16xf32> to vector<16xf32>
        %swap3A_1883 = vector.shape_cast %mul3A_1874 : vector<16xf32> to vector<1x16xf32>
        tpu.vector_store %swap3A_1878[%swap3A_1879, %swap3A_1880], %swap3A_1883 {strides = array<i32>} : memref<32x128xf32, #tpu.memory_space<vmem>>, vector<1x16xf32>,
        %get3A_1884 = arith.constant 0 : i32
        %get3A_1885 = arith.constant 0 : i32
        %get3A_1886 = tpu.memref_slice %arg6[%scan3A_592, %get3A_1884, %get3A_1885] : memref<10x32x128xf32, #tpu.memory_space<vmem>> -> memref<1x32x128xf32, #tpu.memory_space<vmem>>
        %get3A_1887 = tpu.memref_squeeze %get3A_1886 : memref<1x32x128xf32, #tpu.memory_space<vmem>> -> memref<32x128xf32, #tpu.memory_space<vmem>>
        %get3A_1888 = arith.index_cast %scan3A_1785 : i32 to index
        %get3A_1889 = arith.constant 80 : index
        %get3A_1890 = tpu.vector_load %get3A_1887[%get3A_1888, %get3A_1889] {strides = array<i32>} : memref<32x128xf32, #tpu.memory_space<vmem>>, vector<1x16xf32>,
        %get3A_1891 = vector.shape_cast %get3A_1890 : vector<1x16xf32> to vector<16xf32>
        %mul3A_1892 = arith.constant 11.3137083 : f32
        %mul3A_1893 = vector.broadcast %mul3A_1892 : f32 to vector<16xf32>
        %mul3A_1894 = arith.mulf %get3A_1891, %mul3A_1893 : vector<16xf32>
        %swap3A_1895 = arith.constant 0 : i32
        %swap3A_1896 = arith.constant 0 : i32
        %swap3A_1897 = tpu.memref_slice %arg6[%scan3A_592, %swap3A_1895, %swap3A_1896] : memref<10x32x128xf32, #tpu.memory_space<vmem>> -> memref<1x32x128xf32, #tpu.memory_space<vmem>>
        %swap3A_1898 = tpu.memref_squeeze %swap3A_1897 : memref<1x32x128xf32, #tpu.memory_space<vmem>> -> memref<32x128xf32, #tpu.memory_space<vmem>>
        %swap3A_1899 = arith.index_cast %scan3A_1785 : i32 to index
        %swap3A_1900 = arith.constant 80 : index
        %swap3A_1901 = tpu.vector_load %swap3A_1898[%swap3A_1899, %swap3A_1900] {strides = array<i32>} : memref<32x128xf32, #tpu.memory_space<vmem>>, vector<1x16xf32>,
        %swap3A_1902 = vector.shape_cast %swap3A_1901 : vector<1x16xf32> to vector<16xf32>
        %swap3A_1903 = vector.shape_cast %mul3A_1894 : vector<16xf32> to vector<1x16xf32>
        tpu.vector_store %swap3A_1898[%swap3A_1899, %swap3A_1900], %swap3A_1903 {strides = array<i32>} : memref<32x128xf32, #tpu.memory_space<vmem>>, vector<1x16xf32>,
        %get3A_1904 = arith.constant 0 : i32
        %get3A_1905 = arith.constant 0 : i32
        %get3A_1906 = tpu.memref_slice %arg6[%scan3A_592, %get3A_1904, %get3A_1905] : memref<10x32x128xf32, #tpu.memory_space<vmem>> -> memref<1x32x128xf32, #tpu.memory_space<vmem>>
        %get3A_1907 = tpu.memref_squeeze %get3A_1906 : memref<1x32x128xf32, #tpu.memory_space<vmem>> -> memref<32x128xf32, #tpu.memory_space<vmem>>
        %get3A_1908 = arith.index_cast %scan3A_1785 : i32 to index
        %get3A_1909 = arith.constant 96 : index
        %get3A_1910 = tpu.vector_load %get3A_1907[%get3A_1908, %get3A_1909] {strides = array<i32>} : memref<32x128xf32, #tpu.memory_space<vmem>>, vector<1x16xf32>,
        %get3A_1911 = vector.shape_cast %get3A_1910 : vector<1x16xf32> to vector<16xf32>
        %mul3A_1912 = arith.constant 11.3137083 : f32
        %mul3A_1913 = vector.broadcast %mul3A_1912 : f32 to vector<16xf32>
        %mul3A_1914 = arith.mulf %get3A_1911, %mul3A_1913 : vector<16xf32>
        %swap3A_1915 = arith.constant 0 : i32
        %swap3A_1916 = arith.constant 0 : i32
        %swap3A_1917 = tpu.memref_slice %arg6[%scan3A_592, %swap3A_1915, %swap3A_1916] : memref<10x32x128xf32, #tpu.memory_space<vmem>> -> memref<1x32x128xf32, #tpu.memory_space<vmem>>
        %swap3A_1918 = tpu.memref_squeeze %swap3A_1917 : memref<1x32x128xf32, #tpu.memory_space<vmem>> -> memref<32x128xf32, #tpu.memory_space<vmem>>
        %swap3A_1919 = arith.index_cast %scan3A_1785 : i32 to index
        %swap3A_1920 = arith.constant 96 : index
        %swap3A_1921 = tpu.vector_load %swap3A_1918[%swap3A_1919, %swap3A_1920] {strides = array<i32>} : memref<32x128xf32, #tpu.memory_space<vmem>>, vector<1x16xf32>,
        %swap3A_1922 = vector.shape_cast %swap3A_1921 : vector<1x16xf32> to vector<16xf32>
        %swap3A_1923 = vector.shape_cast %mul3A_1914 : vector<16xf32> to vector<1x16xf32>
        tpu.vector_store %swap3A_1918[%swap3A_1919, %swap3A_1920], %swap3A_1923 {strides = array<i32>} : memref<32x128xf32, #tpu.memory_space<vmem>>, vector<1x16xf32>,
        %get3A_1924 = arith.constant 0 : i32
        %get3A_1925 = arith.constant 0 : i32
        %get3A_1926 = tpu.memref_slice %arg6[%scan3A_592, %get3A_1924, %get3A_1925] : memref<10x32x128xf32, #tpu.memory_space<vmem>> -> memref<1x32x128xf32, #tpu.memory_space<vmem>>
        %get3A_1927 = tpu.memref_squeeze %get3A_1926 : memref<1x32x128xf32, #tpu.memory_space<vmem>> -> memref<32x128xf32, #tpu.memory_space<vmem>>
        %get3A_1928 = arith.index_cast %scan3A_1785 : i32 to index
        %get3A_1929 = arith.constant 112 : index
        %get3A_1930 = tpu.vector_load %get3A_1927[%get3A_1928, %get3A_1929] {strides = array<i32>} : memref<32x128xf32, #tpu.memory_space<vmem>>, vector<1x16xf32>,
        %get3A_1931 = vector.shape_cast %get3A_1930 : vector<1x16xf32> to vector<16xf32>
        %mul3A_1932 = arith.constant 11.3137083 : f32
        %mul3A_1933 = vector.broadcast %mul3A_1932 : f32 to vector<16xf32>
        %mul3A_1934 = arith.mulf %get3A_1931, %mul3A_1933 : vector<16xf32>
        %swap3A_1935 = arith.constant 0 : i32
        %swap3A_1936 = arith.constant 0 : i32
        %swap3A_1937 = tpu.memref_slice %arg6[%scan3A_592, %swap3A_1935, %swap3A_1936] : memref<10x32x128xf32, #tpu.memory_space<vmem>> -> memref<1x32x128xf32, #tpu.memory_space<vmem>>
        %swap3A_1938 = tpu.memref_squeeze %swap3A_1937 : memref<1x32x128xf32, #tpu.memory_space<vmem>> -> memref<32x128xf32, #tpu.memory_space<vmem>>
        %swap3A_1939 = arith.index_cast %scan3A_1785 : i32 to index
        %swap3A_1940 = arith.constant 112 : index
        %swap3A_1941 = tpu.vector_load %swap3A_1938[%swap3A_1939, %swap3A_1940] {strides = array<i32>} : memref<32x128xf32, #tpu.memory_space<vmem>>, vector<1x16xf32>,
        %swap3A_1942 = vector.shape_cast %swap3A_1941 : vector<1x16xf32> to vector<16xf32>
        %swap3A_1943 = vector.shape_cast %mul3A_1934 : vector<16xf32> to vector<1x16xf32>
        tpu.vector_store %swap3A_1938[%swap3A_1939, %swap3A_1940], %swap3A_1943 {strides = array<i32>} : memref<32x128xf32, #tpu.memory_space<vmem>>, vector<1x16xf32>,
      }
      %scan3A_597 = arith.constant 32 : i32
      %jit3A_598 = arith.constant 4 : i32
      %div3A_599 = arith.divsi %add3A_528, %jit3A_598 : i32
      %sign3A_600 = arith.constant 0 : i32
      %sign3A_601 = arith.cmpi sgt, %add3A_528, %sign3A_600 : i32
      %sign3A_602 = arith.extui %sign3A_601 : i1 to i32
      %sign3A_603 = arith.constant 0 : i32
      %sign3A_604 = arith.cmpi slt, %add3A_528, %sign3A_603 : i32
      %sign3A_605 = arith.extui %sign3A_604 : i1 to i32
      %sign3A_606 = arith.subi %sign3A_602, %sign3A_605 : i32
      %sign3A_607 = arith.constant 0 : i32
      %sign3A_608 = arith.cmpi sgt, %jit3A_598, %sign3A_607 : i32
      %sign3A_609 = arith.extui %sign3A_608 : i1 to i32
      %sign3A_610 = arith.constant 0 : i32
      %sign3A_611 = arith.cmpi slt, %jit3A_598, %sign3A_610 : i32
      %sign3A_612 = arith.extui %sign3A_611 : i1 to i32
      %sign3A_613 = arith.subi %sign3A_609, %sign3A_612 : i32
      %ne3A_614 = arith.cmpi ne, %sign3A_606, %sign3A_613 : i32
      %rem3A_615 = arith.remsi %add3A_528, %jit3A_598 : i32
      %ne3A_616 = arith.constant 0 : i32
      %ne3A_617 = arith.cmpi ne, %rem3A_615, %ne3A_616 : i32
      %and3A_618 = arith.andi %ne3A_614, %ne3A_617 : i1
      %sub3A_619 = arith.constant 1 : i32
      %sub3A_620 = arith.subi %div3A_599, %sub3A_619 : i32
      %select_n3A_621 = arith.select %and3A_618, %sub3A_620, %div3A_599 : i32
      %jit3A_622 = arith.constant 4 : i32
      %eq3A_623 = arith.constant 0 : i32
      %eq3A_624 = arith.cmpi eq, %jit3A_622, %eq3A_623 : i32
      %jit3A_625 = arith.constant 1 : i32
      %select_n3A_626 = arith.select %eq3A_624, %jit3A_625, %jit3A_622 : i32
      %rem3A_627 = arith.remsi %add3A_528, %select_n3A_626 : i32
      %ne3A_628 = arith.constant 0 : i32
      %ne3A_629 = arith.cmpi ne, %rem3A_627, %ne3A_628 : i32
      %lt3A_630 = arith.constant 0 : i32
      %lt3A_631 = arith.cmpi slt, %rem3A_627, %lt3A_630 : i32
      %lt3A_632 = arith.constant 0 : i32
      %lt3A_633 = arith.cmpi slt, %select_n3A_626, %lt3A_632 : i32
      %ne3A_634 = arith.xori %lt3A_631, %lt3A_633 : i1
      %and3A_635 = arith.andi %ne3A_634, %ne3A_629 : i1
      %add3A_636 = arith.addi %rem3A_627, %select_n3A_626 : i32
      %select_n3A_637 = arith.select %and3A_635, %add3A_636, %rem3A_627 : i32
      %mul3A_638 = arith.constant 32 : i32
      %mul3A_639 = arith.muli %select_n3A_637, %mul3A_638 : i32
      %add3A_640 = arith.addi %mul3A_2, %mul3A_639 : i32
      %dma_start3A_641 = arith.constant 1 : i32
      %dma_start3A_642 = arith.constant 1 : i32
      %dma_start3A_643 = arith.constant 0 : i32
      %dma_start3A_644 = arith.constant 0 : i32
      %dma_start3A_645 = tpu.memref_slice %arg6[%dma_start3A_641, %dma_start3A_643, %dma_start3A_644] : memref<10x32x128xf32, #tpu.memory_space<vmem>> -> memref<1x32x128xf32, #tpu.memory_space<vmem>>
      %dma_start3A_646 = tpu.memref_squeeze %dma_start3A_645 : memref<1x32x128xf32, #tpu.memory_space<vmem>> -> memref<32x128xf32, #tpu.memory_space<vmem>>
      %dma_start3A_647 = arith.constant 0 : i32
      %dma_start3A_648 = arith.constant 0 : i32
      %dma_start3A_649 = tpu.memref_slice %arg4[%select_n3A_621, %dma_start3A_647, %dma_start3A_648] : memref<50x4096x128xf32, #tpu.memory_space<hbm>> -> memref<1x4096x128xf32, #tpu.memory_space<hbm>>
      %dma_start3A_650 = tpu.memref_squeeze %dma_start3A_649 : memref<1x4096x128xf32, #tpu.memory_space<hbm>> -> memref<4096x128xf32, #tpu.memory_space<hbm>>
      %dma_start3A_651 = arith.constant 0 : i32
      %dma_start3A_652 = tpu.memref_slice %dma_start3A_650[%add3A_640, %dma_start3A_651] : memref<4096x128xf32, #tpu.memory_space<hbm>> -> memref<32x128xf32, #tpu.memory_space<hbm>>
      %dma_start3A_653 = tpu.memref_slice %arg8[%dma_start3A_642] : memref<10x!tpu.dma_semaphore, #tpu.memory_space<semaphore_mem>> -> memref<1x!tpu.dma_semaphore, #tpu.memory_space<semaphore_mem>>
      %dma_start3A_654 = tpu.memref_squeeze %dma_start3A_653 : memref<1x!tpu.dma_semaphore, #tpu.memory_space<semaphore_mem>> -> memref<!tpu.dma_semaphore, #tpu.memory_space<semaphore_mem>>
      %dma_start3A_655 = arith.constant 0 : i32
      %dma_start3A_656 = arith.constant 0 : i32
      %dma_start3A_657 = tpu.memref_slice %arg4[%select_n3A_621, %dma_start3A_655, %dma_start3A_656] : memref<50x4096x128xf32, #tpu.memory_space<hbm>> -> memref<1x4096x128xf32, #tpu.memory_space<hbm>>
      %dma_start3A_658 = tpu.memref_squeeze %dma_start3A_657 : memref<1x4096x128xf32, #tpu.memory_space<hbm>> -> memref<4096x128xf32, #tpu.memory_space<hbm>>
      %dma_start3A_659 = arith.constant 0 : i32
      %dma_start3A_660 = tpu.memref_slice %dma_start3A_658[%add3A_640, %dma_start3A_659] : memref<4096x128xf32, #tpu.memory_space<hbm>> -> memref<32x128xf32, #tpu.memory_space<hbm>>
      %dma_start3A_661 = arith.constant 0 : i32
      %dma_start3A_662 = arith.constant 0 : i32
      %dma_start3A_663 = tpu.memref_slice %arg6[%dma_start3A_641, %dma_start3A_661, %dma_start3A_662] : memref<10x32x128xf32, #tpu.memory_space<vmem>> -> memref<1x32x128xf32, #tpu.memory_space<vmem>>
      %dma_start3A_664 = tpu.memref_squeeze %dma_start3A_663 : memref<1x32x128xf32, #tpu.memory_space<vmem>> -> memref<32x128xf32, #tpu.memory_space<vmem>>
      tpu.enqueue_dma source(%dma_start3A_664 : memref<32x128xf32, #tpu.memory_space<vmem>>) target(%dma_start3A_660 : memref<32x128xf32, #tpu.memory_space<hbm>>) target_semaphore(%dma_start3A_654 : memref<!tpu.dma_semaphore, #tpu.memory_space<semaphore_mem>>)
      %mul3A_665 = arith.constant 10 : i32
      %mul3A_666 = arith.muli %scan3A_396, %mul3A_665 : i32
      %add3A_667 = arith.constant 2 : i32
      %add3A_668 = arith.addi %mul3A_666, %add3A_667 : i32
      %add3A_669 = arith.constant 8 : i32
      %add3A_670 = arith.addi %add3A_668, %add3A_669 : i32
      %lt3A_671 = arith.constant 200 : i32
      %lt3A_672 = arith.cmpi slt, %add3A_670, %lt3A_671 : i32
      %convert_element_type3A_673 = arith.extui %lt3A_672 : i1 to i32
      %cond3A_674 = arith.constant 0 : i32
      %cond3A_675 = arith.cmpi ne, %convert_element_type3A_673, %cond3A_674 : i32
      scf.if %cond3A_675 {
        %ge3A = arith.constant 10 : i32
        %ge3A_1785 = arith.cmpi sge, %add3A_670, %ge3A : i32
        %convert_element_type3A_1786 = arith.extui %ge3A_1785 : i1 to i32
        %cond3A_1787 = arith.constant 0 : i32
        %cond3A_1788 = arith.cmpi ne, %convert_element_type3A_1786, %cond3A_1787 : i32
        scf.if %cond3A_1788 {
          %sub3A_1844 = arith.constant 10 : i32
          %sub3A_1845 = arith.subi %add3A_670, %sub3A_1844 : i32
          %jit3A_1846 = arith.constant 4 : i32
          %div3A_1847 = arith.divsi %sub3A_1845, %jit3A_1846 : i32
          %sign3A_1848 = arith.constant 0 : i32
          %sign3A_1849 = arith.cmpi sgt, %sub3A_1845, %sign3A_1848 : i32
          %sign3A_1850 = arith.extui %sign3A_1849 : i1 to i32
          %sign3A_1851 = arith.constant 0 : i32
          %sign3A_1852 = arith.cmpi slt, %sub3A_1845, %sign3A_1851 : i32
          %sign3A_1853 = arith.extui %sign3A_1852 : i1 to i32
          %sign3A_1854 = arith.subi %sign3A_1850, %sign3A_1853 : i32
          %sign3A_1855 = arith.constant 0 : i32
          %sign3A_1856 = arith.cmpi sgt, %jit3A_1846, %sign3A_1855 : i32
          %sign3A_1857 = arith.extui %sign3A_1856 : i1 to i32
          %sign3A_1858 = arith.constant 0 : i32
          %sign3A_1859 = arith.cmpi slt, %jit3A_1846, %sign3A_1858 : i32
          %sign3A_1860 = arith.extui %sign3A_1859 : i1 to i32
          %sign3A_1861 = arith.subi %sign3A_1857, %sign3A_1860 : i32
          %ne3A_1862 = arith.cmpi ne, %sign3A_1854, %sign3A_1861 : i32
          %rem3A_1863 = arith.remsi %sub3A_1845, %jit3A_1846 : i32
          %ne3A_1864 = arith.constant 0 : i32
          %ne3A_1865 = arith.cmpi ne, %rem3A_1863, %ne3A_1864 : i32
          %and3A_1866 = arith.andi %ne3A_1862, %ne3A_1865 : i1
          %sub3A_1867 = arith.constant 1 : i32
          %sub3A_1868 = arith.subi %div3A_1847, %sub3A_1867 : i32
          %select_n3A_1869 = arith.select %and3A_1866, %sub3A_1868, %div3A_1847 : i32
          %jit3A_1870 = arith.constant 4 : i32
          %eq3A_1871 = arith.constant 0 : i32
          %eq3A_1872 = arith.cmpi eq, %jit3A_1870, %eq3A_1871 : i32
          %jit3A_1873 = arith.constant 1 : i32
          %select_n3A_1874 = arith.select %eq3A_1872, %jit3A_1873, %jit3A_1870 : i32
          %rem3A_1875 = arith.remsi %sub3A_1845, %select_n3A_1874 : i32
          %ne3A_1876 = arith.constant 0 : i32
          %ne3A_1877 = arith.cmpi ne, %rem3A_1875, %ne3A_1876 : i32
          %lt3A_1878 = arith.constant 0 : i32
          %lt3A_1879 = arith.cmpi slt, %rem3A_1875, %lt3A_1878 : i32
          %lt3A_1880 = arith.constant 0 : i32
          %lt3A_1881 = arith.cmpi slt, %select_n3A_1874, %lt3A_1880 : i32
          %ne3A_1882 = arith.xori %lt3A_1879, %lt3A_1881 : i1
          %and3A_1883 = arith.andi %ne3A_1882, %ne3A_1877 : i1
          %add3A_1884 = arith.addi %rem3A_1875, %select_n3A_1874 : i32
          %select_n3A_1885 = arith.select %and3A_1883, %add3A_1884, %rem3A_1875 : i32
          %mul3A_1886 = arith.constant 32 : i32
          %mul3A_1887 = arith.muli %select_n3A_1885, %mul3A_1886 : i32
          %add3A_1888 = arith.addi %mul3A_2, %mul3A_1887 : i32
          %dma_wait3A_1889 = arith.constant 0 : i32
          %dma_wait3A_1890 = arith.constant 0 : i32
          %dma_wait3A_1891 = arith.constant 0 : i32
          %dma_wait3A_1892 = arith.constant 0 : i32
          %dma_wait3A_1893 = tpu.memref_slice %arg6[%dma_wait3A_1889, %dma_wait3A_1891, %dma_wait3A_1892] : memref<10x32x128xf32, #tpu.memory_space<vmem>> -> memref<1x32x128xf32, #tpu.memory_space<vmem>>
          %dma_wait3A_1894 = tpu.memref_squeeze %dma_wait3A_1893 : memref<1x32x128xf32, #tpu.memory_space<vmem>> -> memref<32x128xf32, #tpu.memory_space<vmem>>
          %dma_wait3A_1895 = arith.constant 0 : i32
          %dma_wait3A_1896 = arith.constant 0 : i32
          %dma_wait3A_1897 = tpu.memref_slice %arg4[%select_n3A_1869, %dma_wait3A_1895, %dma_wait3A_1896] : memref<50x4096x128xf32, #tpu.memory_space<hbm>> -> memref<1x4096x128xf32, #tpu.memory_space<hbm>>
          %dma_wait3A_1898 = tpu.memref_squeeze %dma_wait3A_1897 : memref<1x4096x128xf32, #tpu.memory_space<hbm>> -> memref<4096x128xf32, #tpu.memory_space<hbm>>
          %dma_wait3A_1899 = arith.constant 0 : i32
          %dma_wait3A_1900 = tpu.memref_slice %dma_wait3A_1898[%add3A_1888, %dma_wait3A_1899] : memref<4096x128xf32, #tpu.memory_space<hbm>> -> memref<32x128xf32, #tpu.memory_space<hbm>>
          %dma_wait3A_1901 = tpu.memref_slice %arg8[%dma_wait3A_1890] : memref<10x!tpu.dma_semaphore, #tpu.memory_space<semaphore_mem>> -> memref<1x!tpu.dma_semaphore, #tpu.memory_space<semaphore_mem>>
          %dma_wait3A_1902 = tpu.memref_squeeze %dma_wait3A_1901 : memref<1x!tpu.dma_semaphore, #tpu.memory_space<semaphore_mem>> -> memref<!tpu.dma_semaphore, #tpu.memory_space<semaphore_mem>>
          %dma_wait3A_1903 = arith.constant 0 : i32
          %dma_wait3A_1904 = arith.constant 0 : i32
          %dma_wait3A_1905 = tpu.memref_slice %arg4[%select_n3A_1869, %dma_wait3A_1903, %dma_wait3A_1904] : memref<50x4096x128xf32, #tpu.memory_space<hbm>> -> memref<1x4096x128xf32, #tpu.memory_space<hbm>>
          %dma_wait3A_1906 = tpu.memref_squeeze %dma_wait3A_1905 : memref<1x4096x128xf32, #tpu.memory_space<hbm>> -> memref<4096x128xf32, #tpu.memory_space<hbm>>
          %dma_wait3A_1907 = arith.constant 0 : i32
          %dma_wait3A_1908 = tpu.memref_slice %dma_wait3A_1906[%add3A_1888, %dma_wait3A_1907] : memref<4096x128xf32, #tpu.memory_space<hbm>> -> memref<32x128xf32, #tpu.memory_space<hbm>>
          %dma_wait3A_1909 = arith.constant 0 : i32
          %dma_wait3A_1910 = arith.constant 0 : i32
          %dma_wait3A_1911 = tpu.memref_slice %arg6[%dma_wait3A_1889, %dma_wait3A_1909, %dma_wait3A_1910] : memref<10x32x128xf32, #tpu.memory_space<vmem>> -> memref<1x32x128xf32, #tpu.memory_space<vmem>>
          %dma_wait3A_1912 = tpu.memref_squeeze %dma_wait3A_1911 : memref<1x32x128xf32, #tpu.memory_space<vmem>> -> memref<32x128xf32, #tpu.memory_space<vmem>>
          tpu.wait_dma2 semaphore(%dma_wait3A_1902 : memref<!tpu.dma_semaphore, #tpu.memory_space<semaphore_mem>>) src(%dma_wait3A_1912 : memref<32x128xf32, #tpu.memory_space<vmem>>) dst(%dma_wait3A_1908 : memref<32x128xf32, #tpu.memory_space<hbm>>)
        } else {
        }
        %jit3A_1789 = arith.constant 4 : i32
        %div3A_1790 = arith.divsi %add3A_670, %jit3A_1789 : i32
        %sign3A_1791 = arith.constant 0 : i32
        %sign3A_1792 = arith.cmpi sgt, %add3A_670, %sign3A_1791 : i32
        %sign3A_1793 = arith.extui %sign3A_1792 : i1 to i32
        %sign3A_1794 = arith.constant 0 : i32
        %sign3A_1795 = arith.cmpi slt, %add3A_670, %sign3A_1794 : i32
        %sign3A_1796 = arith.extui %sign3A_1795 : i1 to i32
        %sign3A_1797 = arith.subi %sign3A_1793, %sign3A_1796 : i32
        %sign3A_1798 = arith.constant 0 : i32
        %sign3A_1799 = arith.cmpi sgt, %jit3A_1789, %sign3A_1798 : i32
        %sign3A_1800 = arith.extui %sign3A_1799 : i1 to i32
        %sign3A_1801 = arith.constant 0 : i32
        %sign3A_1802 = arith.cmpi slt, %jit3A_1789, %sign3A_1801 : i32
        %sign3A_1803 = arith.extui %sign3A_1802 : i1 to i32
        %sign3A_1804 = arith.subi %sign3A_1800, %sign3A_1803 : i32
        %ne3A_1805 = arith.cmpi ne, %sign3A_1797, %sign3A_1804 : i32
        %rem3A_1806 = arith.remsi %add3A_670, %jit3A_1789 : i32
        %ne3A_1807 = arith.constant 0 : i32
        %ne3A_1808 = arith.cmpi ne, %rem3A_1806, %ne3A_1807 : i32
        %and3A_1809 = arith.andi %ne3A_1805, %ne3A_1808 : i1
        %sub3A_1810 = arith.constant 1 : i32
        %sub3A_1811 = arith.subi %div3A_1790, %sub3A_1810 : i32
        %select_n3A_1812 = arith.select %and3A_1809, %sub3A_1811, %div3A_1790 : i32
        %jit3A_1813 = arith.constant 4 : i32
        %eq3A_1814 = arith.constant 0 : i32
        %eq3A_1815 = arith.cmpi eq, %jit3A_1813, %eq3A_1814 : i32
        %jit3A_1816 = arith.constant 1 : i32
        %select_n3A_1817 = arith.select %eq3A_1815, %jit3A_1816, %jit3A_1813 : i32
        %rem3A_1818 = arith.remsi %add3A_670, %select_n3A_1817 : i32
        %ne3A_1819 = arith.constant 0 : i32
        %ne3A_1820 = arith.cmpi ne, %rem3A_1818, %ne3A_1819 : i32
        %lt3A_1821 = arith.constant 0 : i32
        %lt3A_1822 = arith.cmpi slt, %rem3A_1818, %lt3A_1821 : i32
        %lt3A_1823 = arith.constant 0 : i32
        %lt3A_1824 = arith.cmpi slt, %select_n3A_1817, %lt3A_1823 : i32
        %ne3A_1825 = arith.xori %lt3A_1822, %lt3A_1824 : i1
        %and3A_1826 = arith.andi %ne3A_1825, %ne3A_1820 : i1
        %add3A_1827 = arith.addi %rem3A_1818, %select_n3A_1817 : i32
        %select_n3A_1828 = arith.select %and3A_1826, %add3A_1827, %rem3A_1818 : i32
        %mul3A_1829 = arith.constant 32 : i32
        %mul3A_1830 = arith.muli %select_n3A_1828, %mul3A_1829 : i32
        %dma_start3A_1831 = arith.constant 0 : i32
        %dma_start3A_1832 = arith.constant 0 : i32
        %dma_start3A_1833 = arith.constant 0 : i32
        %dma_start3A_1834 = arith.constant 0 : i32
        %dma_start3A_1835 = tpu.memref_slice %arg6[%dma_start3A_1831, %dma_start3A_1833, %dma_start3A_1834] : memref<10x32x128xf32, #tpu.memory_space<vmem>> -> memref<1x32x128xf32, #tpu.memory_space<vmem>>
        %dma_start3A_1836 = tpu.memref_squeeze %dma_start3A_1835 : memref<1x32x128xf32, #tpu.memory_space<vmem>> -> memref<32x128xf32, #tpu.memory_space<vmem>>
        %dma_start3A_1837 = tpu.memref_slice %arg5[%select_n3A_1812, %mul3A_1830] : memref<50x128xi32, #tpu.memory_space<vmem>> -> memref<1x32xi32, #tpu.memory_space<vmem>>
        %dma_start3A_1838 = tpu.memref_squeeze %dma_start3A_1837 : memref<1x32xi32, #tpu.memory_space<vmem>> -> memref<32xi32, #tpu.memory_space<vmem>>
        %dma_start3A_1839 = arith.constant 0 : i32
        %dma_start3A_1840 = arith.constant 0 : i32
        %dma_start3A_1841 = tpu.memref_slice %arg3[%dma_start3A_1839, %dma_start3A_1840] : memref<100000x128xf32, #tpu.memory_space<hbm>> -> memref<100000x128xf32, #tpu.memory_space<hbm>>
        %dma_start3A_1842 = tpu.memref_slice %arg7[%dma_start3A_1832] : memref<10x!tpu.dma_semaphore, #tpu.memory_space<semaphore_mem>> -> memref<1x!tpu.dma_semaphore, #tpu.memory_space<semaphore_mem>>
        %dma_start3A_1843 = tpu.memref_squeeze %dma_start3A_1842 : memref<1x!tpu.dma_semaphore, #tpu.memory_space<semaphore_mem>> -> memref<!tpu.dma_semaphore, #tpu.memory_space<semaphore_mem>>
        tpu.enqueue_indirect_dma source(%dma_start3A_1841 : memref<100000x128xf32, #tpu.memory_space<hbm>>) target(%dma_start3A_1836 : memref<32x128xf32, #tpu.memory_space<vmem>>) offsets(%dma_start3A_1838 : memref<32xi32, #tpu.memory_space<vmem>>) semaphore(%dma_start3A_1843 : memref<!tpu.dma_semaphore, #tpu.memory_space<semaphore_mem>>)
      } else {
      }
      %jit3A_676 = arith.constant 4 : i32
      %div3A_677 = arith.divsi %add3A_668, %jit3A_676 : i32
      %sign3A_678 = arith.constant 0 : i32
      %sign3A_679 = arith.cmpi sgt, %add3A_668, %sign3A_678 : i32
      %sign3A_680 = arith.extui %sign3A_679 : i1 to i32
      %sign3A_681 = arith.constant 0 : i32
      %sign3A_682 = arith.cmpi slt, %add3A_668, %sign3A_681 : i32
      %sign3A_683 = arith.extui %sign3A_682 : i1 to i32
      %sign3A_684 = arith.subi %sign3A_680, %sign3A_683 : i32
      %sign3A_685 = arith.constant 0 : i32
      %sign3A_686 = arith.cmpi sgt, %jit3A_676, %sign3A_685 : i32
      %sign3A_687 = arith.extui %sign3A_686 : i1 to i32
      %sign3A_688 = arith.constant 0 : i32
      %sign3A_689 = arith.cmpi slt, %jit3A_676, %sign3A_688 : i32
      %sign3A_690 = arith.extui %sign3A_689 : i1 to i32
      %sign3A_691 = arith.subi %sign3A_687, %sign3A_690 : i32
      %ne3A_692 = arith.cmpi ne, %sign3A_684, %sign3A_691 : i32
      %rem3A_693 = arith.remsi %add3A_668, %jit3A_676 : i32
      %ne3A_694 = arith.constant 0 : i32
      %ne3A_695 = arith.cmpi ne, %rem3A_693, %ne3A_694 : i32
      %and3A_696 = arith.andi %ne3A_692, %ne3A_695 : i1
      %sub3A_697 = arith.constant 1 : i32
      %sub3A_698 = arith.subi %div3A_677, %sub3A_697 : i32
      %select_n3A_699 = arith.select %and3A_696, %sub3A_698, %div3A_677 : i32
      %jit3A_700 = arith.constant 4 : i32
      %eq3A_701 = arith.constant 0 : i32
      %eq3A_702 = arith.cmpi eq, %jit3A_700, %eq3A_701 : i32
      %jit3A_703 = arith.constant 1 : i32
      %select_n3A_704 = arith.select %eq3A_702, %jit3A_703, %jit3A_700 : i32
      %rem3A_705 = arith.remsi %add3A_668, %select_n3A_704 : i32
      %ne3A_706 = arith.constant 0 : i32
      %ne3A_707 = arith.cmpi ne, %rem3A_705, %ne3A_706 : i32
      %lt3A_708 = arith.constant 0 : i32
      %lt3A_709 = arith.cmpi slt, %rem3A_705, %lt3A_708 : i32
      %lt3A_710 = arith.constant 0 : i32
      %lt3A_711 = arith.cmpi slt, %select_n3A_704, %lt3A_710 : i32
      %ne3A_712 = arith.xori %lt3A_709, %lt3A_711 : i1
      %and3A_713 = arith.andi %ne3A_712, %ne3A_707 : i1
      %add3A_714 = arith.addi %rem3A_705, %select_n3A_704 : i32
      %select_n3A_715 = arith.select %and3A_713, %add3A_714, %rem3A_705 : i32
      %mul3A_716 = arith.constant 32 : i32
      %mul3A_717 = arith.muli %select_n3A_715, %mul3A_716 : i32
      %dma_wait3A_718 = arith.constant 2 : i32
      %dma_wait3A_719 = arith.constant 2 : i32
      %dma_wait3A_720 = arith.constant 0 : i32
      %dma_wait3A_721 = arith.constant 0 : i32
      %dma_wait3A_722 = tpu.memref_slice %arg6[%dma_wait3A_718, %dma_wait3A_720, %dma_wait3A_721] : memref<10x32x128xf32, #tpu.memory_space<vmem>> -> memref<1x32x128xf32, #tpu.memory_space<vmem>>
      %dma_wait3A_723 = tpu.memref_squeeze %dma_wait3A_722 : memref<1x32x128xf32, #tpu.memory_space<vmem>> -> memref<32x128xf32, #tpu.memory_space<vmem>>
      %dma_wait3A_724 = tpu.memref_slice %arg5[%select_n3A_699, %mul3A_717] : memref<50x128xi32, #tpu.memory_space<vmem>> -> memref<1x32xi32, #tpu.memory_space<vmem>>
      %dma_wait3A_725 = tpu.memref_squeeze %dma_wait3A_724 : memref<1x32xi32, #tpu.memory_space<vmem>> -> memref<32xi32, #tpu.memory_space<vmem>>
      %dma_wait3A_726 = arith.constant 0 : i32
      %dma_wait3A_727 = arith.constant 0 : i32
      %dma_wait3A_728 = tpu.memref_slice %arg3[%dma_wait3A_726, %dma_wait3A_727] : memref<100000x128xf32, #tpu.memory_space<hbm>> -> memref<100000x128xf32, #tpu.memory_space<hbm>>
      %dma_wait3A_729 = tpu.memref_slice %arg7[%dma_wait3A_719] : memref<10x!tpu.dma_semaphore, #tpu.memory_space<semaphore_mem>> -> memref<1x!tpu.dma_semaphore, #tpu.memory_space<semaphore_mem>>
      %dma_wait3A_730 = tpu.memref_squeeze %dma_wait3A_729 : memref<1x!tpu.dma_semaphore, #tpu.memory_space<semaphore_mem>> -> memref<!tpu.dma_semaphore, #tpu.memory_space<semaphore_mem>>
      tpu.wait_indirect_dma semaphore(%dma_wait3A_730 : memref<!tpu.dma_semaphore, #tpu.memory_space<semaphore_mem>>) src(%dma_wait3A_728 : memref<100000x128xf32, #tpu.memory_space<hbm>>) dst(%dma_wait3A_723 : memref<32x128xf32, #tpu.memory_space<vmem>>)
      %scan3A_731 = arith.constant 0 : i32
      %scan3A_732 = arith.constant 2 : i32
      %scan3A_733 = arith.constant 0 : i32
      %scan3A_734 = arith.constant 32 : i32
      %scan3A_735 = arith.addi %scan3A_733, %scan3A_734 : i32
      %scan3A_736 = arith.constant 1 : i32
      scf.for %scan3A_1785 = %scan3A_733 to %scan3A_735 step %scan3A_736  : i32 {
        %get3A = arith.constant 0 : i32
        %get3A_1786 = arith.constant 0 : i32
        %get3A_1787 = tpu.memref_slice %arg6[%scan3A_732, %get3A, %get3A_1786] : memref<10x32x128xf32, #tpu.memory_space<vmem>> -> memref<1x32x128xf32, #tpu.memory_space<vmem>>
        %get3A_1788 = tpu.memref_squeeze %get3A_1787 : memref<1x32x128xf32, #tpu.memory_space<vmem>> -> memref<32x128xf32, #tpu.memory_space<vmem>>
        %get3A_1789 = arith.index_cast %scan3A_1785 : i32 to index
        %get3A_1790 = arith.constant 0 : index
        %get3A_1791 = tpu.vector_load %get3A_1788[%get3A_1789, %get3A_1790] {strides = array<i32>} : memref<32x128xf32, #tpu.memory_space<vmem>>, vector<1x16xf32>,
        %get3A_1792 = vector.shape_cast %get3A_1791 : vector<1x16xf32> to vector<16xf32>
        %mul3A_1793 = arith.constant 11.3137083 : f32
        %mul3A_1794 = vector.broadcast %mul3A_1793 : f32 to vector<16xf32>
        %mul3A_1795 = arith.mulf %get3A_1792, %mul3A_1794 : vector<16xf32>
        %swap3A = arith.constant 0 : i32
        %swap3A_1796 = arith.constant 0 : i32
        %swap3A_1797 = tpu.memref_slice %arg6[%scan3A_732, %swap3A, %swap3A_1796] : memref<10x32x128xf32, #tpu.memory_space<vmem>> -> memref<1x32x128xf32, #tpu.memory_space<vmem>>
        %swap3A_1798 = tpu.memref_squeeze %swap3A_1797 : memref<1x32x128xf32, #tpu.memory_space<vmem>> -> memref<32x128xf32, #tpu.memory_space<vmem>>
        %swap3A_1799 = arith.index_cast %scan3A_1785 : i32 to index
        %swap3A_1800 = arith.constant 0 : index
        %swap3A_1801 = tpu.vector_load %swap3A_1798[%swap3A_1799, %swap3A_1800] {strides = array<i32>} : memref<32x128xf32, #tpu.memory_space<vmem>>, vector<1x16xf32>,
        %swap3A_1802 = vector.shape_cast %swap3A_1801 : vector<1x16xf32> to vector<16xf32>
        %swap3A_1803 = vector.shape_cast %mul3A_1795 : vector<16xf32> to vector<1x16xf32>
        tpu.vector_store %swap3A_1798[%swap3A_1799, %swap3A_1800], %swap3A_1803 {strides = array<i32>} : memref<32x128xf32, #tpu.memory_space<vmem>>, vector<1x16xf32>,
        %get3A_1804 = arith.constant 0 : i32
        %get3A_1805 = arith.constant 0 : i32
        %get3A_1806 = tpu.memref_slice %arg6[%scan3A_732, %get3A_1804, %get3A_1805] : memref<10x32x128xf32, #tpu.memory_space<vmem>> -> memref<1x32x128xf32, #tpu.memory_space<vmem>>
        %get3A_1807 = tpu.memref_squeeze %get3A_1806 : memref<1x32x128xf32, #tpu.memory_space<vmem>> -> memref<32x128xf32, #tpu.memory_space<vmem>>
        %get3A_1808 = arith.index_cast %scan3A_1785 : i32 to index
        %get3A_1809 = arith.constant 16 : index
        %get3A_1810 = tpu.vector_load %get3A_1807[%get3A_1808, %get3A_1809] {strides = array<i32>} : memref<32x128xf32, #tpu.memory_space<vmem>>, vector<1x16xf32>,
        %get3A_1811 = vector.shape_cast %get3A_1810 : vector<1x16xf32> to vector<16xf32>
        %mul3A_1812 = arith.constant 11.3137083 : f32
        %mul3A_1813 = vector.broadcast %mul3A_1812 : f32 to vector<16xf32>
        %mul3A_1814 = arith.mulf %get3A_1811, %mul3A_1813 : vector<16xf32>
        %swap3A_1815 = arith.constant 0 : i32
        %swap3A_1816 = arith.constant 0 : i32
        %swap3A_1817 = tpu.memref_slice %arg6[%scan3A_732, %swap3A_1815, %swap3A_1816] : memref<10x32x128xf32, #tpu.memory_space<vmem>> -> memref<1x32x128xf32, #tpu.memory_space<vmem>>
        %swap3A_1818 = tpu.memref_squeeze %swap3A_1817 : memref<1x32x128xf32, #tpu.memory_space<vmem>> -> memref<32x128xf32, #tpu.memory_space<vmem>>
        %swap3A_1819 = arith.index_cast %scan3A_1785 : i32 to index
        %swap3A_1820 = arith.constant 16 : index
        %swap3A_1821 = tpu.vector_load %swap3A_1818[%swap3A_1819, %swap3A_1820] {strides = array<i32>} : memref<32x128xf32, #tpu.memory_space<vmem>>, vector<1x16xf32>,
        %swap3A_1822 = vector.shape_cast %swap3A_1821 : vector<1x16xf32> to vector<16xf32>
        %swap3A_1823 = vector.shape_cast %mul3A_1814 : vector<16xf32> to vector<1x16xf32>
        tpu.vector_store %swap3A_1818[%swap3A_1819, %swap3A_1820], %swap3A_1823 {strides = array<i32>} : memref<32x128xf32, #tpu.memory_space<vmem>>, vector<1x16xf32>,
        %get3A_1824 = arith.constant 0 : i32
        %get3A_1825 = arith.constant 0 : i32
        %get3A_1826 = tpu.memref_slice %arg6[%scan3A_732, %get3A_1824, %get3A_1825] : memref<10x32x128xf32, #tpu.memory_space<vmem>> -> memref<1x32x128xf32, #tpu.memory_space<vmem>>
        %get3A_1827 = tpu.memref_squeeze %get3A_1826 : memref<1x32x128xf32, #tpu.memory_space<vmem>> -> memref<32x128xf32, #tpu.memory_space<vmem>>
        %get3A_1828 = arith.index_cast %scan3A_1785 : i32 to index
        %get3A_1829 = arith.constant 32 : index
        %get3A_1830 = tpu.vector_load %get3A_1827[%get3A_1828, %get3A_1829] {strides = array<i32>} : memref<32x128xf32, #tpu.memory_space<vmem>>, vector<1x16xf32>,
        %get3A_1831 = vector.shape_cast %get3A_1830 : vector<1x16xf32> to vector<16xf32>
        %mul3A_1832 = arith.constant 11.3137083 : f32
        %mul3A_1833 = vector.broadcast %mul3A_1832 : f32 to vector<16xf32>
        %mul3A_1834 = arith.mulf %get3A_1831, %mul3A_1833 : vector<16xf32>
        %swap3A_1835 = arith.constant 0 : i32
        %swap3A_1836 = arith.constant 0 : i32
        %swap3A_1837 = tpu.memref_slice %arg6[%scan3A_732, %swap3A_1835, %swap3A_1836] : memref<10x32x128xf32, #tpu.memory_space<vmem>> -> memref<1x32x128xf32, #tpu.memory_space<vmem>>
        %swap3A_1838 = tpu.memref_squeeze %swap3A_1837 : memref<1x32x128xf32, #tpu.memory_space<vmem>> -> memref<32x128xf32, #tpu.memory_space<vmem>>
        %swap3A_1839 = arith.index_cast %scan3A_1785 : i32 to index
        %swap3A_1840 = arith.constant 32 : index
        %swap3A_1841 = tpu.vector_load %swap3A_1838[%swap3A_1839, %swap3A_1840] {strides = array<i32>} : memref<32x128xf32, #tpu.memory_space<vmem>>, vector<1x16xf32>,
        %swap3A_1842 = vector.shape_cast %swap3A_1841 : vector<1x16xf32> to vector<16xf32>
        %swap3A_1843 = vector.shape_cast %mul3A_1834 : vector<16xf32> to vector<1x16xf32>
        tpu.vector_store %swap3A_1838[%swap3A_1839, %swap3A_1840], %swap3A_1843 {strides = array<i32>} : memref<32x128xf32, #tpu.memory_space<vmem>>, vector<1x16xf32>,
        %get3A_1844 = arith.constant 0 : i32
        %get3A_1845 = arith.constant 0 : i32
        %get3A_1846 = tpu.memref_slice %arg6[%scan3A_732, %get3A_1844, %get3A_1845] : memref<10x32x128xf32, #tpu.memory_space<vmem>> -> memref<1x32x128xf32, #tpu.memory_space<vmem>>
        %get3A_1847 = tpu.memref_squeeze %get3A_1846 : memref<1x32x128xf32, #tpu.memory_space<vmem>> -> memref<32x128xf32, #tpu.memory_space<vmem>>
        %get3A_1848 = arith.index_cast %scan3A_1785 : i32 to index
        %get3A_1849 = arith.constant 48 : index
        %get3A_1850 = tpu.vector_load %get3A_1847[%get3A_1848, %get3A_1849] {strides = array<i32>} : memref<32x128xf32, #tpu.memory_space<vmem>>, vector<1x16xf32>,
        %get3A_1851 = vector.shape_cast %get3A_1850 : vector<1x16xf32> to vector<16xf32>
        %mul3A_1852 = arith.constant 11.3137083 : f32
        %mul3A_1853 = vector.broadcast %mul3A_1852 : f32 to vector<16xf32>
        %mul3A_1854 = arith.mulf %get3A_1851, %mul3A_1853 : vector<16xf32>
        %swap3A_1855 = arith.constant 0 : i32
        %swap3A_1856 = arith.constant 0 : i32
        %swap3A_1857 = tpu.memref_slice %arg6[%scan3A_732, %swap3A_1855, %swap3A_1856] : memref<10x32x128xf32, #tpu.memory_space<vmem>> -> memref<1x32x128xf32, #tpu.memory_space<vmem>>
        %swap3A_1858 = tpu.memref_squeeze %swap3A_1857 : memref<1x32x128xf32, #tpu.memory_space<vmem>> -> memref<32x128xf32, #tpu.memory_space<vmem>>
        %swap3A_1859 = arith.index_cast %scan3A_1785 : i32 to index
        %swap3A_1860 = arith.constant 48 : index
        %swap3A_1861 = tpu.vector_load %swap3A_1858[%swap3A_1859, %swap3A_1860] {strides = array<i32>} : memref<32x128xf32, #tpu.memory_space<vmem>>, vector<1x16xf32>,
        %swap3A_1862 = vector.shape_cast %swap3A_1861 : vector<1x16xf32> to vector<16xf32>
        %swap3A_1863 = vector.shape_cast %mul3A_1854 : vector<16xf32> to vector<1x16xf32>
        tpu.vector_store %swap3A_1858[%swap3A_1859, %swap3A_1860], %swap3A_1863 {strides = array<i32>} : memref<32x128xf32, #tpu.memory_space<vmem>>, vector<1x16xf32>,
        %get3A_1864 = arith.constant 0 : i32
        %get3A_1865 = arith.constant 0 : i32
        %get3A_1866 = tpu.memref_slice %arg6[%scan3A_732, %get3A_1864, %get3A_1865] : memref<10x32x128xf32, #tpu.memory_space<vmem>> -> memref<1x32x128xf32, #tpu.memory_space<vmem>>
        %get3A_1867 = tpu.memref_squeeze %get3A_1866 : memref<1x32x128xf32, #tpu.memory_space<vmem>> -> memref<32x128xf32, #tpu.memory_space<vmem>>
        %get3A_1868 = arith.index_cast %scan3A_1785 : i32 to index
        %get3A_1869 = arith.constant 64 : index
        %get3A_1870 = tpu.vector_load %get3A_1867[%get3A_1868, %get3A_1869] {strides = array<i32>} : memref<32x128xf32, #tpu.memory_space<vmem>>, vector<1x16xf32>,
        %get3A_1871 = vector.shape_cast %get3A_1870 : vector<1x16xf32> to vector<16xf32>
        %mul3A_1872 = arith.constant 11.3137083 : f32
        %mul3A_1873 = vector.broadcast %mul3A_1872 : f32 to vector<16xf32>
        %mul3A_1874 = arith.mulf %get3A_1871, %mul3A_1873 : vector<16xf32>
        %swap3A_1875 = arith.constant 0 : i32
        %swap3A_1876 = arith.constant 0 : i32
        %swap3A_1877 = tpu.memref_slice %arg6[%scan3A_732, %swap3A_1875, %swap3A_1876] : memref<10x32x128xf32, #tpu.memory_space<vmem>> -> memref<1x32x128xf32, #tpu.memory_space<vmem>>
        %swap3A_1878 = tpu.memref_squeeze %swap3A_1877 : memref<1x32x128xf32, #tpu.memory_space<vmem>> -> memref<32x128xf32, #tpu.memory_space<vmem>>
        %swap3A_1879 = arith.index_cast %scan3A_1785 : i32 to index
        %swap3A_1880 = arith.constant 64 : index
        %swap3A_1881 = tpu.vector_load %swap3A_1878[%swap3A_1879, %swap3A_1880] {strides = array<i32>} : memref<32x128xf32, #tpu.memory_space<vmem>>, vector<1x16xf32>,
        %swap3A_1882 = vector.shape_cast %swap3A_1881 : vector<1x16xf32> to vector<16xf32>
        %swap3A_1883 = vector.shape_cast %mul3A_1874 : vector<16xf32> to vector<1x16xf32>
        tpu.vector_store %swap3A_1878[%swap3A_1879, %swap3A_1880], %swap3A_1883 {strides = array<i32>} : memref<32x128xf32, #tpu.memory_space<vmem>>, vector<1x16xf32>,
        %get3A_1884 = arith.constant 0 : i32
        %get3A_1885 = arith.constant 0 : i32
        %get3A_1886 = tpu.memref_slice %arg6[%scan3A_732, %get3A_1884, %get3A_1885] : memref<10x32x128xf32, #tpu.memory_space<vmem>> -> memref<1x32x128xf32, #tpu.memory_space<vmem>>
        %get3A_1887 = tpu.memref_squeeze %get3A_1886 : memref<1x32x128xf32, #tpu.memory_space<vmem>> -> memref<32x128xf32, #tpu.memory_space<vmem>>
        %get3A_1888 = arith.index_cast %scan3A_1785 : i32 to index
        %get3A_1889 = arith.constant 80 : index
        %get3A_1890 = tpu.vector_load %get3A_1887[%get3A_1888, %get3A_1889] {strides = array<i32>} : memref<32x128xf32, #tpu.memory_space<vmem>>, vector<1x16xf32>,
        %get3A_1891 = vector.shape_cast %get3A_1890 : vector<1x16xf32> to vector<16xf32>
        %mul3A_1892 = arith.constant 11.3137083 : f32
        %mul3A_1893 = vector.broadcast %mul3A_1892 : f32 to vector<16xf32>
        %mul3A_1894 = arith.mulf %get3A_1891, %mul3A_1893 : vector<16xf32>
        %swap3A_1895 = arith.constant 0 : i32
        %swap3A_1896 = arith.constant 0 : i32
        %swap3A_1897 = tpu.memref_slice %arg6[%scan3A_732, %swap3A_1895, %swap3A_1896] : memref<10x32x128xf32, #tpu.memory_space<vmem>> -> memref<1x32x128xf32, #tpu.memory_space<vmem>>
        %swap3A_1898 = tpu.memref_squeeze %swap3A_1897 : memref<1x32x128xf32, #tpu.memory_space<vmem>> -> memref<32x128xf32, #tpu.memory_space<vmem>>
        %swap3A_1899 = arith.index_cast %scan3A_1785 : i32 to index
        %swap3A_1900 = arith.constant 80 : index
        %swap3A_1901 = tpu.vector_load %swap3A_1898[%swap3A_1899, %swap3A_1900] {strides = array<i32>} : memref<32x128xf32, #tpu.memory_space<vmem>>, vector<1x16xf32>,
        %swap3A_1902 = vector.shape_cast %swap3A_1901 : vector<1x16xf32> to vector<16xf32>
        %swap3A_1903 = vector.shape_cast %mul3A_1894 : vector<16xf32> to vector<1x16xf32>
        tpu.vector_store %swap3A_1898[%swap3A_1899, %swap3A_1900], %swap3A_1903 {strides = array<i32>} : memref<32x128xf32, #tpu.memory_space<vmem>>, vector<1x16xf32>,
        %get3A_1904 = arith.constant 0 : i32
        %get3A_1905 = arith.constant 0 : i32
        %get3A_1906 = tpu.memref_slice %arg6[%scan3A_732, %get3A_1904, %get3A_1905] : memref<10x32x128xf32, #tpu.memory_space<vmem>> -> memref<1x32x128xf32, #tpu.memory_space<vmem>>
        %get3A_1907 = tpu.memref_squeeze %get3A_1906 : memref<1x32x128xf32, #tpu.memory_space<vmem>> -> memref<32x128xf32, #tpu.memory_space<vmem>>
        %get3A_1908 = arith.index_cast %scan3A_1785 : i32 to index
        %get3A_1909 = arith.constant 96 : index
        %get3A_1910 = tpu.vector_load %get3A_1907[%get3A_1908, %get3A_1909] {strides = array<i32>} : memref<32x128xf32, #tpu.memory_space<vmem>>, vector<1x16xf32>,
        %get3A_1911 = vector.shape_cast %get3A_1910 : vector<1x16xf32> to vector<16xf32>
        %mul3A_1912 = arith.constant 11.3137083 : f32
        %mul3A_1913 = vector.broadcast %mul3A_1912 : f32 to vector<16xf32>
        %mul3A_1914 = arith.mulf %get3A_1911, %mul3A_1913 : vector<16xf32>
        %swap3A_1915 = arith.constant 0 : i32
        %swap3A_1916 = arith.constant 0 : i32
        %swap3A_1917 = tpu.memref_slice %arg6[%scan3A_732, %swap3A_1915, %swap3A_1916] : memref<10x32x128xf32, #tpu.memory_space<vmem>> -> memref<1x32x128xf32, #tpu.memory_space<vmem>>
        %swap3A_1918 = tpu.memref_squeeze %swap3A_1917 : memref<1x32x128xf32, #tpu.memory_space<vmem>> -> memref<32x128xf32, #tpu.memory_space<vmem>>
        %swap3A_1919 = arith.index_cast %scan3A_1785 : i32 to index
        %swap3A_1920 = arith.constant 96 : index
        %swap3A_1921 = tpu.vector_load %swap3A_1918[%swap3A_1919, %swap3A_1920] {strides = array<i32>} : memref<32x128xf32, #tpu.memory_space<vmem>>, vector<1x16xf32>,
        %swap3A_1922 = vector.shape_cast %swap3A_1921 : vector<1x16xf32> to vector<16xf32>
        %swap3A_1923 = vector.shape_cast %mul3A_1914 : vector<16xf32> to vector<1x16xf32>
        tpu.vector_store %swap3A_1918[%swap3A_1919, %swap3A_1920], %swap3A_1923 {strides = array<i32>} : memref<32x128xf32, #tpu.memory_space<vmem>>, vector<1x16xf32>,
        %get3A_1924 = arith.constant 0 : i32
        %get3A_1925 = arith.constant 0 : i32
        %get3A_1926 = tpu.memref_slice %arg6[%scan3A_732, %get3A_1924, %get3A_1925] : memref<10x32x128xf32, #tpu.memory_space<vmem>> -> memref<1x32x128xf32, #tpu.memory_space<vmem>>
        %get3A_1927 = tpu.memref_squeeze %get3A_1926 : memref<1x32x128xf32, #tpu.memory_space<vmem>> -> memref<32x128xf32, #tpu.memory_space<vmem>>
        %get3A_1928 = arith.index_cast %scan3A_1785 : i32 to index
        %get3A_1929 = arith.constant 112 : index
        %get3A_1930 = tpu.vector_load %get3A_1927[%get3A_1928, %get3A_1929] {strides = array<i32>} : memref<32x128xf32, #tpu.memory_space<vmem>>, vector<1x16xf32>,
        %get3A_1931 = vector.shape_cast %get3A_1930 : vector<1x16xf32> to vector<16xf32>
        %mul3A_1932 = arith.constant 11.3137083 : f32
        %mul3A_1933 = vector.broadcast %mul3A_1932 : f32 to vector<16xf32>
        %mul3A_1934 = arith.mulf %get3A_1931, %mul3A_1933 : vector<16xf32>
        %swap3A_1935 = arith.constant 0 : i32
        %swap3A_1936 = arith.constant 0 : i32
        %swap3A_1937 = tpu.memref_slice %arg6[%scan3A_732, %swap3A_1935, %swap3A_1936] : memref<10x32x128xf32, #tpu.memory_space<vmem>> -> memref<1x32x128xf32, #tpu.memory_space<vmem>>
        %swap3A_1938 = tpu.memref_squeeze %swap3A_1937 : memref<1x32x128xf32, #tpu.memory_space<vmem>> -> memref<32x128xf32, #tpu.memory_space<vmem>>
        %swap3A_1939 = arith.index_cast %scan3A_1785 : i32 to index
        %swap3A_1940 = arith.constant 112 : index
        %swap3A_1941 = tpu.vector_load %swap3A_1938[%swap3A_1939, %swap3A_1940] {strides = array<i32>} : memref<32x128xf32, #tpu.memory_space<vmem>>, vector<1x16xf32>,
        %swap3A_1942 = vector.shape_cast %swap3A_1941 : vector<1x16xf32> to vector<16xf32>
        %swap3A_1943 = vector.shape_cast %mul3A_1934 : vector<16xf32> to vector<1x16xf32>
        tpu.vector_store %swap3A_1938[%swap3A_1939, %swap3A_1940], %swap3A_1943 {strides = array<i32>} : memref<32x128xf32, #tpu.memory_space<vmem>>, vector<1x16xf32>,
      }
      %scan3A_737 = arith.constant 32 : i32
      %jit3A_738 = arith.constant 4 : i32
      %div3A_739 = arith.divsi %add3A_668, %jit3A_738 : i32
      %sign3A_740 = arith.constant 0 : i32
      %sign3A_741 = arith.cmpi sgt, %add3A_668, %sign3A_740 : i32
      %sign3A_742 = arith.extui %sign3A_741 : i1 to i32
      %sign3A_743 = arith.constant 0 : i32
      %sign3A_744 = arith.cmpi slt, %add3A_668, %sign3A_743 : i32
      %sign3A_745 = arith.extui %sign3A_744 : i1 to i32
      %sign3A_746 = arith.subi %sign3A_742, %sign3A_745 : i32
      %sign3A_747 = arith.constant 0 : i32
      %sign3A_748 = arith.cmpi sgt, %jit3A_738, %sign3A_747 : i32
      %sign3A_749 = arith.extui %sign3A_748 : i1 to i32
      %sign3A_750 = arith.constant 0 : i32
      %sign3A_751 = arith.cmpi slt, %jit3A_738, %sign3A_750 : i32
      %sign3A_752 = arith.extui %sign3A_751 : i1 to i32
      %sign3A_753 = arith.subi %sign3A_749, %sign3A_752 : i32
      %ne3A_754 = arith.cmpi ne, %sign3A_746, %sign3A_753 : i32
      %rem3A_755 = arith.remsi %add3A_668, %jit3A_738 : i32
      %ne3A_756 = arith.constant 0 : i32
      %ne3A_757 = arith.cmpi ne, %rem3A_755, %ne3A_756 : i32
      %and3A_758 = arith.andi %ne3A_754, %ne3A_757 : i1
      %sub3A_759 = arith.constant 1 : i32
      %sub3A_760 = arith.subi %div3A_739, %sub3A_759 : i32
      %select_n3A_761 = arith.select %and3A_758, %sub3A_760, %div3A_739 : i32
      %jit3A_762 = arith.constant 4 : i32
      %eq3A_763 = arith.constant 0 : i32
      %eq3A_764 = arith.cmpi eq, %jit3A_762, %eq3A_763 : i32
      %jit3A_765 = arith.constant 1 : i32
      %select_n3A_766 = arith.select %eq3A_764, %jit3A_765, %jit3A_762 : i32
      %rem3A_767 = arith.remsi %add3A_668, %select_n3A_766 : i32
      %ne3A_768 = arith.constant 0 : i32
      %ne3A_769 = arith.cmpi ne, %rem3A_767, %ne3A_768 : i32
      %lt3A_770 = arith.constant 0 : i32
      %lt3A_771 = arith.cmpi slt, %rem3A_767, %lt3A_770 : i32
      %lt3A_772 = arith.constant 0 : i32
      %lt3A_773 = arith.cmpi slt, %select_n3A_766, %lt3A_772 : i32
      %ne3A_774 = arith.xori %lt3A_771, %lt3A_773 : i1
      %and3A_775 = arith.andi %ne3A_774, %ne3A_769 : i1
      %add3A_776 = arith.addi %rem3A_767, %select_n3A_766 : i32
      %select_n3A_777 = arith.select %and3A_775, %add3A_776, %rem3A_767 : i32
      %mul3A_778 = arith.constant 32 : i32
      %mul3A_779 = arith.muli %select_n3A_777, %mul3A_778 : i32
      %add3A_780 = arith.addi %mul3A_2, %mul3A_779 : i32
      %dma_start3A_781 = arith.constant 2 : i32
      %dma_start3A_782 = arith.constant 2 : i32
      %dma_start3A_783 = arith.constant 0 : i32
      %dma_start3A_784 = arith.constant 0 : i32
      %dma_start3A_785 = tpu.memref_slice %arg6[%dma_start3A_781, %dma_start3A_783, %dma_start3A_784] : memref<10x32x128xf32, #tpu.memory_space<vmem>> -> memref<1x32x128xf32, #tpu.memory_space<vmem>>
      %dma_start3A_786 = tpu.memref_squeeze %dma_start3A_785 : memref<1x32x128xf32, #tpu.memory_space<vmem>> -> memref<32x128xf32, #tpu.memory_space<vmem>>
      %dma_start3A_787 = arith.constant 0 : i32
      %dma_start3A_788 = arith.constant 0 : i32
      %dma_start3A_789 = tpu.memref_slice %arg4[%select_n3A_761, %dma_start3A_787, %dma_start3A_788] : memref<50x4096x128xf32, #tpu.memory_space<hbm>> -> memref<1x4096x128xf32, #tpu.memory_space<hbm>>
      %dma_start3A_790 = tpu.memref_squeeze %dma_start3A_789 : memref<1x4096x128xf32, #tpu.memory_space<hbm>> -> memref<4096x128xf32, #tpu.memory_space<hbm>>
      %dma_start3A_791 = arith.constant 0 : i32
      %dma_start3A_792 = tpu.memref_slice %dma_start3A_790[%add3A_780, %dma_start3A_791] : memref<4096x128xf32, #tpu.memory_space<hbm>> -> memref<32x128xf32, #tpu.memory_space<hbm>>
      %dma_start3A_793 = tpu.memref_slice %arg8[%dma_start3A_782] : memref<10x!tpu.dma_semaphore, #tpu.memory_space<semaphore_mem>> -> memref<1x!tpu.dma_semaphore, #tpu.memory_space<semaphore_mem>>
      %dma_start3A_794 = tpu.memref_squeeze %dma_start3A_793 : memref<1x!tpu.dma_semaphore, #tpu.memory_space<semaphore_mem>> -> memref<!tpu.dma_semaphore, #tpu.memory_space<semaphore_mem>>
      %dma_start3A_795 = arith.constant 0 : i32
      %dma_start3A_796 = arith.constant 0 : i32
      %dma_start3A_797 = tpu.memref_slice %arg4[%select_n3A_761, %dma_start3A_795, %dma_start3A_796] : memref<50x4096x128xf32, #tpu.memory_space<hbm>> -> memref<1x4096x128xf32, #tpu.memory_space<hbm>>
      %dma_start3A_798 = tpu.memref_squeeze %dma_start3A_797 : memref<1x4096x128xf32, #tpu.memory_space<hbm>> -> memref<4096x128xf32, #tpu.memory_space<hbm>>
      %dma_start3A_799 = arith.constant 0 : i32
      %dma_start3A_800 = tpu.memref_slice %dma_start3A_798[%add3A_780, %dma_start3A_799] : memref<4096x128xf32, #tpu.memory_space<hbm>> -> memref<32x128xf32, #tpu.memory_space<hbm>>
      %dma_start3A_801 = arith.constant 0 : i32
      %dma_start3A_802 = arith.constant 0 : i32
      %dma_start3A_803 = tpu.memref_slice %arg6[%dma_start3A_781, %dma_start3A_801, %dma_start3A_802] : memref<10x32x128xf32, #tpu.memory_space<vmem>> -> memref<1x32x128xf32, #tpu.memory_space<vmem>>
      %dma_start3A_804 = tpu.memref_squeeze %dma_start3A_803 : memref<1x32x128xf32, #tpu.memory_space<vmem>> -> memref<32x128xf32, #tpu.memory_space<vmem>>
      tpu.enqueue_dma source(%dma_start3A_804 : memref<32x128xf32, #tpu.memory_space<vmem>>) target(%dma_start3A_800 : memref<32x128xf32, #tpu.memory_space<hbm>>) target_semaphore(%dma_start3A_794 : memref<!tpu.dma_semaphore, #tpu.memory_space<semaphore_mem>>)
      %mul3A_805 = arith.constant 10 : i32
      %mul3A_806 = arith.muli %scan3A_396, %mul3A_805 : i32
      %add3A_807 = arith.constant 3 : i32
      %add3A_808 = arith.addi %mul3A_806, %add3A_807 : i32
      %add3A_809 = arith.constant 8 : i32
      %add3A_810 = arith.addi %add3A_808, %add3A_809 : i32
      %lt3A_811 = arith.constant 200 : i32
      %lt3A_812 = arith.cmpi slt, %add3A_810, %lt3A_811 : i32
      %convert_element_type3A_813 = arith.extui %lt3A_812 : i1 to i32
      %cond3A_814 = arith.constant 0 : i32
      %cond3A_815 = arith.cmpi ne, %convert_element_type3A_813, %cond3A_814 : i32
      scf.if %cond3A_815 {
        %ge3A = arith.constant 10 : i32
        %ge3A_1785 = arith.cmpi sge, %add3A_810, %ge3A : i32
        %convert_element_type3A_1786 = arith.extui %ge3A_1785 : i1 to i32
        %cond3A_1787 = arith.constant 0 : i32
        %cond3A_1788 = arith.cmpi ne, %convert_element_type3A_1786, %cond3A_1787 : i32
        scf.if %cond3A_1788 {
          %sub3A_1844 = arith.constant 10 : i32
          %sub3A_1845 = arith.subi %add3A_810, %sub3A_1844 : i32
          %jit3A_1846 = arith.constant 4 : i32
          %div3A_1847 = arith.divsi %sub3A_1845, %jit3A_1846 : i32
          %sign3A_1848 = arith.constant 0 : i32
          %sign3A_1849 = arith.cmpi sgt, %sub3A_1845, %sign3A_1848 : i32
          %sign3A_1850 = arith.extui %sign3A_1849 : i1 to i32
          %sign3A_1851 = arith.constant 0 : i32
          %sign3A_1852 = arith.cmpi slt, %sub3A_1845, %sign3A_1851 : i32
          %sign3A_1853 = arith.extui %sign3A_1852 : i1 to i32
          %sign3A_1854 = arith.subi %sign3A_1850, %sign3A_1853 : i32
          %sign3A_1855 = arith.constant 0 : i32
          %sign3A_1856 = arith.cmpi sgt, %jit3A_1846, %sign3A_1855 : i32
          %sign3A_1857 = arith.extui %sign3A_1856 : i1 to i32
          %sign3A_1858 = arith.constant 0 : i32
          %sign3A_1859 = arith.cmpi slt, %jit3A_1846, %sign3A_1858 : i32
          %sign3A_1860 = arith.extui %sign3A_1859 : i1 to i32
          %sign3A_1861 = arith.subi %sign3A_1857, %sign3A_1860 : i32
          %ne3A_1862 = arith.cmpi ne, %sign3A_1854, %sign3A_1861 : i32
          %rem3A_1863 = arith.remsi %sub3A_1845, %jit3A_1846 : i32
          %ne3A_1864 = arith.constant 0 : i32
          %ne3A_1865 = arith.cmpi ne, %rem3A_1863, %ne3A_1864 : i32
          %and3A_1866 = arith.andi %ne3A_1862, %ne3A_1865 : i1
          %sub3A_1867 = arith.constant 1 : i32
          %sub3A_1868 = arith.subi %div3A_1847, %sub3A_1867 : i32
          %select_n3A_1869 = arith.select %and3A_1866, %sub3A_1868, %div3A_1847 : i32
          %jit3A_1870 = arith.constant 4 : i32
          %eq3A_1871 = arith.constant 0 : i32
          %eq3A_1872 = arith.cmpi eq, %jit3A_1870, %eq3A_1871 : i32
          %jit3A_1873 = arith.constant 1 : i32
          %select_n3A_1874 = arith.select %eq3A_1872, %jit3A_1873, %jit3A_1870 : i32
          %rem3A_1875 = arith.remsi %sub3A_1845, %select_n3A_1874 : i32
          %ne3A_1876 = arith.constant 0 : i32
          %ne3A_1877 = arith.cmpi ne, %rem3A_1875, %ne3A_1876 : i32
          %lt3A_1878 = arith.constant 0 : i32
          %lt3A_1879 = arith.cmpi slt, %rem3A_1875, %lt3A_1878 : i32
          %lt3A_1880 = arith.constant 0 : i32
          %lt3A_1881 = arith.cmpi slt, %select_n3A_1874, %lt3A_1880 : i32
          %ne3A_1882 = arith.xori %lt3A_1879, %lt3A_1881 : i1
          %and3A_1883 = arith.andi %ne3A_1882, %ne3A_1877 : i1
          %add3A_1884 = arith.addi %rem3A_1875, %select_n3A_1874 : i32
          %select_n3A_1885 = arith.select %and3A_1883, %add3A_1884, %rem3A_1875 : i32
          %mul3A_1886 = arith.constant 32 : i32
          %mul3A_1887 = arith.muli %select_n3A_1885, %mul3A_1886 : i32
          %add3A_1888 = arith.addi %mul3A_2, %mul3A_1887 : i32
          %dma_wait3A_1889 = arith.constant 1 : i32
          %dma_wait3A_1890 = arith.constant 1 : i32
          %dma_wait3A_1891 = arith.constant 0 : i32
          %dma_wait3A_1892 = arith.constant 0 : i32
          %dma_wait3A_1893 = tpu.memref_slice %arg6[%dma_wait3A_1889, %dma_wait3A_1891, %dma_wait3A_1892] : memref<10x32x128xf32, #tpu.memory_space<vmem>> -> memref<1x32x128xf32, #tpu.memory_space<vmem>>
          %dma_wait3A_1894 = tpu.memref_squeeze %dma_wait3A_1893 : memref<1x32x128xf32, #tpu.memory_space<vmem>> -> memref<32x128xf32, #tpu.memory_space<vmem>>
          %dma_wait3A_1895 = arith.constant 0 : i32
          %dma_wait3A_1896 = arith.constant 0 : i32
          %dma_wait3A_1897 = tpu.memref_slice %arg4[%select_n3A_1869, %dma_wait3A_1895, %dma_wait3A_1896] : memref<50x4096x128xf32, #tpu.memory_space<hbm>> -> memref<1x4096x128xf32, #tpu.memory_space<hbm>>
          %dma_wait3A_1898 = tpu.memref_squeeze %dma_wait3A_1897 : memref<1x4096x128xf32, #tpu.memory_space<hbm>> -> memref<4096x128xf32, #tpu.memory_space<hbm>>
          %dma_wait3A_1899 = arith.constant 0 : i32
          %dma_wait3A_1900 = tpu.memref_slice %dma_wait3A_1898[%add3A_1888, %dma_wait3A_1899] : memref<4096x128xf32, #tpu.memory_space<hbm>> -> memref<32x128xf32, #tpu.memory_space<hbm>>
          %dma_wait3A_1901 = tpu.memref_slice %arg8[%dma_wait3A_1890] : memref<10x!tpu.dma_semaphore, #tpu.memory_space<semaphore_mem>> -> memref<1x!tpu.dma_semaphore, #tpu.memory_space<semaphore_mem>>
          %dma_wait3A_1902 = tpu.memref_squeeze %dma_wait3A_1901 : memref<1x!tpu.dma_semaphore, #tpu.memory_space<semaphore_mem>> -> memref<!tpu.dma_semaphore, #tpu.memory_space<semaphore_mem>>
          %dma_wait3A_1903 = arith.constant 0 : i32
          %dma_wait3A_1904 = arith.constant 0 : i32
          %dma_wait3A_1905 = tpu.memref_slice %arg4[%select_n3A_1869, %dma_wait3A_1903, %dma_wait3A_1904] : memref<50x4096x128xf32, #tpu.memory_space<hbm>> -> memref<1x4096x128xf32, #tpu.memory_space<hbm>>
          %dma_wait3A_1906 = tpu.memref_squeeze %dma_wait3A_1905 : memref<1x4096x128xf32, #tpu.memory_space<hbm>> -> memref<4096x128xf32, #tpu.memory_space<hbm>>
          %dma_wait3A_1907 = arith.constant 0 : i32
          %dma_wait3A_1908 = tpu.memref_slice %dma_wait3A_1906[%add3A_1888, %dma_wait3A_1907] : memref<4096x128xf32, #tpu.memory_space<hbm>> -> memref<32x128xf32, #tpu.memory_space<hbm>>
          %dma_wait3A_1909 = arith.constant 0 : i32
          %dma_wait3A_1910 = arith.constant 0 : i32
          %dma_wait3A_1911 = tpu.memref_slice %arg6[%dma_wait3A_1889, %dma_wait3A_1909, %dma_wait3A_1910] : memref<10x32x128xf32, #tpu.memory_space<vmem>> -> memref<1x32x128xf32, #tpu.memory_space<vmem>>
          %dma_wait3A_1912 = tpu.memref_squeeze %dma_wait3A_1911 : memref<1x32x128xf32, #tpu.memory_space<vmem>> -> memref<32x128xf32, #tpu.memory_space<vmem>>
          tpu.wait_dma2 semaphore(%dma_wait3A_1902 : memref<!tpu.dma_semaphore, #tpu.memory_space<semaphore_mem>>) src(%dma_wait3A_1912 : memref<32x128xf32, #tpu.memory_space<vmem>>) dst(%dma_wait3A_1908 : memref<32x128xf32, #tpu.memory_space<hbm>>)
        } else {
        }
        %jit3A_1789 = arith.constant 4 : i32
        %div3A_1790 = arith.divsi %add3A_810, %jit3A_1789 : i32
        %sign3A_1791 = arith.constant 0 : i32
        %sign3A_1792 = arith.cmpi sgt, %add3A_810, %sign3A_1791 : i32
        %sign3A_1793 = arith.extui %sign3A_1792 : i1 to i32
        %sign3A_1794 = arith.constant 0 : i32
        %sign3A_1795 = arith.cmpi slt, %add3A_810, %sign3A_1794 : i32
        %sign3A_1796 = arith.extui %sign3A_1795 : i1 to i32
        %sign3A_1797 = arith.subi %sign3A_1793, %sign3A_1796 : i32
        %sign3A_1798 = arith.constant 0 : i32
        %sign3A_1799 = arith.cmpi sgt, %jit3A_1789, %sign3A_1798 : i32
        %sign3A_1800 = arith.extui %sign3A_1799 : i1 to i32
        %sign3A_1801 = arith.constant 0 : i32
        %sign3A_1802 = arith.cmpi slt, %jit3A_1789, %sign3A_1801 : i32
        %sign3A_1803 = arith.extui %sign3A_1802 : i1 to i32
        %sign3A_1804 = arith.subi %sign3A_1800, %sign3A_1803 : i32
        %ne3A_1805 = arith.cmpi ne, %sign3A_1797, %sign3A_1804 : i32
        %rem3A_1806 = arith.remsi %add3A_810, %jit3A_1789 : i32
        %ne3A_1807 = arith.constant 0 : i32
        %ne3A_1808 = arith.cmpi ne, %rem3A_1806, %ne3A_1807 : i32
        %and3A_1809 = arith.andi %ne3A_1805, %ne3A_1808 : i1
        %sub3A_1810 = arith.constant 1 : i32
        %sub3A_1811 = arith.subi %div3A_1790, %sub3A_1810 : i32
        %select_n3A_1812 = arith.select %and3A_1809, %sub3A_1811, %div3A_1790 : i32
        %jit3A_1813 = arith.constant 4 : i32
        %eq3A_1814 = arith.constant 0 : i32
        %eq3A_1815 = arith.cmpi eq, %jit3A_1813, %eq3A_1814 : i32
        %jit3A_1816 = arith.constant 1 : i32
        %select_n3A_1817 = arith.select %eq3A_1815, %jit3A_1816, %jit3A_1813 : i32
        %rem3A_1818 = arith.remsi %add3A_810, %select_n3A_1817 : i32
        %ne3A_1819 = arith.constant 0 : i32
        %ne3A_1820 = arith.cmpi ne, %rem3A_1818, %ne3A_1819 : i32
        %lt3A_1821 = arith.constant 0 : i32
        %lt3A_1822 = arith.cmpi slt, %rem3A_1818, %lt3A_1821 : i32
        %lt3A_1823 = arith.constant 0 : i32
        %lt3A_1824 = arith.cmpi slt, %select_n3A_1817, %lt3A_1823 : i32
        %ne3A_1825 = arith.xori %lt3A_1822, %lt3A_1824 : i1
        %and3A_1826 = arith.andi %ne3A_1825, %ne3A_1820 : i1
        %add3A_1827 = arith.addi %rem3A_1818, %select_n3A_1817 : i32
        %select_n3A_1828 = arith.select %and3A_1826, %add3A_1827, %rem3A_1818 : i32
        %mul3A_1829 = arith.constant 32 : i32
        %mul3A_1830 = arith.muli %select_n3A_1828, %mul3A_1829 : i32
        %dma_start3A_1831 = arith.constant 1 : i32
        %dma_start3A_1832 = arith.constant 1 : i32
        %dma_start3A_1833 = arith.constant 0 : i32
        %dma_start3A_1834 = arith.constant 0 : i32
        %dma_start3A_1835 = tpu.memref_slice %arg6[%dma_start3A_1831, %dma_start3A_1833, %dma_start3A_1834] : memref<10x32x128xf32, #tpu.memory_space<vmem>> -> memref<1x32x128xf32, #tpu.memory_space<vmem>>
        %dma_start3A_1836 = tpu.memref_squeeze %dma_start3A_1835 : memref<1x32x128xf32, #tpu.memory_space<vmem>> -> memref<32x128xf32, #tpu.memory_space<vmem>>
        %dma_start3A_1837 = tpu.memref_slice %arg5[%select_n3A_1812, %mul3A_1830] : memref<50x128xi32, #tpu.memory_space<vmem>> -> memref<1x32xi32, #tpu.memory_space<vmem>>
        %dma_start3A_1838 = tpu.memref_squeeze %dma_start3A_1837 : memref<1x32xi32, #tpu.memory_space<vmem>> -> memref<32xi32, #tpu.memory_space<vmem>>
        %dma_start3A_1839 = arith.constant 0 : i32
        %dma_start3A_1840 = arith.constant 0 : i32
        %dma_start3A_1841 = tpu.memref_slice %arg3[%dma_start3A_1839, %dma_start3A_1840] : memref<100000x128xf32, #tpu.memory_space<hbm>> -> memref<100000x128xf32, #tpu.memory_space<hbm>>
        %dma_start3A_1842 = tpu.memref_slice %arg7[%dma_start3A_1832] : memref<10x!tpu.dma_semaphore, #tpu.memory_space<semaphore_mem>> -> memref<1x!tpu.dma_semaphore, #tpu.memory_space<semaphore_mem>>
        %dma_start3A_1843 = tpu.memref_squeeze %dma_start3A_1842 : memref<1x!tpu.dma_semaphore, #tpu.memory_space<semaphore_mem>> -> memref<!tpu.dma_semaphore, #tpu.memory_space<semaphore_mem>>
        tpu.enqueue_indirect_dma source(%dma_start3A_1841 : memref<100000x128xf32, #tpu.memory_space<hbm>>) target(%dma_start3A_1836 : memref<32x128xf32, #tpu.memory_space<vmem>>) offsets(%dma_start3A_1838 : memref<32xi32, #tpu.memory_space<vmem>>) semaphore(%dma_start3A_1843 : memref<!tpu.dma_semaphore, #tpu.memory_space<semaphore_mem>>)
      } else {
      }
      %jit3A_816 = arith.constant 4 : i32
      %div3A_817 = arith.divsi %add3A_808, %jit3A_816 : i32
      %sign3A_818 = arith.constant 0 : i32
      %sign3A_819 = arith.cmpi sgt, %add3A_808, %sign3A_818 : i32
      %sign3A_820 = arith.extui %sign3A_819 : i1 to i32
      %sign3A_821 = arith.constant 0 : i32
      %sign3A_822 = arith.cmpi slt, %add3A_808, %sign3A_821 : i32
      %sign3A_823 = arith.extui %sign3A_822 : i1 to i32
      %sign3A_824 = arith.subi %sign3A_820, %sign3A_823 : i32
      %sign3A_825 = arith.constant 0 : i32
      %sign3A_826 = arith.cmpi sgt, %jit3A_816, %sign3A_825 : i32
      %sign3A_827 = arith.extui %sign3A_826 : i1 to i32
      %sign3A_828 = arith.constant 0 : i32
      %sign3A_829 = arith.cmpi slt, %jit3A_816, %sign3A_828 : i32
      %sign3A_830 = arith.extui %sign3A_829 : i1 to i32
      %sign3A_831 = arith.subi %sign3A_827, %sign3A_830 : i32
      %ne3A_832 = arith.cmpi ne, %sign3A_824, %sign3A_831 : i32
      %rem3A_833 = arith.remsi %add3A_808, %jit3A_816 : i32
      %ne3A_834 = arith.constant 0 : i32
      %ne3A_835 = arith.cmpi ne, %rem3A_833, %ne3A_834 : i32
      %and3A_836 = arith.andi %ne3A_832, %ne3A_835 : i1
      %sub3A_837 = arith.constant 1 : i32
      %sub3A_838 = arith.subi %div3A_817, %sub3A_837 : i32
      %select_n3A_839 = arith.select %and3A_836, %sub3A_838, %div3A_817 : i32
      %jit3A_840 = arith.constant 4 : i32
      %eq3A_841 = arith.constant 0 : i32
      %eq3A_842 = arith.cmpi eq, %jit3A_840, %eq3A_841 : i32
      %jit3A_843 = arith.constant 1 : i32
      %select_n3A_844 = arith.select %eq3A_842, %jit3A_843, %jit3A_840 : i32
      %rem3A_845 = arith.remsi %add3A_808, %select_n3A_844 : i32
      %ne3A_846 = arith.constant 0 : i32
      %ne3A_847 = arith.cmpi ne, %rem3A_845, %ne3A_846 : i32
      %lt3A_848 = arith.constant 0 : i32
      %lt3A_849 = arith.cmpi slt, %rem3A_845, %lt3A_848 : i32
      %lt3A_850 = arith.constant 0 : i32
      %lt3A_851 = arith.cmpi slt, %select_n3A_844, %lt3A_850 : i32
      %ne3A_852 = arith.xori %lt3A_849, %lt3A_851 : i1
      %and3A_853 = arith.andi %ne3A_852, %ne3A_847 : i1
      %add3A_854 = arith.addi %rem3A_845, %select_n3A_844 : i32
      %select_n3A_855 = arith.select %and3A_853, %add3A_854, %rem3A_845 : i32
      %mul3A_856 = arith.constant 32 : i32
      %mul3A_857 = arith.muli %select_n3A_855, %mul3A_856 : i32
      %dma_wait3A_858 = arith.constant 3 : i32
      %dma_wait3A_859 = arith.constant 3 : i32
      %dma_wait3A_860 = arith.constant 0 : i32
      %dma_wait3A_861 = arith.constant 0 : i32
      %dma_wait3A_862 = tpu.memref_slice %arg6[%dma_wait3A_858, %dma_wait3A_860, %dma_wait3A_861] : memref<10x32x128xf32, #tpu.memory_space<vmem>> -> memref<1x32x128xf32, #tpu.memory_space<vmem>>
      %dma_wait3A_863 = tpu.memref_squeeze %dma_wait3A_862 : memref<1x32x128xf32, #tpu.memory_space<vmem>> -> memref<32x128xf32, #tpu.memory_space<vmem>>
      %dma_wait3A_864 = tpu.memref_slice %arg5[%select_n3A_839, %mul3A_857] : memref<50x128xi32, #tpu.memory_space<vmem>> -> memref<1x32xi32, #tpu.memory_space<vmem>>
      %dma_wait3A_865 = tpu.memref_squeeze %dma_wait3A_864 : memref<1x32xi32, #tpu.memory_space<vmem>> -> memref<32xi32, #tpu.memory_space<vmem>>
      %dma_wait3A_866 = arith.constant 0 : i32
      %dma_wait3A_867 = arith.constant 0 : i32
      %dma_wait3A_868 = tpu.memref_slice %arg3[%dma_wait3A_866, %dma_wait3A_867] : memref<100000x128xf32, #tpu.memory_space<hbm>> -> memref<100000x128xf32, #tpu.memory_space<hbm>>
      %dma_wait3A_869 = tpu.memref_slice %arg7[%dma_wait3A_859] : memref<10x!tpu.dma_semaphore, #tpu.memory_space<semaphore_mem>> -> memref<1x!tpu.dma_semaphore, #tpu.memory_space<semaphore_mem>>
      %dma_wait3A_870 = tpu.memref_squeeze %dma_wait3A_869 : memref<1x!tpu.dma_semaphore, #tpu.memory_space<semaphore_mem>> -> memref<!tpu.dma_semaphore, #tpu.memory_space<semaphore_mem>>
      tpu.wait_indirect_dma semaphore(%dma_wait3A_870 : memref<!tpu.dma_semaphore, #tpu.memory_space<semaphore_mem>>) src(%dma_wait3A_868 : memref<100000x128xf32, #tpu.memory_space<hbm>>) dst(%dma_wait3A_863 : memref<32x128xf32, #tpu.memory_space<vmem>>)
      %scan3A_871 = arith.constant 0 : i32
      %scan3A_872 = arith.constant 3 : i32
      %scan3A_873 = arith.constant 0 : i32
      %scan3A_874 = arith.constant 32 : i32
      %scan3A_875 = arith.addi %scan3A_873, %scan3A_874 : i32
      %scan3A_876 = arith.constant 1 : i32
      scf.for %scan3A_1785 = %scan3A_873 to %scan3A_875 step %scan3A_876  : i32 {
        %get3A = arith.constant 0 : i32
        %get3A_1786 = arith.constant 0 : i32
        %get3A_1787 = tpu.memref_slice %arg6[%scan3A_872, %get3A, %get3A_1786] : memref<10x32x128xf32, #tpu.memory_space<vmem>> -> memref<1x32x128xf32, #tpu.memory_space<vmem>>
        %get3A_1788 = tpu.memref_squeeze %get3A_1787 : memref<1x32x128xf32, #tpu.memory_space<vmem>> -> memref<32x128xf32, #tpu.memory_space<vmem>>
        %get3A_1789 = arith.index_cast %scan3A_1785 : i32 to index
        %get3A_1790 = arith.constant 0 : index
        %get3A_1791 = tpu.vector_load %get3A_1788[%get3A_1789, %get3A_1790] {strides = array<i32>} : memref<32x128xf32, #tpu.memory_space<vmem>>, vector<1x16xf32>,
        %get3A_1792 = vector.shape_cast %get3A_1791 : vector<1x16xf32> to vector<16xf32>
        %mul3A_1793 = arith.constant 11.3137083 : f32
        %mul3A_1794 = vector.broadcast %mul3A_1793 : f32 to vector<16xf32>
        %mul3A_1795 = arith.mulf %get3A_1792, %mul3A_1794 : vector<16xf32>
        %swap3A = arith.constant 0 : i32
        %swap3A_1796 = arith.constant 0 : i32
        %swap3A_1797 = tpu.memref_slice %arg6[%scan3A_872, %swap3A, %swap3A_1796] : memref<10x32x128xf32, #tpu.memory_space<vmem>> -> memref<1x32x128xf32, #tpu.memory_space<vmem>>
        %swap3A_1798 = tpu.memref_squeeze %swap3A_1797 : memref<1x32x128xf32, #tpu.memory_space<vmem>> -> memref<32x128xf32, #tpu.memory_space<vmem>>
        %swap3A_1799 = arith.index_cast %scan3A_1785 : i32 to index
        %swap3A_1800 = arith.constant 0 : index
        %swap3A_1801 = tpu.vector_load %swap3A_1798[%swap3A_1799, %swap3A_1800] {strides = array<i32>} : memref<32x128xf32, #tpu.memory_space<vmem>>, vector<1x16xf32>,
        %swap3A_1802 = vector.shape_cast %swap3A_1801 : vector<1x16xf32> to vector<16xf32>
        %swap3A_1803 = vector.shape_cast %mul3A_1795 : vector<16xf32> to vector<1x16xf32>
        tpu.vector_store %swap3A_1798[%swap3A_1799, %swap3A_1800], %swap3A_1803 {strides = array<i32>} : memref<32x128xf32, #tpu.memory_space<vmem>>, vector<1x16xf32>,
        %get3A_1804 = arith.constant 0 : i32
        %get3A_1805 = arith.constant 0 : i32
        %get3A_1806 = tpu.memref_slice %arg6[%scan3A_872, %get3A_1804, %get3A_1805] : memref<10x32x128xf32, #tpu.memory_space<vmem>> -> memref<1x32x128xf32, #tpu.memory_space<vmem>>
        %get3A_1807 = tpu.memref_squeeze %get3A_1806 : memref<1x32x128xf32, #tpu.memory_space<vmem>> -> memref<32x128xf32, #tpu.memory_space<vmem>>
        %get3A_1808 = arith.index_cast %scan3A_1785 : i32 to index
        %get3A_1809 = arith.constant 16 : index
        %get3A_1810 = tpu.vector_load %get3A_1807[%get3A_1808, %get3A_1809] {strides = array<i32>} : memref<32x128xf32, #tpu.memory_space<vmem>>, vector<1x16xf32>,
        %get3A_1811 = vector.shape_cast %get3A_1810 : vector<1x16xf32> to vector<16xf32>
        %mul3A_1812 = arith.constant 11.3137083 : f32
        %mul3A_1813 = vector.broadcast %mul3A_1812 : f32 to vector<16xf32>
        %mul3A_1814 = arith.mulf %get3A_1811, %mul3A_1813 : vector<16xf32>
        %swap3A_1815 = arith.constant 0 : i32
        %swap3A_1816 = arith.constant 0 : i32
        %swap3A_1817 = tpu.memref_slice %arg6[%scan3A_872, %swap3A_1815, %swap3A_1816] : memref<10x32x128xf32, #tpu.memory_space<vmem>> -> memref<1x32x128xf32, #tpu.memory_space<vmem>>
        %swap3A_1818 = tpu.memref_squeeze %swap3A_1817 : memref<1x32x128xf32, #tpu.memory_space<vmem>> -> memref<32x128xf32, #tpu.memory_space<vmem>>
        %swap3A_1819 = arith.index_cast %scan3A_1785 : i32 to index
        %swap3A_1820 = arith.constant 16 : index
        %swap3A_1821 = tpu.vector_load %swap3A_1818[%swap3A_1819, %swap3A_1820] {strides = array<i32>} : memref<32x128xf32, #tpu.memory_space<vmem>>, vector<1x16xf32>,
        %swap3A_1822 = vector.shape_cast %swap3A_1821 : vector<1x16xf32> to vector<16xf32>
        %swap3A_1823 = vector.shape_cast %mul3A_1814 : vector<16xf32> to vector<1x16xf32>
        tpu.vector_store %swap3A_1818[%swap3A_1819, %swap3A_1820], %swap3A_1823 {strides = array<i32>} : memref<32x128xf32, #tpu.memory_space<vmem>>, vector<1x16xf32>,
        %get3A_1824 = arith.constant 0 : i32
        %get3A_1825 = arith.constant 0 : i32
        %get3A_1826 = tpu.memref_slice %arg6[%scan3A_872, %get3A_1824, %get3A_1825] : memref<10x32x128xf32, #tpu.memory_space<vmem>> -> memref<1x32x128xf32, #tpu.memory_space<vmem>>
        %get3A_1827 = tpu.memref_squeeze %get3A_1826 : memref<1x32x128xf32, #tpu.memory_space<vmem>> -> memref<32x128xf32, #tpu.memory_space<vmem>>
        %get3A_1828 = arith.index_cast %scan3A_1785 : i32 to index
        %get3A_1829 = arith.constant 32 : index
        %get3A_1830 = tpu.vector_load %get3A_1827[%get3A_1828, %get3A_1829] {strides = array<i32>} : memref<32x128xf32, #tpu.memory_space<vmem>>, vector<1x16xf32>,
        %get3A_1831 = vector.shape_cast %get3A_1830 : vector<1x16xf32> to vector<16xf32>
        %mul3A_1832 = arith.constant 11.3137083 : f32
        %mul3A_1833 = vector.broadcast %mul3A_1832 : f32 to vector<16xf32>
        %mul3A_1834 = arith.mulf %get3A_1831, %mul3A_1833 : vector<16xf32>
        %swap3A_1835 = arith.constant 0 : i32
        %swap3A_1836 = arith.constant 0 : i32
        %swap3A_1837 = tpu.memref_slice %arg6[%scan3A_872, %swap3A_1835, %swap3A_1836] : memref<10x32x128xf32, #tpu.memory_space<vmem>> -> memref<1x32x128xf32, #tpu.memory_space<vmem>>
        %swap3A_1838 = tpu.memref_squeeze %swap3A_1837 : memref<1x32x128xf32, #tpu.memory_space<vmem>> -> memref<32x128xf32, #tpu.memory_space<vmem>>
        %swap3A_1839 = arith.index_cast %scan3A_1785 : i32 to index
        %swap3A_1840 = arith.constant 32 : index
        %swap3A_1841 = tpu.vector_load %swap3A_1838[%swap3A_1839, %swap3A_1840] {strides = array<i32>} : memref<32x128xf32, #tpu.memory_space<vmem>>, vector<1x16xf32>,
        %swap3A_1842 = vector.shape_cast %swap3A_1841 : vector<1x16xf32> to vector<16xf32>
        %swap3A_1843 = vector.shape_cast %mul3A_1834 : vector<16xf32> to vector<1x16xf32>
        tpu.vector_store %swap3A_1838[%swap3A_1839, %swap3A_1840], %swap3A_1843 {strides = array<i32>} : memref<32x128xf32, #tpu.memory_space<vmem>>, vector<1x16xf32>,
        %get3A_1844 = arith.constant 0 : i32
        %get3A_1845 = arith.constant 0 : i32
        %get3A_1846 = tpu.memref_slice %arg6[%scan3A_872, %get3A_1844, %get3A_1845] : memref<10x32x128xf32, #tpu.memory_space<vmem>> -> memref<1x32x128xf32, #tpu.memory_space<vmem>>
        %get3A_1847 = tpu.memref_squeeze %get3A_1846 : memref<1x32x128xf32, #tpu.memory_space<vmem>> -> memref<32x128xf32, #tpu.memory_space<vmem>>
        %get3A_1848 = arith.index_cast %scan3A_1785 : i32 to index
        %get3A_1849 = arith.constant 48 : index
        %get3A_1850 = tpu.vector_load %get3A_1847[%get3A_1848, %get3A_1849] {strides = array<i32>} : memref<32x128xf32, #tpu.memory_space<vmem>>, vector<1x16xf32>,
        %get3A_1851 = vector.shape_cast %get3A_1850 : vector<1x16xf32> to vector<16xf32>
        %mul3A_1852 = arith.constant 11.3137083 : f32
        %mul3A_1853 = vector.broadcast %mul3A_1852 : f32 to vector<16xf32>
        %mul3A_1854 = arith.mulf %get3A_1851, %mul3A_1853 : vector<16xf32>
        %swap3A_1855 = arith.constant 0 : i32
        %swap3A_1856 = arith.constant 0 : i32
        %swap3A_1857 = tpu.memref_slice %arg6[%scan3A_872, %swap3A_1855, %swap3A_1856] : memref<10x32x128xf32, #tpu.memory_space<vmem>> -> memref<1x32x128xf32, #tpu.memory_space<vmem>>
        %swap3A_1858 = tpu.memref_squeeze %swap3A_1857 : memref<1x32x128xf32, #tpu.memory_space<vmem>> -> memref<32x128xf32, #tpu.memory_space<vmem>>
        %swap3A_1859 = arith.index_cast %scan3A_1785 : i32 to index
        %swap3A_1860 = arith.constant 48 : index
        %swap3A_1861 = tpu.vector_load %swap3A_1858[%swap3A_1859, %swap3A_1860] {strides = array<i32>} : memref<32x128xf32, #tpu.memory_space<vmem>>, vector<1x16xf32>,
        %swap3A_1862 = vector.shape_cast %swap3A_1861 : vector<1x16xf32> to vector<16xf32>
        %swap3A_1863 = vector.shape_cast %mul3A_1854 : vector<16xf32> to vector<1x16xf32>
        tpu.vector_store %swap3A_1858[%swap3A_1859, %swap3A_1860], %swap3A_1863 {strides = array<i32>} : memref<32x128xf32, #tpu.memory_space<vmem>>, vector<1x16xf32>,
        %get3A_1864 = arith.constant 0 : i32
        %get3A_1865 = arith.constant 0 : i32
        %get3A_1866 = tpu.memref_slice %arg6[%scan3A_872, %get3A_1864, %get3A_1865] : memref<10x32x128xf32, #tpu.memory_space<vmem>> -> memref<1x32x128xf32, #tpu.memory_space<vmem>>
        %get3A_1867 = tpu.memref_squeeze %get3A_1866 : memref<1x32x128xf32, #tpu.memory_space<vmem>> -> memref<32x128xf32, #tpu.memory_space<vmem>>
        %get3A_1868 = arith.index_cast %scan3A_1785 : i32 to index
        %get3A_1869 = arith.constant 64 : index
        %get3A_1870 = tpu.vector_load %get3A_1867[%get3A_1868, %get3A_1869] {strides = array<i32>} : memref<32x128xf32, #tpu.memory_space<vmem>>, vector<1x16xf32>,
        %get3A_1871 = vector.shape_cast %get3A_1870 : vector<1x16xf32> to vector<16xf32>
        %mul3A_1872 = arith.constant 11.3137083 : f32
        %mul3A_1873 = vector.broadcast %mul3A_1872 : f32 to vector<16xf32>
        %mul3A_1874 = arith.mulf %get3A_1871, %mul3A_1873 : vector<16xf32>
        %swap3A_1875 = arith.constant 0 : i32
        %swap3A_1876 = arith.constant 0 : i32
        %swap3A_1877 = tpu.memref_slice %arg6[%scan3A_872, %swap3A_1875, %swap3A_1876] : memref<10x32x128xf32, #tpu.memory_space<vmem>> -> memref<1x32x128xf32, #tpu.memory_space<vmem>>
        %swap3A_1878 = tpu.memref_squeeze %swap3A_1877 : memref<1x32x128xf32, #tpu.memory_space<vmem>> -> memref<32x128xf32, #tpu.memory_space<vmem>>
        %swap3A_1879 = arith.index_cast %scan3A_1785 : i32 to index
        %swap3A_1880 = arith.constant 64 : index
        %swap3A_1881 = tpu.vector_load %swap3A_1878[%swap3A_1879, %swap3A_1880] {strides = array<i32>} : memref<32x128xf32, #tpu.memory_space<vmem>>, vector<1x16xf32>,
        %swap3A_1882 = vector.shape_cast %swap3A_1881 : vector<1x16xf32> to vector<16xf32>
        %swap3A_1883 = vector.shape_cast %mul3A_1874 : vector<16xf32> to vector<1x16xf32>
        tpu.vector_store %swap3A_1878[%swap3A_1879, %swap3A_1880], %swap3A_1883 {strides = array<i32>} : memref<32x128xf32, #tpu.memory_space<vmem>>, vector<1x16xf32>,
        %get3A_1884 = arith.constant 0 : i32
        %get3A_1885 = arith.constant 0 : i32
        %get3A_1886 = tpu.memref_slice %arg6[%scan3A_872, %get3A_1884, %get3A_1885] : memref<10x32x128xf32, #tpu.memory_space<vmem>> -> memref<1x32x128xf32, #tpu.memory_space<vmem>>
        %get3A_1887 = tpu.memref_squeeze %get3A_1886 : memref<1x32x128xf32, #tpu.memory_space<vmem>> -> memref<32x128xf32, #tpu.memory_space<vmem>>
        %get3A_1888 = arith.index_cast %scan3A_1785 : i32 to index
        %get3A_1889 = arith.constant 80 : index
        %get3A_1890 = tpu.vector_load %get3A_1887[%get3A_1888, %get3A_1889] {strides = array<i32>} : memref<32x128xf32, #tpu.memory_space<vmem>>, vector<1x16xf32>,
        %get3A_1891 = vector.shape_cast %get3A_1890 : vector<1x16xf32> to vector<16xf32>
        %mul3A_1892 = arith.constant 11.3137083 : f32
        %mul3A_1893 = vector.broadcast %mul3A_1892 : f32 to vector<16xf32>
        %mul3A_1894 = arith.mulf %get3A_1891, %mul3A_1893 : vector<16xf32>
        %swap3A_1895 = arith.constant 0 : i32
        %swap3A_1896 = arith.constant 0 : i32
        %swap3A_1897 = tpu.memref_slice %arg6[%scan3A_872, %swap3A_1895, %swap3A_1896] : memref<10x32x128xf32, #tpu.memory_space<vmem>> -> memref<1x32x128xf32, #tpu.memory_space<vmem>>
        %swap3A_1898 = tpu.memref_squeeze %swap3A_1897 : memref<1x32x128xf32, #tpu.memory_space<vmem>> -> memref<32x128xf32, #tpu.memory_space<vmem>>
        %swap3A_1899 = arith.index_cast %scan3A_1785 : i32 to index
        %swap3A_1900 = arith.constant 80 : index
        %swap3A_1901 = tpu.vector_load %swap3A_1898[%swap3A_1899, %swap3A_1900] {strides = array<i32>} : memref<32x128xf32, #tpu.memory_space<vmem>>, vector<1x16xf32>,
        %swap3A_1902 = vector.shape_cast %swap3A_1901 : vector<1x16xf32> to vector<16xf32>
        %swap3A_1903 = vector.shape_cast %mul3A_1894 : vector<16xf32> to vector<1x16xf32>
        tpu.vector_store %swap3A_1898[%swap3A_1899, %swap3A_1900], %swap3A_1903 {strides = array<i32>} : memref<32x128xf32, #tpu.memory_space<vmem>>, vector<1x16xf32>,
        %get3A_1904 = arith.constant 0 : i32
        %get3A_1905 = arith.constant 0 : i32
        %get3A_1906 = tpu.memref_slice %arg6[%scan3A_872, %get3A_1904, %get3A_1905] : memref<10x32x128xf32, #tpu.memory_space<vmem>> -> memref<1x32x128xf32, #tpu.memory_space<vmem>>
        %get3A_1907 = tpu.memref_squeeze %get3A_1906 : memref<1x32x128xf32, #tpu.memory_space<vmem>> -> memref<32x128xf32, #tpu.memory_space<vmem>>
        %get3A_1908 = arith.index_cast %scan3A_1785 : i32 to index
        %get3A_1909 = arith.constant 96 : index
        %get3A_1910 = tpu.vector_load %get3A_1907[%get3A_1908, %get3A_1909] {strides = array<i32>} : memref<32x128xf32, #tpu.memory_space<vmem>>, vector<1x16xf32>,
        %get3A_1911 = vector.shape_cast %get3A_1910 : vector<1x16xf32> to vector<16xf32>
        %mul3A_1912 = arith.constant 11.3137083 : f32
        %mul3A_1913 = vector.broadcast %mul3A_1912 : f32 to vector<16xf32>
        %mul3A_1914 = arith.mulf %get3A_1911, %mul3A_1913 : vector<16xf32>
        %swap3A_1915 = arith.constant 0 : i32
        %swap3A_1916 = arith.constant 0 : i32
        %swap3A_1917 = tpu.memref_slice %arg6[%scan3A_872, %swap3A_1915, %swap3A_1916] : memref<10x32x128xf32, #tpu.memory_space<vmem>> -> memref<1x32x128xf32, #tpu.memory_space<vmem>>
        %swap3A_1918 = tpu.memref_squeeze %swap3A_1917 : memref<1x32x128xf32, #tpu.memory_space<vmem>> -> memref<32x128xf32, #tpu.memory_space<vmem>>
        %swap3A_1919 = arith.index_cast %scan3A_1785 : i32 to index
        %swap3A_1920 = arith.constant 96 : index
        %swap3A_1921 = tpu.vector_load %swap3A_1918[%swap3A_1919, %swap3A_1920] {strides = array<i32>} : memref<32x128xf32, #tpu.memory_space<vmem>>, vector<1x16xf32>,
        %swap3A_1922 = vector.shape_cast %swap3A_1921 : vector<1x16xf32> to vector<16xf32>
        %swap3A_1923 = vector.shape_cast %mul3A_1914 : vector<16xf32> to vector<1x16xf32>
        tpu.vector_store %swap3A_1918[%swap3A_1919, %swap3A_1920], %swap3A_1923 {strides = array<i32>} : memref<32x128xf32, #tpu.memory_space<vmem>>, vector<1x16xf32>,
        %get3A_1924 = arith.constant 0 : i32
        %get3A_1925 = arith.constant 0 : i32
        %get3A_1926 = tpu.memref_slice %arg6[%scan3A_872, %get3A_1924, %get3A_1925] : memref<10x32x128xf32, #tpu.memory_space<vmem>> -> memref<1x32x128xf32, #tpu.memory_space<vmem>>
        %get3A_1927 = tpu.memref_squeeze %get3A_1926 : memref<1x32x128xf32, #tpu.memory_space<vmem>> -> memref<32x128xf32, #tpu.memory_space<vmem>>
        %get3A_1928 = arith.index_cast %scan3A_1785 : i32 to index
        %get3A_1929 = arith.constant 112 : index
        %get3A_1930 = tpu.vector_load %get3A_1927[%get3A_1928, %get3A_1929] {strides = array<i32>} : memref<32x128xf32, #tpu.memory_space<vmem>>, vector<1x16xf32>,
        %get3A_1931 = vector.shape_cast %get3A_1930 : vector<1x16xf32> to vector<16xf32>
        %mul3A_1932 = arith.constant 11.3137083 : f32
        %mul3A_1933 = vector.broadcast %mul3A_1932 : f32 to vector<16xf32>
        %mul3A_1934 = arith.mulf %get3A_1931, %mul3A_1933 : vector<16xf32>
        %swap3A_1935 = arith.constant 0 : i32
        %swap3A_1936 = arith.constant 0 : i32
        %swap3A_1937 = tpu.memref_slice %arg6[%scan3A_872, %swap3A_1935, %swap3A_1936] : memref<10x32x128xf32, #tpu.memory_space<vmem>> -> memref<1x32x128xf32, #tpu.memory_space<vmem>>
        %swap3A_1938 = tpu.memref_squeeze %swap3A_1937 : memref<1x32x128xf32, #tpu.memory_space<vmem>> -> memref<32x128xf32, #tpu.memory_space<vmem>>
        %swap3A_1939 = arith.index_cast %scan3A_1785 : i32 to index
        %swap3A_1940 = arith.constant 112 : index
        %swap3A_1941 = tpu.vector_load %swap3A_1938[%swap3A_1939, %swap3A_1940] {strides = array<i32>} : memref<32x128xf32, #tpu.memory_space<vmem>>, vector<1x16xf32>,
        %swap3A_1942 = vector.shape_cast %swap3A_1941 : vector<1x16xf32> to vector<16xf32>
        %swap3A_1943 = vector.shape_cast %mul3A_1934 : vector<16xf32> to vector<1x16xf32>
        tpu.vector_store %swap3A_1938[%swap3A_1939, %swap3A_1940], %swap3A_1943 {strides = array<i32>} : memref<32x128xf32, #tpu.memory_space<vmem>>, vector<1x16xf32>,
      }
      %scan3A_877 = arith.constant 32 : i32
      %jit3A_878 = arith.constant 4 : i32
      %div3A_879 = arith.divsi %add3A_808, %jit3A_878 : i32
      %sign3A_880 = arith.constant 0 : i32
      %sign3A_881 = arith.cmpi sgt, %add3A_808, %sign3A_880 : i32
      %sign3A_882 = arith.extui %sign3A_881 : i1 to i32
      %sign3A_883 = arith.constant 0 : i32
      %sign3A_884 = arith.cmpi slt, %add3A_808, %sign3A_883 : i32
      %sign3A_885 = arith.extui %sign3A_884 : i1 to i32
      %sign3A_886 = arith.subi %sign3A_882, %sign3A_885 : i32
      %sign3A_887 = arith.constant 0 : i32
      %sign3A_888 = arith.cmpi sgt, %jit3A_878, %sign3A_887 : i32
      %sign3A_889 = arith.extui %sign3A_888 : i1 to i32
      %sign3A_890 = arith.constant 0 : i32
      %sign3A_891 = arith.cmpi slt, %jit3A_878, %sign3A_890 : i32
      %sign3A_892 = arith.extui %sign3A_891 : i1 to i32
      %sign3A_893 = arith.subi %sign3A_889, %sign3A_892 : i32
      %ne3A_894 = arith.cmpi ne, %sign3A_886, %sign3A_893 : i32
      %rem3A_895 = arith.remsi %add3A_808, %jit3A_878 : i32
      %ne3A_896 = arith.constant 0 : i32
      %ne3A_897 = arith.cmpi ne, %rem3A_895, %ne3A_896 : i32
      %and3A_898 = arith.andi %ne3A_894, %ne3A_897 : i1
      %sub3A_899 = arith.constant 1 : i32
      %sub3A_900 = arith.subi %div3A_879, %sub3A_899 : i32
      %select_n3A_901 = arith.select %and3A_898, %sub3A_900, %div3A_879 : i32
      %jit3A_902 = arith.constant 4 : i32
      %eq3A_903 = arith.constant 0 : i32
      %eq3A_904 = arith.cmpi eq, %jit3A_902, %eq3A_903 : i32
      %jit3A_905 = arith.constant 1 : i32
      %select_n3A_906 = arith.select %eq3A_904, %jit3A_905, %jit3A_902 : i32
      %rem3A_907 = arith.remsi %add3A_808, %select_n3A_906 : i32
      %ne3A_908 = arith.constant 0 : i32
      %ne3A_909 = arith.cmpi ne, %rem3A_907, %ne3A_908 : i32
      %lt3A_910 = arith.constant 0 : i32
      %lt3A_911 = arith.cmpi slt, %rem3A_907, %lt3A_910 : i32
      %lt3A_912 = arith.constant 0 : i32
      %lt3A_913 = arith.cmpi slt, %select_n3A_906, %lt3A_912 : i32
      %ne3A_914 = arith.xori %lt3A_911, %lt3A_913 : i1
      %and3A_915 = arith.andi %ne3A_914, %ne3A_909 : i1
      %add3A_916 = arith.addi %rem3A_907, %select_n3A_906 : i32
      %select_n3A_917 = arith.select %and3A_915, %add3A_916, %rem3A_907 : i32
      %mul3A_918 = arith.constant 32 : i32
      %mul3A_919 = arith.muli %select_n3A_917, %mul3A_918 : i32
      %add3A_920 = arith.addi %mul3A_2, %mul3A_919 : i32
      %dma_start3A_921 = arith.constant 3 : i32
      %dma_start3A_922 = arith.constant 3 : i32
      %dma_start3A_923 = arith.constant 0 : i32
      %dma_start3A_924 = arith.constant 0 : i32
      %dma_start3A_925 = tpu.memref_slice %arg6[%dma_start3A_921, %dma_start3A_923, %dma_start3A_924] : memref<10x32x128xf32, #tpu.memory_space<vmem>> -> memref<1x32x128xf32, #tpu.memory_space<vmem>>
      %dma_start3A_926 = tpu.memref_squeeze %dma_start3A_925 : memref<1x32x128xf32, #tpu.memory_space<vmem>> -> memref<32x128xf32, #tpu.memory_space<vmem>>
      %dma_start3A_927 = arith.constant 0 : i32
      %dma_start3A_928 = arith.constant 0 : i32
      %dma_start3A_929 = tpu.memref_slice %arg4[%select_n3A_901, %dma_start3A_927, %dma_start3A_928] : memref<50x4096x128xf32, #tpu.memory_space<hbm>> -> memref<1x4096x128xf32, #tpu.memory_space<hbm>>
      %dma_start3A_930 = tpu.memref_squeeze %dma_start3A_929 : memref<1x4096x128xf32, #tpu.memory_space<hbm>> -> memref<4096x128xf32, #tpu.memory_space<hbm>>
      %dma_start3A_931 = arith.constant 0 : i32
      %dma_start3A_932 = tpu.memref_slice %dma_start3A_930[%add3A_920, %dma_start3A_931] : memref<4096x128xf32, #tpu.memory_space<hbm>> -> memref<32x128xf32, #tpu.memory_space<hbm>>
      %dma_start3A_933 = tpu.memref_slice %arg8[%dma_start3A_922] : memref<10x!tpu.dma_semaphore, #tpu.memory_space<semaphore_mem>> -> memref<1x!tpu.dma_semaphore, #tpu.memory_space<semaphore_mem>>
      %dma_start3A_934 = tpu.memref_squeeze %dma_start3A_933 : memref<1x!tpu.dma_semaphore, #tpu.memory_space<semaphore_mem>> -> memref<!tpu.dma_semaphore, #tpu.memory_space<semaphore_mem>>
      %dma_start3A_935 = arith.constant 0 : i32
      %dma_start3A_936 = arith.constant 0 : i32
      %dma_start3A_937 = tpu.memref_slice %arg4[%select_n3A_901, %dma_start3A_935, %dma_start3A_936] : memref<50x4096x128xf32, #tpu.memory_space<hbm>> -> memref<1x4096x128xf32, #tpu.memory_space<hbm>>
      %dma_start3A_938 = tpu.memref_squeeze %dma_start3A_937 : memref<1x4096x128xf32, #tpu.memory_space<hbm>> -> memref<4096x128xf32, #tpu.memory_space<hbm>>
      %dma_start3A_939 = arith.constant 0 : i32
      %dma_start3A_940 = tpu.memref_slice %dma_start3A_938[%add3A_920, %dma_start3A_939] : memref<4096x128xf32, #tpu.memory_space<hbm>> -> memref<32x128xf32, #tpu.memory_space<hbm>>
      %dma_start3A_941 = arith.constant 0 : i32
      %dma_start3A_942 = arith.constant 0 : i32
      %dma_start3A_943 = tpu.memref_slice %arg6[%dma_start3A_921, %dma_start3A_941, %dma_start3A_942] : memref<10x32x128xf32, #tpu.memory_space<vmem>> -> memref<1x32x128xf32, #tpu.memory_space<vmem>>
      %dma_start3A_944 = tpu.memref_squeeze %dma_start3A_943 : memref<1x32x128xf32, #tpu.memory_space<vmem>> -> memref<32x128xf32, #tpu.memory_space<vmem>>
      tpu.enqueue_dma source(%dma_start3A_944 : memref<32x128xf32, #tpu.memory_space<vmem>>) target(%dma_start3A_940 : memref<32x128xf32, #tpu.memory_space<hbm>>) target_semaphore(%dma_start3A_934 : memref<!tpu.dma_semaphore, #tpu.memory_space<semaphore_mem>>)
      %mul3A_945 = arith.constant 10 : i32
      %mul3A_946 = arith.muli %scan3A_396, %mul3A_945 : i32
      %add3A_947 = arith.constant 4 : i32
      %add3A_948 = arith.addi %mul3A_946, %add3A_947 : i32
      %add3A_949 = arith.constant 8 : i32
      %add3A_950 = arith.addi %add3A_948, %add3A_949 : i32
      %lt3A_951 = arith.constant 200 : i32
      %lt3A_952 = arith.cmpi slt, %add3A_950, %lt3A_951 : i32
      %convert_element_type3A_953 = arith.extui %lt3A_952 : i1 to i32
      %cond3A_954 = arith.constant 0 : i32
      %cond3A_955 = arith.cmpi ne, %convert_element_type3A_953, %cond3A_954 : i32
      scf.if %cond3A_955 {
        %ge3A = arith.constant 10 : i32
        %ge3A_1785 = arith.cmpi sge, %add3A_950, %ge3A : i32
        %convert_element_type3A_1786 = arith.extui %ge3A_1785 : i1 to i32
        %cond3A_1787 = arith.constant 0 : i32
        %cond3A_1788 = arith.cmpi ne, %convert_element_type3A_1786, %cond3A_1787 : i32
        scf.if %cond3A_1788 {
          %sub3A_1844 = arith.constant 10 : i32
          %sub3A_1845 = arith.subi %add3A_950, %sub3A_1844 : i32
          %jit3A_1846 = arith.constant 4 : i32
          %div3A_1847 = arith.divsi %sub3A_1845, %jit3A_1846 : i32
          %sign3A_1848 = arith.constant 0 : i32
          %sign3A_1849 = arith.cmpi sgt, %sub3A_1845, %sign3A_1848 : i32
          %sign3A_1850 = arith.extui %sign3A_1849 : i1 to i32
          %sign3A_1851 = arith.constant 0 : i32
          %sign3A_1852 = arith.cmpi slt, %sub3A_1845, %sign3A_1851 : i32
          %sign3A_1853 = arith.extui %sign3A_1852 : i1 to i32
          %sign3A_1854 = arith.subi %sign3A_1850, %sign3A_1853 : i32
          %sign3A_1855 = arith.constant 0 : i32
          %sign3A_1856 = arith.cmpi sgt, %jit3A_1846, %sign3A_1855 : i32
          %sign3A_1857 = arith.extui %sign3A_1856 : i1 to i32
          %sign3A_1858 = arith.constant 0 : i32
          %sign3A_1859 = arith.cmpi slt, %jit3A_1846, %sign3A_1858 : i32
          %sign3A_1860 = arith.extui %sign3A_1859 : i1 to i32
          %sign3A_1861 = arith.subi %sign3A_1857, %sign3A_1860 : i32
          %ne3A_1862 = arith.cmpi ne, %sign3A_1854, %sign3A_1861 : i32
          %rem3A_1863 = arith.remsi %sub3A_1845, %jit3A_1846 : i32
          %ne3A_1864 = arith.constant 0 : i32
          %ne3A_1865 = arith.cmpi ne, %rem3A_1863, %ne3A_1864 : i32
          %and3A_1866 = arith.andi %ne3A_1862, %ne3A_1865 : i1
          %sub3A_1867 = arith.constant 1 : i32
          %sub3A_1868 = arith.subi %div3A_1847, %sub3A_1867 : i32
          %select_n3A_1869 = arith.select %and3A_1866, %sub3A_1868, %div3A_1847 : i32
          %jit3A_1870 = arith.constant 4 : i32
          %eq3A_1871 = arith.constant 0 : i32
          %eq3A_1872 = arith.cmpi eq, %jit3A_1870, %eq3A_1871 : i32
          %jit3A_1873 = arith.constant 1 : i32
          %select_n3A_1874 = arith.select %eq3A_1872, %jit3A_1873, %jit3A_1870 : i32
          %rem3A_1875 = arith.remsi %sub3A_1845, %select_n3A_1874 : i32
          %ne3A_1876 = arith.constant 0 : i32
          %ne3A_1877 = arith.cmpi ne, %rem3A_1875, %ne3A_1876 : i32
          %lt3A_1878 = arith.constant 0 : i32
          %lt3A_1879 = arith.cmpi slt, %rem3A_1875, %lt3A_1878 : i32
          %lt3A_1880 = arith.constant 0 : i32
          %lt3A_1881 = arith.cmpi slt, %select_n3A_1874, %lt3A_1880 : i32
          %ne3A_1882 = arith.xori %lt3A_1879, %lt3A_1881 : i1
          %and3A_1883 = arith.andi %ne3A_1882, %ne3A_1877 : i1
          %add3A_1884 = arith.addi %rem3A_1875, %select_n3A_1874 : i32
          %select_n3A_1885 = arith.select %and3A_1883, %add3A_1884, %rem3A_1875 : i32
          %mul3A_1886 = arith.constant 32 : i32
          %mul3A_1887 = arith.muli %select_n3A_1885, %mul3A_1886 : i32
          %add3A_1888 = arith.addi %mul3A_2, %mul3A_1887 : i32
          %dma_wait3A_1889 = arith.constant 2 : i32
          %dma_wait3A_1890 = arith.constant 2 : i32
          %dma_wait3A_1891 = arith.constant 0 : i32
          %dma_wait3A_1892 = arith.constant 0 : i32
          %dma_wait3A_1893 = tpu.memref_slice %arg6[%dma_wait3A_1889, %dma_wait3A_1891, %dma_wait3A_1892] : memref<10x32x128xf32, #tpu.memory_space<vmem>> -> memref<1x32x128xf32, #tpu.memory_space<vmem>>
          %dma_wait3A_1894 = tpu.memref_squeeze %dma_wait3A_1893 : memref<1x32x128xf32, #tpu.memory_space<vmem>> -> memref<32x128xf32, #tpu.memory_space<vmem>>
          %dma_wait3A_1895 = arith.constant 0 : i32
          %dma_wait3A_1896 = arith.constant 0 : i32
          %dma_wait3A_1897 = tpu.memref_slice %arg4[%select_n3A_1869, %dma_wait3A_1895, %dma_wait3A_1896] : memref<50x4096x128xf32, #tpu.memory_space<hbm>> -> memref<1x4096x128xf32, #tpu.memory_space<hbm>>
          %dma_wait3A_1898 = tpu.memref_squeeze %dma_wait3A_1897 : memref<1x4096x128xf32, #tpu.memory_space<hbm>> -> memref<4096x128xf32, #tpu.memory_space<hbm>>
          %dma_wait3A_1899 = arith.constant 0 : i32
          %dma_wait3A_1900 = tpu.memref_slice %dma_wait3A_1898[%add3A_1888, %dma_wait3A_1899] : memref<4096x128xf32, #tpu.memory_space<hbm>> -> memref<32x128xf32, #tpu.memory_space<hbm>>
          %dma_wait3A_1901 = tpu.memref_slice %arg8[%dma_wait3A_1890] : memref<10x!tpu.dma_semaphore, #tpu.memory_space<semaphore_mem>> -> memref<1x!tpu.dma_semaphore, #tpu.memory_space<semaphore_mem>>
          %dma_wait3A_1902 = tpu.memref_squeeze %dma_wait3A_1901 : memref<1x!tpu.dma_semaphore, #tpu.memory_space<semaphore_mem>> -> memref<!tpu.dma_semaphore, #tpu.memory_space<semaphore_mem>>
          %dma_wait3A_1903 = arith.constant 0 : i32
          %dma_wait3A_1904 = arith.constant 0 : i32
          %dma_wait3A_1905 = tpu.memref_slice %arg4[%select_n3A_1869, %dma_wait3A_1903, %dma_wait3A_1904] : memref<50x4096x128xf32, #tpu.memory_space<hbm>> -> memref<1x4096x128xf32, #tpu.memory_space<hbm>>
          %dma_wait3A_1906 = tpu.memref_squeeze %dma_wait3A_1905 : memref<1x4096x128xf32, #tpu.memory_space<hbm>> -> memref<4096x128xf32, #tpu.memory_space<hbm>>
          %dma_wait3A_1907 = arith.constant 0 : i32
          %dma_wait3A_1908 = tpu.memref_slice %dma_wait3A_1906[%add3A_1888, %dma_wait3A_1907] : memref<4096x128xf32, #tpu.memory_space<hbm>> -> memref<32x128xf32, #tpu.memory_space<hbm>>
          %dma_wait3A_1909 = arith.constant 0 : i32
          %dma_wait3A_1910 = arith.constant 0 : i32
          %dma_wait3A_1911 = tpu.memref_slice %arg6[%dma_wait3A_1889, %dma_wait3A_1909, %dma_wait3A_1910] : memref<10x32x128xf32, #tpu.memory_space<vmem>> -> memref<1x32x128xf32, #tpu.memory_space<vmem>>
          %dma_wait3A_1912 = tpu.memref_squeeze %dma_wait3A_1911 : memref<1x32x128xf32, #tpu.memory_space<vmem>> -> memref<32x128xf32, #tpu.memory_space<vmem>>
          tpu.wait_dma2 semaphore(%dma_wait3A_1902 : memref<!tpu.dma_semaphore, #tpu.memory_space<semaphore_mem>>) src(%dma_wait3A_1912 : memref<32x128xf32, #tpu.memory_space<vmem>>) dst(%dma_wait3A_1908 : memref<32x128xf32, #tpu.memory_space<hbm>>)
        } else {
        }
        %jit3A_1789 = arith.constant 4 : i32
        %div3A_1790 = arith.divsi %add3A_950, %jit3A_1789 : i32
        %sign3A_1791 = arith.constant 0 : i32
        %sign3A_1792 = arith.cmpi sgt, %add3A_950, %sign3A_1791 : i32
        %sign3A_1793 = arith.extui %sign3A_1792 : i1 to i32
        %sign3A_1794 = arith.constant 0 : i32
        %sign3A_1795 = arith.cmpi slt, %add3A_950, %sign3A_1794 : i32
        %sign3A_1796 = arith.extui %sign3A_1795 : i1 to i32
        %sign3A_1797 = arith.subi %sign3A_1793, %sign3A_1796 : i32
        %sign3A_1798 = arith.constant 0 : i32
        %sign3A_1799 = arith.cmpi sgt, %jit3A_1789, %sign3A_1798 : i32
        %sign3A_1800 = arith.extui %sign3A_1799 : i1 to i32
        %sign3A_1801 = arith.constant 0 : i32
        %sign3A_1802 = arith.cmpi slt, %jit3A_1789, %sign3A_1801 : i32
        %sign3A_1803 = arith.extui %sign3A_1802 : i1 to i32
        %sign3A_1804 = arith.subi %sign3A_1800, %sign3A_1803 : i32
        %ne3A_1805 = arith.cmpi ne, %sign3A_1797, %sign3A_1804 : i32
        %rem3A_1806 = arith.remsi %add3A_950, %jit3A_1789 : i32
        %ne3A_1807 = arith.constant 0 : i32
        %ne3A_1808 = arith.cmpi ne, %rem3A_1806, %ne3A_1807 : i32
        %and3A_1809 = arith.andi %ne3A_1805, %ne3A_1808 : i1
        %sub3A_1810 = arith.constant 1 : i32
        %sub3A_1811 = arith.subi %div3A_1790, %sub3A_1810 : i32
        %select_n3A_1812 = arith.select %and3A_1809, %sub3A_1811, %div3A_1790 : i32
        %jit3A_1813 = arith.constant 4 : i32
        %eq3A_1814 = arith.constant 0 : i32
        %eq3A_1815 = arith.cmpi eq, %jit3A_1813, %eq3A_1814 : i32
        %jit3A_1816 = arith.constant 1 : i32
        %select_n3A_1817 = arith.select %eq3A_1815, %jit3A_1816, %jit3A_1813 : i32
        %rem3A_1818 = arith.remsi %add3A_950, %select_n3A_1817 : i32
        %ne3A_1819 = arith.constant 0 : i32
        %ne3A_1820 = arith.cmpi ne, %rem3A_1818, %ne3A_1819 : i32
        %lt3A_1821 = arith.constant 0 : i32
        %lt3A_1822 = arith.cmpi slt, %rem3A_1818, %lt3A_1821 : i32
        %lt3A_1823 = arith.constant 0 : i32
        %lt3A_1824 = arith.cmpi slt, %select_n3A_1817, %lt3A_1823 : i32
        %ne3A_1825 = arith.xori %lt3A_1822, %lt3A_1824 : i1
        %and3A_1826 = arith.andi %ne3A_1825, %ne3A_1820 : i1
        %add3A_1827 = arith.addi %rem3A_1818, %select_n3A_1817 : i32
        %select_n3A_1828 = arith.select %and3A_1826, %add3A_1827, %rem3A_1818 : i32
        %mul3A_1829 = arith.constant 32 : i32
        %mul3A_1830 = arith.muli %select_n3A_1828, %mul3A_1829 : i32
        %dma_start3A_1831 = arith.constant 2 : i32
        %dma_start3A_1832 = arith.constant 2 : i32
        %dma_start3A_1833 = arith.constant 0 : i32
        %dma_start3A_1834 = arith.constant 0 : i32
        %dma_start3A_1835 = tpu.memref_slice %arg6[%dma_start3A_1831, %dma_start3A_1833, %dma_start3A_1834] : memref<10x32x128xf32, #tpu.memory_space<vmem>> -> memref<1x32x128xf32, #tpu.memory_space<vmem>>
        %dma_start3A_1836 = tpu.memref_squeeze %dma_start3A_1835 : memref<1x32x128xf32, #tpu.memory_space<vmem>> -> memref<32x128xf32, #tpu.memory_space<vmem>>
        %dma_start3A_1837 = tpu.memref_slice %arg5[%select_n3A_1812, %mul3A_1830] : memref<50x128xi32, #tpu.memory_space<vmem>> -> memref<1x32xi32, #tpu.memory_space<vmem>>
        %dma_start3A_1838 = tpu.memref_squeeze %dma_start3A_1837 : memref<1x32xi32, #tpu.memory_space<vmem>> -> memref<32xi32, #tpu.memory_space<vmem>>
        %dma_start3A_1839 = arith.constant 0 : i32
        %dma_start3A_1840 = arith.constant 0 : i32
        %dma_start3A_1841 = tpu.memref_slice %arg3[%dma_start3A_1839, %dma_start3A_1840] : memref<100000x128xf32, #tpu.memory_space<hbm>> -> memref<100000x128xf32, #tpu.memory_space<hbm>>
        %dma_start3A_1842 = tpu.memref_slice %arg7[%dma_start3A_1832] : memref<10x!tpu.dma_semaphore, #tpu.memory_space<semaphore_mem>> -> memref<1x!tpu.dma_semaphore, #tpu.memory_space<semaphore_mem>>
        %dma_start3A_1843 = tpu.memref_squeeze %dma_start3A_1842 : memref<1x!tpu.dma_semaphore, #tpu.memory_space<semaphore_mem>> -> memref<!tpu.dma_semaphore, #tpu.memory_space<semaphore_mem>>
        tpu.enqueue_indirect_dma source(%dma_start3A_1841 : memref<100000x128xf32, #tpu.memory_space<hbm>>) target(%dma_start3A_1836 : memref<32x128xf32, #tpu.memory_space<vmem>>) offsets(%dma_start3A_1838 : memref<32xi32, #tpu.memory_space<vmem>>) semaphore(%dma_start3A_1843 : memref<!tpu.dma_semaphore, #tpu.memory_space<semaphore_mem>>)
      } else {
      }
      %jit3A_956 = arith.constant 4 : i32
      %div3A_957 = arith.divsi %add3A_948, %jit3A_956 : i32
      %sign3A_958 = arith.constant 0 : i32
      %sign3A_959 = arith.cmpi sgt, %add3A_948, %sign3A_958 : i32
      %sign3A_960 = arith.extui %sign3A_959 : i1 to i32
      %sign3A_961 = arith.constant 0 : i32
      %sign3A_962 = arith.cmpi slt, %add3A_948, %sign3A_961 : i32
      %sign3A_963 = arith.extui %sign3A_962 : i1 to i32
      %sign3A_964 = arith.subi %sign3A_960, %sign3A_963 : i32
      %sign3A_965 = arith.constant 0 : i32
      %sign3A_966 = arith.cmpi sgt, %jit3A_956, %sign3A_965 : i32
      %sign3A_967 = arith.extui %sign3A_966 : i1 to i32
      %sign3A_968 = arith.constant 0 : i32
      %sign3A_969 = arith.cmpi slt, %jit3A_956, %sign3A_968 : i32
      %sign3A_970 = arith.extui %sign3A_969 : i1 to i32
      %sign3A_971 = arith.subi %sign3A_967, %sign3A_970 : i32
      %ne3A_972 = arith.cmpi ne, %sign3A_964, %sign3A_971 : i32
      %rem3A_973 = arith.remsi %add3A_948, %jit3A_956 : i32
      %ne3A_974 = arith.constant 0 : i32
      %ne3A_975 = arith.cmpi ne, %rem3A_973, %ne3A_974 : i32
      %and3A_976 = arith.andi %ne3A_972, %ne3A_975 : i1
      %sub3A_977 = arith.constant 1 : i32
      %sub3A_978 = arith.subi %div3A_957, %sub3A_977 : i32
      %select_n3A_979 = arith.select %and3A_976, %sub3A_978, %div3A_957 : i32
      %jit3A_980 = arith.constant 4 : i32
      %eq3A_981 = arith.constant 0 : i32
      %eq3A_982 = arith.cmpi eq, %jit3A_980, %eq3A_981 : i32
      %jit3A_983 = arith.constant 1 : i32
      %select_n3A_984 = arith.select %eq3A_982, %jit3A_983, %jit3A_980 : i32
      %rem3A_985 = arith.remsi %add3A_948, %select_n3A_984 : i32
      %ne3A_986 = arith.constant 0 : i32
      %ne3A_987 = arith.cmpi ne, %rem3A_985, %ne3A_986 : i32
      %lt3A_988 = arith.constant 0 : i32
      %lt3A_989 = arith.cmpi slt, %rem3A_985, %lt3A_988 : i32
      %lt3A_990 = arith.constant 0 : i32
      %lt3A_991 = arith.cmpi slt, %select_n3A_984, %lt3A_990 : i32
      %ne3A_992 = arith.xori %lt3A_989, %lt3A_991 : i1
      %and3A_993 = arith.andi %ne3A_992, %ne3A_987 : i1
      %add3A_994 = arith.addi %rem3A_985, %select_n3A_984 : i32
      %select_n3A_995 = arith.select %and3A_993, %add3A_994, %rem3A_985 : i32
      %mul3A_996 = arith.constant 32 : i32
      %mul3A_997 = arith.muli %select_n3A_995, %mul3A_996 : i32
      %dma_wait3A_998 = arith.constant 4 : i32
      %dma_wait3A_999 = arith.constant 4 : i32
      %dma_wait3A_1000 = arith.constant 0 : i32
      %dma_wait3A_1001 = arith.constant 0 : i32
      %dma_wait3A_1002 = tpu.memref_slice %arg6[%dma_wait3A_998, %dma_wait3A_1000, %dma_wait3A_1001] : memref<10x32x128xf32, #tpu.memory_space<vmem>> -> memref<1x32x128xf32, #tpu.memory_space<vmem>>
      %dma_wait3A_1003 = tpu.memref_squeeze %dma_wait3A_1002 : memref<1x32x128xf32, #tpu.memory_space<vmem>> -> memref<32x128xf32, #tpu.memory_space<vmem>>
      %dma_wait3A_1004 = tpu.memref_slice %arg5[%select_n3A_979, %mul3A_997] : memref<50x128xi32, #tpu.memory_space<vmem>> -> memref<1x32xi32, #tpu.memory_space<vmem>>
      %dma_wait3A_1005 = tpu.memref_squeeze %dma_wait3A_1004 : memref<1x32xi32, #tpu.memory_space<vmem>> -> memref<32xi32, #tpu.memory_space<vmem>>
      %dma_wait3A_1006 = arith.constant 0 : i32
      %dma_wait3A_1007 = arith.constant 0 : i32
      %dma_wait3A_1008 = tpu.memref_slice %arg3[%dma_wait3A_1006, %dma_wait3A_1007] : memref<100000x128xf32, #tpu.memory_space<hbm>> -> memref<100000x128xf32, #tpu.memory_space<hbm>>
      %dma_wait3A_1009 = tpu.memref_slice %arg7[%dma_wait3A_999] : memref<10x!tpu.dma_semaphore, #tpu.memory_space<semaphore_mem>> -> memref<1x!tpu.dma_semaphore, #tpu.memory_space<semaphore_mem>>
      %dma_wait3A_1010 = tpu.memref_squeeze %dma_wait3A_1009 : memref<1x!tpu.dma_semaphore, #tpu.memory_space<semaphore_mem>> -> memref<!tpu.dma_semaphore, #tpu.memory_space<semaphore_mem>>
      tpu.wait_indirect_dma semaphore(%dma_wait3A_1010 : memref<!tpu.dma_semaphore, #tpu.memory_space<semaphore_mem>>) src(%dma_wait3A_1008 : memref<100000x128xf32, #tpu.memory_space<hbm>>) dst(%dma_wait3A_1003 : memref<32x128xf32, #tpu.memory_space<vmem>>)
      %scan3A_1011 = arith.constant 0 : i32
      %scan3A_1012 = arith.constant 4 : i32
      %scan3A_1013 = arith.constant 0 : i32
      %scan3A_1014 = arith.constant 32 : i32
      %scan3A_1015 = arith.addi %scan3A_1013, %scan3A_1014 : i32
      %scan3A_1016 = arith.constant 1 : i32
      scf.for %scan3A_1785 = %scan3A_1013 to %scan3A_1015 step %scan3A_1016  : i32 {
        %get3A = arith.constant 0 : i32
        %get3A_1786 = arith.constant 0 : i32
        %get3A_1787 = tpu.memref_slice %arg6[%scan3A_1012, %get3A, %get3A_1786] : memref<10x32x128xf32, #tpu.memory_space<vmem>> -> memref<1x32x128xf32, #tpu.memory_space<vmem>>
        %get3A_1788 = tpu.memref_squeeze %get3A_1787 : memref<1x32x128xf32, #tpu.memory_space<vmem>> -> memref<32x128xf32, #tpu.memory_space<vmem>>
        %get3A_1789 = arith.index_cast %scan3A_1785 : i32 to index
        %get3A_1790 = arith.constant 0 : index
        %get3A_1791 = tpu.vector_load %get3A_1788[%get3A_1789, %get3A_1790] {strides = array<i32>} : memref<32x128xf32, #tpu.memory_space<vmem>>, vector<1x16xf32>,
        %get3A_1792 = vector.shape_cast %get3A_1791 : vector<1x16xf32> to vector<16xf32>
        %mul3A_1793 = arith.constant 11.3137083 : f32
        %mul3A_1794 = vector.broadcast %mul3A_1793 : f32 to vector<16xf32>
        %mul3A_1795 = arith.mulf %get3A_1792, %mul3A_1794 : vector<16xf32>
        %swap3A = arith.constant 0 : i32
        %swap3A_1796 = arith.constant 0 : i32
        %swap3A_1797 = tpu.memref_slice %arg6[%scan3A_1012, %swap3A, %swap3A_1796] : memref<10x32x128xf32, #tpu.memory_space<vmem>> -> memref<1x32x128xf32, #tpu.memory_space<vmem>>
        %swap3A_1798 = tpu.memref_squeeze %swap3A_1797 : memref<1x32x128xf32, #tpu.memory_space<vmem>> -> memref<32x128xf32, #tpu.memory_space<vmem>>
        %swap3A_1799 = arith.index_cast %scan3A_1785 : i32 to index
        %swap3A_1800 = arith.constant 0 : index
        %swap3A_1801 = tpu.vector_load %swap3A_1798[%swap3A_1799, %swap3A_1800] {strides = array<i32>} : memref<32x128xf32, #tpu.memory_space<vmem>>, vector<1x16xf32>,
        %swap3A_1802 = vector.shape_cast %swap3A_1801 : vector<1x16xf32> to vector<16xf32>
        %swap3A_1803 = vector.shape_cast %mul3A_1795 : vector<16xf32> to vector<1x16xf32>
        tpu.vector_store %swap3A_1798[%swap3A_1799, %swap3A_1800], %swap3A_1803 {strides = array<i32>} : memref<32x128xf32, #tpu.memory_space<vmem>>, vector<1x16xf32>,
        %get3A_1804 = arith.constant 0 : i32
        %get3A_1805 = arith.constant 0 : i32
        %get3A_1806 = tpu.memref_slice %arg6[%scan3A_1012, %get3A_1804, %get3A_1805] : memref<10x32x128xf32, #tpu.memory_space<vmem>> -> memref<1x32x128xf32, #tpu.memory_space<vmem>>
        %get3A_1807 = tpu.memref_squeeze %get3A_1806 : memref<1x32x128xf32, #tpu.memory_space<vmem>> -> memref<32x128xf32, #tpu.memory_space<vmem>>
        %get3A_1808 = arith.index_cast %scan3A_1785 : i32 to index
        %get3A_1809 = arith.constant 16 : index
        %get3A_1810 = tpu.vector_load %get3A_1807[%get3A_1808, %get3A_1809] {strides = array<i32>} : memref<32x128xf32, #tpu.memory_space<vmem>>, vector<1x16xf32>,
        %get3A_1811 = vector.shape_cast %get3A_1810 : vector<1x16xf32> to vector<16xf32>
        %mul3A_1812 = arith.constant 11.3137083 : f32
        %mul3A_1813 = vector.broadcast %mul3A_1812 : f32 to vector<16xf32>
        %mul3A_1814 = arith.mulf %get3A_1811, %mul3A_1813 : vector<16xf32>
        %swap3A_1815 = arith.constant 0 : i32
        %swap3A_1816 = arith.constant 0 : i32
        %swap3A_1817 = tpu.memref_slice %arg6[%scan3A_1012, %swap3A_1815, %swap3A_1816] : memref<10x32x128xf32, #tpu.memory_space<vmem>> -> memref<1x32x128xf32, #tpu.memory_space<vmem>>
        %swap3A_1818 = tpu.memref_squeeze %swap3A_1817 : memref<1x32x128xf32, #tpu.memory_space<vmem>> -> memref<32x128xf32, #tpu.memory_space<vmem>>
        %swap3A_1819 = arith.index_cast %scan3A_1785 : i32 to index
        %swap3A_1820 = arith.constant 16 : index
        %swap3A_1821 = tpu.vector_load %swap3A_1818[%swap3A_1819, %swap3A_1820] {strides = array<i32>} : memref<32x128xf32, #tpu.memory_space<vmem>>, vector<1x16xf32>,
        %swap3A_1822 = vector.shape_cast %swap3A_1821 : vector<1x16xf32> to vector<16xf32>
        %swap3A_1823 = vector.shape_cast %mul3A_1814 : vector<16xf32> to vector<1x16xf32>
        tpu.vector_store %swap3A_1818[%swap3A_1819, %swap3A_1820], %swap3A_1823 {strides = array<i32>} : memref<32x128xf32, #tpu.memory_space<vmem>>, vector<1x16xf32>,
        %get3A_1824 = arith.constant 0 : i32
        %get3A_1825 = arith.constant 0 : i32
        %get3A_1826 = tpu.memref_slice %arg6[%scan3A_1012, %get3A_1824, %get3A_1825] : memref<10x32x128xf32, #tpu.memory_space<vmem>> -> memref<1x32x128xf32, #tpu.memory_space<vmem>>
        %get3A_1827 = tpu.memref_squeeze %get3A_1826 : memref<1x32x128xf32, #tpu.memory_space<vmem>> -> memref<32x128xf32, #tpu.memory_space<vmem>>
        %get3A_1828 = arith.index_cast %scan3A_1785 : i32 to index
        %get3A_1829 = arith.constant 32 : index
        %get3A_1830 = tpu.vector_load %get3A_1827[%get3A_1828, %get3A_1829] {strides = array<i32>} : memref<32x128xf32, #tpu.memory_space<vmem>>, vector<1x16xf32>,
        %get3A_1831 = vector.shape_cast %get3A_1830 : vector<1x16xf32> to vector<16xf32>
        %mul3A_1832 = arith.constant 11.3137083 : f32
        %mul3A_1833 = vector.broadcast %mul3A_1832 : f32 to vector<16xf32>
        %mul3A_1834 = arith.mulf %get3A_1831, %mul3A_1833 : vector<16xf32>
        %swap3A_1835 = arith.constant 0 : i32
        %swap3A_1836 = arith.constant 0 : i32
        %swap3A_1837 = tpu.memref_slice %arg6[%scan3A_1012, %swap3A_1835, %swap3A_1836] : memref<10x32x128xf32, #tpu.memory_space<vmem>> -> memref<1x32x128xf32, #tpu.memory_space<vmem>>
        %swap3A_1838 = tpu.memref_squeeze %swap3A_1837 : memref<1x32x128xf32, #tpu.memory_space<vmem>> -> memref<32x128xf32, #tpu.memory_space<vmem>>
        %swap3A_1839 = arith.index_cast %scan3A_1785 : i32 to index
        %swap3A_1840 = arith.constant 32 : index
        %swap3A_1841 = tpu.vector_load %swap3A_1838[%swap3A_1839, %swap3A_1840] {strides = array<i32>} : memref<32x128xf32, #tpu.memory_space<vmem>>, vector<1x16xf32>,
        %swap3A_1842 = vector.shape_cast %swap3A_1841 : vector<1x16xf32> to vector<16xf32>
        %swap3A_1843 = vector.shape_cast %mul3A_1834 : vector<16xf32> to vector<1x16xf32>
        tpu.vector_store %swap3A_1838[%swap3A_1839, %swap3A_1840], %swap3A_1843 {strides = array<i32>} : memref<32x128xf32, #tpu.memory_space<vmem>>, vector<1x16xf32>,
        %get3A_1844 = arith.constant 0 : i32
        %get3A_1845 = arith.constant 0 : i32
        %get3A_1846 = tpu.memref_slice %arg6[%scan3A_1012, %get3A_1844, %get3A_1845] : memref<10x32x128xf32, #tpu.memory_space<vmem>> -> memref<1x32x128xf32, #tpu.memory_space<vmem>>
        %get3A_1847 = tpu.memref_squeeze %get3A_1846 : memref<1x32x128xf32, #tpu.memory_space<vmem>> -> memref<32x128xf32, #tpu.memory_space<vmem>>
        %get3A_1848 = arith.index_cast %scan3A_1785 : i32 to index
        %get3A_1849 = arith.constant 48 : index
        %get3A_1850 = tpu.vector_load %get3A_1847[%get3A_1848, %get3A_1849] {strides = array<i32>} : memref<32x128xf32, #tpu.memory_space<vmem>>, vector<1x16xf32>,
        %get3A_1851 = vector.shape_cast %get3A_1850 : vector<1x16xf32> to vector<16xf32>
        %mul3A_1852 = arith.constant 11.3137083 : f32
        %mul3A_1853 = vector.broadcast %mul3A_1852 : f32 to vector<16xf32>
        %mul3A_1854 = arith.mulf %get3A_1851, %mul3A_1853 : vector<16xf32>
        %swap3A_1855 = arith.constant 0 : i32
        %swap3A_1856 = arith.constant 0 : i32
        %swap3A_1857 = tpu.memref_slice %arg6[%scan3A_1012, %swap3A_1855, %swap3A_1856] : memref<10x32x128xf32, #tpu.memory_space<vmem>> -> memref<1x32x128xf32, #tpu.memory_space<vmem>>
        %swap3A_1858 = tpu.memref_squeeze %swap3A_1857 : memref<1x32x128xf32, #tpu.memory_space<vmem>> -> memref<32x128xf32, #tpu.memory_space<vmem>>
        %swap3A_1859 = arith.index_cast %scan3A_1785 : i32 to index
        %swap3A_1860 = arith.constant 48 : index
        %swap3A_1861 = tpu.vector_load %swap3A_1858[%swap3A_1859, %swap3A_1860] {strides = array<i32>} : memref<32x128xf32, #tpu.memory_space<vmem>>, vector<1x16xf32>,
        %swap3A_1862 = vector.shape_cast %swap3A_1861 : vector<1x16xf32> to vector<16xf32>
        %swap3A_1863 = vector.shape_cast %mul3A_1854 : vector<16xf32> to vector<1x16xf32>
        tpu.vector_store %swap3A_1858[%swap3A_1859, %swap3A_1860], %swap3A_1863 {strides = array<i32>} : memref<32x128xf32, #tpu.memory_space<vmem>>, vector<1x16xf32>,
        %get3A_1864 = arith.constant 0 : i32
        %get3A_1865 = arith.constant 0 : i32
        %get3A_1866 = tpu.memref_slice %arg6[%scan3A_1012, %get3A_1864, %get3A_1865] : memref<10x32x128xf32, #tpu.memory_space<vmem>> -> memref<1x32x128xf32, #tpu.memory_space<vmem>>
        %get3A_1867 = tpu.memref_squeeze %get3A_1866 : memref<1x32x128xf32, #tpu.memory_space<vmem>> -> memref<32x128xf32, #tpu.memory_space<vmem>>
        %get3A_1868 = arith.index_cast %scan3A_1785 : i32 to index
        %get3A_1869 = arith.constant 64 : index
        %get3A_1870 = tpu.vector_load %get3A_1867[%get3A_1868, %get3A_1869] {strides = array<i32>} : memref<32x128xf32, #tpu.memory_space<vmem>>, vector<1x16xf32>,
        %get3A_1871 = vector.shape_cast %get3A_1870 : vector<1x16xf32> to vector<16xf32>
        %mul3A_1872 = arith.constant 11.3137083 : f32
        %mul3A_1873 = vector.broadcast %mul3A_1872 : f32 to vector<16xf32>
        %mul3A_1874 = arith.mulf %get3A_1871, %mul3A_1873 : vector<16xf32>
        %swap3A_1875 = arith.constant 0 : i32
        %swap3A_1876 = arith.constant 0 : i32
        %swap3A_1877 = tpu.memref_slice %arg6[%scan3A_1012, %swap3A_1875, %swap3A_1876] : memref<10x32x128xf32, #tpu.memory_space<vmem>> -> memref<1x32x128xf32, #tpu.memory_space<vmem>>
        %swap3A_1878 = tpu.memref_squeeze %swap3A_1877 : memref<1x32x128xf32, #tpu.memory_space<vmem>> -> memref<32x128xf32, #tpu.memory_space<vmem>>
        %swap3A_1879 = arith.index_cast %scan3A_1785 : i32 to index
        %swap3A_1880 = arith.constant 64 : index
        %swap3A_1881 = tpu.vector_load %swap3A_1878[%swap3A_1879, %swap3A_1880] {strides = array<i32>} : memref<32x128xf32, #tpu.memory_space<vmem>>, vector<1x16xf32>,
        %swap3A_1882 = vector.shape_cast %swap3A_1881 : vector<1x16xf32> to vector<16xf32>
        %swap3A_1883 = vector.shape_cast %mul3A_1874 : vector<16xf32> to vector<1x16xf32>
        tpu.vector_store %swap3A_1878[%swap3A_1879, %swap3A_1880], %swap3A_1883 {strides = array<i32>} : memref<32x128xf32, #tpu.memory_space<vmem>>, vector<1x16xf32>,
        %get3A_1884 = arith.constant 0 : i32
        %get3A_1885 = arith.constant 0 : i32
        %get3A_1886 = tpu.memref_slice %arg6[%scan3A_1012, %get3A_1884, %get3A_1885] : memref<10x32x128xf32, #tpu.memory_space<vmem>> -> memref<1x32x128xf32, #tpu.memory_space<vmem>>
        %get3A_1887 = tpu.memref_squeeze %get3A_1886 : memref<1x32x128xf32, #tpu.memory_space<vmem>> -> memref<32x128xf32, #tpu.memory_space<vmem>>
        %get3A_1888 = arith.index_cast %scan3A_1785 : i32 to index
        %get3A_1889 = arith.constant 80 : index
        %get3A_1890 = tpu.vector_load %get3A_1887[%get3A_1888, %get3A_1889] {strides = array<i32>} : memref<32x128xf32, #tpu.memory_space<vmem>>, vector<1x16xf32>,
        %get3A_1891 = vector.shape_cast %get3A_1890 : vector<1x16xf32> to vector<16xf32>
        %mul3A_1892 = arith.constant 11.3137083 : f32
        %mul3A_1893 = vector.broadcast %mul3A_1892 : f32 to vector<16xf32>
        %mul3A_1894 = arith.mulf %get3A_1891, %mul3A_1893 : vector<16xf32>
        %swap3A_1895 = arith.constant 0 : i32
        %swap3A_1896 = arith.constant 0 : i32
        %swap3A_1897 = tpu.memref_slice %arg6[%scan3A_1012, %swap3A_1895, %swap3A_1896] : memref<10x32x128xf32, #tpu.memory_space<vmem>> -> memref<1x32x128xf32, #tpu.memory_space<vmem>>
        %swap3A_1898 = tpu.memref_squeeze %swap3A_1897 : memref<1x32x128xf32, #tpu.memory_space<vmem>> -> memref<32x128xf32, #tpu.memory_space<vmem>>
        %swap3A_1899 = arith.index_cast %scan3A_1785 : i32 to index
        %swap3A_1900 = arith.constant 80 : index
        %swap3A_1901 = tpu.vector_load %swap3A_1898[%swap3A_1899, %swap3A_1900] {strides = array<i32>} : memref<32x128xf32, #tpu.memory_space<vmem>>, vector<1x16xf32>,
        %swap3A_1902 = vector.shape_cast %swap3A_1901 : vector<1x16xf32> to vector<16xf32>
        %swap3A_1903 = vector.shape_cast %mul3A_1894 : vector<16xf32> to vector<1x16xf32>
        tpu.vector_store %swap3A_1898[%swap3A_1899, %swap3A_1900], %swap3A_1903 {strides = array<i32>} : memref<32x128xf32, #tpu.memory_space<vmem>>, vector<1x16xf32>,
        %get3A_1904 = arith.constant 0 : i32
        %get3A_1905 = arith.constant 0 : i32
        %get3A_1906 = tpu.memref_slice %arg6[%scan3A_1012, %get3A_1904, %get3A_1905] : memref<10x32x128xf32, #tpu.memory_space<vmem>> -> memref<1x32x128xf32, #tpu.memory_space<vmem>>
        %get3A_1907 = tpu.memref_squeeze %get3A_1906 : memref<1x32x128xf32, #tpu.memory_space<vmem>> -> memref<32x128xf32, #tpu.memory_space<vmem>>
        %get3A_1908 = arith.index_cast %scan3A_1785 : i32 to index
        %get3A_1909 = arith.constant 96 : index
        %get3A_1910 = tpu.vector_load %get3A_1907[%get3A_1908, %get3A_1909] {strides = array<i32>} : memref<32x128xf32, #tpu.memory_space<vmem>>, vector<1x16xf32>,
        %get3A_1911 = vector.shape_cast %get3A_1910 : vector<1x16xf32> to vector<16xf32>
        %mul3A_1912 = arith.constant 11.3137083 : f32
        %mul3A_1913 = vector.broadcast %mul3A_1912 : f32 to vector<16xf32>
        %mul3A_1914 = arith.mulf %get3A_1911, %mul3A_1913 : vector<16xf32>
        %swap3A_1915 = arith.constant 0 : i32
        %swap3A_1916 = arith.constant 0 : i32
        %swap3A_1917 = tpu.memref_slice %arg6[%scan3A_1012, %swap3A_1915, %swap3A_1916] : memref<10x32x128xf32, #tpu.memory_space<vmem>> -> memref<1x32x128xf32, #tpu.memory_space<vmem>>
        %swap3A_1918 = tpu.memref_squeeze %swap3A_1917 : memref<1x32x128xf32, #tpu.memory_space<vmem>> -> memref<32x128xf32, #tpu.memory_space<vmem>>
        %swap3A_1919 = arith.index_cast %scan3A_1785 : i32 to index
        %swap3A_1920 = arith.constant 96 : index
        %swap3A_1921 = tpu.vector_load %swap3A_1918[%swap3A_1919, %swap3A_1920] {strides = array<i32>} : memref<32x128xf32, #tpu.memory_space<vmem>>, vector<1x16xf32>,
        %swap3A_1922 = vector.shape_cast %swap3A_1921 : vector<1x16xf32> to vector<16xf32>
        %swap3A_1923 = vector.shape_cast %mul3A_1914 : vector<16xf32> to vector<1x16xf32>
        tpu.vector_store %swap3A_1918[%swap3A_1919, %swap3A_1920], %swap3A_1923 {strides = array<i32>} : memref<32x128xf32, #tpu.memory_space<vmem>>, vector<1x16xf32>,
        %get3A_1924 = arith.constant 0 : i32
        %get3A_1925 = arith.constant 0 : i32
        %get3A_1926 = tpu.memref_slice %arg6[%scan3A_1012, %get3A_1924, %get3A_1925] : memref<10x32x128xf32, #tpu.memory_space<vmem>> -> memref<1x32x128xf32, #tpu.memory_space<vmem>>
        %get3A_1927 = tpu.memref_squeeze %get3A_1926 : memref<1x32x128xf32, #tpu.memory_space<vmem>> -> memref<32x128xf32, #tpu.memory_space<vmem>>
        %get3A_1928 = arith.index_cast %scan3A_1785 : i32 to index
        %get3A_1929 = arith.constant 112 : index
        %get3A_1930 = tpu.vector_load %get3A_1927[%get3A_1928, %get3A_1929] {strides = array<i32>} : memref<32x128xf32, #tpu.memory_space<vmem>>, vector<1x16xf32>,
        %get3A_1931 = vector.shape_cast %get3A_1930 : vector<1x16xf32> to vector<16xf32>
        %mul3A_1932 = arith.constant 11.3137083 : f32
        %mul3A_1933 = vector.broadcast %mul3A_1932 : f32 to vector<16xf32>
        %mul3A_1934 = arith.mulf %get3A_1931, %mul3A_1933 : vector<16xf32>
        %swap3A_1935 = arith.constant 0 : i32
        %swap3A_1936 = arith.constant 0 : i32
        %swap3A_1937 = tpu.memref_slice %arg6[%scan3A_1012, %swap3A_1935, %swap3A_1936] : memref<10x32x128xf32, #tpu.memory_space<vmem>> -> memref<1x32x128xf32, #tpu.memory_space<vmem>>
        %swap3A_1938 = tpu.memref_squeeze %swap3A_1937 : memref<1x32x128xf32, #tpu.memory_space<vmem>> -> memref<32x128xf32, #tpu.memory_space<vmem>>
        %swap3A_1939 = arith.index_cast %scan3A_1785 : i32 to index
        %swap3A_1940 = arith.constant 112 : index
        %swap3A_1941 = tpu.vector_load %swap3A_1938[%swap3A_1939, %swap3A_1940] {strides = array<i32>} : memref<32x128xf32, #tpu.memory_space<vmem>>, vector<1x16xf32>,
        %swap3A_1942 = vector.shape_cast %swap3A_1941 : vector<1x16xf32> to vector<16xf32>
        %swap3A_1943 = vector.shape_cast %mul3A_1934 : vector<16xf32> to vector<1x16xf32>
        tpu.vector_store %swap3A_1938[%swap3A_1939, %swap3A_1940], %swap3A_1943 {strides = array<i32>} : memref<32x128xf32, #tpu.memory_space<vmem>>, vector<1x16xf32>,
      }
      %scan3A_1017 = arith.constant 32 : i32
      %jit3A_1018 = arith.constant 4 : i32
      %div3A_1019 = arith.divsi %add3A_948, %jit3A_1018 : i32
      %sign3A_1020 = arith.constant 0 : i32
      %sign3A_1021 = arith.cmpi sgt, %add3A_948, %sign3A_1020 : i32
      %sign3A_1022 = arith.extui %sign3A_1021 : i1 to i32
      %sign3A_1023 = arith.constant 0 : i32
      %sign3A_1024 = arith.cmpi slt, %add3A_948, %sign3A_1023 : i32
      %sign3A_1025 = arith.extui %sign3A_1024 : i1 to i32
      %sign3A_1026 = arith.subi %sign3A_1022, %sign3A_1025 : i32
      %sign3A_1027 = arith.constant 0 : i32
      %sign3A_1028 = arith.cmpi sgt, %jit3A_1018, %sign3A_1027 : i32
      %sign3A_1029 = arith.extui %sign3A_1028 : i1 to i32
      %sign3A_1030 = arith.constant 0 : i32
      %sign3A_1031 = arith.cmpi slt, %jit3A_1018, %sign3A_1030 : i32
      %sign3A_1032 = arith.extui %sign3A_1031 : i1 to i32
      %sign3A_1033 = arith.subi %sign3A_1029, %sign3A_1032 : i32
      %ne3A_1034 = arith.cmpi ne, %sign3A_1026, %sign3A_1033 : i32
      %rem3A_1035 = arith.remsi %add3A_948, %jit3A_1018 : i32
      %ne3A_1036 = arith.constant 0 : i32
      %ne3A_1037 = arith.cmpi ne, %rem3A_1035, %ne3A_1036 : i32
      %and3A_1038 = arith.andi %ne3A_1034, %ne3A_1037 : i1
      %sub3A_1039 = arith.constant 1 : i32
      %sub3A_1040 = arith.subi %div3A_1019, %sub3A_1039 : i32
      %select_n3A_1041 = arith.select %and3A_1038, %sub3A_1040, %div3A_1019 : i32
      %jit3A_1042 = arith.constant 4 : i32
      %eq3A_1043 = arith.constant 0 : i32
      %eq3A_1044 = arith.cmpi eq, %jit3A_1042, %eq3A_1043 : i32
      %jit3A_1045 = arith.constant 1 : i32
      %select_n3A_1046 = arith.select %eq3A_1044, %jit3A_1045, %jit3A_1042 : i32
      %rem3A_1047 = arith.remsi %add3A_948, %select_n3A_1046 : i32
      %ne3A_1048 = arith.constant 0 : i32
      %ne3A_1049 = arith.cmpi ne, %rem3A_1047, %ne3A_1048 : i32
      %lt3A_1050 = arith.constant 0 : i32
      %lt3A_1051 = arith.cmpi slt, %rem3A_1047, %lt3A_1050 : i32
      %lt3A_1052 = arith.constant 0 : i32
      %lt3A_1053 = arith.cmpi slt, %select_n3A_1046, %lt3A_1052 : i32
      %ne3A_1054 = arith.xori %lt3A_1051, %lt3A_1053 : i1
      %and3A_1055 = arith.andi %ne3A_1054, %ne3A_1049 : i1
      %add3A_1056 = arith.addi %rem3A_1047, %select_n3A_1046 : i32
      %select_n3A_1057 = arith.select %and3A_1055, %add3A_1056, %rem3A_1047 : i32
      %mul3A_1058 = arith.constant 32 : i32
      %mul3A_1059 = arith.muli %select_n3A_1057, %mul3A_1058 : i32
      %add3A_1060 = arith.addi %mul3A_2, %mul3A_1059 : i32
      %dma_start3A_1061 = arith.constant 4 : i32
      %dma_start3A_1062 = arith.constant 4 : i32
      %dma_start3A_1063 = arith.constant 0 : i32
      %dma_start3A_1064 = arith.constant 0 : i32
      %dma_start3A_1065 = tpu.memref_slice %arg6[%dma_start3A_1061, %dma_start3A_1063, %dma_start3A_1064] : memref<10x32x128xf32, #tpu.memory_space<vmem>> -> memref<1x32x128xf32, #tpu.memory_space<vmem>>
      %dma_start3A_1066 = tpu.memref_squeeze %dma_start3A_1065 : memref<1x32x128xf32, #tpu.memory_space<vmem>> -> memref<32x128xf32, #tpu.memory_space<vmem>>
      %dma_start3A_1067 = arith.constant 0 : i32
      %dma_start3A_1068 = arith.constant 0 : i32
      %dma_start3A_1069 = tpu.memref_slice %arg4[%select_n3A_1041, %dma_start3A_1067, %dma_start3A_1068] : memref<50x4096x128xf32, #tpu.memory_space<hbm>> -> memref<1x4096x128xf32, #tpu.memory_space<hbm>>
      %dma_start3A_1070 = tpu.memref_squeeze %dma_start3A_1069 : memref<1x4096x128xf32, #tpu.memory_space<hbm>> -> memref<4096x128xf32, #tpu.memory_space<hbm>>
      %dma_start3A_1071 = arith.constant 0 : i32
      %dma_start3A_1072 = tpu.memref_slice %dma_start3A_1070[%add3A_1060, %dma_start3A_1071] : memref<4096x128xf32, #tpu.memory_space<hbm>> -> memref<32x128xf32, #tpu.memory_space<hbm>>
      %dma_start3A_1073 = tpu.memref_slice %arg8[%dma_start3A_1062] : memref<10x!tpu.dma_semaphore, #tpu.memory_space<semaphore_mem>> -> memref<1x!tpu.dma_semaphore, #tpu.memory_space<semaphore_mem>>
      %dma_start3A_1074 = tpu.memref_squeeze %dma_start3A_1073 : memref<1x!tpu.dma_semaphore, #tpu.memory_space<semaphore_mem>> -> memref<!tpu.dma_semaphore, #tpu.memory_space<semaphore_mem>>
      %dma_start3A_1075 = arith.constant 0 : i32
      %dma_start3A_1076 = arith.constant 0 : i32
      %dma_start3A_1077 = tpu.memref_slice %arg4[%select_n3A_1041, %dma_start3A_1075, %dma_start3A_1076] : memref<50x4096x128xf32, #tpu.memory_space<hbm>> -> memref<1x4096x128xf32, #tpu.memory_space<hbm>>
      %dma_start3A_1078 = tpu.memref_squeeze %dma_start3A_1077 : memref<1x4096x128xf32, #tpu.memory_space<hbm>> -> memref<4096x128xf32, #tpu.memory_space<hbm>>
      %dma_start3A_1079 = arith.constant 0 : i32
      %dma_start3A_1080 = tpu.memref_slice %dma_start3A_1078[%add3A_1060, %dma_start3A_1079] : memref<4096x128xf32, #tpu.memory_space<hbm>> -> memref<32x128xf32, #tpu.memory_space<hbm>>
      %dma_start3A_1081 = arith.constant 0 : i32
      %dma_start3A_1082 = arith.constant 0 : i32
      %dma_start3A_1083 = tpu.memref_slice %arg6[%dma_start3A_1061, %dma_start3A_1081, %dma_start3A_1082] : memref<10x32x128xf32, #tpu.memory_space<vmem>> -> memref<1x32x128xf32, #tpu.memory_space<vmem>>
      %dma_start3A_1084 = tpu.memref_squeeze %dma_start3A_1083 : memref<1x32x128xf32, #tpu.memory_space<vmem>> -> memref<32x128xf32, #tpu.memory_space<vmem>>
      tpu.enqueue_dma source(%dma_start3A_1084 : memref<32x128xf32, #tpu.memory_space<vmem>>) target(%dma_start3A_1080 : memref<32x128xf32, #tpu.memory_space<hbm>>) target_semaphore(%dma_start3A_1074 : memref<!tpu.dma_semaphore, #tpu.memory_space<semaphore_mem>>)
      %mul3A_1085 = arith.constant 10 : i32
      %mul3A_1086 = arith.muli %scan3A_396, %mul3A_1085 : i32
      %add3A_1087 = arith.constant 5 : i32
      %add3A_1088 = arith.addi %mul3A_1086, %add3A_1087 : i32
      %add3A_1089 = arith.constant 8 : i32
      %add3A_1090 = arith.addi %add3A_1088, %add3A_1089 : i32
      %lt3A_1091 = arith.constant 200 : i32
      %lt3A_1092 = arith.cmpi slt, %add3A_1090, %lt3A_1091 : i32
      %convert_element_type3A_1093 = arith.extui %lt3A_1092 : i1 to i32
      %cond3A_1094 = arith.constant 0 : i32
      %cond3A_1095 = arith.cmpi ne, %convert_element_type3A_1093, %cond3A_1094 : i32
      scf.if %cond3A_1095 {
        %ge3A = arith.constant 10 : i32
        %ge3A_1785 = arith.cmpi sge, %add3A_1090, %ge3A : i32
        %convert_element_type3A_1786 = arith.extui %ge3A_1785 : i1 to i32
        %cond3A_1787 = arith.constant 0 : i32
        %cond3A_1788 = arith.cmpi ne, %convert_element_type3A_1786, %cond3A_1787 : i32
        scf.if %cond3A_1788 {
          %sub3A_1844 = arith.constant 10 : i32
          %sub3A_1845 = arith.subi %add3A_1090, %sub3A_1844 : i32
          %jit3A_1846 = arith.constant 4 : i32
          %div3A_1847 = arith.divsi %sub3A_1845, %jit3A_1846 : i32
          %sign3A_1848 = arith.constant 0 : i32
          %sign3A_1849 = arith.cmpi sgt, %sub3A_1845, %sign3A_1848 : i32
          %sign3A_1850 = arith.extui %sign3A_1849 : i1 to i32
          %sign3A_1851 = arith.constant 0 : i32
          %sign3A_1852 = arith.cmpi slt, %sub3A_1845, %sign3A_1851 : i32
          %sign3A_1853 = arith.extui %sign3A_1852 : i1 to i32
          %sign3A_1854 = arith.subi %sign3A_1850, %sign3A_1853 : i32
          %sign3A_1855 = arith.constant 0 : i32
          %sign3A_1856 = arith.cmpi sgt, %jit3A_1846, %sign3A_1855 : i32
          %sign3A_1857 = arith.extui %sign3A_1856 : i1 to i32
          %sign3A_1858 = arith.constant 0 : i32
          %sign3A_1859 = arith.cmpi slt, %jit3A_1846, %sign3A_1858 : i32
          %sign3A_1860 = arith.extui %sign3A_1859 : i1 to i32
          %sign3A_1861 = arith.subi %sign3A_1857, %sign3A_1860 : i32
          %ne3A_1862 = arith.cmpi ne, %sign3A_1854, %sign3A_1861 : i32
          %rem3A_1863 = arith.remsi %sub3A_1845, %jit3A_1846 : i32
          %ne3A_1864 = arith.constant 0 : i32
          %ne3A_1865 = arith.cmpi ne, %rem3A_1863, %ne3A_1864 : i32
          %and3A_1866 = arith.andi %ne3A_1862, %ne3A_1865 : i1
          %sub3A_1867 = arith.constant 1 : i32
          %sub3A_1868 = arith.subi %div3A_1847, %sub3A_1867 : i32
          %select_n3A_1869 = arith.select %and3A_1866, %sub3A_1868, %div3A_1847 : i32
          %jit3A_1870 = arith.constant 4 : i32
          %eq3A_1871 = arith.constant 0 : i32
          %eq3A_1872 = arith.cmpi eq, %jit3A_1870, %eq3A_1871 : i32
          %jit3A_1873 = arith.constant 1 : i32
          %select_n3A_1874 = arith.select %eq3A_1872, %jit3A_1873, %jit3A_1870 : i32
          %rem3A_1875 = arith.remsi %sub3A_1845, %select_n3A_1874 : i32
          %ne3A_1876 = arith.constant 0 : i32
          %ne3A_1877 = arith.cmpi ne, %rem3A_1875, %ne3A_1876 : i32
          %lt3A_1878 = arith.constant 0 : i32
          %lt3A_1879 = arith.cmpi slt, %rem3A_1875, %lt3A_1878 : i32
          %lt3A_1880 = arith.constant 0 : i32
          %lt3A_1881 = arith.cmpi slt, %select_n3A_1874, %lt3A_1880 : i32
          %ne3A_1882 = arith.xori %lt3A_1879, %lt3A_1881 : i1
          %and3A_1883 = arith.andi %ne3A_1882, %ne3A_1877 : i1
          %add3A_1884 = arith.addi %rem3A_1875, %select_n3A_1874 : i32
          %select_n3A_1885 = arith.select %and3A_1883, %add3A_1884, %rem3A_1875 : i32
          %mul3A_1886 = arith.constant 32 : i32
          %mul3A_1887 = arith.muli %select_n3A_1885, %mul3A_1886 : i32
          %add3A_1888 = arith.addi %mul3A_2, %mul3A_1887 : i32
          %dma_wait3A_1889 = arith.constant 3 : i32
          %dma_wait3A_1890 = arith.constant 3 : i32
          %dma_wait3A_1891 = arith.constant 0 : i32
          %dma_wait3A_1892 = arith.constant 0 : i32
          %dma_wait3A_1893 = tpu.memref_slice %arg6[%dma_wait3A_1889, %dma_wait3A_1891, %dma_wait3A_1892] : memref<10x32x128xf32, #tpu.memory_space<vmem>> -> memref<1x32x128xf32, #tpu.memory_space<vmem>>
          %dma_wait3A_1894 = tpu.memref_squeeze %dma_wait3A_1893 : memref<1x32x128xf32, #tpu.memory_space<vmem>> -> memref<32x128xf32, #tpu.memory_space<vmem>>
          %dma_wait3A_1895 = arith.constant 0 : i32
          %dma_wait3A_1896 = arith.constant 0 : i32
          %dma_wait3A_1897 = tpu.memref_slice %arg4[%select_n3A_1869, %dma_wait3A_1895, %dma_wait3A_1896] : memref<50x4096x128xf32, #tpu.memory_space<hbm>> -> memref<1x4096x128xf32, #tpu.memory_space<hbm>>
          %dma_wait3A_1898 = tpu.memref_squeeze %dma_wait3A_1897 : memref<1x4096x128xf32, #tpu.memory_space<hbm>> -> memref<4096x128xf32, #tpu.memory_space<hbm>>
          %dma_wait3A_1899 = arith.constant 0 : i32
          %dma_wait3A_1900 = tpu.memref_slice %dma_wait3A_1898[%add3A_1888, %dma_wait3A_1899] : memref<4096x128xf32, #tpu.memory_space<hbm>> -> memref<32x128xf32, #tpu.memory_space<hbm>>
          %dma_wait3A_1901 = tpu.memref_slice %arg8[%dma_wait3A_1890] : memref<10x!tpu.dma_semaphore, #tpu.memory_space<semaphore_mem>> -> memref<1x!tpu.dma_semaphore, #tpu.memory_space<semaphore_mem>>
          %dma_wait3A_1902 = tpu.memref_squeeze %dma_wait3A_1901 : memref<1x!tpu.dma_semaphore, #tpu.memory_space<semaphore_mem>> -> memref<!tpu.dma_semaphore, #tpu.memory_space<semaphore_mem>>
          %dma_wait3A_1903 = arith.constant 0 : i32
          %dma_wait3A_1904 = arith.constant 0 : i32
          %dma_wait3A_1905 = tpu.memref_slice %arg4[%select_n3A_1869, %dma_wait3A_1903, %dma_wait3A_1904] : memref<50x4096x128xf32, #tpu.memory_space<hbm>> -> memref<1x4096x128xf32, #tpu.memory_space<hbm>>
          %dma_wait3A_1906 = tpu.memref_squeeze %dma_wait3A_1905 : memref<1x4096x128xf32, #tpu.memory_space<hbm>> -> memref<4096x128xf32, #tpu.memory_space<hbm>>
          %dma_wait3A_1907 = arith.constant 0 : i32
          %dma_wait3A_1908 = tpu.memref_slice %dma_wait3A_1906[%add3A_1888, %dma_wait3A_1907] : memref<4096x128xf32, #tpu.memory_space<hbm>> -> memref<32x128xf32, #tpu.memory_space<hbm>>
          %dma_wait3A_1909 = arith.constant 0 : i32
          %dma_wait3A_1910 = arith.constant 0 : i32
          %dma_wait3A_1911 = tpu.memref_slice %arg6[%dma_wait3A_1889, %dma_wait3A_1909, %dma_wait3A_1910] : memref<10x32x128xf32, #tpu.memory_space<vmem>> -> memref<1x32x128xf32, #tpu.memory_space<vmem>>
          %dma_wait3A_1912 = tpu.memref_squeeze %dma_wait3A_1911 : memref<1x32x128xf32, #tpu.memory_space<vmem>> -> memref<32x128xf32, #tpu.memory_space<vmem>>
          tpu.wait_dma2 semaphore(%dma_wait3A_1902 : memref<!tpu.dma_semaphore, #tpu.memory_space<semaphore_mem>>) src(%dma_wait3A_1912 : memref<32x128xf32, #tpu.memory_space<vmem>>) dst(%dma_wait3A_1908 : memref<32x128xf32, #tpu.memory_space<hbm>>)
        } else {
        }
        %jit3A_1789 = arith.constant 4 : i32
        %div3A_1790 = arith.divsi %add3A_1090, %jit3A_1789 : i32
        %sign3A_1791 = arith.constant 0 : i32
        %sign3A_1792 = arith.cmpi sgt, %add3A_1090, %sign3A_1791 : i32
        %sign3A_1793 = arith.extui %sign3A_1792 : i1 to i32
        %sign3A_1794 = arith.constant 0 : i32
        %sign3A_1795 = arith.cmpi slt, %add3A_1090, %sign3A_1794 : i32
        %sign3A_1796 = arith.extui %sign3A_1795 : i1 to i32
        %sign3A_1797 = arith.subi %sign3A_1793, %sign3A_1796 : i32
        %sign3A_1798 = arith.constant 0 : i32
        %sign3A_1799 = arith.cmpi sgt, %jit3A_1789, %sign3A_1798 : i32
        %sign3A_1800 = arith.extui %sign3A_1799 : i1 to i32
        %sign3A_1801 = arith.constant 0 : i32
        %sign3A_1802 = arith.cmpi slt, %jit3A_1789, %sign3A_1801 : i32
        %sign3A_1803 = arith.extui %sign3A_1802 : i1 to i32
        %sign3A_1804 = arith.subi %sign3A_1800, %sign3A_1803 : i32
        %ne3A_1805 = arith.cmpi ne, %sign3A_1797, %sign3A_1804 : i32
        %rem3A_1806 = arith.remsi %add3A_1090, %jit3A_1789 : i32
        %ne3A_1807 = arith.constant 0 : i32
        %ne3A_1808 = arith.cmpi ne, %rem3A_1806, %ne3A_1807 : i32
        %and3A_1809 = arith.andi %ne3A_1805, %ne3A_1808 : i1
        %sub3A_1810 = arith.constant 1 : i32
        %sub3A_1811 = arith.subi %div3A_1790, %sub3A_1810 : i32
        %select_n3A_1812 = arith.select %and3A_1809, %sub3A_1811, %div3A_1790 : i32
        %jit3A_1813 = arith.constant 4 : i32
        %eq3A_1814 = arith.constant 0 : i32
        %eq3A_1815 = arith.cmpi eq, %jit3A_1813, %eq3A_1814 : i32
        %jit3A_1816 = arith.constant 1 : i32
        %select_n3A_1817 = arith.select %eq3A_1815, %jit3A_1816, %jit3A_1813 : i32
        %rem3A_1818 = arith.remsi %add3A_1090, %select_n3A_1817 : i32
        %ne3A_1819 = arith.constant 0 : i32
        %ne3A_1820 = arith.cmpi ne, %rem3A_1818, %ne3A_1819 : i32
        %lt3A_1821 = arith.constant 0 : i32
        %lt3A_1822 = arith.cmpi slt, %rem3A_1818, %lt3A_1821 : i32
        %lt3A_1823 = arith.constant 0 : i32
        %lt3A_1824 = arith.cmpi slt, %select_n3A_1817, %lt3A_1823 : i32
        %ne3A_1825 = arith.xori %lt3A_1822, %lt3A_1824 : i1
        %and3A_1826 = arith.andi %ne3A_1825, %ne3A_1820 : i1
        %add3A_1827 = arith.addi %rem3A_1818, %select_n3A_1817 : i32
        %select_n3A_1828 = arith.select %and3A_1826, %add3A_1827, %rem3A_1818 : i32
        %mul3A_1829 = arith.constant 32 : i32
        %mul3A_1830 = arith.muli %select_n3A_1828, %mul3A_1829 : i32
        %dma_start3A_1831 = arith.constant 3 : i32
        %dma_start3A_1832 = arith.constant 3 : i32
        %dma_start3A_1833 = arith.constant 0 : i32
        %dma_start3A_1834 = arith.constant 0 : i32
        %dma_start3A_1835 = tpu.memref_slice %arg6[%dma_start3A_1831, %dma_start3A_1833, %dma_start3A_1834] : memref<10x32x128xf32, #tpu.memory_space<vmem>> -> memref<1x32x128xf32, #tpu.memory_space<vmem>>
        %dma_start3A_1836 = tpu.memref_squeeze %dma_start3A_1835 : memref<1x32x128xf32, #tpu.memory_space<vmem>> -> memref<32x128xf32, #tpu.memory_space<vmem>>
        %dma_start3A_1837 = tpu.memref_slice %arg5[%select_n3A_1812, %mul3A_1830] : memref<50x128xi32, #tpu.memory_space<vmem>> -> memref<1x32xi32, #tpu.memory_space<vmem>>
        %dma_start3A_1838 = tpu.memref_squeeze %dma_start3A_1837 : memref<1x32xi32, #tpu.memory_space<vmem>> -> memref<32xi32, #tpu.memory_space<vmem>>
        %dma_start3A_1839 = arith.constant 0 : i32
        %dma_start3A_1840 = arith.constant 0 : i32
        %dma_start3A_1841 = tpu.memref_slice %arg3[%dma_start3A_1839, %dma_start3A_1840] : memref<100000x128xf32, #tpu.memory_space<hbm>> -> memref<100000x128xf32, #tpu.memory_space<hbm>>
        %dma_start3A_1842 = tpu.memref_slice %arg7[%dma_start3A_1832] : memref<10x!tpu.dma_semaphore, #tpu.memory_space<semaphore_mem>> -> memref<1x!tpu.dma_semaphore, #tpu.memory_space<semaphore_mem>>
        %dma_start3A_1843 = tpu.memref_squeeze %dma_start3A_1842 : memref<1x!tpu.dma_semaphore, #tpu.memory_space<semaphore_mem>> -> memref<!tpu.dma_semaphore, #tpu.memory_space<semaphore_mem>>
        tpu.enqueue_indirect_dma source(%dma_start3A_1841 : memref<100000x128xf32, #tpu.memory_space<hbm>>) target(%dma_start3A_1836 : memref<32x128xf32, #tpu.memory_space<vmem>>) offsets(%dma_start3A_1838 : memref<32xi32, #tpu.memory_space<vmem>>) semaphore(%dma_start3A_1843 : memref<!tpu.dma_semaphore, #tpu.memory_space<semaphore_mem>>)
      } else {
      }
      %jit3A_1096 = arith.constant 4 : i32
      %div3A_1097 = arith.divsi %add3A_1088, %jit3A_1096 : i32
      %sign3A_1098 = arith.constant 0 : i32
      %sign3A_1099 = arith.cmpi sgt, %add3A_1088, %sign3A_1098 : i32
      %sign3A_1100 = arith.extui %sign3A_1099 : i1 to i32
      %sign3A_1101 = arith.constant 0 : i32
      %sign3A_1102 = arith.cmpi slt, %add3A_1088, %sign3A_1101 : i32
      %sign3A_1103 = arith.extui %sign3A_1102 : i1 to i32
      %sign3A_1104 = arith.subi %sign3A_1100, %sign3A_1103 : i32
      %sign3A_1105 = arith.constant 0 : i32
      %sign3A_1106 = arith.cmpi sgt, %jit3A_1096, %sign3A_1105 : i32
      %sign3A_1107 = arith.extui %sign3A_1106 : i1 to i32
      %sign3A_1108 = arith.constant 0 : i32
      %sign3A_1109 = arith.cmpi slt, %jit3A_1096, %sign3A_1108 : i32
      %sign3A_1110 = arith.extui %sign3A_1109 : i1 to i32
      %sign3A_1111 = arith.subi %sign3A_1107, %sign3A_1110 : i32
      %ne3A_1112 = arith.cmpi ne, %sign3A_1104, %sign3A_1111 : i32
      %rem3A_1113 = arith.remsi %add3A_1088, %jit3A_1096 : i32
      %ne3A_1114 = arith.constant 0 : i32
      %ne3A_1115 = arith.cmpi ne, %rem3A_1113, %ne3A_1114 : i32
      %and3A_1116 = arith.andi %ne3A_1112, %ne3A_1115 : i1
      %sub3A_1117 = arith.constant 1 : i32
      %sub3A_1118 = arith.subi %div3A_1097, %sub3A_1117 : i32
      %select_n3A_1119 = arith.select %and3A_1116, %sub3A_1118, %div3A_1097 : i32
      %jit3A_1120 = arith.constant 4 : i32
      %eq3A_1121 = arith.constant 0 : i32
      %eq3A_1122 = arith.cmpi eq, %jit3A_1120, %eq3A_1121 : i32
      %jit3A_1123 = arith.constant 1 : i32
      %select_n3A_1124 = arith.select %eq3A_1122, %jit3A_1123, %jit3A_1120 : i32
      %rem3A_1125 = arith.remsi %add3A_1088, %select_n3A_1124 : i32
      %ne3A_1126 = arith.constant 0 : i32
      %ne3A_1127 = arith.cmpi ne, %rem3A_1125, %ne3A_1126 : i32
      %lt3A_1128 = arith.constant 0 : i32
      %lt3A_1129 = arith.cmpi slt, %rem3A_1125, %lt3A_1128 : i32
      %lt3A_1130 = arith.constant 0 : i32
      %lt3A_1131 = arith.cmpi slt, %select_n3A_1124, %lt3A_1130 : i32
      %ne3A_1132 = arith.xori %lt3A_1129, %lt3A_1131 : i1
      %and3A_1133 = arith.andi %ne3A_1132, %ne3A_1127 : i1
      %add3A_1134 = arith.addi %rem3A_1125, %select_n3A_1124 : i32
      %select_n3A_1135 = arith.select %and3A_1133, %add3A_1134, %rem3A_1125 : i32
      %mul3A_1136 = arith.constant 32 : i32
      %mul3A_1137 = arith.muli %select_n3A_1135, %mul3A_1136 : i32
      %dma_wait3A_1138 = arith.constant 5 : i32
      %dma_wait3A_1139 = arith.constant 5 : i32
      %dma_wait3A_1140 = arith.constant 0 : i32
      %dma_wait3A_1141 = arith.constant 0 : i32
      %dma_wait3A_1142 = tpu.memref_slice %arg6[%dma_wait3A_1138, %dma_wait3A_1140, %dma_wait3A_1141] : memref<10x32x128xf32, #tpu.memory_space<vmem>> -> memref<1x32x128xf32, #tpu.memory_space<vmem>>
      %dma_wait3A_1143 = tpu.memref_squeeze %dma_wait3A_1142 : memref<1x32x128xf32, #tpu.memory_space<vmem>> -> memref<32x128xf32, #tpu.memory_space<vmem>>
      %dma_wait3A_1144 = tpu.memref_slice %arg5[%select_n3A_1119, %mul3A_1137] : memref<50x128xi32, #tpu.memory_space<vmem>> -> memref<1x32xi32, #tpu.memory_space<vmem>>
      %dma_wait3A_1145 = tpu.memref_squeeze %dma_wait3A_1144 : memref<1x32xi32, #tpu.memory_space<vmem>> -> memref<32xi32, #tpu.memory_space<vmem>>
      %dma_wait3A_1146 = arith.constant 0 : i32
      %dma_wait3A_1147 = arith.constant 0 : i32
      %dma_wait3A_1148 = tpu.memref_slice %arg3[%dma_wait3A_1146, %dma_wait3A_1147] : memref<100000x128xf32, #tpu.memory_space<hbm>> -> memref<100000x128xf32, #tpu.memory_space<hbm>>
      %dma_wait3A_1149 = tpu.memref_slice %arg7[%dma_wait3A_1139] : memref<10x!tpu.dma_semaphore, #tpu.memory_space<semaphore_mem>> -> memref<1x!tpu.dma_semaphore, #tpu.memory_space<semaphore_mem>>
      %dma_wait3A_1150 = tpu.memref_squeeze %dma_wait3A_1149 : memref<1x!tpu.dma_semaphore, #tpu.memory_space<semaphore_mem>> -> memref<!tpu.dma_semaphore, #tpu.memory_space<semaphore_mem>>
      tpu.wait_indirect_dma semaphore(%dma_wait3A_1150 : memref<!tpu.dma_semaphore, #tpu.memory_space<semaphore_mem>>) src(%dma_wait3A_1148 : memref<100000x128xf32, #tpu.memory_space<hbm>>) dst(%dma_wait3A_1143 : memref<32x128xf32, #tpu.memory_space<vmem>>)
      %scan3A_1151 = arith.constant 0 : i32
      %scan3A_1152 = arith.constant 5 : i32
      %scan3A_1153 = arith.constant 0 : i32
      %scan3A_1154 = arith.constant 32 : i32
      %scan3A_1155 = arith.addi %scan3A_1153, %scan3A_1154 : i32
      %scan3A_1156 = arith.constant 1 : i32
      scf.for %scan3A_1785 = %scan3A_1153 to %scan3A_1155 step %scan3A_1156  : i32 {
        %get3A = arith.constant 0 : i32
        %get3A_1786 = arith.constant 0 : i32
        %get3A_1787 = tpu.memref_slice %arg6[%scan3A_1152, %get3A, %get3A_1786] : memref<10x32x128xf32, #tpu.memory_space<vmem>> -> memref<1x32x128xf32, #tpu.memory_space<vmem>>
        %get3A_1788 = tpu.memref_squeeze %get3A_1787 : memref<1x32x128xf32, #tpu.memory_space<vmem>> -> memref<32x128xf32, #tpu.memory_space<vmem>>
        %get3A_1789 = arith.index_cast %scan3A_1785 : i32 to index
        %get3A_1790 = arith.constant 0 : index
        %get3A_1791 = tpu.vector_load %get3A_1788[%get3A_1789, %get3A_1790] {strides = array<i32>} : memref<32x128xf32, #tpu.memory_space<vmem>>, vector<1x16xf32>,
        %get3A_1792 = vector.shape_cast %get3A_1791 : vector<1x16xf32> to vector<16xf32>
        %mul3A_1793 = arith.constant 11.3137083 : f32
        %mul3A_1794 = vector.broadcast %mul3A_1793 : f32 to vector<16xf32>
        %mul3A_1795 = arith.mulf %get3A_1792, %mul3A_1794 : vector<16xf32>
        %swap3A = arith.constant 0 : i32
        %swap3A_1796 = arith.constant 0 : i32
        %swap3A_1797 = tpu.memref_slice %arg6[%scan3A_1152, %swap3A, %swap3A_1796] : memref<10x32x128xf32, #tpu.memory_space<vmem>> -> memref<1x32x128xf32, #tpu.memory_space<vmem>>
        %swap3A_1798 = tpu.memref_squeeze %swap3A_1797 : memref<1x32x128xf32, #tpu.memory_space<vmem>> -> memref<32x128xf32, #tpu.memory_space<vmem>>
        %swap3A_1799 = arith.index_cast %scan3A_1785 : i32 to index
        %swap3A_1800 = arith.constant 0 : index
        %swap3A_1801 = tpu.vector_load %swap3A_1798[%swap3A_1799, %swap3A_1800] {strides = array<i32>} : memref<32x128xf32, #tpu.memory_space<vmem>>, vector<1x16xf32>,
        %swap3A_1802 = vector.shape_cast %swap3A_1801 : vector<1x16xf32> to vector<16xf32>
        %swap3A_1803 = vector.shape_cast %mul3A_1795 : vector<16xf32> to vector<1x16xf32>
        tpu.vector_store %swap3A_1798[%swap3A_1799, %swap3A_1800], %swap3A_1803 {strides = array<i32>} : memref<32x128xf32, #tpu.memory_space<vmem>>, vector<1x16xf32>,
        %get3A_1804 = arith.constant 0 : i32
        %get3A_1805 = arith.constant 0 : i32
        %get3A_1806 = tpu.memref_slice %arg6[%scan3A_1152, %get3A_1804, %get3A_1805] : memref<10x32x128xf32, #tpu.memory_space<vmem>> -> memref<1x32x128xf32, #tpu.memory_space<vmem>>
        %get3A_1807 = tpu.memref_squeeze %get3A_1806 : memref<1x32x128xf32, #tpu.memory_space<vmem>> -> memref<32x128xf32, #tpu.memory_space<vmem>>
        %get3A_1808 = arith.index_cast %scan3A_1785 : i32 to index
        %get3A_1809 = arith.constant 16 : index
        %get3A_1810 = tpu.vector_load %get3A_1807[%get3A_1808, %get3A_1809] {strides = array<i32>} : memref<32x128xf32, #tpu.memory_space<vmem>>, vector<1x16xf32>,
        %get3A_1811 = vector.shape_cast %get3A_1810 : vector<1x16xf32> to vector<16xf32>
        %mul3A_1812 = arith.constant 11.3137083 : f32
        %mul3A_1813 = vector.broadcast %mul3A_1812 : f32 to vector<16xf32>
        %mul3A_1814 = arith.mulf %get3A_1811, %mul3A_1813 : vector<16xf32>
        %swap3A_1815 = arith.constant 0 : i32
        %swap3A_1816 = arith.constant 0 : i32
        %swap3A_1817 = tpu.memref_slice %arg6[%scan3A_1152, %swap3A_1815, %swap3A_1816] : memref<10x32x128xf32, #tpu.memory_space<vmem>> -> memref<1x32x128xf32, #tpu.memory_space<vmem>>
        %swap3A_1818 = tpu.memref_squeeze %swap3A_1817 : memref<1x32x128xf32, #tpu.memory_space<vmem>> -> memref<32x128xf32, #tpu.memory_space<vmem>>
        %swap3A_1819 = arith.index_cast %scan3A_1785 : i32 to index
        %swap3A_1820 = arith.constant 16 : index
        %swap3A_1821 = tpu.vector_load %swap3A_1818[%swap3A_1819, %swap3A_1820] {strides = array<i32>} : memref<32x128xf32, #tpu.memory_space<vmem>>, vector<1x16xf32>,
        %swap3A_1822 = vector.shape_cast %swap3A_1821 : vector<1x16xf32> to vector<16xf32>
        %swap3A_1823 = vector.shape_cast %mul3A_1814 : vector<16xf32> to vector<1x16xf32>
        tpu.vector_store %swap3A_1818[%swap3A_1819, %swap3A_1820], %swap3A_1823 {strides = array<i32>} : memref<32x128xf32, #tpu.memory_space<vmem>>, vector<1x16xf32>,
        %get3A_1824 = arith.constant 0 : i32
        %get3A_1825 = arith.constant 0 : i32
        %get3A_1826 = tpu.memref_slice %arg6[%scan3A_1152, %get3A_1824, %get3A_1825] : memref<10x32x128xf32, #tpu.memory_space<vmem>> -> memref<1x32x128xf32, #tpu.memory_space<vmem>>
        %get3A_1827 = tpu.memref_squeeze %get3A_1826 : memref<1x32x128xf32, #tpu.memory_space<vmem>> -> memref<32x128xf32, #tpu.memory_space<vmem>>
        %get3A_1828 = arith.index_cast %scan3A_1785 : i32 to index
        %get3A_1829 = arith.constant 32 : index
        %get3A_1830 = tpu.vector_load %get3A_1827[%get3A_1828, %get3A_1829] {strides = array<i32>} : memref<32x128xf32, #tpu.memory_space<vmem>>, vector<1x16xf32>,
        %get3A_1831 = vector.shape_cast %get3A_1830 : vector<1x16xf32> to vector<16xf32>
        %mul3A_1832 = arith.constant 11.3137083 : f32
        %mul3A_1833 = vector.broadcast %mul3A_1832 : f32 to vector<16xf32>
        %mul3A_1834 = arith.mulf %get3A_1831, %mul3A_1833 : vector<16xf32>
        %swap3A_1835 = arith.constant 0 : i32
        %swap3A_1836 = arith.constant 0 : i32
        %swap3A_1837 = tpu.memref_slice %arg6[%scan3A_1152, %swap3A_1835, %swap3A_1836] : memref<10x32x128xf32, #tpu.memory_space<vmem>> -> memref<1x32x128xf32, #tpu.memory_space<vmem>>
        %swap3A_1838 = tpu.memref_squeeze %swap3A_1837 : memref<1x32x128xf32, #tpu.memory_space<vmem>> -> memref<32x128xf32, #tpu.memory_space<vmem>>
        %swap3A_1839 = arith.index_cast %scan3A_1785 : i32 to index
        %swap3A_1840 = arith.constant 32 : index
        %swap3A_1841 = tpu.vector_load %swap3A_1838[%swap3A_1839, %swap3A_1840] {strides = array<i32>} : memref<32x128xf32, #tpu.memory_space<vmem>>, vector<1x16xf32>,
        %swap3A_1842 = vector.shape_cast %swap3A_1841 : vector<1x16xf32> to vector<16xf32>
        %swap3A_1843 = vector.shape_cast %mul3A_1834 : vector<16xf32> to vector<1x16xf32>
        tpu.vector_store %swap3A_1838[%swap3A_1839, %swap3A_1840], %swap3A_1843 {strides = array<i32>} : memref<32x128xf32, #tpu.memory_space<vmem>>, vector<1x16xf32>,
        %get3A_1844 = arith.constant 0 : i32
        %get3A_1845 = arith.constant 0 : i32
        %get3A_1846 = tpu.memref_slice %arg6[%scan3A_1152, %get3A_1844, %get3A_1845] : memref<10x32x128xf32, #tpu.memory_space<vmem>> -> memref<1x32x128xf32, #tpu.memory_space<vmem>>
        %get3A_1847 = tpu.memref_squeeze %get3A_1846 : memref<1x32x128xf32, #tpu.memory_space<vmem>> -> memref<32x128xf32, #tpu.memory_space<vmem>>
        %get3A_1848 = arith.index_cast %scan3A_1785 : i32 to index
        %get3A_1849 = arith.constant 48 : index
        %get3A_1850 = tpu.vector_load %get3A_1847[%get3A_1848, %get3A_1849] {strides = array<i32>} : memref<32x128xf32, #tpu.memory_space<vmem>>, vector<1x16xf32>,
        %get3A_1851 = vector.shape_cast %get3A_1850 : vector<1x16xf32> to vector<16xf32>
        %mul3A_1852 = arith.constant 11.3137083 : f32
        %mul3A_1853 = vector.broadcast %mul3A_1852 : f32 to vector<16xf32>
        %mul3A_1854 = arith.mulf %get3A_1851, %mul3A_1853 : vector<16xf32>
        %swap3A_1855 = arith.constant 0 : i32
        %swap3A_1856 = arith.constant 0 : i32
        %swap3A_1857 = tpu.memref_slice %arg6[%scan3A_1152, %swap3A_1855, %swap3A_1856] : memref<10x32x128xf32, #tpu.memory_space<vmem>> -> memref<1x32x128xf32, #tpu.memory_space<vmem>>
        %swap3A_1858 = tpu.memref_squeeze %swap3A_1857 : memref<1x32x128xf32, #tpu.memory_space<vmem>> -> memref<32x128xf32, #tpu.memory_space<vmem>>
        %swap3A_1859 = arith.index_cast %scan3A_1785 : i32 to index
        %swap3A_1860 = arith.constant 48 : index
        %swap3A_1861 = tpu.vector_load %swap3A_1858[%swap3A_1859, %swap3A_1860] {strides = array<i32>} : memref<32x128xf32, #tpu.memory_space<vmem>>, vector<1x16xf32>,
        %swap3A_1862 = vector.shape_cast %swap3A_1861 : vector<1x16xf32> to vector<16xf32>
        %swap3A_1863 = vector.shape_cast %mul3A_1854 : vector<16xf32> to vector<1x16xf32>
        tpu.vector_store %swap3A_1858[%swap3A_1859, %swap3A_1860], %swap3A_1863 {strides = array<i32>} : memref<32x128xf32, #tpu.memory_space<vmem>>, vector<1x16xf32>,
        %get3A_1864 = arith.constant 0 : i32
        %get3A_1865 = arith.constant 0 : i32
        %get3A_1866 = tpu.memref_slice %arg6[%scan3A_1152, %get3A_1864, %get3A_1865] : memref<10x32x128xf32, #tpu.memory_space<vmem>> -> memref<1x32x128xf32, #tpu.memory_space<vmem>>
        %get3A_1867 = tpu.memref_squeeze %get3A_1866 : memref<1x32x128xf32, #tpu.memory_space<vmem>> -> memref<32x128xf32, #tpu.memory_space<vmem>>
        %get3A_1868 = arith.index_cast %scan3A_1785 : i32 to index
        %get3A_1869 = arith.constant 64 : index
        %get3A_1870 = tpu.vector_load %get3A_1867[%get3A_1868, %get3A_1869] {strides = array<i32>} : memref<32x128xf32, #tpu.memory_space<vmem>>, vector<1x16xf32>,
        %get3A_1871 = vector.shape_cast %get3A_1870 : vector<1x16xf32> to vector<16xf32>
        %mul3A_1872 = arith.constant 11.3137083 : f32
        %mul3A_1873 = vector.broadcast %mul3A_1872 : f32 to vector<16xf32>
        %mul3A_1874 = arith.mulf %get3A_1871, %mul3A_1873 : vector<16xf32>
        %swap3A_1875 = arith.constant 0 : i32
        %swap3A_1876 = arith.constant 0 : i32
        %swap3A_1877 = tpu.memref_slice %arg6[%scan3A_1152, %swap3A_1875, %swap3A_1876] : memref<10x32x128xf32, #tpu.memory_space<vmem>> -> memref<1x32x128xf32, #tpu.memory_space<vmem>>
        %swap3A_1878 = tpu.memref_squeeze %swap3A_1877 : memref<1x32x128xf32, #tpu.memory_space<vmem>> -> memref<32x128xf32, #tpu.memory_space<vmem>>
        %swap3A_1879 = arith.index_cast %scan3A_1785 : i32 to index
        %swap3A_1880 = arith.constant 64 : index
        %swap3A_1881 = tpu.vector_load %swap3A_1878[%swap3A_1879, %swap3A_1880] {strides = array<i32>} : memref<32x128xf32, #tpu.memory_space<vmem>>, vector<1x16xf32>,
        %swap3A_1882 = vector.shape_cast %swap3A_1881 : vector<1x16xf32> to vector<16xf32>
        %swap3A_1883 = vector.shape_cast %mul3A_1874 : vector<16xf32> to vector<1x16xf32>
        tpu.vector_store %swap3A_1878[%swap3A_1879, %swap3A_1880], %swap3A_1883 {strides = array<i32>} : memref<32x128xf32, #tpu.memory_space<vmem>>, vector<1x16xf32>,
        %get3A_1884 = arith.constant 0 : i32
        %get3A_1885 = arith.constant 0 : i32
        %get3A_1886 = tpu.memref_slice %arg6[%scan3A_1152, %get3A_1884, %get3A_1885] : memref<10x32x128xf32, #tpu.memory_space<vmem>> -> memref<1x32x128xf32, #tpu.memory_space<vmem>>
        %get3A_1887 = tpu.memref_squeeze %get3A_1886 : memref<1x32x128xf32, #tpu.memory_space<vmem>> -> memref<32x128xf32, #tpu.memory_space<vmem>>
        %get3A_1888 = arith.index_cast %scan3A_1785 : i32 to index
        %get3A_1889 = arith.constant 80 : index
        %get3A_1890 = tpu.vector_load %get3A_1887[%get3A_1888, %get3A_1889] {strides = array<i32>} : memref<32x128xf32, #tpu.memory_space<vmem>>, vector<1x16xf32>,
        %get3A_1891 = vector.shape_cast %get3A_1890 : vector<1x16xf32> to vector<16xf32>
        %mul3A_1892 = arith.constant 11.3137083 : f32
        %mul3A_1893 = vector.broadcast %mul3A_1892 : f32 to vector<16xf32>
        %mul3A_1894 = arith.mulf %get3A_1891, %mul3A_1893 : vector<16xf32>
        %swap3A_1895 = arith.constant 0 : i32
        %swap3A_1896 = arith.constant 0 : i32
        %swap3A_1897 = tpu.memref_slice %arg6[%scan3A_1152, %swap3A_1895, %swap3A_1896] : memref<10x32x128xf32, #tpu.memory_space<vmem>> -> memref<1x32x128xf32, #tpu.memory_space<vmem>>
        %swap3A_1898 = tpu.memref_squeeze %swap3A_1897 : memref<1x32x128xf32, #tpu.memory_space<vmem>> -> memref<32x128xf32, #tpu.memory_space<vmem>>
        %swap3A_1899 = arith.index_cast %scan3A_1785 : i32 to index
        %swap3A_1900 = arith.constant 80 : index
        %swap3A_1901 = tpu.vector_load %swap3A_1898[%swap3A_1899, %swap3A_1900] {strides = array<i32>} : memref<32x128xf32, #tpu.memory_space<vmem>>, vector<1x16xf32>,
        %swap3A_1902 = vector.shape_cast %swap3A_1901 : vector<1x16xf32> to vector<16xf32>
        %swap3A_1903 = vector.shape_cast %mul3A_1894 : vector<16xf32> to vector<1x16xf32>
        tpu.vector_store %swap3A_1898[%swap3A_1899, %swap3A_1900], %swap3A_1903 {strides = array<i32>} : memref<32x128xf32, #tpu.memory_space<vmem>>, vector<1x16xf32>,
        %get3A_1904 = arith.constant 0 : i32
        %get3A_1905 = arith.constant 0 : i32
        %get3A_1906 = tpu.memref_slice %arg6[%scan3A_1152, %get3A_1904, %get3A_1905] : memref<10x32x128xf32, #tpu.memory_space<vmem>> -> memref<1x32x128xf32, #tpu.memory_space<vmem>>
        %get3A_1907 = tpu.memref_squeeze %get3A_1906 : memref<1x32x128xf32, #tpu.memory_space<vmem>> -> memref<32x128xf32, #tpu.memory_space<vmem>>
        %get3A_1908 = arith.index_cast %scan3A_1785 : i32 to index
        %get3A_1909 = arith.constant 96 : index
        %get3A_1910 = tpu.vector_load %get3A_1907[%get3A_1908, %get3A_1909] {strides = array<i32>} : memref<32x128xf32, #tpu.memory_space<vmem>>, vector<1x16xf32>,
        %get3A_1911 = vector.shape_cast %get3A_1910 : vector<1x16xf32> to vector<16xf32>
        %mul3A_1912 = arith.constant 11.3137083 : f32
        %mul3A_1913 = vector.broadcast %mul3A_1912 : f32 to vector<16xf32>
        %mul3A_1914 = arith.mulf %get3A_1911, %mul3A_1913 : vector<16xf32>
        %swap3A_1915 = arith.constant 0 : i32
        %swap3A_1916 = arith.constant 0 : i32
        %swap3A_1917 = tpu.memref_slice %arg6[%scan3A_1152, %swap3A_1915, %swap3A_1916] : memref<10x32x128xf32, #tpu.memory_space<vmem>> -> memref<1x32x128xf32, #tpu.memory_space<vmem>>
        %swap3A_1918 = tpu.memref_squeeze %swap3A_1917 : memref<1x32x128xf32, #tpu.memory_space<vmem>> -> memref<32x128xf32, #tpu.memory_space<vmem>>
        %swap3A_1919 = arith.index_cast %scan3A_1785 : i32 to index
        %swap3A_1920 = arith.constant 96 : index
        %swap3A_1921 = tpu.vector_load %swap3A_1918[%swap3A_1919, %swap3A_1920] {strides = array<i32>} : memref<32x128xf32, #tpu.memory_space<vmem>>, vector<1x16xf32>,
        %swap3A_1922 = vector.shape_cast %swap3A_1921 : vector<1x16xf32> to vector<16xf32>
        %swap3A_1923 = vector.shape_cast %mul3A_1914 : vector<16xf32> to vector<1x16xf32>
        tpu.vector_store %swap3A_1918[%swap3A_1919, %swap3A_1920], %swap3A_1923 {strides = array<i32>} : memref<32x128xf32, #tpu.memory_space<vmem>>, vector<1x16xf32>,
        %get3A_1924 = arith.constant 0 : i32
        %get3A_1925 = arith.constant 0 : i32
        %get3A_1926 = tpu.memref_slice %arg6[%scan3A_1152, %get3A_1924, %get3A_1925] : memref<10x32x128xf32, #tpu.memory_space<vmem>> -> memref<1x32x128xf32, #tpu.memory_space<vmem>>
        %get3A_1927 = tpu.memref_squeeze %get3A_1926 : memref<1x32x128xf32, #tpu.memory_space<vmem>> -> memref<32x128xf32, #tpu.memory_space<vmem>>
        %get3A_1928 = arith.index_cast %scan3A_1785 : i32 to index
        %get3A_1929 = arith.constant 112 : index
        %get3A_1930 = tpu.vector_load %get3A_1927[%get3A_1928, %get3A_1929] {strides = array<i32>} : memref<32x128xf32, #tpu.memory_space<vmem>>, vector<1x16xf32>,
        %get3A_1931 = vector.shape_cast %get3A_1930 : vector<1x16xf32> to vector<16xf32>
        %mul3A_1932 = arith.constant 11.3137083 : f32
        %mul3A_1933 = vector.broadcast %mul3A_1932 : f32 to vector<16xf32>
        %mul3A_1934 = arith.mulf %get3A_1931, %mul3A_1933 : vector<16xf32>
        %swap3A_1935 = arith.constant 0 : i32
        %swap3A_1936 = arith.constant 0 : i32
        %swap3A_1937 = tpu.memref_slice %arg6[%scan3A_1152, %swap3A_1935, %swap3A_1936] : memref<10x32x128xf32, #tpu.memory_space<vmem>> -> memref<1x32x128xf32, #tpu.memory_space<vmem>>
        %swap3A_1938 = tpu.memref_squeeze %swap3A_1937 : memref<1x32x128xf32, #tpu.memory_space<vmem>> -> memref<32x128xf32, #tpu.memory_space<vmem>>
        %swap3A_1939 = arith.index_cast %scan3A_1785 : i32 to index
        %swap3A_1940 = arith.constant 112 : index
        %swap3A_1941 = tpu.vector_load %swap3A_1938[%swap3A_1939, %swap3A_1940] {strides = array<i32>} : memref<32x128xf32, #tpu.memory_space<vmem>>, vector<1x16xf32>,
        %swap3A_1942 = vector.shape_cast %swap3A_1941 : vector<1x16xf32> to vector<16xf32>
        %swap3A_1943 = vector.shape_cast %mul3A_1934 : vector<16xf32> to vector<1x16xf32>
        tpu.vector_store %swap3A_1938[%swap3A_1939, %swap3A_1940], %swap3A_1943 {strides = array<i32>} : memref<32x128xf32, #tpu.memory_space<vmem>>, vector<1x16xf32>,
      }
      %scan3A_1157 = arith.constant 32 : i32
      %jit3A_1158 = arith.constant 4 : i32
      %div3A_1159 = arith.divsi %add3A_1088, %jit3A_1158 : i32
      %sign3A_1160 = arith.constant 0 : i32
      %sign3A_1161 = arith.cmpi sgt, %add3A_1088, %sign3A_1160 : i32
      %sign3A_1162 = arith.extui %sign3A_1161 : i1 to i32
      %sign3A_1163 = arith.constant 0 : i32
      %sign3A_1164 = arith.cmpi slt, %add3A_1088, %sign3A_1163 : i32
      %sign3A_1165 = arith.extui %sign3A_1164 : i1 to i32
      %sign3A_1166 = arith.subi %sign3A_1162, %sign3A_1165 : i32
      %sign3A_1167 = arith.constant 0 : i32
      %sign3A_1168 = arith.cmpi sgt, %jit3A_1158, %sign3A_1167 : i32
      %sign3A_1169 = arith.extui %sign3A_1168 : i1 to i32
      %sign3A_1170 = arith.constant 0 : i32
      %sign3A_1171 = arith.cmpi slt, %jit3A_1158, %sign3A_1170 : i32
      %sign3A_1172 = arith.extui %sign3A_1171 : i1 to i32
      %sign3A_1173 = arith.subi %sign3A_1169, %sign3A_1172 : i32
      %ne3A_1174 = arith.cmpi ne, %sign3A_1166, %sign3A_1173 : i32
      %rem3A_1175 = arith.remsi %add3A_1088, %jit3A_1158 : i32
      %ne3A_1176 = arith.constant 0 : i32
      %ne3A_1177 = arith.cmpi ne, %rem3A_1175, %ne3A_1176 : i32
      %and3A_1178 = arith.andi %ne3A_1174, %ne3A_1177 : i1
      %sub3A_1179 = arith.constant 1 : i32
      %sub3A_1180 = arith.subi %div3A_1159, %sub3A_1179 : i32
      %select_n3A_1181 = arith.select %and3A_1178, %sub3A_1180, %div3A_1159 : i32
      %jit3A_1182 = arith.constant 4 : i32
      %eq3A_1183 = arith.constant 0 : i32
      %eq3A_1184 = arith.cmpi eq, %jit3A_1182, %eq3A_1183 : i32
      %jit3A_1185 = arith.constant 1 : i32
      %select_n3A_1186 = arith.select %eq3A_1184, %jit3A_1185, %jit3A_1182 : i32
      %rem3A_1187 = arith.remsi %add3A_1088, %select_n3A_1186 : i32
      %ne3A_1188 = arith.constant 0 : i32
      %ne3A_1189 = arith.cmpi ne, %rem3A_1187, %ne3A_1188 : i32
      %lt3A_1190 = arith.constant 0 : i32
      %lt3A_1191 = arith.cmpi slt, %rem3A_1187, %lt3A_1190 : i32
      %lt3A_1192 = arith.constant 0 : i32
      %lt3A_1193 = arith.cmpi slt, %select_n3A_1186, %lt3A_1192 : i32
      %ne3A_1194 = arith.xori %lt3A_1191, %lt3A_1193 : i1
      %and3A_1195 = arith.andi %ne3A_1194, %ne3A_1189 : i1
      %add3A_1196 = arith.addi %rem3A_1187, %select_n3A_1186 : i32
      %select_n3A_1197 = arith.select %and3A_1195, %add3A_1196, %rem3A_1187 : i32
      %mul3A_1198 = arith.constant 32 : i32
      %mul3A_1199 = arith.muli %select_n3A_1197, %mul3A_1198 : i32
      %add3A_1200 = arith.addi %mul3A_2, %mul3A_1199 : i32
      %dma_start3A_1201 = arith.constant 5 : i32
      %dma_start3A_1202 = arith.constant 5 : i32
      %dma_start3A_1203 = arith.constant 0 : i32
      %dma_start3A_1204 = arith.constant 0 : i32
      %dma_start3A_1205 = tpu.memref_slice %arg6[%dma_start3A_1201, %dma_start3A_1203, %dma_start3A_1204] : memref<10x32x128xf32, #tpu.memory_space<vmem>> -> memref<1x32x128xf32, #tpu.memory_space<vmem>>
      %dma_start3A_1206 = tpu.memref_squeeze %dma_start3A_1205 : memref<1x32x128xf32, #tpu.memory_space<vmem>> -> memref<32x128xf32, #tpu.memory_space<vmem>>
      %dma_start3A_1207 = arith.constant 0 : i32
      %dma_start3A_1208 = arith.constant 0 : i32
      %dma_start3A_1209 = tpu.memref_slice %arg4[%select_n3A_1181, %dma_start3A_1207, %dma_start3A_1208] : memref<50x4096x128xf32, #tpu.memory_space<hbm>> -> memref<1x4096x128xf32, #tpu.memory_space<hbm>>
      %dma_start3A_1210 = tpu.memref_squeeze %dma_start3A_1209 : memref<1x4096x128xf32, #tpu.memory_space<hbm>> -> memref<4096x128xf32, #tpu.memory_space<hbm>>
      %dma_start3A_1211 = arith.constant 0 : i32
      %dma_start3A_1212 = tpu.memref_slice %dma_start3A_1210[%add3A_1200, %dma_start3A_1211] : memref<4096x128xf32, #tpu.memory_space<hbm>> -> memref<32x128xf32, #tpu.memory_space<hbm>>
      %dma_start3A_1213 = tpu.memref_slice %arg8[%dma_start3A_1202] : memref<10x!tpu.dma_semaphore, #tpu.memory_space<semaphore_mem>> -> memref<1x!tpu.dma_semaphore, #tpu.memory_space<semaphore_mem>>
      %dma_start3A_1214 = tpu.memref_squeeze %dma_start3A_1213 : memref<1x!tpu.dma_semaphore, #tpu.memory_space<semaphore_mem>> -> memref<!tpu.dma_semaphore, #tpu.memory_space<semaphore_mem>>
      %dma_start3A_1215 = arith.constant 0 : i32
      %dma_start3A_1216 = arith.constant 0 : i32
      %dma_start3A_1217 = tpu.memref_slice %arg4[%select_n3A_1181, %dma_start3A_1215, %dma_start3A_1216] : memref<50x4096x128xf32, #tpu.memory_space<hbm>> -> memref<1x4096x128xf32, #tpu.memory_space<hbm>>
      %dma_start3A_1218 = tpu.memref_squeeze %dma_start3A_1217 : memref<1x4096x128xf32, #tpu.memory_space<hbm>> -> memref<4096x128xf32, #tpu.memory_space<hbm>>
      %dma_start3A_1219 = arith.constant 0 : i32
      %dma_start3A_1220 = tpu.memref_slice %dma_start3A_1218[%add3A_1200, %dma_start3A_1219] : memref<4096x128xf32, #tpu.memory_space<hbm>> -> memref<32x128xf32, #tpu.memory_space<hbm>>
      %dma_start3A_1221 = arith.constant 0 : i32
      %dma_start3A_1222 = arith.constant 0 : i32
      %dma_start3A_1223 = tpu.memref_slice %arg6[%dma_start3A_1201, %dma_start3A_1221, %dma_start3A_1222] : memref<10x32x128xf32, #tpu.memory_space<vmem>> -> memref<1x32x128xf32, #tpu.memory_space<vmem>>
      %dma_start3A_1224 = tpu.memref_squeeze %dma_start3A_1223 : memref<1x32x128xf32, #tpu.memory_space<vmem>> -> memref<32x128xf32, #tpu.memory_space<vmem>>
      tpu.enqueue_dma source(%dma_start3A_1224 : memref<32x128xf32, #tpu.memory_space<vmem>>) target(%dma_start3A_1220 : memref<32x128xf32, #tpu.memory_space<hbm>>) target_semaphore(%dma_start3A_1214 : memref<!tpu.dma_semaphore, #tpu.memory_space<semaphore_mem>>)
      %mul3A_1225 = arith.constant 10 : i32
      %mul3A_1226 = arith.muli %scan3A_396, %mul3A_1225 : i32
      %add3A_1227 = arith.constant 6 : i32
      %add3A_1228 = arith.addi %mul3A_1226, %add3A_1227 : i32
      %add3A_1229 = arith.constant 8 : i32
      %add3A_1230 = arith.addi %add3A_1228, %add3A_1229 : i32
      %lt3A_1231 = arith.constant 200 : i32
      %lt3A_1232 = arith.cmpi slt, %add3A_1230, %lt3A_1231 : i32
      %convert_element_type3A_1233 = arith.extui %lt3A_1232 : i1 to i32
      %cond3A_1234 = arith.constant 0 : i32
      %cond3A_1235 = arith.cmpi ne, %convert_element_type3A_1233, %cond3A_1234 : i32
      scf.if %cond3A_1235 {
        %ge3A = arith.constant 10 : i32
        %ge3A_1785 = arith.cmpi sge, %add3A_1230, %ge3A : i32
        %convert_element_type3A_1786 = arith.extui %ge3A_1785 : i1 to i32
        %cond3A_1787 = arith.constant 0 : i32
        %cond3A_1788 = arith.cmpi ne, %convert_element_type3A_1786, %cond3A_1787 : i32
        scf.if %cond3A_1788 {
          %sub3A_1844 = arith.constant 10 : i32
          %sub3A_1845 = arith.subi %add3A_1230, %sub3A_1844 : i32
          %jit3A_1846 = arith.constant 4 : i32
          %div3A_1847 = arith.divsi %sub3A_1845, %jit3A_1846 : i32
          %sign3A_1848 = arith.constant 0 : i32
          %sign3A_1849 = arith.cmpi sgt, %sub3A_1845, %sign3A_1848 : i32
          %sign3A_1850 = arith.extui %sign3A_1849 : i1 to i32
          %sign3A_1851 = arith.constant 0 : i32
          %sign3A_1852 = arith.cmpi slt, %sub3A_1845, %sign3A_1851 : i32
          %sign3A_1853 = arith.extui %sign3A_1852 : i1 to i32
          %sign3A_1854 = arith.subi %sign3A_1850, %sign3A_1853 : i32
          %sign3A_1855 = arith.constant 0 : i32
          %sign3A_1856 = arith.cmpi sgt, %jit3A_1846, %sign3A_1855 : i32
          %sign3A_1857 = arith.extui %sign3A_1856 : i1 to i32
          %sign3A_1858 = arith.constant 0 : i32
          %sign3A_1859 = arith.cmpi slt, %jit3A_1846, %sign3A_1858 : i32
          %sign3A_1860 = arith.extui %sign3A_1859 : i1 to i32
          %sign3A_1861 = arith.subi %sign3A_1857, %sign3A_1860 : i32
          %ne3A_1862 = arith.cmpi ne, %sign3A_1854, %sign3A_1861 : i32
          %rem3A_1863 = arith.remsi %sub3A_1845, %jit3A_1846 : i32
          %ne3A_1864 = arith.constant 0 : i32
          %ne3A_1865 = arith.cmpi ne, %rem3A_1863, %ne3A_1864 : i32
          %and3A_1866 = arith.andi %ne3A_1862, %ne3A_1865 : i1
          %sub3A_1867 = arith.constant 1 : i32
          %sub3A_1868 = arith.subi %div3A_1847, %sub3A_1867 : i32
          %select_n3A_1869 = arith.select %and3A_1866, %sub3A_1868, %div3A_1847 : i32
          %jit3A_1870 = arith.constant 4 : i32
          %eq3A_1871 = arith.constant 0 : i32
          %eq3A_1872 = arith.cmpi eq, %jit3A_1870, %eq3A_1871 : i32
          %jit3A_1873 = arith.constant 1 : i32
          %select_n3A_1874 = arith.select %eq3A_1872, %jit3A_1873, %jit3A_1870 : i32
          %rem3A_1875 = arith.remsi %sub3A_1845, %select_n3A_1874 : i32
          %ne3A_1876 = arith.constant 0 : i32
          %ne3A_1877 = arith.cmpi ne, %rem3A_1875, %ne3A_1876 : i32
          %lt3A_1878 = arith.constant 0 : i32
          %lt3A_1879 = arith.cmpi slt, %rem3A_1875, %lt3A_1878 : i32
          %lt3A_1880 = arith.constant 0 : i32
          %lt3A_1881 = arith.cmpi slt, %select_n3A_1874, %lt3A_1880 : i32
          %ne3A_1882 = arith.xori %lt3A_1879, %lt3A_1881 : i1
          %and3A_1883 = arith.andi %ne3A_1882, %ne3A_1877 : i1
          %add3A_1884 = arith.addi %rem3A_1875, %select_n3A_1874 : i32
          %select_n3A_1885 = arith.select %and3A_1883, %add3A_1884, %rem3A_1875 : i32
          %mul3A_1886 = arith.constant 32 : i32
          %mul3A_1887 = arith.muli %select_n3A_1885, %mul3A_1886 : i32
          %add3A_1888 = arith.addi %mul3A_2, %mul3A_1887 : i32
          %dma_wait3A_1889 = arith.constant 4 : i32
          %dma_wait3A_1890 = arith.constant 4 : i32
          %dma_wait3A_1891 = arith.constant 0 : i32
          %dma_wait3A_1892 = arith.constant 0 : i32
          %dma_wait3A_1893 = tpu.memref_slice %arg6[%dma_wait3A_1889, %dma_wait3A_1891, %dma_wait3A_1892] : memref<10x32x128xf32, #tpu.memory_space<vmem>> -> memref<1x32x128xf32, #tpu.memory_space<vmem>>
          %dma_wait3A_1894 = tpu.memref_squeeze %dma_wait3A_1893 : memref<1x32x128xf32, #tpu.memory_space<vmem>> -> memref<32x128xf32, #tpu.memory_space<vmem>>
          %dma_wait3A_1895 = arith.constant 0 : i32
          %dma_wait3A_1896 = arith.constant 0 : i32
          %dma_wait3A_1897 = tpu.memref_slice %arg4[%select_n3A_1869, %dma_wait3A_1895, %dma_wait3A_1896] : memref<50x4096x128xf32, #tpu.memory_space<hbm>> -> memref<1x4096x128xf32, #tpu.memory_space<hbm>>
          %dma_wait3A_1898 = tpu.memref_squeeze %dma_wait3A_1897 : memref<1x4096x128xf32, #tpu.memory_space<hbm>> -> memref<4096x128xf32, #tpu.memory_space<hbm>>
          %dma_wait3A_1899 = arith.constant 0 : i32
          %dma_wait3A_1900 = tpu.memref_slice %dma_wait3A_1898[%add3A_1888, %dma_wait3A_1899] : memref<4096x128xf32, #tpu.memory_space<hbm>> -> memref<32x128xf32, #tpu.memory_space<hbm>>
          %dma_wait3A_1901 = tpu.memref_slice %arg8[%dma_wait3A_1890] : memref<10x!tpu.dma_semaphore, #tpu.memory_space<semaphore_mem>> -> memref<1x!tpu.dma_semaphore, #tpu.memory_space<semaphore_mem>>
          %dma_wait3A_1902 = tpu.memref_squeeze %dma_wait3A_1901 : memref<1x!tpu.dma_semaphore, #tpu.memory_space<semaphore_mem>> -> memref<!tpu.dma_semaphore, #tpu.memory_space<semaphore_mem>>
          %dma_wait3A_1903 = arith.constant 0 : i32
          %dma_wait3A_1904 = arith.constant 0 : i32
          %dma_wait3A_1905 = tpu.memref_slice %arg4[%select_n3A_1869, %dma_wait3A_1903, %dma_wait3A_1904] : memref<50x4096x128xf32, #tpu.memory_space<hbm>> -> memref<1x4096x128xf32, #tpu.memory_space<hbm>>
          %dma_wait3A_1906 = tpu.memref_squeeze %dma_wait3A_1905 : memref<1x4096x128xf32, #tpu.memory_space<hbm>> -> memref<4096x128xf32, #tpu.memory_space<hbm>>
          %dma_wait3A_1907 = arith.constant 0 : i32
          %dma_wait3A_1908 = tpu.memref_slice %dma_wait3A_1906[%add3A_1888, %dma_wait3A_1907] : memref<4096x128xf32, #tpu.memory_space<hbm>> -> memref<32x128xf32, #tpu.memory_space<hbm>>
          %dma_wait3A_1909 = arith.constant 0 : i32
          %dma_wait3A_1910 = arith.constant 0 : i32
          %dma_wait3A_1911 = tpu.memref_slice %arg6[%dma_wait3A_1889, %dma_wait3A_1909, %dma_wait3A_1910] : memref<10x32x128xf32, #tpu.memory_space<vmem>> -> memref<1x32x128xf32, #tpu.memory_space<vmem>>
          %dma_wait3A_1912 = tpu.memref_squeeze %dma_wait3A_1911 : memref<1x32x128xf32, #tpu.memory_space<vmem>> -> memref<32x128xf32, #tpu.memory_space<vmem>>
          tpu.wait_dma2 semaphore(%dma_wait3A_1902 : memref<!tpu.dma_semaphore, #tpu.memory_space<semaphore_mem>>) src(%dma_wait3A_1912 : memref<32x128xf32, #tpu.memory_space<vmem>>) dst(%dma_wait3A_1908 : memref<32x128xf32, #tpu.memory_space<hbm>>)
        } else {
        }
        %jit3A_1789 = arith.constant 4 : i32
        %div3A_1790 = arith.divsi %add3A_1230, %jit3A_1789 : i32
        %sign3A_1791 = arith.constant 0 : i32
        %sign3A_1792 = arith.cmpi sgt, %add3A_1230, %sign3A_1791 : i32
        %sign3A_1793 = arith.extui %sign3A_1792 : i1 to i32
        %sign3A_1794 = arith.constant 0 : i32
        %sign3A_1795 = arith.cmpi slt, %add3A_1230, %sign3A_1794 : i32
        %sign3A_1796 = arith.extui %sign3A_1795 : i1 to i32
        %sign3A_1797 = arith.subi %sign3A_1793, %sign3A_1796 : i32
        %sign3A_1798 = arith.constant 0 : i32
        %sign3A_1799 = arith.cmpi sgt, %jit3A_1789, %sign3A_1798 : i32
        %sign3A_1800 = arith.extui %sign3A_1799 : i1 to i32
        %sign3A_1801 = arith.constant 0 : i32
        %sign3A_1802 = arith.cmpi slt, %jit3A_1789, %sign3A_1801 : i32
        %sign3A_1803 = arith.extui %sign3A_1802 : i1 to i32
        %sign3A_1804 = arith.subi %sign3A_1800, %sign3A_1803 : i32
        %ne3A_1805 = arith.cmpi ne, %sign3A_1797, %sign3A_1804 : i32
        %rem3A_1806 = arith.remsi %add3A_1230, %jit3A_1789 : i32
        %ne3A_1807 = arith.constant 0 : i32
        %ne3A_1808 = arith.cmpi ne, %rem3A_1806, %ne3A_1807 : i32
        %and3A_1809 = arith.andi %ne3A_1805, %ne3A_1808 : i1
        %sub3A_1810 = arith.constant 1 : i32
        %sub3A_1811 = arith.subi %div3A_1790, %sub3A_1810 : i32
        %select_n3A_1812 = arith.select %and3A_1809, %sub3A_1811, %div3A_1790 : i32
        %jit3A_1813 = arith.constant 4 : i32
        %eq3A_1814 = arith.constant 0 : i32
        %eq3A_1815 = arith.cmpi eq, %jit3A_1813, %eq3A_1814 : i32
        %jit3A_1816 = arith.constant 1 : i32
        %select_n3A_1817 = arith.select %eq3A_1815, %jit3A_1816, %jit3A_1813 : i32
        %rem3A_1818 = arith.remsi %add3A_1230, %select_n3A_1817 : i32
        %ne3A_1819 = arith.constant 0 : i32
        %ne3A_1820 = arith.cmpi ne, %rem3A_1818, %ne3A_1819 : i32
        %lt3A_1821 = arith.constant 0 : i32
        %lt3A_1822 = arith.cmpi slt, %rem3A_1818, %lt3A_1821 : i32
        %lt3A_1823 = arith.constant 0 : i32
        %lt3A_1824 = arith.cmpi slt, %select_n3A_1817, %lt3A_1823 : i32
        %ne3A_1825 = arith.xori %lt3A_1822, %lt3A_1824 : i1
        %and3A_1826 = arith.andi %ne3A_1825, %ne3A_1820 : i1
        %add3A_1827 = arith.addi %rem3A_1818, %select_n3A_1817 : i32
        %select_n3A_1828 = arith.select %and3A_1826, %add3A_1827, %rem3A_1818 : i32
        %mul3A_1829 = arith.constant 32 : i32
        %mul3A_1830 = arith.muli %select_n3A_1828, %mul3A_1829 : i32
        %dma_start3A_1831 = arith.constant 4 : i32
        %dma_start3A_1832 = arith.constant 4 : i32
        %dma_start3A_1833 = arith.constant 0 : i32
        %dma_start3A_1834 = arith.constant 0 : i32
        %dma_start3A_1835 = tpu.memref_slice %arg6[%dma_start3A_1831, %dma_start3A_1833, %dma_start3A_1834] : memref<10x32x128xf32, #tpu.memory_space<vmem>> -> memref<1x32x128xf32, #tpu.memory_space<vmem>>
        %dma_start3A_1836 = tpu.memref_squeeze %dma_start3A_1835 : memref<1x32x128xf32, #tpu.memory_space<vmem>> -> memref<32x128xf32, #tpu.memory_space<vmem>>
        %dma_start3A_1837 = tpu.memref_slice %arg5[%select_n3A_1812, %mul3A_1830] : memref<50x128xi32, #tpu.memory_space<vmem>> -> memref<1x32xi32, #tpu.memory_space<vmem>>
        %dma_start3A_1838 = tpu.memref_squeeze %dma_start3A_1837 : memref<1x32xi32, #tpu.memory_space<vmem>> -> memref<32xi32, #tpu.memory_space<vmem>>
        %dma_start3A_1839 = arith.constant 0 : i32
        %dma_start3A_1840 = arith.constant 0 : i32
        %dma_start3A_1841 = tpu.memref_slice %arg3[%dma_start3A_1839, %dma_start3A_1840] : memref<100000x128xf32, #tpu.memory_space<hbm>> -> memref<100000x128xf32, #tpu.memory_space<hbm>>
        %dma_start3A_1842 = tpu.memref_slice %arg7[%dma_start3A_1832] : memref<10x!tpu.dma_semaphore, #tpu.memory_space<semaphore_mem>> -> memref<1x!tpu.dma_semaphore, #tpu.memory_space<semaphore_mem>>
        %dma_start3A_1843 = tpu.memref_squeeze %dma_start3A_1842 : memref<1x!tpu.dma_semaphore, #tpu.memory_space<semaphore_mem>> -> memref<!tpu.dma_semaphore, #tpu.memory_space<semaphore_mem>>
        tpu.enqueue_indirect_dma source(%dma_start3A_1841 : memref<100000x128xf32, #tpu.memory_space<hbm>>) target(%dma_start3A_1836 : memref<32x128xf32, #tpu.memory_space<vmem>>) offsets(%dma_start3A_1838 : memref<32xi32, #tpu.memory_space<vmem>>) semaphore(%dma_start3A_1843 : memref<!tpu.dma_semaphore, #tpu.memory_space<semaphore_mem>>)
      } else {
      }
      %jit3A_1236 = arith.constant 4 : i32
      %div3A_1237 = arith.divsi %add3A_1228, %jit3A_1236 : i32
      %sign3A_1238 = arith.constant 0 : i32
      %sign3A_1239 = arith.cmpi sgt, %add3A_1228, %sign3A_1238 : i32
      %sign3A_1240 = arith.extui %sign3A_1239 : i1 to i32
      %sign3A_1241 = arith.constant 0 : i32
      %sign3A_1242 = arith.cmpi slt, %add3A_1228, %sign3A_1241 : i32
      %sign3A_1243 = arith.extui %sign3A_1242 : i1 to i32
      %sign3A_1244 = arith.subi %sign3A_1240, %sign3A_1243 : i32
      %sign3A_1245 = arith.constant 0 : i32
      %sign3A_1246 = arith.cmpi sgt, %jit3A_1236, %sign3A_1245 : i32
      %sign3A_1247 = arith.extui %sign3A_1246 : i1 to i32
      %sign3A_1248 = arith.constant 0 : i32
      %sign3A_1249 = arith.cmpi slt, %jit3A_1236, %sign3A_1248 : i32
      %sign3A_1250 = arith.extui %sign3A_1249 : i1 to i32
      %sign3A_1251 = arith.subi %sign3A_1247, %sign3A_1250 : i32
      %ne3A_1252 = arith.cmpi ne, %sign3A_1244, %sign3A_1251 : i32
      %rem3A_1253 = arith.remsi %add3A_1228, %jit3A_1236 : i32
      %ne3A_1254 = arith.constant 0 : i32
      %ne3A_1255 = arith.cmpi ne, %rem3A_1253, %ne3A_1254 : i32
      %and3A_1256 = arith.andi %ne3A_1252, %ne3A_1255 : i1
      %sub3A_1257 = arith.constant 1 : i32
      %sub3A_1258 = arith.subi %div3A_1237, %sub3A_1257 : i32
      %select_n3A_1259 = arith.select %and3A_1256, %sub3A_1258, %div3A_1237 : i32
      %jit3A_1260 = arith.constant 4 : i32
      %eq3A_1261 = arith.constant 0 : i32
      %eq3A_1262 = arith.cmpi eq, %jit3A_1260, %eq3A_1261 : i32
      %jit3A_1263 = arith.constant 1 : i32
      %select_n3A_1264 = arith.select %eq3A_1262, %jit3A_1263, %jit3A_1260 : i32
      %rem3A_1265 = arith.remsi %add3A_1228, %select_n3A_1264 : i32
      %ne3A_1266 = arith.constant 0 : i32
      %ne3A_1267 = arith.cmpi ne, %rem3A_1265, %ne3A_1266 : i32
      %lt3A_1268 = arith.constant 0 : i32
      %lt3A_1269 = arith.cmpi slt, %rem3A_1265, %lt3A_1268 : i32
      %lt3A_1270 = arith.constant 0 : i32
      %lt3A_1271 = arith.cmpi slt, %select_n3A_1264, %lt3A_1270 : i32
      %ne3A_1272 = arith.xori %lt3A_1269, %lt3A_1271 : i1
      %and3A_1273 = arith.andi %ne3A_1272, %ne3A_1267 : i1
      %add3A_1274 = arith.addi %rem3A_1265, %select_n3A_1264 : i32
      %select_n3A_1275 = arith.select %and3A_1273, %add3A_1274, %rem3A_1265 : i32
      %mul3A_1276 = arith.constant 32 : i32
      %mul3A_1277 = arith.muli %select_n3A_1275, %mul3A_1276 : i32
      %dma_wait3A_1278 = arith.constant 6 : i32
      %dma_wait3A_1279 = arith.constant 6 : i32
      %dma_wait3A_1280 = arith.constant 0 : i32
      %dma_wait3A_1281 = arith.constant 0 : i32
      %dma_wait3A_1282 = tpu.memref_slice %arg6[%dma_wait3A_1278, %dma_wait3A_1280, %dma_wait3A_1281] : memref<10x32x128xf32, #tpu.memory_space<vmem>> -> memref<1x32x128xf32, #tpu.memory_space<vmem>>
      %dma_wait3A_1283 = tpu.memref_squeeze %dma_wait3A_1282 : memref<1x32x128xf32, #tpu.memory_space<vmem>> -> memref<32x128xf32, #tpu.memory_space<vmem>>
      %dma_wait3A_1284 = tpu.memref_slice %arg5[%select_n3A_1259, %mul3A_1277] : memref<50x128xi32, #tpu.memory_space<vmem>> -> memref<1x32xi32, #tpu.memory_space<vmem>>
      %dma_wait3A_1285 = tpu.memref_squeeze %dma_wait3A_1284 : memref<1x32xi32, #tpu.memory_space<vmem>> -> memref<32xi32, #tpu.memory_space<vmem>>
      %dma_wait3A_1286 = arith.constant 0 : i32
      %dma_wait3A_1287 = arith.constant 0 : i32
      %dma_wait3A_1288 = tpu.memref_slice %arg3[%dma_wait3A_1286, %dma_wait3A_1287] : memref<100000x128xf32, #tpu.memory_space<hbm>> -> memref<100000x128xf32, #tpu.memory_space<hbm>>
      %dma_wait3A_1289 = tpu.memref_slice %arg7[%dma_wait3A_1279] : memref<10x!tpu.dma_semaphore, #tpu.memory_space<semaphore_mem>> -> memref<1x!tpu.dma_semaphore, #tpu.memory_space<semaphore_mem>>
      %dma_wait3A_1290 = tpu.memref_squeeze %dma_wait3A_1289 : memref<1x!tpu.dma_semaphore, #tpu.memory_space<semaphore_mem>> -> memref<!tpu.dma_semaphore, #tpu.memory_space<semaphore_mem>>
      tpu.wait_indirect_dma semaphore(%dma_wait3A_1290 : memref<!tpu.dma_semaphore, #tpu.memory_space<semaphore_mem>>) src(%dma_wait3A_1288 : memref<100000x128xf32, #tpu.memory_space<hbm>>) dst(%dma_wait3A_1283 : memref<32x128xf32, #tpu.memory_space<vmem>>)
      %scan3A_1291 = arith.constant 0 : i32
      %scan3A_1292 = arith.constant 6 : i32
      %scan3A_1293 = arith.constant 0 : i32
      %scan3A_1294 = arith.constant 32 : i32
      %scan3A_1295 = arith.addi %scan3A_1293, %scan3A_1294 : i32
      %scan3A_1296 = arith.constant 1 : i32
      scf.for %scan3A_1785 = %scan3A_1293 to %scan3A_1295 step %scan3A_1296  : i32 {
        %get3A = arith.constant 0 : i32
        %get3A_1786 = arith.constant 0 : i32
        %get3A_1787 = tpu.memref_slice %arg6[%scan3A_1292, %get3A, %get3A_1786] : memref<10x32x128xf32, #tpu.memory_space<vmem>> -> memref<1x32x128xf32, #tpu.memory_space<vmem>>
        %get3A_1788 = tpu.memref_squeeze %get3A_1787 : memref<1x32x128xf32, #tpu.memory_space<vmem>> -> memref<32x128xf32, #tpu.memory_space<vmem>>
        %get3A_1789 = arith.index_cast %scan3A_1785 : i32 to index
        %get3A_1790 = arith.constant 0 : index
        %get3A_1791 = tpu.vector_load %get3A_1788[%get3A_1789, %get3A_1790] {strides = array<i32>} : memref<32x128xf32, #tpu.memory_space<vmem>>, vector<1x16xf32>,
        %get3A_1792 = vector.shape_cast %get3A_1791 : vector<1x16xf32> to vector<16xf32>
        %mul3A_1793 = arith.constant 11.3137083 : f32
        %mul3A_1794 = vector.broadcast %mul3A_1793 : f32 to vector<16xf32>
        %mul3A_1795 = arith.mulf %get3A_1792, %mul3A_1794 : vector<16xf32>
        %swap3A = arith.constant 0 : i32
        %swap3A_1796 = arith.constant 0 : i32
        %swap3A_1797 = tpu.memref_slice %arg6[%scan3A_1292, %swap3A, %swap3A_1796] : memref<10x32x128xf32, #tpu.memory_space<vmem>> -> memref<1x32x128xf32, #tpu.memory_space<vmem>>
        %swap3A_1798 = tpu.memref_squeeze %swap3A_1797 : memref<1x32x128xf32, #tpu.memory_space<vmem>> -> memref<32x128xf32, #tpu.memory_space<vmem>>
        %swap3A_1799 = arith.index_cast %scan3A_1785 : i32 to index
        %swap3A_1800 = arith.constant 0 : index
        %swap3A_1801 = tpu.vector_load %swap3A_1798[%swap3A_1799, %swap3A_1800] {strides = array<i32>} : memref<32x128xf32, #tpu.memory_space<vmem>>, vector<1x16xf32>,
        %swap3A_1802 = vector.shape_cast %swap3A_1801 : vector<1x16xf32> to vector<16xf32>
        %swap3A_1803 = vector.shape_cast %mul3A_1795 : vector<16xf32> to vector<1x16xf32>
        tpu.vector_store %swap3A_1798[%swap3A_1799, %swap3A_1800], %swap3A_1803 {strides = array<i32>} : memref<32x128xf32, #tpu.memory_space<vmem>>, vector<1x16xf32>,
        %get3A_1804 = arith.constant 0 : i32
        %get3A_1805 = arith.constant 0 : i32
        %get3A_1806 = tpu.memref_slice %arg6[%scan3A_1292, %get3A_1804, %get3A_1805] : memref<10x32x128xf32, #tpu.memory_space<vmem>> -> memref<1x32x128xf32, #tpu.memory_space<vmem>>
        %get3A_1807 = tpu.memref_squeeze %get3A_1806 : memref<1x32x128xf32, #tpu.memory_space<vmem>> -> memref<32x128xf32, #tpu.memory_space<vmem>>
        %get3A_1808 = arith.index_cast %scan3A_1785 : i32 to index
        %get3A_1809 = arith.constant 16 : index
        %get3A_1810 = tpu.vector_load %get3A_1807[%get3A_1808, %get3A_1809] {strides = array<i32>} : memref<32x128xf32, #tpu.memory_space<vmem>>, vector<1x16xf32>,
        %get3A_1811 = vector.shape_cast %get3A_1810 : vector<1x16xf32> to vector<16xf32>
        %mul3A_1812 = arith.constant 11.3137083 : f32
        %mul3A_1813 = vector.broadcast %mul3A_1812 : f32 to vector<16xf32>
        %mul3A_1814 = arith.mulf %get3A_1811, %mul3A_1813 : vector<16xf32>
        %swap3A_1815 = arith.constant 0 : i32
        %swap3A_1816 = arith.constant 0 : i32
        %swap3A_1817 = tpu.memref_slice %arg6[%scan3A_1292, %swap3A_1815, %swap3A_1816] : memref<10x32x128xf32, #tpu.memory_space<vmem>> -> memref<1x32x128xf32, #tpu.memory_space<vmem>>
        %swap3A_1818 = tpu.memref_squeeze %swap3A_1817 : memref<1x32x128xf32, #tpu.memory_space<vmem>> -> memref<32x128xf32, #tpu.memory_space<vmem>>
        %swap3A_1819 = arith.index_cast %scan3A_1785 : i32 to index
        %swap3A_1820 = arith.constant 16 : index
        %swap3A_1821 = tpu.vector_load %swap3A_1818[%swap3A_1819, %swap3A_1820] {strides = array<i32>} : memref<32x128xf32, #tpu.memory_space<vmem>>, vector<1x16xf32>,
        %swap3A_1822 = vector.shape_cast %swap3A_1821 : vector<1x16xf32> to vector<16xf32>
        %swap3A_1823 = vector.shape_cast %mul3A_1814 : vector<16xf32> to vector<1x16xf32>
        tpu.vector_store %swap3A_1818[%swap3A_1819, %swap3A_1820], %swap3A_1823 {strides = array<i32>} : memref<32x128xf32, #tpu.memory_space<vmem>>, vector<1x16xf32>,
        %get3A_1824 = arith.constant 0 : i32
        %get3A_1825 = arith.constant 0 : i32
        %get3A_1826 = tpu.memref_slice %arg6[%scan3A_1292, %get3A_1824, %get3A_1825] : memref<10x32x128xf32, #tpu.memory_space<vmem>> -> memref<1x32x128xf32, #tpu.memory_space<vmem>>
        %get3A_1827 = tpu.memref_squeeze %get3A_1826 : memref<1x32x128xf32, #tpu.memory_space<vmem>> -> memref<32x128xf32, #tpu.memory_space<vmem>>
        %get3A_1828 = arith.index_cast %scan3A_1785 : i32 to index
        %get3A_1829 = arith.constant 32 : index
        %get3A_1830 = tpu.vector_load %get3A_1827[%get3A_1828, %get3A_1829] {strides = array<i32>} : memref<32x128xf32, #tpu.memory_space<vmem>>, vector<1x16xf32>,
        %get3A_1831 = vector.shape_cast %get3A_1830 : vector<1x16xf32> to vector<16xf32>
        %mul3A_1832 = arith.constant 11.3137083 : f32
        %mul3A_1833 = vector.broadcast %mul3A_1832 : f32 to vector<16xf32>
        %mul3A_1834 = arith.mulf %get3A_1831, %mul3A_1833 : vector<16xf32>
        %swap3A_1835 = arith.constant 0 : i32
        %swap3A_1836 = arith.constant 0 : i32
        %swap3A_1837 = tpu.memref_slice %arg6[%scan3A_1292, %swap3A_1835, %swap3A_1836] : memref<10x32x128xf32, #tpu.memory_space<vmem>> -> memref<1x32x128xf32, #tpu.memory_space<vmem>>
        %swap3A_1838 = tpu.memref_squeeze %swap3A_1837 : memref<1x32x128xf32, #tpu.memory_space<vmem>> -> memref<32x128xf32, #tpu.memory_space<vmem>>
        %swap3A_1839 = arith.index_cast %scan3A_1785 : i32 to index
        %swap3A_1840 = arith.constant 32 : index
        %swap3A_1841 = tpu.vector_load %swap3A_1838[%swap3A_1839, %swap3A_1840] {strides = array<i32>} : memref<32x128xf32, #tpu.memory_space<vmem>>, vector<1x16xf32>,
        %swap3A_1842 = vector.shape_cast %swap3A_1841 : vector<1x16xf32> to vector<16xf32>
        %swap3A_1843 = vector.shape_cast %mul3A_1834 : vector<16xf32> to vector<1x16xf32>
        tpu.vector_store %swap3A_1838[%swap3A_1839, %swap3A_1840], %swap3A_1843 {strides = array<i32>} : memref<32x128xf32, #tpu.memory_space<vmem>>, vector<1x16xf32>,
        %get3A_1844 = arith.constant 0 : i32
        %get3A_1845 = arith.constant 0 : i32
        %get3A_1846 = tpu.memref_slice %arg6[%scan3A_1292, %get3A_1844, %get3A_1845] : memref<10x32x128xf32, #tpu.memory_space<vmem>> -> memref<1x32x128xf32, #tpu.memory_space<vmem>>
        %get3A_1847 = tpu.memref_squeeze %get3A_1846 : memref<1x32x128xf32, #tpu.memory_space<vmem>> -> memref<32x128xf32, #tpu.memory_space<vmem>>
        %get3A_1848 = arith.index_cast %scan3A_1785 : i32 to index
        %get3A_1849 = arith.constant 48 : index
        %get3A_1850 = tpu.vector_load %get3A_1847[%get3A_1848, %get3A_1849] {strides = array<i32>} : memref<32x128xf32, #tpu.memory_space<vmem>>, vector<1x16xf32>,
        %get3A_1851 = vector.shape_cast %get3A_1850 : vector<1x16xf32> to vector<16xf32>
        %mul3A_1852 = arith.constant 11.3137083 : f32
        %mul3A_1853 = vector.broadcast %mul3A_1852 : f32 to vector<16xf32>
        %mul3A_1854 = arith.mulf %get3A_1851, %mul3A_1853 : vector<16xf32>
        %swap3A_1855 = arith.constant 0 : i32
        %swap3A_1856 = arith.constant 0 : i32
        %swap3A_1857 = tpu.memref_slice %arg6[%scan3A_1292, %swap3A_1855, %swap3A_1856] : memref<10x32x128xf32, #tpu.memory_space<vmem>> -> memref<1x32x128xf32, #tpu.memory_space<vmem>>
        %swap3A_1858 = tpu.memref_squeeze %swap3A_1857 : memref<1x32x128xf32, #tpu.memory_space<vmem>> -> memref<32x128xf32, #tpu.memory_space<vmem>>
        %swap3A_1859 = arith.index_cast %scan3A_1785 : i32 to index
        %swap3A_1860 = arith.constant 48 : index
        %swap3A_1861 = tpu.vector_load %swap3A_1858[%swap3A_1859, %swap3A_1860] {strides = array<i32>} : memref<32x128xf32, #tpu.memory_space<vmem>>, vector<1x16xf32>,
        %swap3A_1862 = vector.shape_cast %swap3A_1861 : vector<1x16xf32> to vector<16xf32>
        %swap3A_1863 = vector.shape_cast %mul3A_1854 : vector<16xf32> to vector<1x16xf32>
        tpu.vector_store %swap3A_1858[%swap3A_1859, %swap3A_1860], %swap3A_1863 {strides = array<i32>} : memref<32x128xf32, #tpu.memory_space<vmem>>, vector<1x16xf32>,
        %get3A_1864 = arith.constant 0 : i32
        %get3A_1865 = arith.constant 0 : i32
        %get3A_1866 = tpu.memref_slice %arg6[%scan3A_1292, %get3A_1864, %get3A_1865] : memref<10x32x128xf32, #tpu.memory_space<vmem>> -> memref<1x32x128xf32, #tpu.memory_space<vmem>>
        %get3A_1867 = tpu.memref_squeeze %get3A_1866 : memref<1x32x128xf32, #tpu.memory_space<vmem>> -> memref<32x128xf32, #tpu.memory_space<vmem>>
        %get3A_1868 = arith.index_cast %scan3A_1785 : i32 to index
        %get3A_1869 = arith.constant 64 : index
        %get3A_1870 = tpu.vector_load %get3A_1867[%get3A_1868, %get3A_1869] {strides = array<i32>} : memref<32x128xf32, #tpu.memory_space<vmem>>, vector<1x16xf32>,
        %get3A_1871 = vector.shape_cast %get3A_1870 : vector<1x16xf32> to vector<16xf32>
        %mul3A_1872 = arith.constant 11.3137083 : f32
        %mul3A_1873 = vector.broadcast %mul3A_1872 : f32 to vector<16xf32>
        %mul3A_1874 = arith.mulf %get3A_1871, %mul3A_1873 : vector<16xf32>
        %swap3A_1875 = arith.constant 0 : i32
        %swap3A_1876 = arith.constant 0 : i32
        %swap3A_1877 = tpu.memref_slice %arg6[%scan3A_1292, %swap3A_1875, %swap3A_1876] : memref<10x32x128xf32, #tpu.memory_space<vmem>> -> memref<1x32x128xf32, #tpu.memory_space<vmem>>
        %swap3A_1878 = tpu.memref_squeeze %swap3A_1877 : memref<1x32x128xf32, #tpu.memory_space<vmem>> -> memref<32x128xf32, #tpu.memory_space<vmem>>
        %swap3A_1879 = arith.index_cast %scan3A_1785 : i32 to index
        %swap3A_1880 = arith.constant 64 : index
        %swap3A_1881 = tpu.vector_load %swap3A_1878[%swap3A_1879, %swap3A_1880] {strides = array<i32>} : memref<32x128xf32, #tpu.memory_space<vmem>>, vector<1x16xf32>,
        %swap3A_1882 = vector.shape_cast %swap3A_1881 : vector<1x16xf32> to vector<16xf32>
        %swap3A_1883 = vector.shape_cast %mul3A_1874 : vector<16xf32> to vector<1x16xf32>
        tpu.vector_store %swap3A_1878[%swap3A_1879, %swap3A_1880], %swap3A_1883 {strides = array<i32>} : memref<32x128xf32, #tpu.memory_space<vmem>>, vector<1x16xf32>,
        %get3A_1884 = arith.constant 0 : i32
        %get3A_1885 = arith.constant 0 : i32
        %get3A_1886 = tpu.memref_slice %arg6[%scan3A_1292, %get3A_1884, %get3A_1885] : memref<10x32x128xf32, #tpu.memory_space<vmem>> -> memref<1x32x128xf32, #tpu.memory_space<vmem>>
        %get3A_1887 = tpu.memref_squeeze %get3A_1886 : memref<1x32x128xf32, #tpu.memory_space<vmem>> -> memref<32x128xf32, #tpu.memory_space<vmem>>
        %get3A_1888 = arith.index_cast %scan3A_1785 : i32 to index
        %get3A_1889 = arith.constant 80 : index
        %get3A_1890 = tpu.vector_load %get3A_1887[%get3A_1888, %get3A_1889] {strides = array<i32>} : memref<32x128xf32, #tpu.memory_space<vmem>>, vector<1x16xf32>,
        %get3A_1891 = vector.shape_cast %get3A_1890 : vector<1x16xf32> to vector<16xf32>
        %mul3A_1892 = arith.constant 11.3137083 : f32
        %mul3A_1893 = vector.broadcast %mul3A_1892 : f32 to vector<16xf32>
        %mul3A_1894 = arith.mulf %get3A_1891, %mul3A_1893 : vector<16xf32>
        %swap3A_1895 = arith.constant 0 : i32
        %swap3A_1896 = arith.constant 0 : i32
        %swap3A_1897 = tpu.memref_slice %arg6[%scan3A_1292, %swap3A_1895, %swap3A_1896] : memref<10x32x128xf32, #tpu.memory_space<vmem>> -> memref<1x32x128xf32, #tpu.memory_space<vmem>>
        %swap3A_1898 = tpu.memref_squeeze %swap3A_1897 : memref<1x32x128xf32, #tpu.memory_space<vmem>> -> memref<32x128xf32, #tpu.memory_space<vmem>>
        %swap3A_1899 = arith.index_cast %scan3A_1785 : i32 to index
        %swap3A_1900 = arith.constant 80 : index
        %swap3A_1901 = tpu.vector_load %swap3A_1898[%swap3A_1899, %swap3A_1900] {strides = array<i32>} : memref<32x128xf32, #tpu.memory_space<vmem>>, vector<1x16xf32>,
        %swap3A_1902 = vector.shape_cast %swap3A_1901 : vector<1x16xf32> to vector<16xf32>
        %swap3A_1903 = vector.shape_cast %mul3A_1894 : vector<16xf32> to vector<1x16xf32>
        tpu.vector_store %swap3A_1898[%swap3A_1899, %swap3A_1900], %swap3A_1903 {strides = array<i32>} : memref<32x128xf32, #tpu.memory_space<vmem>>, vector<1x16xf32>,
        %get3A_1904 = arith.constant 0 : i32
        %get3A_1905 = arith.constant 0 : i32
        %get3A_1906 = tpu.memref_slice %arg6[%scan3A_1292, %get3A_1904, %get3A_1905] : memref<10x32x128xf32, #tpu.memory_space<vmem>> -> memref<1x32x128xf32, #tpu.memory_space<vmem>>
        %get3A_1907 = tpu.memref_squeeze %get3A_1906 : memref<1x32x128xf32, #tpu.memory_space<vmem>> -> memref<32x128xf32, #tpu.memory_space<vmem>>
        %get3A_1908 = arith.index_cast %scan3A_1785 : i32 to index
        %get3A_1909 = arith.constant 96 : index
        %get3A_1910 = tpu.vector_load %get3A_1907[%get3A_1908, %get3A_1909] {strides = array<i32>} : memref<32x128xf32, #tpu.memory_space<vmem>>, vector<1x16xf32>,
        %get3A_1911 = vector.shape_cast %get3A_1910 : vector<1x16xf32> to vector<16xf32>
        %mul3A_1912 = arith.constant 11.3137083 : f32
        %mul3A_1913 = vector.broadcast %mul3A_1912 : f32 to vector<16xf32>
        %mul3A_1914 = arith.mulf %get3A_1911, %mul3A_1913 : vector<16xf32>
        %swap3A_1915 = arith.constant 0 : i32
        %swap3A_1916 = arith.constant 0 : i32
        %swap3A_1917 = tpu.memref_slice %arg6[%scan3A_1292, %swap3A_1915, %swap3A_1916] : memref<10x32x128xf32, #tpu.memory_space<vmem>> -> memref<1x32x128xf32, #tpu.memory_space<vmem>>
        %swap3A_1918 = tpu.memref_squeeze %swap3A_1917 : memref<1x32x128xf32, #tpu.memory_space<vmem>> -> memref<32x128xf32, #tpu.memory_space<vmem>>
        %swap3A_1919 = arith.index_cast %scan3A_1785 : i32 to index
        %swap3A_1920 = arith.constant 96 : index
        %swap3A_1921 = tpu.vector_load %swap3A_1918[%swap3A_1919, %swap3A_1920] {strides = array<i32>} : memref<32x128xf32, #tpu.memory_space<vmem>>, vector<1x16xf32>,
        %swap3A_1922 = vector.shape_cast %swap3A_1921 : vector<1x16xf32> to vector<16xf32>
        %swap3A_1923 = vector.shape_cast %mul3A_1914 : vector<16xf32> to vector<1x16xf32>
        tpu.vector_store %swap3A_1918[%swap3A_1919, %swap3A_1920], %swap3A_1923 {strides = array<i32>} : memref<32x128xf32, #tpu.memory_space<vmem>>, vector<1x16xf32>,
        %get3A_1924 = arith.constant 0 : i32
        %get3A_1925 = arith.constant 0 : i32
        %get3A_1926 = tpu.memref_slice %arg6[%scan3A_1292, %get3A_1924, %get3A_1925] : memref<10x32x128xf32, #tpu.memory_space<vmem>> -> memref<1x32x128xf32, #tpu.memory_space<vmem>>
        %get3A_1927 = tpu.memref_squeeze %get3A_1926 : memref<1x32x128xf32, #tpu.memory_space<vmem>> -> memref<32x128xf32, #tpu.memory_space<vmem>>
        %get3A_1928 = arith.index_cast %scan3A_1785 : i32 to index
        %get3A_1929 = arith.constant 112 : index
        %get3A_1930 = tpu.vector_load %get3A_1927[%get3A_1928, %get3A_1929] {strides = array<i32>} : memref<32x128xf32, #tpu.memory_space<vmem>>, vector<1x16xf32>,
        %get3A_1931 = vector.shape_cast %get3A_1930 : vector<1x16xf32> to vector<16xf32>
        %mul3A_1932 = arith.constant 11.3137083 : f32
        %mul3A_1933 = vector.broadcast %mul3A_1932 : f32 to vector<16xf32>
        %mul3A_1934 = arith.mulf %get3A_1931, %mul3A_1933 : vector<16xf32>
        %swap3A_1935 = arith.constant 0 : i32
        %swap3A_1936 = arith.constant 0 : i32
        %swap3A_1937 = tpu.memref_slice %arg6[%scan3A_1292, %swap3A_1935, %swap3A_1936] : memref<10x32x128xf32, #tpu.memory_space<vmem>> -> memref<1x32x128xf32, #tpu.memory_space<vmem>>
        %swap3A_1938 = tpu.memref_squeeze %swap3A_1937 : memref<1x32x128xf32, #tpu.memory_space<vmem>> -> memref<32x128xf32, #tpu.memory_space<vmem>>
        %swap3A_1939 = arith.index_cast %scan3A_1785 : i32 to index
        %swap3A_1940 = arith.constant 112 : index
        %swap3A_1941 = tpu.vector_load %swap3A_1938[%swap3A_1939, %swap3A_1940] {strides = array<i32>} : memref<32x128xf32, #tpu.memory_space<vmem>>, vector<1x16xf32>,
        %swap3A_1942 = vector.shape_cast %swap3A_1941 : vector<1x16xf32> to vector<16xf32>
        %swap3A_1943 = vector.shape_cast %mul3A_1934 : vector<16xf32> to vector<1x16xf32>
        tpu.vector_store %swap3A_1938[%swap3A_1939, %swap3A_1940], %swap3A_1943 {strides = array<i32>} : memref<32x128xf32, #tpu.memory_space<vmem>>, vector<1x16xf32>,
      }
      %scan3A_1297 = arith.constant 32 : i32
      %jit3A_1298 = arith.constant 4 : i32
      %div3A_1299 = arith.divsi %add3A_1228, %jit3A_1298 : i32
      %sign3A_1300 = arith.constant 0 : i32
      %sign3A_1301 = arith.cmpi sgt, %add3A_1228, %sign3A_1300 : i32
      %sign3A_1302 = arith.extui %sign3A_1301 : i1 to i32
      %sign3A_1303 = arith.constant 0 : i32
      %sign3A_1304 = arith.cmpi slt, %add3A_1228, %sign3A_1303 : i32
      %sign3A_1305 = arith.extui %sign3A_1304 : i1 to i32
      %sign3A_1306 = arith.subi %sign3A_1302, %sign3A_1305 : i32
      %sign3A_1307 = arith.constant 0 : i32
      %sign3A_1308 = arith.cmpi sgt, %jit3A_1298, %sign3A_1307 : i32
      %sign3A_1309 = arith.extui %sign3A_1308 : i1 to i32
      %sign3A_1310 = arith.constant 0 : i32
      %sign3A_1311 = arith.cmpi slt, %jit3A_1298, %sign3A_1310 : i32
      %sign3A_1312 = arith.extui %sign3A_1311 : i1 to i32
      %sign3A_1313 = arith.subi %sign3A_1309, %sign3A_1312 : i32
      %ne3A_1314 = arith.cmpi ne, %sign3A_1306, %sign3A_1313 : i32
      %rem3A_1315 = arith.remsi %add3A_1228, %jit3A_1298 : i32
      %ne3A_1316 = arith.constant 0 : i32
      %ne3A_1317 = arith.cmpi ne, %rem3A_1315, %ne3A_1316 : i32
      %and3A_1318 = arith.andi %ne3A_1314, %ne3A_1317 : i1
      %sub3A_1319 = arith.constant 1 : i32
      %sub3A_1320 = arith.subi %div3A_1299, %sub3A_1319 : i32
      %select_n3A_1321 = arith.select %and3A_1318, %sub3A_1320, %div3A_1299 : i32
      %jit3A_1322 = arith.constant 4 : i32
      %eq3A_1323 = arith.constant 0 : i32
      %eq3A_1324 = arith.cmpi eq, %jit3A_1322, %eq3A_1323 : i32
      %jit3A_1325 = arith.constant 1 : i32
      %select_n3A_1326 = arith.select %eq3A_1324, %jit3A_1325, %jit3A_1322 : i32
      %rem3A_1327 = arith.remsi %add3A_1228, %select_n3A_1326 : i32
      %ne3A_1328 = arith.constant 0 : i32
      %ne3A_1329 = arith.cmpi ne, %rem3A_1327, %ne3A_1328 : i32
      %lt3A_1330 = arith.constant 0 : i32
      %lt3A_1331 = arith.cmpi slt, %rem3A_1327, %lt3A_1330 : i32
      %lt3A_1332 = arith.constant 0 : i32
      %lt3A_1333 = arith.cmpi slt, %select_n3A_1326, %lt3A_1332 : i32
      %ne3A_1334 = arith.xori %lt3A_1331, %lt3A_1333 : i1
      %and3A_1335 = arith.andi %ne3A_1334, %ne3A_1329 : i1
      %add3A_1336 = arith.addi %rem3A_1327, %select_n3A_1326 : i32
      %select_n3A_1337 = arith.select %and3A_1335, %add3A_1336, %rem3A_1327 : i32
      %mul3A_1338 = arith.constant 32 : i32
      %mul3A_1339 = arith.muli %select_n3A_1337, %mul3A_1338 : i32
      %add3A_1340 = arith.addi %mul3A_2, %mul3A_1339 : i32
      %dma_start3A_1341 = arith.constant 6 : i32
      %dma_start3A_1342 = arith.constant 6 : i32
      %dma_start3A_1343 = arith.constant 0 : i32
      %dma_start3A_1344 = arith.constant 0 : i32
      %dma_start3A_1345 = tpu.memref_slice %arg6[%dma_start3A_1341, %dma_start3A_1343, %dma_start3A_1344] : memref<10x32x128xf32, #tpu.memory_space<vmem>> -> memref<1x32x128xf32, #tpu.memory_space<vmem>>
      %dma_start3A_1346 = tpu.memref_squeeze %dma_start3A_1345 : memref<1x32x128xf32, #tpu.memory_space<vmem>> -> memref<32x128xf32, #tpu.memory_space<vmem>>
      %dma_start3A_1347 = arith.constant 0 : i32
      %dma_start3A_1348 = arith.constant 0 : i32
      %dma_start3A_1349 = tpu.memref_slice %arg4[%select_n3A_1321, %dma_start3A_1347, %dma_start3A_1348] : memref<50x4096x128xf32, #tpu.memory_space<hbm>> -> memref<1x4096x128xf32, #tpu.memory_space<hbm>>
      %dma_start3A_1350 = tpu.memref_squeeze %dma_start3A_1349 : memref<1x4096x128xf32, #tpu.memory_space<hbm>> -> memref<4096x128xf32, #tpu.memory_space<hbm>>
      %dma_start3A_1351 = arith.constant 0 : i32
      %dma_start3A_1352 = tpu.memref_slice %dma_start3A_1350[%add3A_1340, %dma_start3A_1351] : memref<4096x128xf32, #tpu.memory_space<hbm>> -> memref<32x128xf32, #tpu.memory_space<hbm>>
      %dma_start3A_1353 = tpu.memref_slice %arg8[%dma_start3A_1342] : memref<10x!tpu.dma_semaphore, #tpu.memory_space<semaphore_mem>> -> memref<1x!tpu.dma_semaphore, #tpu.memory_space<semaphore_mem>>
      %dma_start3A_1354 = tpu.memref_squeeze %dma_start3A_1353 : memref<1x!tpu.dma_semaphore, #tpu.memory_space<semaphore_mem>> -> memref<!tpu.dma_semaphore, #tpu.memory_space<semaphore_mem>>
      %dma_start3A_1355 = arith.constant 0 : i32
      %dma_start3A_1356 = arith.constant 0 : i32
      %dma_start3A_1357 = tpu.memref_slice %arg4[%select_n3A_1321, %dma_start3A_1355, %dma_start3A_1356] : memref<50x4096x128xf32, #tpu.memory_space<hbm>> -> memref<1x4096x128xf32, #tpu.memory_space<hbm>>
      %dma_start3A_1358 = tpu.memref_squeeze %dma_start3A_1357 : memref<1x4096x128xf32, #tpu.memory_space<hbm>> -> memref<4096x128xf32, #tpu.memory_space<hbm>>
      %dma_start3A_1359 = arith.constant 0 : i32
      %dma_start3A_1360 = tpu.memref_slice %dma_start3A_1358[%add3A_1340, %dma_start3A_1359] : memref<4096x128xf32, #tpu.memory_space<hbm>> -> memref<32x128xf32, #tpu.memory_space<hbm>>
      %dma_start3A_1361 = arith.constant 0 : i32
      %dma_start3A_1362 = arith.constant 0 : i32
      %dma_start3A_1363 = tpu.memref_slice %arg6[%dma_start3A_1341, %dma_start3A_1361, %dma_start3A_1362] : memref<10x32x128xf32, #tpu.memory_space<vmem>> -> memref<1x32x128xf32, #tpu.memory_space<vmem>>
      %dma_start3A_1364 = tpu.memref_squeeze %dma_start3A_1363 : memref<1x32x128xf32, #tpu.memory_space<vmem>> -> memref<32x128xf32, #tpu.memory_space<vmem>>
      tpu.enqueue_dma source(%dma_start3A_1364 : memref<32x128xf32, #tpu.memory_space<vmem>>) target(%dma_start3A_1360 : memref<32x128xf32, #tpu.memory_space<hbm>>) target_semaphore(%dma_start3A_1354 : memref<!tpu.dma_semaphore, #tpu.memory_space<semaphore_mem>>)
      %mul3A_1365 = arith.constant 10 : i32
      %mul3A_1366 = arith.muli %scan3A_396, %mul3A_1365 : i32
      %add3A_1367 = arith.constant 7 : i32
      %add3A_1368 = arith.addi %mul3A_1366, %add3A_1367 : i32
      %add3A_1369 = arith.constant 8 : i32
      %add3A_1370 = arith.addi %add3A_1368, %add3A_1369 : i32
      %lt3A_1371 = arith.constant 200 : i32
      %lt3A_1372 = arith.cmpi slt, %add3A_1370, %lt3A_1371 : i32
      %convert_element_type3A_1373 = arith.extui %lt3A_1372 : i1 to i32
      %cond3A_1374 = arith.constant 0 : i32
      %cond3A_1375 = arith.cmpi ne, %convert_element_type3A_1373, %cond3A_1374 : i32
      scf.if %cond3A_1375 {
        %ge3A = arith.constant 10 : i32
        %ge3A_1785 = arith.cmpi sge, %add3A_1370, %ge3A : i32
        %convert_element_type3A_1786 = arith.extui %ge3A_1785 : i1 to i32
        %cond3A_1787 = arith.constant 0 : i32
        %cond3A_1788 = arith.cmpi ne, %convert_element_type3A_1786, %cond3A_1787 : i32
        scf.if %cond3A_1788 {
          %sub3A_1844 = arith.constant 10 : i32
          %sub3A_1845 = arith.subi %add3A_1370, %sub3A_1844 : i32
          %jit3A_1846 = arith.constant 4 : i32
          %div3A_1847 = arith.divsi %sub3A_1845, %jit3A_1846 : i32
          %sign3A_1848 = arith.constant 0 : i32
          %sign3A_1849 = arith.cmpi sgt, %sub3A_1845, %sign3A_1848 : i32
          %sign3A_1850 = arith.extui %sign3A_1849 : i1 to i32
          %sign3A_1851 = arith.constant 0 : i32
          %sign3A_1852 = arith.cmpi slt, %sub3A_1845, %sign3A_1851 : i32
          %sign3A_1853 = arith.extui %sign3A_1852 : i1 to i32
          %sign3A_1854 = arith.subi %sign3A_1850, %sign3A_1853 : i32
          %sign3A_1855 = arith.constant 0 : i32
          %sign3A_1856 = arith.cmpi sgt, %jit3A_1846, %sign3A_1855 : i32
          %sign3A_1857 = arith.extui %sign3A_1856 : i1 to i32
          %sign3A_1858 = arith.constant 0 : i32
          %sign3A_1859 = arith.cmpi slt, %jit3A_1846, %sign3A_1858 : i32
          %sign3A_1860 = arith.extui %sign3A_1859 : i1 to i32
          %sign3A_1861 = arith.subi %sign3A_1857, %sign3A_1860 : i32
          %ne3A_1862 = arith.cmpi ne, %sign3A_1854, %sign3A_1861 : i32
          %rem3A_1863 = arith.remsi %sub3A_1845, %jit3A_1846 : i32
          %ne3A_1864 = arith.constant 0 : i32
          %ne3A_1865 = arith.cmpi ne, %rem3A_1863, %ne3A_1864 : i32
          %and3A_1866 = arith.andi %ne3A_1862, %ne3A_1865 : i1
          %sub3A_1867 = arith.constant 1 : i32
          %sub3A_1868 = arith.subi %div3A_1847, %sub3A_1867 : i32
          %select_n3A_1869 = arith.select %and3A_1866, %sub3A_1868, %div3A_1847 : i32
          %jit3A_1870 = arith.constant 4 : i32
          %eq3A_1871 = arith.constant 0 : i32
          %eq3A_1872 = arith.cmpi eq, %jit3A_1870, %eq3A_1871 : i32
          %jit3A_1873 = arith.constant 1 : i32
          %select_n3A_1874 = arith.select %eq3A_1872, %jit3A_1873, %jit3A_1870 : i32
          %rem3A_1875 = arith.remsi %sub3A_1845, %select_n3A_1874 : i32
          %ne3A_1876 = arith.constant 0 : i32
          %ne3A_1877 = arith.cmpi ne, %rem3A_1875, %ne3A_1876 : i32
          %lt3A_1878 = arith.constant 0 : i32
          %lt3A_1879 = arith.cmpi slt, %rem3A_1875, %lt3A_1878 : i32
          %lt3A_1880 = arith.constant 0 : i32
          %lt3A_1881 = arith.cmpi slt, %select_n3A_1874, %lt3A_1880 : i32
          %ne3A_1882 = arith.xori %lt3A_1879, %lt3A_1881 : i1
          %and3A_1883 = arith.andi %ne3A_1882, %ne3A_1877 : i1
          %add3A_1884 = arith.addi %rem3A_1875, %select_n3A_1874 : i32
          %select_n3A_1885 = arith.select %and3A_1883, %add3A_1884, %rem3A_1875 : i32
          %mul3A_1886 = arith.constant 32 : i32
          %mul3A_1887 = arith.muli %select_n3A_1885, %mul3A_1886 : i32
          %add3A_1888 = arith.addi %mul3A_2, %mul3A_1887 : i32
          %dma_wait3A_1889 = arith.constant 5 : i32
          %dma_wait3A_1890 = arith.constant 5 : i32
          %dma_wait3A_1891 = arith.constant 0 : i32
          %dma_wait3A_1892 = arith.constant 0 : i32
          %dma_wait3A_1893 = tpu.memref_slice %arg6[%dma_wait3A_1889, %dma_wait3A_1891, %dma_wait3A_1892] : memref<10x32x128xf32, #tpu.memory_space<vmem>> -> memref<1x32x128xf32, #tpu.memory_space<vmem>>
          %dma_wait3A_1894 = tpu.memref_squeeze %dma_wait3A_1893 : memref<1x32x128xf32, #tpu.memory_space<vmem>> -> memref<32x128xf32, #tpu.memory_space<vmem>>
          %dma_wait3A_1895 = arith.constant 0 : i32
          %dma_wait3A_1896 = arith.constant 0 : i32
          %dma_wait3A_1897 = tpu.memref_slice %arg4[%select_n3A_1869, %dma_wait3A_1895, %dma_wait3A_1896] : memref<50x4096x128xf32, #tpu.memory_space<hbm>> -> memref<1x4096x128xf32, #tpu.memory_space<hbm>>
          %dma_wait3A_1898 = tpu.memref_squeeze %dma_wait3A_1897 : memref<1x4096x128xf32, #tpu.memory_space<hbm>> -> memref<4096x128xf32, #tpu.memory_space<hbm>>
          %dma_wait3A_1899 = arith.constant 0 : i32
          %dma_wait3A_1900 = tpu.memref_slice %dma_wait3A_1898[%add3A_1888, %dma_wait3A_1899] : memref<4096x128xf32, #tpu.memory_space<hbm>> -> memref<32x128xf32, #tpu.memory_space<hbm>>
          %dma_wait3A_1901 = tpu.memref_slice %arg8[%dma_wait3A_1890] : memref<10x!tpu.dma_semaphore, #tpu.memory_space<semaphore_mem>> -> memref<1x!tpu.dma_semaphore, #tpu.memory_space<semaphore_mem>>
          %dma_wait3A_1902 = tpu.memref_squeeze %dma_wait3A_1901 : memref<1x!tpu.dma_semaphore, #tpu.memory_space<semaphore_mem>> -> memref<!tpu.dma_semaphore, #tpu.memory_space<semaphore_mem>>
          %dma_wait3A_1903 = arith.constant 0 : i32
          %dma_wait3A_1904 = arith.constant 0 : i32
          %dma_wait3A_1905 = tpu.memref_slice %arg4[%select_n3A_1869, %dma_wait3A_1903, %dma_wait3A_1904] : memref<50x4096x128xf32, #tpu.memory_space<hbm>> -> memref<1x4096x128xf32, #tpu.memory_space<hbm>>
          %dma_wait3A_1906 = tpu.memref_squeeze %dma_wait3A_1905 : memref<1x4096x128xf32, #tpu.memory_space<hbm>> -> memref<4096x128xf32, #tpu.memory_space<hbm>>
          %dma_wait3A_1907 = arith.constant 0 : i32
          %dma_wait3A_1908 = tpu.memref_slice %dma_wait3A_1906[%add3A_1888, %dma_wait3A_1907] : memref<4096x128xf32, #tpu.memory_space<hbm>> -> memref<32x128xf32, #tpu.memory_space<hbm>>
          %dma_wait3A_1909 = arith.constant 0 : i32
          %dma_wait3A_1910 = arith.constant 0 : i32
          %dma_wait3A_1911 = tpu.memref_slice %arg6[%dma_wait3A_1889, %dma_wait3A_1909, %dma_wait3A_1910] : memref<10x32x128xf32, #tpu.memory_space<vmem>> -> memref<1x32x128xf32, #tpu.memory_space<vmem>>
          %dma_wait3A_1912 = tpu.memref_squeeze %dma_wait3A_1911 : memref<1x32x128xf32, #tpu.memory_space<vmem>> -> memref<32x128xf32, #tpu.memory_space<vmem>>
          tpu.wait_dma2 semaphore(%dma_wait3A_1902 : memref<!tpu.dma_semaphore, #tpu.memory_space<semaphore_mem>>) src(%dma_wait3A_1912 : memref<32x128xf32, #tpu.memory_space<vmem>>) dst(%dma_wait3A_1908 : memref<32x128xf32, #tpu.memory_space<hbm>>)
        } else {
        }
        %jit3A_1789 = arith.constant 4 : i32
        %div3A_1790 = arith.divsi %add3A_1370, %jit3A_1789 : i32
        %sign3A_1791 = arith.constant 0 : i32
        %sign3A_1792 = arith.cmpi sgt, %add3A_1370, %sign3A_1791 : i32
        %sign3A_1793 = arith.extui %sign3A_1792 : i1 to i32
        %sign3A_1794 = arith.constant 0 : i32
        %sign3A_1795 = arith.cmpi slt, %add3A_1370, %sign3A_1794 : i32
        %sign3A_1796 = arith.extui %sign3A_1795 : i1 to i32
        %sign3A_1797 = arith.subi %sign3A_1793, %sign3A_1796 : i32
        %sign3A_1798 = arith.constant 0 : i32
        %sign3A_1799 = arith.cmpi sgt, %jit3A_1789, %sign3A_1798 : i32
        %sign3A_1800 = arith.extui %sign3A_1799 : i1 to i32
        %sign3A_1801 = arith.constant 0 : i32
        %sign3A_1802 = arith.cmpi slt, %jit3A_1789, %sign3A_1801 : i32
        %sign3A_1803 = arith.extui %sign3A_1802 : i1 to i32
        %sign3A_1804 = arith.subi %sign3A_1800, %sign3A_1803 : i32
        %ne3A_1805 = arith.cmpi ne, %sign3A_1797, %sign3A_1804 : i32
        %rem3A_1806 = arith.remsi %add3A_1370, %jit3A_1789 : i32
        %ne3A_1807 = arith.constant 0 : i32
        %ne3A_1808 = arith.cmpi ne, %rem3A_1806, %ne3A_1807 : i32
        %and3A_1809 = arith.andi %ne3A_1805, %ne3A_1808 : i1
        %sub3A_1810 = arith.constant 1 : i32
        %sub3A_1811 = arith.subi %div3A_1790, %sub3A_1810 : i32
        %select_n3A_1812 = arith.select %and3A_1809, %sub3A_1811, %div3A_1790 : i32
        %jit3A_1813 = arith.constant 4 : i32
        %eq3A_1814 = arith.constant 0 : i32
        %eq3A_1815 = arith.cmpi eq, %jit3A_1813, %eq3A_1814 : i32
        %jit3A_1816 = arith.constant 1 : i32
        %select_n3A_1817 = arith.select %eq3A_1815, %jit3A_1816, %jit3A_1813 : i32
        %rem3A_1818 = arith.remsi %add3A_1370, %select_n3A_1817 : i32
        %ne3A_1819 = arith.constant 0 : i32
        %ne3A_1820 = arith.cmpi ne, %rem3A_1818, %ne3A_1819 : i32
        %lt3A_1821 = arith.constant 0 : i32
        %lt3A_1822 = arith.cmpi slt, %rem3A_1818, %lt3A_1821 : i32
        %lt3A_1823 = arith.constant 0 : i32
        %lt3A_1824 = arith.cmpi slt, %select_n3A_1817, %lt3A_1823 : i32
        %ne3A_1825 = arith.xori %lt3A_1822, %lt3A_1824 : i1
        %and3A_1826 = arith.andi %ne3A_1825, %ne3A_1820 : i1
        %add3A_1827 = arith.addi %rem3A_1818, %select_n3A_1817 : i32
        %select_n3A_1828 = arith.select %and3A_1826, %add3A_1827, %rem3A_1818 : i32
        %mul3A_1829 = arith.constant 32 : i32
        %mul3A_1830 = arith.muli %select_n3A_1828, %mul3A_1829 : i32
        %dma_start3A_1831 = arith.constant 5 : i32
        %dma_start3A_1832 = arith.constant 5 : i32
        %dma_start3A_1833 = arith.constant 0 : i32
        %dma_start3A_1834 = arith.constant 0 : i32
        %dma_start3A_1835 = tpu.memref_slice %arg6[%dma_start3A_1831, %dma_start3A_1833, %dma_start3A_1834] : memref<10x32x128xf32, #tpu.memory_space<vmem>> -> memref<1x32x128xf32, #tpu.memory_space<vmem>>
        %dma_start3A_1836 = tpu.memref_squeeze %dma_start3A_1835 : memref<1x32x128xf32, #tpu.memory_space<vmem>> -> memref<32x128xf32, #tpu.memory_space<vmem>>
        %dma_start3A_1837 = tpu.memref_slice %arg5[%select_n3A_1812, %mul3A_1830] : memref<50x128xi32, #tpu.memory_space<vmem>> -> memref<1x32xi32, #tpu.memory_space<vmem>>
        %dma_start3A_1838 = tpu.memref_squeeze %dma_start3A_1837 : memref<1x32xi32, #tpu.memory_space<vmem>> -> memref<32xi32, #tpu.memory_space<vmem>>
        %dma_start3A_1839 = arith.constant 0 : i32
        %dma_start3A_1840 = arith.constant 0 : i32
        %dma_start3A_1841 = tpu.memref_slice %arg3[%dma_start3A_1839, %dma_start3A_1840] : memref<100000x128xf32, #tpu.memory_space<hbm>> -> memref<100000x128xf32, #tpu.memory_space<hbm>>
        %dma_start3A_1842 = tpu.memref_slice %arg7[%dma_start3A_1832] : memref<10x!tpu.dma_semaphore, #tpu.memory_space<semaphore_mem>> -> memref<1x!tpu.dma_semaphore, #tpu.memory_space<semaphore_mem>>
        %dma_start3A_1843 = tpu.memref_squeeze %dma_start3A_1842 : memref<1x!tpu.dma_semaphore, #tpu.memory_space<semaphore_mem>> -> memref<!tpu.dma_semaphore, #tpu.memory_space<semaphore_mem>>
        tpu.enqueue_indirect_dma source(%dma_start3A_1841 : memref<100000x128xf32, #tpu.memory_space<hbm>>) target(%dma_start3A_1836 : memref<32x128xf32, #tpu.memory_space<vmem>>) offsets(%dma_start3A_1838 : memref<32xi32, #tpu.memory_space<vmem>>) semaphore(%dma_start3A_1843 : memref<!tpu.dma_semaphore, #tpu.memory_space<semaphore_mem>>)
      } else {
      }
      %jit3A_1376 = arith.constant 4 : i32
      %div3A_1377 = arith.divsi %add3A_1368, %jit3A_1376 : i32
      %sign3A_1378 = arith.constant 0 : i32
      %sign3A_1379 = arith.cmpi sgt, %add3A_1368, %sign3A_1378 : i32
      %sign3A_1380 = arith.extui %sign3A_1379 : i1 to i32
      %sign3A_1381 = arith.constant 0 : i32
      %sign3A_1382 = arith.cmpi slt, %add3A_1368, %sign3A_1381 : i32
      %sign3A_1383 = arith.extui %sign3A_1382 : i1 to i32
      %sign3A_1384 = arith.subi %sign3A_1380, %sign3A_1383 : i32
      %sign3A_1385 = arith.constant 0 : i32
      %sign3A_1386 = arith.cmpi sgt, %jit3A_1376, %sign3A_1385 : i32
      %sign3A_1387 = arith.extui %sign3A_1386 : i1 to i32
      %sign3A_1388 = arith.constant 0 : i32
      %sign3A_1389 = arith.cmpi slt, %jit3A_1376, %sign3A_1388 : i32
      %sign3A_1390 = arith.extui %sign3A_1389 : i1 to i32
      %sign3A_1391 = arith.subi %sign3A_1387, %sign3A_1390 : i32
      %ne3A_1392 = arith.cmpi ne, %sign3A_1384, %sign3A_1391 : i32
      %rem3A_1393 = arith.remsi %add3A_1368, %jit3A_1376 : i32
      %ne3A_1394 = arith.constant 0 : i32
      %ne3A_1395 = arith.cmpi ne, %rem3A_1393, %ne3A_1394 : i32
      %and3A_1396 = arith.andi %ne3A_1392, %ne3A_1395 : i1
      %sub3A_1397 = arith.constant 1 : i32
      %sub3A_1398 = arith.subi %div3A_1377, %sub3A_1397 : i32
      %select_n3A_1399 = arith.select %and3A_1396, %sub3A_1398, %div3A_1377 : i32
      %jit3A_1400 = arith.constant 4 : i32
      %eq3A_1401 = arith.constant 0 : i32
      %eq3A_1402 = arith.cmpi eq, %jit3A_1400, %eq3A_1401 : i32
      %jit3A_1403 = arith.constant 1 : i32
      %select_n3A_1404 = arith.select %eq3A_1402, %jit3A_1403, %jit3A_1400 : i32
      %rem3A_1405 = arith.remsi %add3A_1368, %select_n3A_1404 : i32
      %ne3A_1406 = arith.constant 0 : i32
      %ne3A_1407 = arith.cmpi ne, %rem3A_1405, %ne3A_1406 : i32
      %lt3A_1408 = arith.constant 0 : i32
      %lt3A_1409 = arith.cmpi slt, %rem3A_1405, %lt3A_1408 : i32
      %lt3A_1410 = arith.constant 0 : i32
      %lt3A_1411 = arith.cmpi slt, %select_n3A_1404, %lt3A_1410 : i32
      %ne3A_1412 = arith.xori %lt3A_1409, %lt3A_1411 : i1
      %and3A_1413 = arith.andi %ne3A_1412, %ne3A_1407 : i1
      %add3A_1414 = arith.addi %rem3A_1405, %select_n3A_1404 : i32
      %select_n3A_1415 = arith.select %and3A_1413, %add3A_1414, %rem3A_1405 : i32
      %mul3A_1416 = arith.constant 32 : i32
      %mul3A_1417 = arith.muli %select_n3A_1415, %mul3A_1416 : i32
      %dma_wait3A_1418 = arith.constant 7 : i32
      %dma_wait3A_1419 = arith.constant 7 : i32
      %dma_wait3A_1420 = arith.constant 0 : i32
      %dma_wait3A_1421 = arith.constant 0 : i32
      %dma_wait3A_1422 = tpu.memref_slice %arg6[%dma_wait3A_1418, %dma_wait3A_1420, %dma_wait3A_1421] : memref<10x32x128xf32, #tpu.memory_space<vmem>> -> memref<1x32x128xf32, #tpu.memory_space<vmem>>
      %dma_wait3A_1423 = tpu.memref_squeeze %dma_wait3A_1422 : memref<1x32x128xf32, #tpu.memory_space<vmem>> -> memref<32x128xf32, #tpu.memory_space<vmem>>
      %dma_wait3A_1424 = tpu.memref_slice %arg5[%select_n3A_1399, %mul3A_1417] : memref<50x128xi32, #tpu.memory_space<vmem>> -> memref<1x32xi32, #tpu.memory_space<vmem>>
      %dma_wait3A_1425 = tpu.memref_squeeze %dma_wait3A_1424 : memref<1x32xi32, #tpu.memory_space<vmem>> -> memref<32xi32, #tpu.memory_space<vmem>>
      %dma_wait3A_1426 = arith.constant 0 : i32
      %dma_wait3A_1427 = arith.constant 0 : i32
      %dma_wait3A_1428 = tpu.memref_slice %arg3[%dma_wait3A_1426, %dma_wait3A_1427] : memref<100000x128xf32, #tpu.memory_space<hbm>> -> memref<100000x128xf32, #tpu.memory_space<hbm>>
      %dma_wait3A_1429 = tpu.memref_slice %arg7[%dma_wait3A_1419] : memref<10x!tpu.dma_semaphore, #tpu.memory_space<semaphore_mem>> -> memref<1x!tpu.dma_semaphore, #tpu.memory_space<semaphore_mem>>
      %dma_wait3A_1430 = tpu.memref_squeeze %dma_wait3A_1429 : memref<1x!tpu.dma_semaphore, #tpu.memory_space<semaphore_mem>> -> memref<!tpu.dma_semaphore, #tpu.memory_space<semaphore_mem>>
      tpu.wait_indirect_dma semaphore(%dma_wait3A_1430 : memref<!tpu.dma_semaphore, #tpu.memory_space<semaphore_mem>>) src(%dma_wait3A_1428 : memref<100000x128xf32, #tpu.memory_space<hbm>>) dst(%dma_wait3A_1423 : memref<32x128xf32, #tpu.memory_space<vmem>>)
      %scan3A_1431 = arith.constant 0 : i32
      %scan3A_1432 = arith.constant 7 : i32
      %scan3A_1433 = arith.constant 0 : i32
      %scan3A_1434 = arith.constant 32 : i32
      %scan3A_1435 = arith.addi %scan3A_1433, %scan3A_1434 : i32
      %scan3A_1436 = arith.constant 1 : i32
      scf.for %scan3A_1785 = %scan3A_1433 to %scan3A_1435 step %scan3A_1436  : i32 {
        %get3A = arith.constant 0 : i32
        %get3A_1786 = arith.constant 0 : i32
        %get3A_1787 = tpu.memref_slice %arg6[%scan3A_1432, %get3A, %get3A_1786] : memref<10x32x128xf32, #tpu.memory_space<vmem>> -> memref<1x32x128xf32, #tpu.memory_space<vmem>>
        %get3A_1788 = tpu.memref_squeeze %get3A_1787 : memref<1x32x128xf32, #tpu.memory_space<vmem>> -> memref<32x128xf32, #tpu.memory_space<vmem>>
        %get3A_1789 = arith.index_cast %scan3A_1785 : i32 to index
        %get3A_1790 = arith.constant 0 : index
        %get3A_1791 = tpu.vector_load %get3A_1788[%get3A_1789, %get3A_1790] {strides = array<i32>} : memref<32x128xf32, #tpu.memory_space<vmem>>, vector<1x16xf32>,
        %get3A_1792 = vector.shape_cast %get3A_1791 : vector<1x16xf32> to vector<16xf32>
        %mul3A_1793 = arith.constant 11.3137083 : f32
        %mul3A_1794 = vector.broadcast %mul3A_1793 : f32 to vector<16xf32>
        %mul3A_1795 = arith.mulf %get3A_1792, %mul3A_1794 : vector<16xf32>
        %swap3A = arith.constant 0 : i32
        %swap3A_1796 = arith.constant 0 : i32
        %swap3A_1797 = tpu.memref_slice %arg6[%scan3A_1432, %swap3A, %swap3A_1796] : memref<10x32x128xf32, #tpu.memory_space<vmem>> -> memref<1x32x128xf32, #tpu.memory_space<vmem>>
        %swap3A_1798 = tpu.memref_squeeze %swap3A_1797 : memref<1x32x128xf32, #tpu.memory_space<vmem>> -> memref<32x128xf32, #tpu.memory_space<vmem>>
        %swap3A_1799 = arith.index_cast %scan3A_1785 : i32 to index
        %swap3A_1800 = arith.constant 0 : index
        %swap3A_1801 = tpu.vector_load %swap3A_1798[%swap3A_1799, %swap3A_1800] {strides = array<i32>} : memref<32x128xf32, #tpu.memory_space<vmem>>, vector<1x16xf32>,
        %swap3A_1802 = vector.shape_cast %swap3A_1801 : vector<1x16xf32> to vector<16xf32>
        %swap3A_1803 = vector.shape_cast %mul3A_1795 : vector<16xf32> to vector<1x16xf32>
        tpu.vector_store %swap3A_1798[%swap3A_1799, %swap3A_1800], %swap3A_1803 {strides = array<i32>} : memref<32x128xf32, #tpu.memory_space<vmem>>, vector<1x16xf32>,
        %get3A_1804 = arith.constant 0 : i32
        %get3A_1805 = arith.constant 0 : i32
        %get3A_1806 = tpu.memref_slice %arg6[%scan3A_1432, %get3A_1804, %get3A_1805] : memref<10x32x128xf32, #tpu.memory_space<vmem>> -> memref<1x32x128xf32, #tpu.memory_space<vmem>>
        %get3A_1807 = tpu.memref_squeeze %get3A_1806 : memref<1x32x128xf32, #tpu.memory_space<vmem>> -> memref<32x128xf32, #tpu.memory_space<vmem>>
        %get3A_1808 = arith.index_cast %scan3A_1785 : i32 to index
        %get3A_1809 = arith.constant 16 : index
        %get3A_1810 = tpu.vector_load %get3A_1807[%get3A_1808, %get3A_1809] {strides = array<i32>} : memref<32x128xf32, #tpu.memory_space<vmem>>, vector<1x16xf32>,
        %get3A_1811 = vector.shape_cast %get3A_1810 : vector<1x16xf32> to vector<16xf32>
        %mul3A_1812 = arith.constant 11.3137083 : f32
        %mul3A_1813 = vector.broadcast %mul3A_1812 : f32 to vector<16xf32>
        %mul3A_1814 = arith.mulf %get3A_1811, %mul3A_1813 : vector<16xf32>
        %swap3A_1815 = arith.constant 0 : i32
        %swap3A_1816 = arith.constant 0 : i32
        %swap3A_1817 = tpu.memref_slice %arg6[%scan3A_1432, %swap3A_1815, %swap3A_1816] : memref<10x32x128xf32, #tpu.memory_space<vmem>> -> memref<1x32x128xf32, #tpu.memory_space<vmem>>
        %swap3A_1818 = tpu.memref_squeeze %swap3A_1817 : memref<1x32x128xf32, #tpu.memory_space<vmem>> -> memref<32x128xf32, #tpu.memory_space<vmem>>
        %swap3A_1819 = arith.index_cast %scan3A_1785 : i32 to index
        %swap3A_1820 = arith.constant 16 : index
        %swap3A_1821 = tpu.vector_load %swap3A_1818[%swap3A_1819, %swap3A_1820] {strides = array<i32>} : memref<32x128xf32, #tpu.memory_space<vmem>>, vector<1x16xf32>,
        %swap3A_1822 = vector.shape_cast %swap3A_1821 : vector<1x16xf32> to vector<16xf32>
        %swap3A_1823 = vector.shape_cast %mul3A_1814 : vector<16xf32> to vector<1x16xf32>
        tpu.vector_store %swap3A_1818[%swap3A_1819, %swap3A_1820], %swap3A_1823 {strides = array<i32>} : memref<32x128xf32, #tpu.memory_space<vmem>>, vector<1x16xf32>,
        %get3A_1824 = arith.constant 0 : i32
        %get3A_1825 = arith.constant 0 : i32
        %get3A_1826 = tpu.memref_slice %arg6[%scan3A_1432, %get3A_1824, %get3A_1825] : memref<10x32x128xf32, #tpu.memory_space<vmem>> -> memref<1x32x128xf32, #tpu.memory_space<vmem>>
        %get3A_1827 = tpu.memref_squeeze %get3A_1826 : memref<1x32x128xf32, #tpu.memory_space<vmem>> -> memref<32x128xf32, #tpu.memory_space<vmem>>
        %get3A_1828 = arith.index_cast %scan3A_1785 : i32 to index
        %get3A_1829 = arith.constant 32 : index
        %get3A_1830 = tpu.vector_load %get3A_1827[%get3A_1828, %get3A_1829] {strides = array<i32>} : memref<32x128xf32, #tpu.memory_space<vmem>>, vector<1x16xf32>,
        %get3A_1831 = vector.shape_cast %get3A_1830 : vector<1x16xf32> to vector<16xf32>
        %mul3A_1832 = arith.constant 11.3137083 : f32
        %mul3A_1833 = vector.broadcast %mul3A_1832 : f32 to vector<16xf32>
        %mul3A_1834 = arith.mulf %get3A_1831, %mul3A_1833 : vector<16xf32>
        %swap3A_1835 = arith.constant 0 : i32
        %swap3A_1836 = arith.constant 0 : i32
        %swap3A_1837 = tpu.memref_slice %arg6[%scan3A_1432, %swap3A_1835, %swap3A_1836] : memref<10x32x128xf32, #tpu.memory_space<vmem>> -> memref<1x32x128xf32, #tpu.memory_space<vmem>>
        %swap3A_1838 = tpu.memref_squeeze %swap3A_1837 : memref<1x32x128xf32, #tpu.memory_space<vmem>> -> memref<32x128xf32, #tpu.memory_space<vmem>>
        %swap3A_1839 = arith.index_cast %scan3A_1785 : i32 to index
        %swap3A_1840 = arith.constant 32 : index
        %swap3A_1841 = tpu.vector_load %swap3A_1838[%swap3A_1839, %swap3A_1840] {strides = array<i32>} : memref<32x128xf32, #tpu.memory_space<vmem>>, vector<1x16xf32>,
        %swap3A_1842 = vector.shape_cast %swap3A_1841 : vector<1x16xf32> to vector<16xf32>
        %swap3A_1843 = vector.shape_cast %mul3A_1834 : vector<16xf32> to vector<1x16xf32>
        tpu.vector_store %swap3A_1838[%swap3A_1839, %swap3A_1840], %swap3A_1843 {strides = array<i32>} : memref<32x128xf32, #tpu.memory_space<vmem>>, vector<1x16xf32>,
        %get3A_1844 = arith.constant 0 : i32
        %get3A_1845 = arith.constant 0 : i32
        %get3A_1846 = tpu.memref_slice %arg6[%scan3A_1432, %get3A_1844, %get3A_1845] : memref<10x32x128xf32, #tpu.memory_space<vmem>> -> memref<1x32x128xf32, #tpu.memory_space<vmem>>
        %get3A_1847 = tpu.memref_squeeze %get3A_1846 : memref<1x32x128xf32, #tpu.memory_space<vmem>> -> memref<32x128xf32, #tpu.memory_space<vmem>>
        %get3A_1848 = arith.index_cast %scan3A_1785 : i32 to index
        %get3A_1849 = arith.constant 48 : index
        %get3A_1850 = tpu.vector_load %get3A_1847[%get3A_1848, %get3A_1849] {strides = array<i32>} : memref<32x128xf32, #tpu.memory_space<vmem>>, vector<1x16xf32>,
        %get3A_1851 = vector.shape_cast %get3A_1850 : vector<1x16xf32> to vector<16xf32>
        %mul3A_1852 = arith.constant 11.3137083 : f32
        %mul3A_1853 = vector.broadcast %mul3A_1852 : f32 to vector<16xf32>
        %mul3A_1854 = arith.mulf %get3A_1851, %mul3A_1853 : vector<16xf32>
        %swap3A_1855 = arith.constant 0 : i32
        %swap3A_1856 = arith.constant 0 : i32
        %swap3A_1857 = tpu.memref_slice %arg6[%scan3A_1432, %swap3A_1855, %swap3A_1856] : memref<10x32x128xf32, #tpu.memory_space<vmem>> -> memref<1x32x128xf32, #tpu.memory_space<vmem>>
        %swap3A_1858 = tpu.memref_squeeze %swap3A_1857 : memref<1x32x128xf32, #tpu.memory_space<vmem>> -> memref<32x128xf32, #tpu.memory_space<vmem>>
        %swap3A_1859 = arith.index_cast %scan3A_1785 : i32 to index
        %swap3A_1860 = arith.constant 48 : index
        %swap3A_1861 = tpu.vector_load %swap3A_1858[%swap3A_1859, %swap3A_1860] {strides = array<i32>} : memref<32x128xf32, #tpu.memory_space<vmem>>, vector<1x16xf32>,
        %swap3A_1862 = vector.shape_cast %swap3A_1861 : vector<1x16xf32> to vector<16xf32>
        %swap3A_1863 = vector.shape_cast %mul3A_1854 : vector<16xf32> to vector<1x16xf32>
        tpu.vector_store %swap3A_1858[%swap3A_1859, %swap3A_1860], %swap3A_1863 {strides = array<i32>} : memref<32x128xf32, #tpu.memory_space<vmem>>, vector<1x16xf32>,
        %get3A_1864 = arith.constant 0 : i32
        %get3A_1865 = arith.constant 0 : i32
        %get3A_1866 = tpu.memref_slice %arg6[%scan3A_1432, %get3A_1864, %get3A_1865] : memref<10x32x128xf32, #tpu.memory_space<vmem>> -> memref<1x32x128xf32, #tpu.memory_space<vmem>>
        %get3A_1867 = tpu.memref_squeeze %get3A_1866 : memref<1x32x128xf32, #tpu.memory_space<vmem>> -> memref<32x128xf32, #tpu.memory_space<vmem>>
        %get3A_1868 = arith.index_cast %scan3A_1785 : i32 to index
        %get3A_1869 = arith.constant 64 : index
        %get3A_1870 = tpu.vector_load %get3A_1867[%get3A_1868, %get3A_1869] {strides = array<i32>} : memref<32x128xf32, #tpu.memory_space<vmem>>, vector<1x16xf32>,
        %get3A_1871 = vector.shape_cast %get3A_1870 : vector<1x16xf32> to vector<16xf32>
        %mul3A_1872 = arith.constant 11.3137083 : f32
        %mul3A_1873 = vector.broadcast %mul3A_1872 : f32 to vector<16xf32>
        %mul3A_1874 = arith.mulf %get3A_1871, %mul3A_1873 : vector<16xf32>
        %swap3A_1875 = arith.constant 0 : i32
        %swap3A_1876 = arith.constant 0 : i32
        %swap3A_1877 = tpu.memref_slice %arg6[%scan3A_1432, %swap3A_1875, %swap3A_1876] : memref<10x32x128xf32, #tpu.memory_space<vmem>> -> memref<1x32x128xf32, #tpu.memory_space<vmem>>
        %swap3A_1878 = tpu.memref_squeeze %swap3A_1877 : memref<1x32x128xf32, #tpu.memory_space<vmem>> -> memref<32x128xf32, #tpu.memory_space<vmem>>
        %swap3A_1879 = arith.index_cast %scan3A_1785 : i32 to index
        %swap3A_1880 = arith.constant 64 : index
        %swap3A_1881 = tpu.vector_load %swap3A_1878[%swap3A_1879, %swap3A_1880] {strides = array<i32>} : memref<32x128xf32, #tpu.memory_space<vmem>>, vector<1x16xf32>,
        %swap3A_1882 = vector.shape_cast %swap3A_1881 : vector<1x16xf32> to vector<16xf32>
        %swap3A_1883 = vector.shape_cast %mul3A_1874 : vector<16xf32> to vector<1x16xf32>
        tpu.vector_store %swap3A_1878[%swap3A_1879, %swap3A_1880], %swap3A_1883 {strides = array<i32>} : memref<32x128xf32, #tpu.memory_space<vmem>>, vector<1x16xf32>,
        %get3A_1884 = arith.constant 0 : i32
        %get3A_1885 = arith.constant 0 : i32
        %get3A_1886 = tpu.memref_slice %arg6[%scan3A_1432, %get3A_1884, %get3A_1885] : memref<10x32x128xf32, #tpu.memory_space<vmem>> -> memref<1x32x128xf32, #tpu.memory_space<vmem>>
        %get3A_1887 = tpu.memref_squeeze %get3A_1886 : memref<1x32x128xf32, #tpu.memory_space<vmem>> -> memref<32x128xf32, #tpu.memory_space<vmem>>
        %get3A_1888 = arith.index_cast %scan3A_1785 : i32 to index
        %get3A_1889 = arith.constant 80 : index
        %get3A_1890 = tpu.vector_load %get3A_1887[%get3A_1888, %get3A_1889] {strides = array<i32>} : memref<32x128xf32, #tpu.memory_space<vmem>>, vector<1x16xf32>,
        %get3A_1891 = vector.shape_cast %get3A_1890 : vector<1x16xf32> to vector<16xf32>
        %mul3A_1892 = arith.constant 11.3137083 : f32
        %mul3A_1893 = vector.broadcast %mul3A_1892 : f32 to vector<16xf32>
        %mul3A_1894 = arith.mulf %get3A_1891, %mul3A_1893 : vector<16xf32>
        %swap3A_1895 = arith.constant 0 : i32
        %swap3A_1896 = arith.constant 0 : i32
        %swap3A_1897 = tpu.memref_slice %arg6[%scan3A_1432, %swap3A_1895, %swap3A_1896] : memref<10x32x128xf32, #tpu.memory_space<vmem>> -> memref<1x32x128xf32, #tpu.memory_space<vmem>>
        %swap3A_1898 = tpu.memref_squeeze %swap3A_1897 : memref<1x32x128xf32, #tpu.memory_space<vmem>> -> memref<32x128xf32, #tpu.memory_space<vmem>>
        %swap3A_1899 = arith.index_cast %scan3A_1785 : i32 to index
        %swap3A_1900 = arith.constant 80 : index
        %swap3A_1901 = tpu.vector_load %swap3A_1898[%swap3A_1899, %swap3A_1900] {strides = array<i32>} : memref<32x128xf32, #tpu.memory_space<vmem>>, vector<1x16xf32>,
        %swap3A_1902 = vector.shape_cast %swap3A_1901 : vector<1x16xf32> to vector<16xf32>
        %swap3A_1903 = vector.shape_cast %mul3A_1894 : vector<16xf32> to vector<1x16xf32>
        tpu.vector_store %swap3A_1898[%swap3A_1899, %swap3A_1900], %swap3A_1903 {strides = array<i32>} : memref<32x128xf32, #tpu.memory_space<vmem>>, vector<1x16xf32>,
        %get3A_1904 = arith.constant 0 : i32
        %get3A_1905 = arith.constant 0 : i32
        %get3A_1906 = tpu.memref_slice %arg6[%scan3A_1432, %get3A_1904, %get3A_1905] : memref<10x32x128xf32, #tpu.memory_space<vmem>> -> memref<1x32x128xf32, #tpu.memory_space<vmem>>
        %get3A_1907 = tpu.memref_squeeze %get3A_1906 : memref<1x32x128xf32, #tpu.memory_space<vmem>> -> memref<32x128xf32, #tpu.memory_space<vmem>>
        %get3A_1908 = arith.index_cast %scan3A_1785 : i32 to index
        %get3A_1909 = arith.constant 96 : index
        %get3A_1910 = tpu.vector_load %get3A_1907[%get3A_1908, %get3A_1909] {strides = array<i32>} : memref<32x128xf32, #tpu.memory_space<vmem>>, vector<1x16xf32>,
        %get3A_1911 = vector.shape_cast %get3A_1910 : vector<1x16xf32> to vector<16xf32>
        %mul3A_1912 = arith.constant 11.3137083 : f32
        %mul3A_1913 = vector.broadcast %mul3A_1912 : f32 to vector<16xf32>
        %mul3A_1914 = arith.mulf %get3A_1911, %mul3A_1913 : vector<16xf32>
        %swap3A_1915 = arith.constant 0 : i32
        %swap3A_1916 = arith.constant 0 : i32
        %swap3A_1917 = tpu.memref_slice %arg6[%scan3A_1432, %swap3A_1915, %swap3A_1916] : memref<10x32x128xf32, #tpu.memory_space<vmem>> -> memref<1x32x128xf32, #tpu.memory_space<vmem>>
        %swap3A_1918 = tpu.memref_squeeze %swap3A_1917 : memref<1x32x128xf32, #tpu.memory_space<vmem>> -> memref<32x128xf32, #tpu.memory_space<vmem>>
        %swap3A_1919 = arith.index_cast %scan3A_1785 : i32 to index
        %swap3A_1920 = arith.constant 96 : index
        %swap3A_1921 = tpu.vector_load %swap3A_1918[%swap3A_1919, %swap3A_1920] {strides = array<i32>} : memref<32x128xf32, #tpu.memory_space<vmem>>, vector<1x16xf32>,
        %swap3A_1922 = vector.shape_cast %swap3A_1921 : vector<1x16xf32> to vector<16xf32>
        %swap3A_1923 = vector.shape_cast %mul3A_1914 : vector<16xf32> to vector<1x16xf32>
        tpu.vector_store %swap3A_1918[%swap3A_1919, %swap3A_1920], %swap3A_1923 {strides = array<i32>} : memref<32x128xf32, #tpu.memory_space<vmem>>, vector<1x16xf32>,
        %get3A_1924 = arith.constant 0 : i32
        %get3A_1925 = arith.constant 0 : i32
        %get3A_1926 = tpu.memref_slice %arg6[%scan3A_1432, %get3A_1924, %get3A_1925] : memref<10x32x128xf32, #tpu.memory_space<vmem>> -> memref<1x32x128xf32, #tpu.memory_space<vmem>>
        %get3A_1927 = tpu.memref_squeeze %get3A_1926 : memref<1x32x128xf32, #tpu.memory_space<vmem>> -> memref<32x128xf32, #tpu.memory_space<vmem>>
        %get3A_1928 = arith.index_cast %scan3A_1785 : i32 to index
        %get3A_1929 = arith.constant 112 : index
        %get3A_1930 = tpu.vector_load %get3A_1927[%get3A_1928, %get3A_1929] {strides = array<i32>} : memref<32x128xf32, #tpu.memory_space<vmem>>, vector<1x16xf32>,
        %get3A_1931 = vector.shape_cast %get3A_1930 : vector<1x16xf32> to vector<16xf32>
        %mul3A_1932 = arith.constant 11.3137083 : f32
        %mul3A_1933 = vector.broadcast %mul3A_1932 : f32 to vector<16xf32>
        %mul3A_1934 = arith.mulf %get3A_1931, %mul3A_1933 : vector<16xf32>
        %swap3A_1935 = arith.constant 0 : i32
        %swap3A_1936 = arith.constant 0 : i32
        %swap3A_1937 = tpu.memref_slice %arg6[%scan3A_1432, %swap3A_1935, %swap3A_1936] : memref<10x32x128xf32, #tpu.memory_space<vmem>> -> memref<1x32x128xf32, #tpu.memory_space<vmem>>
        %swap3A_1938 = tpu.memref_squeeze %swap3A_1937 : memref<1x32x128xf32, #tpu.memory_space<vmem>> -> memref<32x128xf32, #tpu.memory_space<vmem>>
        %swap3A_1939 = arith.index_cast %scan3A_1785 : i32 to index
        %swap3A_1940 = arith.constant 112 : index
        %swap3A_1941 = tpu.vector_load %swap3A_1938[%swap3A_1939, %swap3A_1940] {strides = array<i32>} : memref<32x128xf32, #tpu.memory_space<vmem>>, vector<1x16xf32>,
        %swap3A_1942 = vector.shape_cast %swap3A_1941 : vector<1x16xf32> to vector<16xf32>
        %swap3A_1943 = vector.shape_cast %mul3A_1934 : vector<16xf32> to vector<1x16xf32>
        tpu.vector_store %swap3A_1938[%swap3A_1939, %swap3A_1940], %swap3A_1943 {strides = array<i32>} : memref<32x128xf32, #tpu.memory_space<vmem>>, vector<1x16xf32>,
      }
      %scan3A_1437 = arith.constant 32 : i32
      %jit3A_1438 = arith.constant 4 : i32
      %div3A_1439 = arith.divsi %add3A_1368, %jit3A_1438 : i32
      %sign3A_1440 = arith.constant 0 : i32
      %sign3A_1441 = arith.cmpi sgt, %add3A_1368, %sign3A_1440 : i32
      %sign3A_1442 = arith.extui %sign3A_1441 : i1 to i32
      %sign3A_1443 = arith.constant 0 : i32
      %sign3A_1444 = arith.cmpi slt, %add3A_1368, %sign3A_1443 : i32
      %sign3A_1445 = arith.extui %sign3A_1444 : i1 to i32
      %sign3A_1446 = arith.subi %sign3A_1442, %sign3A_1445 : i32
      %sign3A_1447 = arith.constant 0 : i32
      %sign3A_1448 = arith.cmpi sgt, %jit3A_1438, %sign3A_1447 : i32
      %sign3A_1449 = arith.extui %sign3A_1448 : i1 to i32
      %sign3A_1450 = arith.constant 0 : i32
      %sign3A_1451 = arith.cmpi slt, %jit3A_1438, %sign3A_1450 : i32
      %sign3A_1452 = arith.extui %sign3A_1451 : i1 to i32
      %sign3A_1453 = arith.subi %sign3A_1449, %sign3A_1452 : i32
      %ne3A_1454 = arith.cmpi ne, %sign3A_1446, %sign3A_1453 : i32
      %rem3A_1455 = arith.remsi %add3A_1368, %jit3A_1438 : i32
      %ne3A_1456 = arith.constant 0 : i32
      %ne3A_1457 = arith.cmpi ne, %rem3A_1455, %ne3A_1456 : i32
      %and3A_1458 = arith.andi %ne3A_1454, %ne3A_1457 : i1
      %sub3A_1459 = arith.constant 1 : i32
      %sub3A_1460 = arith.subi %div3A_1439, %sub3A_1459 : i32
      %select_n3A_1461 = arith.select %and3A_1458, %sub3A_1460, %div3A_1439 : i32
      %jit3A_1462 = arith.constant 4 : i32
      %eq3A_1463 = arith.constant 0 : i32
      %eq3A_1464 = arith.cmpi eq, %jit3A_1462, %eq3A_1463 : i32
      %jit3A_1465 = arith.constant 1 : i32
      %select_n3A_1466 = arith.select %eq3A_1464, %jit3A_1465, %jit3A_1462 : i32
      %rem3A_1467 = arith.remsi %add3A_1368, %select_n3A_1466 : i32
      %ne3A_1468 = arith.constant 0 : i32
      %ne3A_1469 = arith.cmpi ne, %rem3A_1467, %ne3A_1468 : i32
      %lt3A_1470 = arith.constant 0 : i32
      %lt3A_1471 = arith.cmpi slt, %rem3A_1467, %lt3A_1470 : i32
      %lt3A_1472 = arith.constant 0 : i32
      %lt3A_1473 = arith.cmpi slt, %select_n3A_1466, %lt3A_1472 : i32
      %ne3A_1474 = arith.xori %lt3A_1471, %lt3A_1473 : i1
      %and3A_1475 = arith.andi %ne3A_1474, %ne3A_1469 : i1
      %add3A_1476 = arith.addi %rem3A_1467, %select_n3A_1466 : i32
      %select_n3A_1477 = arith.select %and3A_1475, %add3A_1476, %rem3A_1467 : i32
      %mul3A_1478 = arith.constant 32 : i32
      %mul3A_1479 = arith.muli %select_n3A_1477, %mul3A_1478 : i32
      %add3A_1480 = arith.addi %mul3A_2, %mul3A_1479 : i32
      %dma_start3A_1481 = arith.constant 7 : i32
      %dma_start3A_1482 = arith.constant 7 : i32
      %dma_start3A_1483 = arith.constant 0 : i32
      %dma_start3A_1484 = arith.constant 0 : i32
      %dma_start3A_1485 = tpu.memref_slice %arg6[%dma_start3A_1481, %dma_start3A_1483, %dma_start3A_1484] : memref<10x32x128xf32, #tpu.memory_space<vmem>> -> memref<1x32x128xf32, #tpu.memory_space<vmem>>
      %dma_start3A_1486 = tpu.memref_squeeze %dma_start3A_1485 : memref<1x32x128xf32, #tpu.memory_space<vmem>> -> memref<32x128xf32, #tpu.memory_space<vmem>>
      %dma_start3A_1487 = arith.constant 0 : i32
      %dma_start3A_1488 = arith.constant 0 : i32
      %dma_start3A_1489 = tpu.memref_slice %arg4[%select_n3A_1461, %dma_start3A_1487, %dma_start3A_1488] : memref<50x4096x128xf32, #tpu.memory_space<hbm>> -> memref<1x4096x128xf32, #tpu.memory_space<hbm>>
      %dma_start3A_1490 = tpu.memref_squeeze %dma_start3A_1489 : memref<1x4096x128xf32, #tpu.memory_space<hbm>> -> memref<4096x128xf32, #tpu.memory_space<hbm>>
      %dma_start3A_1491 = arith.constant 0 : i32
      %dma_start3A_1492 = tpu.memref_slice %dma_start3A_1490[%add3A_1480, %dma_start3A_1491] : memref<4096x128xf32, #tpu.memory_space<hbm>> -> memref<32x128xf32, #tpu.memory_space<hbm>>
      %dma_start3A_1493 = tpu.memref_slice %arg8[%dma_start3A_1482] : memref<10x!tpu.dma_semaphore, #tpu.memory_space<semaphore_mem>> -> memref<1x!tpu.dma_semaphore, #tpu.memory_space<semaphore_mem>>
      %dma_start3A_1494 = tpu.memref_squeeze %dma_start3A_1493 : memref<1x!tpu.dma_semaphore, #tpu.memory_space<semaphore_mem>> -> memref<!tpu.dma_semaphore, #tpu.memory_space<semaphore_mem>>
      %dma_start3A_1495 = arith.constant 0 : i32
      %dma_start3A_1496 = arith.constant 0 : i32
      %dma_start3A_1497 = tpu.memref_slice %arg4[%select_n3A_1461, %dma_start3A_1495, %dma_start3A_1496] : memref<50x4096x128xf32, #tpu.memory_space<hbm>> -> memref<1x4096x128xf32, #tpu.memory_space<hbm>>
      %dma_start3A_1498 = tpu.memref_squeeze %dma_start3A_1497 : memref<1x4096x128xf32, #tpu.memory_space<hbm>> -> memref<4096x128xf32, #tpu.memory_space<hbm>>
      %dma_start3A_1499 = arith.constant 0 : i32
      %dma_start3A_1500 = tpu.memref_slice %dma_start3A_1498[%add3A_1480, %dma_start3A_1499] : memref<4096x128xf32, #tpu.memory_space<hbm>> -> memref<32x128xf32, #tpu.memory_space<hbm>>
      %dma_start3A_1501 = arith.constant 0 : i32
      %dma_start3A_1502 = arith.constant 0 : i32
      %dma_start3A_1503 = tpu.memref_slice %arg6[%dma_start3A_1481, %dma_start3A_1501, %dma_start3A_1502] : memref<10x32x128xf32, #tpu.memory_space<vmem>> -> memref<1x32x128xf32, #tpu.memory_space<vmem>>
      %dma_start3A_1504 = tpu.memref_squeeze %dma_start3A_1503 : memref<1x32x128xf32, #tpu.memory_space<vmem>> -> memref<32x128xf32, #tpu.memory_space<vmem>>
      tpu.enqueue_dma source(%dma_start3A_1504 : memref<32x128xf32, #tpu.memory_space<vmem>>) target(%dma_start3A_1500 : memref<32x128xf32, #tpu.memory_space<hbm>>) target_semaphore(%dma_start3A_1494 : memref<!tpu.dma_semaphore, #tpu.memory_space<semaphore_mem>>)
      %mul3A_1505 = arith.constant 10 : i32
      %mul3A_1506 = arith.muli %scan3A_396, %mul3A_1505 : i32
      %add3A_1507 = arith.constant 8 : i32
      %add3A_1508 = arith.addi %mul3A_1506, %add3A_1507 : i32
      %add3A_1509 = arith.constant 8 : i32
      %add3A_1510 = arith.addi %add3A_1508, %add3A_1509 : i32
      %lt3A_1511 = arith.constant 200 : i32
      %lt3A_1512 = arith.cmpi slt, %add3A_1510, %lt3A_1511 : i32
      %convert_element_type3A_1513 = arith.extui %lt3A_1512 : i1 to i32
      %cond3A_1514 = arith.constant 0 : i32
      %cond3A_1515 = arith.cmpi ne, %convert_element_type3A_1513, %cond3A_1514 : i32
      scf.if %cond3A_1515 {
        %ge3A = arith.constant 10 : i32
        %ge3A_1785 = arith.cmpi sge, %add3A_1510, %ge3A : i32
        %convert_element_type3A_1786 = arith.extui %ge3A_1785 : i1 to i32
        %cond3A_1787 = arith.constant 0 : i32
        %cond3A_1788 = arith.cmpi ne, %convert_element_type3A_1786, %cond3A_1787 : i32
        scf.if %cond3A_1788 {
          %sub3A_1844 = arith.constant 10 : i32
          %sub3A_1845 = arith.subi %add3A_1510, %sub3A_1844 : i32
          %jit3A_1846 = arith.constant 4 : i32
          %div3A_1847 = arith.divsi %sub3A_1845, %jit3A_1846 : i32
          %sign3A_1848 = arith.constant 0 : i32
          %sign3A_1849 = arith.cmpi sgt, %sub3A_1845, %sign3A_1848 : i32
          %sign3A_1850 = arith.extui %sign3A_1849 : i1 to i32
          %sign3A_1851 = arith.constant 0 : i32
          %sign3A_1852 = arith.cmpi slt, %sub3A_1845, %sign3A_1851 : i32
          %sign3A_1853 = arith.extui %sign3A_1852 : i1 to i32
          %sign3A_1854 = arith.subi %sign3A_1850, %sign3A_1853 : i32
          %sign3A_1855 = arith.constant 0 : i32
          %sign3A_1856 = arith.cmpi sgt, %jit3A_1846, %sign3A_1855 : i32
          %sign3A_1857 = arith.extui %sign3A_1856 : i1 to i32
          %sign3A_1858 = arith.constant 0 : i32
          %sign3A_1859 = arith.cmpi slt, %jit3A_1846, %sign3A_1858 : i32
          %sign3A_1860 = arith.extui %sign3A_1859 : i1 to i32
          %sign3A_1861 = arith.subi %sign3A_1857, %sign3A_1860 : i32
          %ne3A_1862 = arith.cmpi ne, %sign3A_1854, %sign3A_1861 : i32
          %rem3A_1863 = arith.remsi %sub3A_1845, %jit3A_1846 : i32
          %ne3A_1864 = arith.constant 0 : i32
          %ne3A_1865 = arith.cmpi ne, %rem3A_1863, %ne3A_1864 : i32
          %and3A_1866 = arith.andi %ne3A_1862, %ne3A_1865 : i1
          %sub3A_1867 = arith.constant 1 : i32
          %sub3A_1868 = arith.subi %div3A_1847, %sub3A_1867 : i32
          %select_n3A_1869 = arith.select %and3A_1866, %sub3A_1868, %div3A_1847 : i32
          %jit3A_1870 = arith.constant 4 : i32
          %eq3A_1871 = arith.constant 0 : i32
          %eq3A_1872 = arith.cmpi eq, %jit3A_1870, %eq3A_1871 : i32
          %jit3A_1873 = arith.constant 1 : i32
          %select_n3A_1874 = arith.select %eq3A_1872, %jit3A_1873, %jit3A_1870 : i32
          %rem3A_1875 = arith.remsi %sub3A_1845, %select_n3A_1874 : i32
          %ne3A_1876 = arith.constant 0 : i32
          %ne3A_1877 = arith.cmpi ne, %rem3A_1875, %ne3A_1876 : i32
          %lt3A_1878 = arith.constant 0 : i32
          %lt3A_1879 = arith.cmpi slt, %rem3A_1875, %lt3A_1878 : i32
          %lt3A_1880 = arith.constant 0 : i32
          %lt3A_1881 = arith.cmpi slt, %select_n3A_1874, %lt3A_1880 : i32
          %ne3A_1882 = arith.xori %lt3A_1879, %lt3A_1881 : i1
          %and3A_1883 = arith.andi %ne3A_1882, %ne3A_1877 : i1
          %add3A_1884 = arith.addi %rem3A_1875, %select_n3A_1874 : i32
          %select_n3A_1885 = arith.select %and3A_1883, %add3A_1884, %rem3A_1875 : i32
          %mul3A_1886 = arith.constant 32 : i32
          %mul3A_1887 = arith.muli %select_n3A_1885, %mul3A_1886 : i32
          %add3A_1888 = arith.addi %mul3A_2, %mul3A_1887 : i32
          %dma_wait3A_1889 = arith.constant 6 : i32
          %dma_wait3A_1890 = arith.constant 6 : i32
          %dma_wait3A_1891 = arith.constant 0 : i32
          %dma_wait3A_1892 = arith.constant 0 : i32
          %dma_wait3A_1893 = tpu.memref_slice %arg6[%dma_wait3A_1889, %dma_wait3A_1891, %dma_wait3A_1892] : memref<10x32x128xf32, #tpu.memory_space<vmem>> -> memref<1x32x128xf32, #tpu.memory_space<vmem>>
          %dma_wait3A_1894 = tpu.memref_squeeze %dma_wait3A_1893 : memref<1x32x128xf32, #tpu.memory_space<vmem>> -> memref<32x128xf32, #tpu.memory_space<vmem>>
          %dma_wait3A_1895 = arith.constant 0 : i32
          %dma_wait3A_1896 = arith.constant 0 : i32
          %dma_wait3A_1897 = tpu.memref_slice %arg4[%select_n3A_1869, %dma_wait3A_1895, %dma_wait3A_1896] : memref<50x4096x128xf32, #tpu.memory_space<hbm>> -> memref<1x4096x128xf32, #tpu.memory_space<hbm>>
          %dma_wait3A_1898 = tpu.memref_squeeze %dma_wait3A_1897 : memref<1x4096x128xf32, #tpu.memory_space<hbm>> -> memref<4096x128xf32, #tpu.memory_space<hbm>>
          %dma_wait3A_1899 = arith.constant 0 : i32
          %dma_wait3A_1900 = tpu.memref_slice %dma_wait3A_1898[%add3A_1888, %dma_wait3A_1899] : memref<4096x128xf32, #tpu.memory_space<hbm>> -> memref<32x128xf32, #tpu.memory_space<hbm>>
          %dma_wait3A_1901 = tpu.memref_slice %arg8[%dma_wait3A_1890] : memref<10x!tpu.dma_semaphore, #tpu.memory_space<semaphore_mem>> -> memref<1x!tpu.dma_semaphore, #tpu.memory_space<semaphore_mem>>
          %dma_wait3A_1902 = tpu.memref_squeeze %dma_wait3A_1901 : memref<1x!tpu.dma_semaphore, #tpu.memory_space<semaphore_mem>> -> memref<!tpu.dma_semaphore, #tpu.memory_space<semaphore_mem>>
          %dma_wait3A_1903 = arith.constant 0 : i32
          %dma_wait3A_1904 = arith.constant 0 : i32
          %dma_wait3A_1905 = tpu.memref_slice %arg4[%select_n3A_1869, %dma_wait3A_1903, %dma_wait3A_1904] : memref<50x4096x128xf32, #tpu.memory_space<hbm>> -> memref<1x4096x128xf32, #tpu.memory_space<hbm>>
          %dma_wait3A_1906 = tpu.memref_squeeze %dma_wait3A_1905 : memref<1x4096x128xf32, #tpu.memory_space<hbm>> -> memref<4096x128xf32, #tpu.memory_space<hbm>>
          %dma_wait3A_1907 = arith.constant 0 : i32
          %dma_wait3A_1908 = tpu.memref_slice %dma_wait3A_1906[%add3A_1888, %dma_wait3A_1907] : memref<4096x128xf32, #tpu.memory_space<hbm>> -> memref<32x128xf32, #tpu.memory_space<hbm>>
          %dma_wait3A_1909 = arith.constant 0 : i32
          %dma_wait3A_1910 = arith.constant 0 : i32
          %dma_wait3A_1911 = tpu.memref_slice %arg6[%dma_wait3A_1889, %dma_wait3A_1909, %dma_wait3A_1910] : memref<10x32x128xf32, #tpu.memory_space<vmem>> -> memref<1x32x128xf32, #tpu.memory_space<vmem>>
          %dma_wait3A_1912 = tpu.memref_squeeze %dma_wait3A_1911 : memref<1x32x128xf32, #tpu.memory_space<vmem>> -> memref<32x128xf32, #tpu.memory_space<vmem>>
          tpu.wait_dma2 semaphore(%dma_wait3A_1902 : memref<!tpu.dma_semaphore, #tpu.memory_space<semaphore_mem>>) src(%dma_wait3A_1912 : memref<32x128xf32, #tpu.memory_space<vmem>>) dst(%dma_wait3A_1908 : memref<32x128xf32, #tpu.memory_space<hbm>>)
        } else {
        }
        %jit3A_1789 = arith.constant 4 : i32
        %div3A_1790 = arith.divsi %add3A_1510, %jit3A_1789 : i32
        %sign3A_1791 = arith.constant 0 : i32
        %sign3A_1792 = arith.cmpi sgt, %add3A_1510, %sign3A_1791 : i32
        %sign3A_1793 = arith.extui %sign3A_1792 : i1 to i32
        %sign3A_1794 = arith.constant 0 : i32
        %sign3A_1795 = arith.cmpi slt, %add3A_1510, %sign3A_1794 : i32
        %sign3A_1796 = arith.extui %sign3A_1795 : i1 to i32
        %sign3A_1797 = arith.subi %sign3A_1793, %sign3A_1796 : i32
        %sign3A_1798 = arith.constant 0 : i32
        %sign3A_1799 = arith.cmpi sgt, %jit3A_1789, %sign3A_1798 : i32
        %sign3A_1800 = arith.extui %sign3A_1799 : i1 to i32
        %sign3A_1801 = arith.constant 0 : i32
        %sign3A_1802 = arith.cmpi slt, %jit3A_1789, %sign3A_1801 : i32
        %sign3A_1803 = arith.extui %sign3A_1802 : i1 to i32
        %sign3A_1804 = arith.subi %sign3A_1800, %sign3A_1803 : i32
        %ne3A_1805 = arith.cmpi ne, %sign3A_1797, %sign3A_1804 : i32
        %rem3A_1806 = arith.remsi %add3A_1510, %jit3A_1789 : i32
        %ne3A_1807 = arith.constant 0 : i32
        %ne3A_1808 = arith.cmpi ne, %rem3A_1806, %ne3A_1807 : i32
        %and3A_1809 = arith.andi %ne3A_1805, %ne3A_1808 : i1
        %sub3A_1810 = arith.constant 1 : i32
        %sub3A_1811 = arith.subi %div3A_1790, %sub3A_1810 : i32
        %select_n3A_1812 = arith.select %and3A_1809, %sub3A_1811, %div3A_1790 : i32
        %jit3A_1813 = arith.constant 4 : i32
        %eq3A_1814 = arith.constant 0 : i32
        %eq3A_1815 = arith.cmpi eq, %jit3A_1813, %eq3A_1814 : i32
        %jit3A_1816 = arith.constant 1 : i32
        %select_n3A_1817 = arith.select %eq3A_1815, %jit3A_1816, %jit3A_1813 : i32
        %rem3A_1818 = arith.remsi %add3A_1510, %select_n3A_1817 : i32
        %ne3A_1819 = arith.constant 0 : i32
        %ne3A_1820 = arith.cmpi ne, %rem3A_1818, %ne3A_1819 : i32
        %lt3A_1821 = arith.constant 0 : i32
        %lt3A_1822 = arith.cmpi slt, %rem3A_1818, %lt3A_1821 : i32
        %lt3A_1823 = arith.constant 0 : i32
        %lt3A_1824 = arith.cmpi slt, %select_n3A_1817, %lt3A_1823 : i32
        %ne3A_1825 = arith.xori %lt3A_1822, %lt3A_1824 : i1
        %and3A_1826 = arith.andi %ne3A_1825, %ne3A_1820 : i1
        %add3A_1827 = arith.addi %rem3A_1818, %select_n3A_1817 : i32
        %select_n3A_1828 = arith.select %and3A_1826, %add3A_1827, %rem3A_1818 : i32
        %mul3A_1829 = arith.constant 32 : i32
        %mul3A_1830 = arith.muli %select_n3A_1828, %mul3A_1829 : i32
        %dma_start3A_1831 = arith.constant 6 : i32
        %dma_start3A_1832 = arith.constant 6 : i32
        %dma_start3A_1833 = arith.constant 0 : i32
        %dma_start3A_1834 = arith.constant 0 : i32
        %dma_start3A_1835 = tpu.memref_slice %arg6[%dma_start3A_1831, %dma_start3A_1833, %dma_start3A_1834] : memref<10x32x128xf32, #tpu.memory_space<vmem>> -> memref<1x32x128xf32, #tpu.memory_space<vmem>>
        %dma_start3A_1836 = tpu.memref_squeeze %dma_start3A_1835 : memref<1x32x128xf32, #tpu.memory_space<vmem>> -> memref<32x128xf32, #tpu.memory_space<vmem>>
        %dma_start3A_1837 = tpu.memref_slice %arg5[%select_n3A_1812, %mul3A_1830] : memref<50x128xi32, #tpu.memory_space<vmem>> -> memref<1x32xi32, #tpu.memory_space<vmem>>
        %dma_start3A_1838 = tpu.memref_squeeze %dma_start3A_1837 : memref<1x32xi32, #tpu.memory_space<vmem>> -> memref<32xi32, #tpu.memory_space<vmem>>
        %dma_start3A_1839 = arith.constant 0 : i32
        %dma_start3A_1840 = arith.constant 0 : i32
        %dma_start3A_1841 = tpu.memref_slice %arg3[%dma_start3A_1839, %dma_start3A_1840] : memref<100000x128xf32, #tpu.memory_space<hbm>> -> memref<100000x128xf32, #tpu.memory_space<hbm>>
        %dma_start3A_1842 = tpu.memref_slice %arg7[%dma_start3A_1832] : memref<10x!tpu.dma_semaphore, #tpu.memory_space<semaphore_mem>> -> memref<1x!tpu.dma_semaphore, #tpu.memory_space<semaphore_mem>>
        %dma_start3A_1843 = tpu.memref_squeeze %dma_start3A_1842 : memref<1x!tpu.dma_semaphore, #tpu.memory_space<semaphore_mem>> -> memref<!tpu.dma_semaphore, #tpu.memory_space<semaphore_mem>>
        tpu.enqueue_indirect_dma source(%dma_start3A_1841 : memref<100000x128xf32, #tpu.memory_space<hbm>>) target(%dma_start3A_1836 : memref<32x128xf32, #tpu.memory_space<vmem>>) offsets(%dma_start3A_1838 : memref<32xi32, #tpu.memory_space<vmem>>) semaphore(%dma_start3A_1843 : memref<!tpu.dma_semaphore, #tpu.memory_space<semaphore_mem>>)
      } else {
      }
      %jit3A_1516 = arith.constant 4 : i32
      %div3A_1517 = arith.divsi %add3A_1508, %jit3A_1516 : i32
      %sign3A_1518 = arith.constant 0 : i32
      %sign3A_1519 = arith.cmpi sgt, %add3A_1508, %sign3A_1518 : i32
      %sign3A_1520 = arith.extui %sign3A_1519 : i1 to i32
      %sign3A_1521 = arith.constant 0 : i32
      %sign3A_1522 = arith.cmpi slt, %add3A_1508, %sign3A_1521 : i32
      %sign3A_1523 = arith.extui %sign3A_1522 : i1 to i32
      %sign3A_1524 = arith.subi %sign3A_1520, %sign3A_1523 : i32
      %sign3A_1525 = arith.constant 0 : i32
      %sign3A_1526 = arith.cmpi sgt, %jit3A_1516, %sign3A_1525 : i32
      %sign3A_1527 = arith.extui %sign3A_1526 : i1 to i32
      %sign3A_1528 = arith.constant 0 : i32
      %sign3A_1529 = arith.cmpi slt, %jit3A_1516, %sign3A_1528 : i32
      %sign3A_1530 = arith.extui %sign3A_1529 : i1 to i32
      %sign3A_1531 = arith.subi %sign3A_1527, %sign3A_1530 : i32
      %ne3A_1532 = arith.cmpi ne, %sign3A_1524, %sign3A_1531 : i32
      %rem3A_1533 = arith.remsi %add3A_1508, %jit3A_1516 : i32
      %ne3A_1534 = arith.constant 0 : i32
      %ne3A_1535 = arith.cmpi ne, %rem3A_1533, %ne3A_1534 : i32
      %and3A_1536 = arith.andi %ne3A_1532, %ne3A_1535 : i1
      %sub3A_1537 = arith.constant 1 : i32
      %sub3A_1538 = arith.subi %div3A_1517, %sub3A_1537 : i32
      %select_n3A_1539 = arith.select %and3A_1536, %sub3A_1538, %div3A_1517 : i32
      %jit3A_1540 = arith.constant 4 : i32
      %eq3A_1541 = arith.constant 0 : i32
      %eq3A_1542 = arith.cmpi eq, %jit3A_1540, %eq3A_1541 : i32
      %jit3A_1543 = arith.constant 1 : i32
      %select_n3A_1544 = arith.select %eq3A_1542, %jit3A_1543, %jit3A_1540 : i32
      %rem3A_1545 = arith.remsi %add3A_1508, %select_n3A_1544 : i32
      %ne3A_1546 = arith.constant 0 : i32
      %ne3A_1547 = arith.cmpi ne, %rem3A_1545, %ne3A_1546 : i32
      %lt3A_1548 = arith.constant 0 : i32
      %lt3A_1549 = arith.cmpi slt, %rem3A_1545, %lt3A_1548 : i32
      %lt3A_1550 = arith.constant 0 : i32
      %lt3A_1551 = arith.cmpi slt, %select_n3A_1544, %lt3A_1550 : i32
      %ne3A_1552 = arith.xori %lt3A_1549, %lt3A_1551 : i1
      %and3A_1553 = arith.andi %ne3A_1552, %ne3A_1547 : i1
      %add3A_1554 = arith.addi %rem3A_1545, %select_n3A_1544 : i32
      %select_n3A_1555 = arith.select %and3A_1553, %add3A_1554, %rem3A_1545 : i32
      %mul3A_1556 = arith.constant 32 : i32
      %mul3A_1557 = arith.muli %select_n3A_1555, %mul3A_1556 : i32
      %dma_wait3A_1558 = arith.constant 8 : i32
      %dma_wait3A_1559 = arith.constant 8 : i32
      %dma_wait3A_1560 = arith.constant 0 : i32
      %dma_wait3A_1561 = arith.constant 0 : i32
      %dma_wait3A_1562 = tpu.memref_slice %arg6[%dma_wait3A_1558, %dma_wait3A_1560, %dma_wait3A_1561] : memref<10x32x128xf32, #tpu.memory_space<vmem>> -> memref<1x32x128xf32, #tpu.memory_space<vmem>>
      %dma_wait3A_1563 = tpu.memref_squeeze %dma_wait3A_1562 : memref<1x32x128xf32, #tpu.memory_space<vmem>> -> memref<32x128xf32, #tpu.memory_space<vmem>>
      %dma_wait3A_1564 = tpu.memref_slice %arg5[%select_n3A_1539, %mul3A_1557] : memref<50x128xi32, #tpu.memory_space<vmem>> -> memref<1x32xi32, #tpu.memory_space<vmem>>
      %dma_wait3A_1565 = tpu.memref_squeeze %dma_wait3A_1564 : memref<1x32xi32, #tpu.memory_space<vmem>> -> memref<32xi32, #tpu.memory_space<vmem>>
      %dma_wait3A_1566 = arith.constant 0 : i32
      %dma_wait3A_1567 = arith.constant 0 : i32
      %dma_wait3A_1568 = tpu.memref_slice %arg3[%dma_wait3A_1566, %dma_wait3A_1567] : memref<100000x128xf32, #tpu.memory_space<hbm>> -> memref<100000x128xf32, #tpu.memory_space<hbm>>
      %dma_wait3A_1569 = tpu.memref_slice %arg7[%dma_wait3A_1559] : memref<10x!tpu.dma_semaphore, #tpu.memory_space<semaphore_mem>> -> memref<1x!tpu.dma_semaphore, #tpu.memory_space<semaphore_mem>>
      %dma_wait3A_1570 = tpu.memref_squeeze %dma_wait3A_1569 : memref<1x!tpu.dma_semaphore, #tpu.memory_space<semaphore_mem>> -> memref<!tpu.dma_semaphore, #tpu.memory_space<semaphore_mem>>
      tpu.wait_indirect_dma semaphore(%dma_wait3A_1570 : memref<!tpu.dma_semaphore, #tpu.memory_space<semaphore_mem>>) src(%dma_wait3A_1568 : memref<100000x128xf32, #tpu.memory_space<hbm>>) dst(%dma_wait3A_1563 : memref<32x128xf32, #tpu.memory_space<vmem>>)
      %scan3A_1571 = arith.constant 0 : i32
      %scan3A_1572 = arith.constant 8 : i32
      %scan3A_1573 = arith.constant 0 : i32
      %scan3A_1574 = arith.constant 32 : i32
      %scan3A_1575 = arith.addi %scan3A_1573, %scan3A_1574 : i32
      %scan3A_1576 = arith.constant 1 : i32
      scf.for %scan3A_1785 = %scan3A_1573 to %scan3A_1575 step %scan3A_1576  : i32 {
        %get3A = arith.constant 0 : i32
        %get3A_1786 = arith.constant 0 : i32
        %get3A_1787 = tpu.memref_slice %arg6[%scan3A_1572, %get3A, %get3A_1786] : memref<10x32x128xf32, #tpu.memory_space<vmem>> -> memref<1x32x128xf32, #tpu.memory_space<vmem>>
        %get3A_1788 = tpu.memref_squeeze %get3A_1787 : memref<1x32x128xf32, #tpu.memory_space<vmem>> -> memref<32x128xf32, #tpu.memory_space<vmem>>
        %get3A_1789 = arith.index_cast %scan3A_1785 : i32 to index
        %get3A_1790 = arith.constant 0 : index
        %get3A_1791 = tpu.vector_load %get3A_1788[%get3A_1789, %get3A_1790] {strides = array<i32>} : memref<32x128xf32, #tpu.memory_space<vmem>>, vector<1x16xf32>,
        %get3A_1792 = vector.shape_cast %get3A_1791 : vector<1x16xf32> to vector<16xf32>
        %mul3A_1793 = arith.constant 11.3137083 : f32
        %mul3A_1794 = vector.broadcast %mul3A_1793 : f32 to vector<16xf32>
        %mul3A_1795 = arith.mulf %get3A_1792, %mul3A_1794 : vector<16xf32>
        %swap3A = arith.constant 0 : i32
        %swap3A_1796 = arith.constant 0 : i32
        %swap3A_1797 = tpu.memref_slice %arg6[%scan3A_1572, %swap3A, %swap3A_1796] : memref<10x32x128xf32, #tpu.memory_space<vmem>> -> memref<1x32x128xf32, #tpu.memory_space<vmem>>
        %swap3A_1798 = tpu.memref_squeeze %swap3A_1797 : memref<1x32x128xf32, #tpu.memory_space<vmem>> -> memref<32x128xf32, #tpu.memory_space<vmem>>
        %swap3A_1799 = arith.index_cast %scan3A_1785 : i32 to index
        %swap3A_1800 = arith.constant 0 : index
        %swap3A_1801 = tpu.vector_load %swap3A_1798[%swap3A_1799, %swap3A_1800] {strides = array<i32>} : memref<32x128xf32, #tpu.memory_space<vmem>>, vector<1x16xf32>,
        %swap3A_1802 = vector.shape_cast %swap3A_1801 : vector<1x16xf32> to vector<16xf32>
        %swap3A_1803 = vector.shape_cast %mul3A_1795 : vector<16xf32> to vector<1x16xf32>
        tpu.vector_store %swap3A_1798[%swap3A_1799, %swap3A_1800], %swap3A_1803 {strides = array<i32>} : memref<32x128xf32, #tpu.memory_space<vmem>>, vector<1x16xf32>,
        %get3A_1804 = arith.constant 0 : i32
        %get3A_1805 = arith.constant 0 : i32
        %get3A_1806 = tpu.memref_slice %arg6[%scan3A_1572, %get3A_1804, %get3A_1805] : memref<10x32x128xf32, #tpu.memory_space<vmem>> -> memref<1x32x128xf32, #tpu.memory_space<vmem>>
        %get3A_1807 = tpu.memref_squeeze %get3A_1806 : memref<1x32x128xf32, #tpu.memory_space<vmem>> -> memref<32x128xf32, #tpu.memory_space<vmem>>
        %get3A_1808 = arith.index_cast %scan3A_1785 : i32 to index
        %get3A_1809 = arith.constant 16 : index
        %get3A_1810 = tpu.vector_load %get3A_1807[%get3A_1808, %get3A_1809] {strides = array<i32>} : memref<32x128xf32, #tpu.memory_space<vmem>>, vector<1x16xf32>,
        %get3A_1811 = vector.shape_cast %get3A_1810 : vector<1x16xf32> to vector<16xf32>
        %mul3A_1812 = arith.constant 11.3137083 : f32
        %mul3A_1813 = vector.broadcast %mul3A_1812 : f32 to vector<16xf32>
        %mul3A_1814 = arith.mulf %get3A_1811, %mul3A_1813 : vector<16xf32>
        %swap3A_1815 = arith.constant 0 : i32
        %swap3A_1816 = arith.constant 0 : i32
        %swap3A_1817 = tpu.memref_slice %arg6[%scan3A_1572, %swap3A_1815, %swap3A_1816] : memref<10x32x128xf32, #tpu.memory_space<vmem>> -> memref<1x32x128xf32, #tpu.memory_space<vmem>>
        %swap3A_1818 = tpu.memref_squeeze %swap3A_1817 : memref<1x32x128xf32, #tpu.memory_space<vmem>> -> memref<32x128xf32, #tpu.memory_space<vmem>>
        %swap3A_1819 = arith.index_cast %scan3A_1785 : i32 to index
        %swap3A_1820 = arith.constant 16 : index
        %swap3A_1821 = tpu.vector_load %swap3A_1818[%swap3A_1819, %swap3A_1820] {strides = array<i32>} : memref<32x128xf32, #tpu.memory_space<vmem>>, vector<1x16xf32>,
        %swap3A_1822 = vector.shape_cast %swap3A_1821 : vector<1x16xf32> to vector<16xf32>
        %swap3A_1823 = vector.shape_cast %mul3A_1814 : vector<16xf32> to vector<1x16xf32>
        tpu.vector_store %swap3A_1818[%swap3A_1819, %swap3A_1820], %swap3A_1823 {strides = array<i32>} : memref<32x128xf32, #tpu.memory_space<vmem>>, vector<1x16xf32>,
        %get3A_1824 = arith.constant 0 : i32
        %get3A_1825 = arith.constant 0 : i32
        %get3A_1826 = tpu.memref_slice %arg6[%scan3A_1572, %get3A_1824, %get3A_1825] : memref<10x32x128xf32, #tpu.memory_space<vmem>> -> memref<1x32x128xf32, #tpu.memory_space<vmem>>
        %get3A_1827 = tpu.memref_squeeze %get3A_1826 : memref<1x32x128xf32, #tpu.memory_space<vmem>> -> memref<32x128xf32, #tpu.memory_space<vmem>>
        %get3A_1828 = arith.index_cast %scan3A_1785 : i32 to index
        %get3A_1829 = arith.constant 32 : index
        %get3A_1830 = tpu.vector_load %get3A_1827[%get3A_1828, %get3A_1829] {strides = array<i32>} : memref<32x128xf32, #tpu.memory_space<vmem>>, vector<1x16xf32>,
        %get3A_1831 = vector.shape_cast %get3A_1830 : vector<1x16xf32> to vector<16xf32>
        %mul3A_1832 = arith.constant 11.3137083 : f32
        %mul3A_1833 = vector.broadcast %mul3A_1832 : f32 to vector<16xf32>
        %mul3A_1834 = arith.mulf %get3A_1831, %mul3A_1833 : vector<16xf32>
        %swap3A_1835 = arith.constant 0 : i32
        %swap3A_1836 = arith.constant 0 : i32
        %swap3A_1837 = tpu.memref_slice %arg6[%scan3A_1572, %swap3A_1835, %swap3A_1836] : memref<10x32x128xf32, #tpu.memory_space<vmem>> -> memref<1x32x128xf32, #tpu.memory_space<vmem>>
        %swap3A_1838 = tpu.memref_squeeze %swap3A_1837 : memref<1x32x128xf32, #tpu.memory_space<vmem>> -> memref<32x128xf32, #tpu.memory_space<vmem>>
        %swap3A_1839 = arith.index_cast %scan3A_1785 : i32 to index
        %swap3A_1840 = arith.constant 32 : index
        %swap3A_1841 = tpu.vector_load %swap3A_1838[%swap3A_1839, %swap3A_1840] {strides = array<i32>} : memref<32x128xf32, #tpu.memory_space<vmem>>, vector<1x16xf32>,
        %swap3A_1842 = vector.shape_cast %swap3A_1841 : vector<1x16xf32> to vector<16xf32>
        %swap3A_1843 = vector.shape_cast %mul3A_1834 : vector<16xf32> to vector<1x16xf32>
        tpu.vector_store %swap3A_1838[%swap3A_1839, %swap3A_1840], %swap3A_1843 {strides = array<i32>} : memref<32x128xf32, #tpu.memory_space<vmem>>, vector<1x16xf32>,
        %get3A_1844 = arith.constant 0 : i32
        %get3A_1845 = arith.constant 0 : i32
        %get3A_1846 = tpu.memref_slice %arg6[%scan3A_1572, %get3A_1844, %get3A_1845] : memref<10x32x128xf32, #tpu.memory_space<vmem>> -> memref<1x32x128xf32, #tpu.memory_space<vmem>>
        %get3A_1847 = tpu.memref_squeeze %get3A_1846 : memref<1x32x128xf32, #tpu.memory_space<vmem>> -> memref<32x128xf32, #tpu.memory_space<vmem>>
        %get3A_1848 = arith.index_cast %scan3A_1785 : i32 to index
        %get3A_1849 = arith.constant 48 : index
        %get3A_1850 = tpu.vector_load %get3A_1847[%get3A_1848, %get3A_1849] {strides = array<i32>} : memref<32x128xf32, #tpu.memory_space<vmem>>, vector<1x16xf32>,
        %get3A_1851 = vector.shape_cast %get3A_1850 : vector<1x16xf32> to vector<16xf32>
        %mul3A_1852 = arith.constant 11.3137083 : f32
        %mul3A_1853 = vector.broadcast %mul3A_1852 : f32 to vector<16xf32>
        %mul3A_1854 = arith.mulf %get3A_1851, %mul3A_1853 : vector<16xf32>
        %swap3A_1855 = arith.constant 0 : i32
        %swap3A_1856 = arith.constant 0 : i32
        %swap3A_1857 = tpu.memref_slice %arg6[%scan3A_1572, %swap3A_1855, %swap3A_1856] : memref<10x32x128xf32, #tpu.memory_space<vmem>> -> memref<1x32x128xf32, #tpu.memory_space<vmem>>
        %swap3A_1858 = tpu.memref_squeeze %swap3A_1857 : memref<1x32x128xf32, #tpu.memory_space<vmem>> -> memref<32x128xf32, #tpu.memory_space<vmem>>
        %swap3A_1859 = arith.index_cast %scan3A_1785 : i32 to index
        %swap3A_1860 = arith.constant 48 : index
        %swap3A_1861 = tpu.vector_load %swap3A_1858[%swap3A_1859, %swap3A_1860] {strides = array<i32>} : memref<32x128xf32, #tpu.memory_space<vmem>>, vector<1x16xf32>,
        %swap3A_1862 = vector.shape_cast %swap3A_1861 : vector<1x16xf32> to vector<16xf32>
        %swap3A_1863 = vector.shape_cast %mul3A_1854 : vector<16xf32> to vector<1x16xf32>
        tpu.vector_store %swap3A_1858[%swap3A_1859, %swap3A_1860], %swap3A_1863 {strides = array<i32>} : memref<32x128xf32, #tpu.memory_space<vmem>>, vector<1x16xf32>,
        %get3A_1864 = arith.constant 0 : i32
        %get3A_1865 = arith.constant 0 : i32
        %get3A_1866 = tpu.memref_slice %arg6[%scan3A_1572, %get3A_1864, %get3A_1865] : memref<10x32x128xf32, #tpu.memory_space<vmem>> -> memref<1x32x128xf32, #tpu.memory_space<vmem>>
        %get3A_1867 = tpu.memref_squeeze %get3A_1866 : memref<1x32x128xf32, #tpu.memory_space<vmem>> -> memref<32x128xf32, #tpu.memory_space<vmem>>
        %get3A_1868 = arith.index_cast %scan3A_1785 : i32 to index
        %get3A_1869 = arith.constant 64 : index
        %get3A_1870 = tpu.vector_load %get3A_1867[%get3A_1868, %get3A_1869] {strides = array<i32>} : memref<32x128xf32, #tpu.memory_space<vmem>>, vector<1x16xf32>,
        %get3A_1871 = vector.shape_cast %get3A_1870 : vector<1x16xf32> to vector<16xf32>
        %mul3A_1872 = arith.constant 11.3137083 : f32
        %mul3A_1873 = vector.broadcast %mul3A_1872 : f32 to vector<16xf32>
        %mul3A_1874 = arith.mulf %get3A_1871, %mul3A_1873 : vector<16xf32>
        %swap3A_1875 = arith.constant 0 : i32
        %swap3A_1876 = arith.constant 0 : i32
        %swap3A_1877 = tpu.memref_slice %arg6[%scan3A_1572, %swap3A_1875, %swap3A_1876] : memref<10x32x128xf32, #tpu.memory_space<vmem>> -> memref<1x32x128xf32, #tpu.memory_space<vmem>>
        %swap3A_1878 = tpu.memref_squeeze %swap3A_1877 : memref<1x32x128xf32, #tpu.memory_space<vmem>> -> memref<32x128xf32, #tpu.memory_space<vmem>>
        %swap3A_1879 = arith.index_cast %scan3A_1785 : i32 to index
        %swap3A_1880 = arith.constant 64 : index
        %swap3A_1881 = tpu.vector_load %swap3A_1878[%swap3A_1879, %swap3A_1880] {strides = array<i32>} : memref<32x128xf32, #tpu.memory_space<vmem>>, vector<1x16xf32>,
        %swap3A_1882 = vector.shape_cast %swap3A_1881 : vector<1x16xf32> to vector<16xf32>
        %swap3A_1883 = vector.shape_cast %mul3A_1874 : vector<16xf32> to vector<1x16xf32>
        tpu.vector_store %swap3A_1878[%swap3A_1879, %swap3A_1880], %swap3A_1883 {strides = array<i32>} : memref<32x128xf32, #tpu.memory_space<vmem>>, vector<1x16xf32>,
        %get3A_1884 = arith.constant 0 : i32
        %get3A_1885 = arith.constant 0 : i32
        %get3A_1886 = tpu.memref_slice %arg6[%scan3A_1572, %get3A_1884, %get3A_1885] : memref<10x32x128xf32, #tpu.memory_space<vmem>> -> memref<1x32x128xf32, #tpu.memory_space<vmem>>
        %get3A_1887 = tpu.memref_squeeze %get3A_1886 : memref<1x32x128xf32, #tpu.memory_space<vmem>> -> memref<32x128xf32, #tpu.memory_space<vmem>>
        %get3A_1888 = arith.index_cast %scan3A_1785 : i32 to index
        %get3A_1889 = arith.constant 80 : index
        %get3A_1890 = tpu.vector_load %get3A_1887[%get3A_1888, %get3A_1889] {strides = array<i32>} : memref<32x128xf32, #tpu.memory_space<vmem>>, vector<1x16xf32>,
        %get3A_1891 = vector.shape_cast %get3A_1890 : vector<1x16xf32> to vector<16xf32>
        %mul3A_1892 = arith.constant 11.3137083 : f32
        %mul3A_1893 = vector.broadcast %mul3A_1892 : f32 to vector<16xf32>
        %mul3A_1894 = arith.mulf %get3A_1891, %mul3A_1893 : vector<16xf32>
        %swap3A_1895 = arith.constant 0 : i32
        %swap3A_1896 = arith.constant 0 : i32
        %swap3A_1897 = tpu.memref_slice %arg6[%scan3A_1572, %swap3A_1895, %swap3A_1896] : memref<10x32x128xf32, #tpu.memory_space<vmem>> -> memref<1x32x128xf32, #tpu.memory_space<vmem>>
        %swap3A_1898 = tpu.memref_squeeze %swap3A_1897 : memref<1x32x128xf32, #tpu.memory_space<vmem>> -> memref<32x128xf32, #tpu.memory_space<vmem>>
        %swap3A_1899 = arith.index_cast %scan3A_1785 : i32 to index
        %swap3A_1900 = arith.constant 80 : index
        %swap3A_1901 = tpu.vector_load %swap3A_1898[%swap3A_1899, %swap3A_1900] {strides = array<i32>} : memref<32x128xf32, #tpu.memory_space<vmem>>, vector<1x16xf32>,
        %swap3A_1902 = vector.shape_cast %swap3A_1901 : vector<1x16xf32> to vector<16xf32>
        %swap3A_1903 = vector.shape_cast %mul3A_1894 : vector<16xf32> to vector<1x16xf32>
        tpu.vector_store %swap3A_1898[%swap3A_1899, %swap3A_1900], %swap3A_1903 {strides = array<i32>} : memref<32x128xf32, #tpu.memory_space<vmem>>, vector<1x16xf32>,
        %get3A_1904 = arith.constant 0 : i32
        %get3A_1905 = arith.constant 0 : i32
        %get3A_1906 = tpu.memref_slice %arg6[%scan3A_1572, %get3A_1904, %get3A_1905] : memref<10x32x128xf32, #tpu.memory_space<vmem>> -> memref<1x32x128xf32, #tpu.memory_space<vmem>>
        %get3A_1907 = tpu.memref_squeeze %get3A_1906 : memref<1x32x128xf32, #tpu.memory_space<vmem>> -> memref<32x128xf32, #tpu.memory_space<vmem>>
        %get3A_1908 = arith.index_cast %scan3A_1785 : i32 to index
        %get3A_1909 = arith.constant 96 : index
        %get3A_1910 = tpu.vector_load %get3A_1907[%get3A_1908, %get3A_1909] {strides = array<i32>} : memref<32x128xf32, #tpu.memory_space<vmem>>, vector<1x16xf32>,
        %get3A_1911 = vector.shape_cast %get3A_1910 : vector<1x16xf32> to vector<16xf32>
        %mul3A_1912 = arith.constant 11.3137083 : f32
        %mul3A_1913 = vector.broadcast %mul3A_1912 : f32 to vector<16xf32>
        %mul3A_1914 = arith.mulf %get3A_1911, %mul3A_1913 : vector<16xf32>
        %swap3A_1915 = arith.constant 0 : i32
        %swap3A_1916 = arith.constant 0 : i32
        %swap3A_1917 = tpu.memref_slice %arg6[%scan3A_1572, %swap3A_1915, %swap3A_1916] : memref<10x32x128xf32, #tpu.memory_space<vmem>> -> memref<1x32x128xf32, #tpu.memory_space<vmem>>
        %swap3A_1918 = tpu.memref_squeeze %swap3A_1917 : memref<1x32x128xf32, #tpu.memory_space<vmem>> -> memref<32x128xf32, #tpu.memory_space<vmem>>
        %swap3A_1919 = arith.index_cast %scan3A_1785 : i32 to index
        %swap3A_1920 = arith.constant 96 : index
        %swap3A_1921 = tpu.vector_load %swap3A_1918[%swap3A_1919, %swap3A_1920] {strides = array<i32>} : memref<32x128xf32, #tpu.memory_space<vmem>>, vector<1x16xf32>,
        %swap3A_1922 = vector.shape_cast %swap3A_1921 : vector<1x16xf32> to vector<16xf32>
        %swap3A_1923 = vector.shape_cast %mul3A_1914 : vector<16xf32> to vector<1x16xf32>
        tpu.vector_store %swap3A_1918[%swap3A_1919, %swap3A_1920], %swap3A_1923 {strides = array<i32>} : memref<32x128xf32, #tpu.memory_space<vmem>>, vector<1x16xf32>,
        %get3A_1924 = arith.constant 0 : i32
        %get3A_1925 = arith.constant 0 : i32
        %get3A_1926 = tpu.memref_slice %arg6[%scan3A_1572, %get3A_1924, %get3A_1925] : memref<10x32x128xf32, #tpu.memory_space<vmem>> -> memref<1x32x128xf32, #tpu.memory_space<vmem>>
        %get3A_1927 = tpu.memref_squeeze %get3A_1926 : memref<1x32x128xf32, #tpu.memory_space<vmem>> -> memref<32x128xf32, #tpu.memory_space<vmem>>
        %get3A_1928 = arith.index_cast %scan3A_1785 : i32 to index
        %get3A_1929 = arith.constant 112 : index
        %get3A_1930 = tpu.vector_load %get3A_1927[%get3A_1928, %get3A_1929] {strides = array<i32>} : memref<32x128xf32, #tpu.memory_space<vmem>>, vector<1x16xf32>,
        %get3A_1931 = vector.shape_cast %get3A_1930 : vector<1x16xf32> to vector<16xf32>
        %mul3A_1932 = arith.constant 11.3137083 : f32
        %mul3A_1933 = vector.broadcast %mul3A_1932 : f32 to vector<16xf32>
        %mul3A_1934 = arith.mulf %get3A_1931, %mul3A_1933 : vector<16xf32>
        %swap3A_1935 = arith.constant 0 : i32
        %swap3A_1936 = arith.constant 0 : i32
        %swap3A_1937 = tpu.memref_slice %arg6[%scan3A_1572, %swap3A_1935, %swap3A_1936] : memref<10x32x128xf32, #tpu.memory_space<vmem>> -> memref<1x32x128xf32, #tpu.memory_space<vmem>>
        %swap3A_1938 = tpu.memref_squeeze %swap3A_1937 : memref<1x32x128xf32, #tpu.memory_space<vmem>> -> memref<32x128xf32, #tpu.memory_space<vmem>>
        %swap3A_1939 = arith.index_cast %scan3A_1785 : i32 to index
        %swap3A_1940 = arith.constant 112 : index
        %swap3A_1941 = tpu.vector_load %swap3A_1938[%swap3A_1939, %swap3A_1940] {strides = array<i32>} : memref<32x128xf32, #tpu.memory_space<vmem>>, vector<1x16xf32>,
        %swap3A_1942 = vector.shape_cast %swap3A_1941 : vector<1x16xf32> to vector<16xf32>
        %swap3A_1943 = vector.shape_cast %mul3A_1934 : vector<16xf32> to vector<1x16xf32>
        tpu.vector_store %swap3A_1938[%swap3A_1939, %swap3A_1940], %swap3A_1943 {strides = array<i32>} : memref<32x128xf32, #tpu.memory_space<vmem>>, vector<1x16xf32>,
      }
      %scan3A_1577 = arith.constant 32 : i32
      %jit3A_1578 = arith.constant 4 : i32
      %div3A_1579 = arith.divsi %add3A_1508, %jit3A_1578 : i32
      %sign3A_1580 = arith.constant 0 : i32
      %sign3A_1581 = arith.cmpi sgt, %add3A_1508, %sign3A_1580 : i32
      %sign3A_1582 = arith.extui %sign3A_1581 : i1 to i32
      %sign3A_1583 = arith.constant 0 : i32
      %sign3A_1584 = arith.cmpi slt, %add3A_1508, %sign3A_1583 : i32
      %sign3A_1585 = arith.extui %sign3A_1584 : i1 to i32
      %sign3A_1586 = arith.subi %sign3A_1582, %sign3A_1585 : i32
      %sign3A_1587 = arith.constant 0 : i32
      %sign3A_1588 = arith.cmpi sgt, %jit3A_1578, %sign3A_1587 : i32
      %sign3A_1589 = arith.extui %sign3A_1588 : i1 to i32
      %sign3A_1590 = arith.constant 0 : i32
      %sign3A_1591 = arith.cmpi slt, %jit3A_1578, %sign3A_1590 : i32
      %sign3A_1592 = arith.extui %sign3A_1591 : i1 to i32
      %sign3A_1593 = arith.subi %sign3A_1589, %sign3A_1592 : i32
      %ne3A_1594 = arith.cmpi ne, %sign3A_1586, %sign3A_1593 : i32
      %rem3A_1595 = arith.remsi %add3A_1508, %jit3A_1578 : i32
      %ne3A_1596 = arith.constant 0 : i32
      %ne3A_1597 = arith.cmpi ne, %rem3A_1595, %ne3A_1596 : i32
      %and3A_1598 = arith.andi %ne3A_1594, %ne3A_1597 : i1
      %sub3A_1599 = arith.constant 1 : i32
      %sub3A_1600 = arith.subi %div3A_1579, %sub3A_1599 : i32
      %select_n3A_1601 = arith.select %and3A_1598, %sub3A_1600, %div3A_1579 : i32
      %jit3A_1602 = arith.constant 4 : i32
      %eq3A_1603 = arith.constant 0 : i32
      %eq3A_1604 = arith.cmpi eq, %jit3A_1602, %eq3A_1603 : i32
      %jit3A_1605 = arith.constant 1 : i32
      %select_n3A_1606 = arith.select %eq3A_1604, %jit3A_1605, %jit3A_1602 : i32
      %rem3A_1607 = arith.remsi %add3A_1508, %select_n3A_1606 : i32
      %ne3A_1608 = arith.constant 0 : i32
      %ne3A_1609 = arith.cmpi ne, %rem3A_1607, %ne3A_1608 : i32
      %lt3A_1610 = arith.constant 0 : i32
      %lt3A_1611 = arith.cmpi slt, %rem3A_1607, %lt3A_1610 : i32
      %lt3A_1612 = arith.constant 0 : i32
      %lt3A_1613 = arith.cmpi slt, %select_n3A_1606, %lt3A_1612 : i32
      %ne3A_1614 = arith.xori %lt3A_1611, %lt3A_1613 : i1
      %and3A_1615 = arith.andi %ne3A_1614, %ne3A_1609 : i1
      %add3A_1616 = arith.addi %rem3A_1607, %select_n3A_1606 : i32
      %select_n3A_1617 = arith.select %and3A_1615, %add3A_1616, %rem3A_1607 : i32
      %mul3A_1618 = arith.constant 32 : i32
      %mul3A_1619 = arith.muli %select_n3A_1617, %mul3A_1618 : i32
      %add3A_1620 = arith.addi %mul3A_2, %mul3A_1619 : i32
      %dma_start3A_1621 = arith.constant 8 : i32
      %dma_start3A_1622 = arith.constant 8 : i32
      %dma_start3A_1623 = arith.constant 0 : i32
      %dma_start3A_1624 = arith.constant 0 : i32
      %dma_start3A_1625 = tpu.memref_slice %arg6[%dma_start3A_1621, %dma_start3A_1623, %dma_start3A_1624] : memref<10x32x128xf32, #tpu.memory_space<vmem>> -> memref<1x32x128xf32, #tpu.memory_space<vmem>>
      %dma_start3A_1626 = tpu.memref_squeeze %dma_start3A_1625 : memref<1x32x128xf32, #tpu.memory_space<vmem>> -> memref<32x128xf32, #tpu.memory_space<vmem>>
      %dma_start3A_1627 = arith.constant 0 : i32
      %dma_start3A_1628 = arith.constant 0 : i32
      %dma_start3A_1629 = tpu.memref_slice %arg4[%select_n3A_1601, %dma_start3A_1627, %dma_start3A_1628] : memref<50x4096x128xf32, #tpu.memory_space<hbm>> -> memref<1x4096x128xf32, #tpu.memory_space<hbm>>
      %dma_start3A_1630 = tpu.memref_squeeze %dma_start3A_1629 : memref<1x4096x128xf32, #tpu.memory_space<hbm>> -> memref<4096x128xf32, #tpu.memory_space<hbm>>
      %dma_start3A_1631 = arith.constant 0 : i32
      %dma_start3A_1632 = tpu.memref_slice %dma_start3A_1630[%add3A_1620, %dma_start3A_1631] : memref<4096x128xf32, #tpu.memory_space<hbm>> -> memref<32x128xf32, #tpu.memory_space<hbm>>
      %dma_start3A_1633 = tpu.memref_slice %arg8[%dma_start3A_1622] : memref<10x!tpu.dma_semaphore, #tpu.memory_space<semaphore_mem>> -> memref<1x!tpu.dma_semaphore, #tpu.memory_space<semaphore_mem>>
      %dma_start3A_1634 = tpu.memref_squeeze %dma_start3A_1633 : memref<1x!tpu.dma_semaphore, #tpu.memory_space<semaphore_mem>> -> memref<!tpu.dma_semaphore, #tpu.memory_space<semaphore_mem>>
      %dma_start3A_1635 = arith.constant 0 : i32
      %dma_start3A_1636 = arith.constant 0 : i32
      %dma_start3A_1637 = tpu.memref_slice %arg4[%select_n3A_1601, %dma_start3A_1635, %dma_start3A_1636] : memref<50x4096x128xf32, #tpu.memory_space<hbm>> -> memref<1x4096x128xf32, #tpu.memory_space<hbm>>
      %dma_start3A_1638 = tpu.memref_squeeze %dma_start3A_1637 : memref<1x4096x128xf32, #tpu.memory_space<hbm>> -> memref<4096x128xf32, #tpu.memory_space<hbm>>
      %dma_start3A_1639 = arith.constant 0 : i32
      %dma_start3A_1640 = tpu.memref_slice %dma_start3A_1638[%add3A_1620, %dma_start3A_1639] : memref<4096x128xf32, #tpu.memory_space<hbm>> -> memref<32x128xf32, #tpu.memory_space<hbm>>
      %dma_start3A_1641 = arith.constant 0 : i32
      %dma_start3A_1642 = arith.constant 0 : i32
      %dma_start3A_1643 = tpu.memref_slice %arg6[%dma_start3A_1621, %dma_start3A_1641, %dma_start3A_1642] : memref<10x32x128xf32, #tpu.memory_space<vmem>> -> memref<1x32x128xf32, #tpu.memory_space<vmem>>
      %dma_start3A_1644 = tpu.memref_squeeze %dma_start3A_1643 : memref<1x32x128xf32, #tpu.memory_space<vmem>> -> memref<32x128xf32, #tpu.memory_space<vmem>>
      tpu.enqueue_dma source(%dma_start3A_1644 : memref<32x128xf32, #tpu.memory_space<vmem>>) target(%dma_start3A_1640 : memref<32x128xf32, #tpu.memory_space<hbm>>) target_semaphore(%dma_start3A_1634 : memref<!tpu.dma_semaphore, #tpu.memory_space<semaphore_mem>>)
      %mul3A_1645 = arith.constant 10 : i32
      %mul3A_1646 = arith.muli %scan3A_396, %mul3A_1645 : i32
      %add3A_1647 = arith.constant 9 : i32
      %add3A_1648 = arith.addi %mul3A_1646, %add3A_1647 : i32
      %add3A_1649 = arith.constant 8 : i32
      %add3A_1650 = arith.addi %add3A_1648, %add3A_1649 : i32
      %lt3A_1651 = arith.constant 200 : i32
      %lt3A_1652 = arith.cmpi slt, %add3A_1650, %lt3A_1651 : i32
      %convert_element_type3A_1653 = arith.extui %lt3A_1652 : i1 to i32
      %cond3A_1654 = arith.constant 0 : i32
      %cond3A_1655 = arith.cmpi ne, %convert_element_type3A_1653, %cond3A_1654 : i32
      scf.if %cond3A_1655 {
        %ge3A = arith.constant 10 : i32
        %ge3A_1785 = arith.cmpi sge, %add3A_1650, %ge3A : i32
        %convert_element_type3A_1786 = arith.extui %ge3A_1785 : i1 to i32
        %cond3A_1787 = arith.constant 0 : i32
        %cond3A_1788 = arith.cmpi ne, %convert_element_type3A_1786, %cond3A_1787 : i32
        scf.if %cond3A_1788 {
          %sub3A_1844 = arith.constant 10 : i32
          %sub3A_1845 = arith.subi %add3A_1650, %sub3A_1844 : i32
          %jit3A_1846 = arith.constant 4 : i32
          %div3A_1847 = arith.divsi %sub3A_1845, %jit3A_1846 : i32
          %sign3A_1848 = arith.constant 0 : i32
          %sign3A_1849 = arith.cmpi sgt, %sub3A_1845, %sign3A_1848 : i32
          %sign3A_1850 = arith.extui %sign3A_1849 : i1 to i32
          %sign3A_1851 = arith.constant 0 : i32
          %sign3A_1852 = arith.cmpi slt, %sub3A_1845, %sign3A_1851 : i32
          %sign3A_1853 = arith.extui %sign3A_1852 : i1 to i32
          %sign3A_1854 = arith.subi %sign3A_1850, %sign3A_1853 : i32
          %sign3A_1855 = arith.constant 0 : i32
          %sign3A_1856 = arith.cmpi sgt, %jit3A_1846, %sign3A_1855 : i32
          %sign3A_1857 = arith.extui %sign3A_1856 : i1 to i32
          %sign3A_1858 = arith.constant 0 : i32
          %sign3A_1859 = arith.cmpi slt, %jit3A_1846, %sign3A_1858 : i32
          %sign3A_1860 = arith.extui %sign3A_1859 : i1 to i32
          %sign3A_1861 = arith.subi %sign3A_1857, %sign3A_1860 : i32
          %ne3A_1862 = arith.cmpi ne, %sign3A_1854, %sign3A_1861 : i32
          %rem3A_1863 = arith.remsi %sub3A_1845, %jit3A_1846 : i32
          %ne3A_1864 = arith.constant 0 : i32
          %ne3A_1865 = arith.cmpi ne, %rem3A_1863, %ne3A_1864 : i32
          %and3A_1866 = arith.andi %ne3A_1862, %ne3A_1865 : i1
          %sub3A_1867 = arith.constant 1 : i32
          %sub3A_1868 = arith.subi %div3A_1847, %sub3A_1867 : i32
          %select_n3A_1869 = arith.select %and3A_1866, %sub3A_1868, %div3A_1847 : i32
          %jit3A_1870 = arith.constant 4 : i32
          %eq3A_1871 = arith.constant 0 : i32
          %eq3A_1872 = arith.cmpi eq, %jit3A_1870, %eq3A_1871 : i32
          %jit3A_1873 = arith.constant 1 : i32
          %select_n3A_1874 = arith.select %eq3A_1872, %jit3A_1873, %jit3A_1870 : i32
          %rem3A_1875 = arith.remsi %sub3A_1845, %select_n3A_1874 : i32
          %ne3A_1876 = arith.constant 0 : i32
          %ne3A_1877 = arith.cmpi ne, %rem3A_1875, %ne3A_1876 : i32
          %lt3A_1878 = arith.constant 0 : i32
          %lt3A_1879 = arith.cmpi slt, %rem3A_1875, %lt3A_1878 : i32
          %lt3A_1880 = arith.constant 0 : i32
          %lt3A_1881 = arith.cmpi slt, %select_n3A_1874, %lt3A_1880 : i32
          %ne3A_1882 = arith.xori %lt3A_1879, %lt3A_1881 : i1
          %and3A_1883 = arith.andi %ne3A_1882, %ne3A_1877 : i1
          %add3A_1884 = arith.addi %rem3A_1875, %select_n3A_1874 : i32
          %select_n3A_1885 = arith.select %and3A_1883, %add3A_1884, %rem3A_1875 : i32
          %mul3A_1886 = arith.constant 32 : i32
          %mul3A_1887 = arith.muli %select_n3A_1885, %mul3A_1886 : i32
          %add3A_1888 = arith.addi %mul3A_2, %mul3A_1887 : i32
          %dma_wait3A_1889 = arith.constant 7 : i32
          %dma_wait3A_1890 = arith.constant 7 : i32
          %dma_wait3A_1891 = arith.constant 0 : i32
          %dma_wait3A_1892 = arith.constant 0 : i32
          %dma_wait3A_1893 = tpu.memref_slice %arg6[%dma_wait3A_1889, %dma_wait3A_1891, %dma_wait3A_1892] : memref<10x32x128xf32, #tpu.memory_space<vmem>> -> memref<1x32x128xf32, #tpu.memory_space<vmem>>
          %dma_wait3A_1894 = tpu.memref_squeeze %dma_wait3A_1893 : memref<1x32x128xf32, #tpu.memory_space<vmem>> -> memref<32x128xf32, #tpu.memory_space<vmem>>
          %dma_wait3A_1895 = arith.constant 0 : i32
          %dma_wait3A_1896 = arith.constant 0 : i32
          %dma_wait3A_1897 = tpu.memref_slice %arg4[%select_n3A_1869, %dma_wait3A_1895, %dma_wait3A_1896] : memref<50x4096x128xf32, #tpu.memory_space<hbm>> -> memref<1x4096x128xf32, #tpu.memory_space<hbm>>
          %dma_wait3A_1898 = tpu.memref_squeeze %dma_wait3A_1897 : memref<1x4096x128xf32, #tpu.memory_space<hbm>> -> memref<4096x128xf32, #tpu.memory_space<hbm>>
          %dma_wait3A_1899 = arith.constant 0 : i32
          %dma_wait3A_1900 = tpu.memref_slice %dma_wait3A_1898[%add3A_1888, %dma_wait3A_1899] : memref<4096x128xf32, #tpu.memory_space<hbm>> -> memref<32x128xf32, #tpu.memory_space<hbm>>
          %dma_wait3A_1901 = tpu.memref_slice %arg8[%dma_wait3A_1890] : memref<10x!tpu.dma_semaphore, #tpu.memory_space<semaphore_mem>> -> memref<1x!tpu.dma_semaphore, #tpu.memory_space<semaphore_mem>>
          %dma_wait3A_1902 = tpu.memref_squeeze %dma_wait3A_1901 : memref<1x!tpu.dma_semaphore, #tpu.memory_space<semaphore_mem>> -> memref<!tpu.dma_semaphore, #tpu.memory_space<semaphore_mem>>
          %dma_wait3A_1903 = arith.constant 0 : i32
          %dma_wait3A_1904 = arith.constant 0 : i32
          %dma_wait3A_1905 = tpu.memref_slice %arg4[%select_n3A_1869, %dma_wait3A_1903, %dma_wait3A_1904] : memref<50x4096x128xf32, #tpu.memory_space<hbm>> -> memref<1x4096x128xf32, #tpu.memory_space<hbm>>
          %dma_wait3A_1906 = tpu.memref_squeeze %dma_wait3A_1905 : memref<1x4096x128xf32, #tpu.memory_space<hbm>> -> memref<4096x128xf32, #tpu.memory_space<hbm>>
          %dma_wait3A_1907 = arith.constant 0 : i32
          %dma_wait3A_1908 = tpu.memref_slice %dma_wait3A_1906[%add3A_1888, %dma_wait3A_1907] : memref<4096x128xf32, #tpu.memory_space<hbm>> -> memref<32x128xf32, #tpu.memory_space<hbm>>
          %dma_wait3A_1909 = arith.constant 0 : i32
          %dma_wait3A_1910 = arith.constant 0 : i32
          %dma_wait3A_1911 = tpu.memref_slice %arg6[%dma_wait3A_1889, %dma_wait3A_1909, %dma_wait3A_1910] : memref<10x32x128xf32, #tpu.memory_space<vmem>> -> memref<1x32x128xf32, #tpu.memory_space<vmem>>
          %dma_wait3A_1912 = tpu.memref_squeeze %dma_wait3A_1911 : memref<1x32x128xf32, #tpu.memory_space<vmem>> -> memref<32x128xf32, #tpu.memory_space<vmem>>
          tpu.wait_dma2 semaphore(%dma_wait3A_1902 : memref<!tpu.dma_semaphore, #tpu.memory_space<semaphore_mem>>) src(%dma_wait3A_1912 : memref<32x128xf32, #tpu.memory_space<vmem>>) dst(%dma_wait3A_1908 : memref<32x128xf32, #tpu.memory_space<hbm>>)
        } else {
        }
        %jit3A_1789 = arith.constant 4 : i32
        %div3A_1790 = arith.divsi %add3A_1650, %jit3A_1789 : i32
        %sign3A_1791 = arith.constant 0 : i32
        %sign3A_1792 = arith.cmpi sgt, %add3A_1650, %sign3A_1791 : i32
        %sign3A_1793 = arith.extui %sign3A_1792 : i1 to i32
        %sign3A_1794 = arith.constant 0 : i32
        %sign3A_1795 = arith.cmpi slt, %add3A_1650, %sign3A_1794 : i32
        %sign3A_1796 = arith.extui %sign3A_1795 : i1 to i32
        %sign3A_1797 = arith.subi %sign3A_1793, %sign3A_1796 : i32
        %sign3A_1798 = arith.constant 0 : i32
        %sign3A_1799 = arith.cmpi sgt, %jit3A_1789, %sign3A_1798 : i32
        %sign3A_1800 = arith.extui %sign3A_1799 : i1 to i32
        %sign3A_1801 = arith.constant 0 : i32
        %sign3A_1802 = arith.cmpi slt, %jit3A_1789, %sign3A_1801 : i32
        %sign3A_1803 = arith.extui %sign3A_1802 : i1 to i32
        %sign3A_1804 = arith.subi %sign3A_1800, %sign3A_1803 : i32
        %ne3A_1805 = arith.cmpi ne, %sign3A_1797, %sign3A_1804 : i32
        %rem3A_1806 = arith.remsi %add3A_1650, %jit3A_1789 : i32
        %ne3A_1807 = arith.constant 0 : i32
        %ne3A_1808 = arith.cmpi ne, %rem3A_1806, %ne3A_1807 : i32
        %and3A_1809 = arith.andi %ne3A_1805, %ne3A_1808 : i1
        %sub3A_1810 = arith.constant 1 : i32
        %sub3A_1811 = arith.subi %div3A_1790, %sub3A_1810 : i32
        %select_n3A_1812 = arith.select %and3A_1809, %sub3A_1811, %div3A_1790 : i32
        %jit3A_1813 = arith.constant 4 : i32
        %eq3A_1814 = arith.constant 0 : i32
        %eq3A_1815 = arith.cmpi eq, %jit3A_1813, %eq3A_1814 : i32
        %jit3A_1816 = arith.constant 1 : i32
        %select_n3A_1817 = arith.select %eq3A_1815, %jit3A_1816, %jit3A_1813 : i32
        %rem3A_1818 = arith.remsi %add3A_1650, %select_n3A_1817 : i32
        %ne3A_1819 = arith.constant 0 : i32
        %ne3A_1820 = arith.cmpi ne, %rem3A_1818, %ne3A_1819 : i32
        %lt3A_1821 = arith.constant 0 : i32
        %lt3A_1822 = arith.cmpi slt, %rem3A_1818, %lt3A_1821 : i32
        %lt3A_1823 = arith.constant 0 : i32
        %lt3A_1824 = arith.cmpi slt, %select_n3A_1817, %lt3A_1823 : i32
        %ne3A_1825 = arith.xori %lt3A_1822, %lt3A_1824 : i1
        %and3A_1826 = arith.andi %ne3A_1825, %ne3A_1820 : i1
        %add3A_1827 = arith.addi %rem3A_1818, %select_n3A_1817 : i32
        %select_n3A_1828 = arith.select %and3A_1826, %add3A_1827, %rem3A_1818 : i32
        %mul3A_1829 = arith.constant 32 : i32
        %mul3A_1830 = arith.muli %select_n3A_1828, %mul3A_1829 : i32
        %dma_start3A_1831 = arith.constant 7 : i32
        %dma_start3A_1832 = arith.constant 7 : i32
        %dma_start3A_1833 = arith.constant 0 : i32
        %dma_start3A_1834 = arith.constant 0 : i32
        %dma_start3A_1835 = tpu.memref_slice %arg6[%dma_start3A_1831, %dma_start3A_1833, %dma_start3A_1834] : memref<10x32x128xf32, #tpu.memory_space<vmem>> -> memref<1x32x128xf32, #tpu.memory_space<vmem>>
        %dma_start3A_1836 = tpu.memref_squeeze %dma_start3A_1835 : memref<1x32x128xf32, #tpu.memory_space<vmem>> -> memref<32x128xf32, #tpu.memory_space<vmem>>
        %dma_start3A_1837 = tpu.memref_slice %arg5[%select_n3A_1812, %mul3A_1830] : memref<50x128xi32, #tpu.memory_space<vmem>> -> memref<1x32xi32, #tpu.memory_space<vmem>>
        %dma_start3A_1838 = tpu.memref_squeeze %dma_start3A_1837 : memref<1x32xi32, #tpu.memory_space<vmem>> -> memref<32xi32, #tpu.memory_space<vmem>>
        %dma_start3A_1839 = arith.constant 0 : i32
        %dma_start3A_1840 = arith.constant 0 : i32
        %dma_start3A_1841 = tpu.memref_slice %arg3[%dma_start3A_1839, %dma_start3A_1840] : memref<100000x128xf32, #tpu.memory_space<hbm>> -> memref<100000x128xf32, #tpu.memory_space<hbm>>
        %dma_start3A_1842 = tpu.memref_slice %arg7[%dma_start3A_1832] : memref<10x!tpu.dma_semaphore, #tpu.memory_space<semaphore_mem>> -> memref<1x!tpu.dma_semaphore, #tpu.memory_space<semaphore_mem>>
        %dma_start3A_1843 = tpu.memref_squeeze %dma_start3A_1842 : memref<1x!tpu.dma_semaphore, #tpu.memory_space<semaphore_mem>> -> memref<!tpu.dma_semaphore, #tpu.memory_space<semaphore_mem>>
        tpu.enqueue_indirect_dma source(%dma_start3A_1841 : memref<100000x128xf32, #tpu.memory_space<hbm>>) target(%dma_start3A_1836 : memref<32x128xf32, #tpu.memory_space<vmem>>) offsets(%dma_start3A_1838 : memref<32xi32, #tpu.memory_space<vmem>>) semaphore(%dma_start3A_1843 : memref<!tpu.dma_semaphore, #tpu.memory_space<semaphore_mem>>)
      } else {
      }
      %jit3A_1656 = arith.constant 4 : i32
      %div3A_1657 = arith.divsi %add3A_1648, %jit3A_1656 : i32
      %sign3A_1658 = arith.constant 0 : i32
      %sign3A_1659 = arith.cmpi sgt, %add3A_1648, %sign3A_1658 : i32
      %sign3A_1660 = arith.extui %sign3A_1659 : i1 to i32
      %sign3A_1661 = arith.constant 0 : i32
      %sign3A_1662 = arith.cmpi slt, %add3A_1648, %sign3A_1661 : i32
      %sign3A_1663 = arith.extui %sign3A_1662 : i1 to i32
      %sign3A_1664 = arith.subi %sign3A_1660, %sign3A_1663 : i32
      %sign3A_1665 = arith.constant 0 : i32
      %sign3A_1666 = arith.cmpi sgt, %jit3A_1656, %sign3A_1665 : i32
      %sign3A_1667 = arith.extui %sign3A_1666 : i1 to i32
      %sign3A_1668 = arith.constant 0 : i32
      %sign3A_1669 = arith.cmpi slt, %jit3A_1656, %sign3A_1668 : i32
      %sign3A_1670 = arith.extui %sign3A_1669 : i1 to i32
      %sign3A_1671 = arith.subi %sign3A_1667, %sign3A_1670 : i32
      %ne3A_1672 = arith.cmpi ne, %sign3A_1664, %sign3A_1671 : i32
      %rem3A_1673 = arith.remsi %add3A_1648, %jit3A_1656 : i32
      %ne3A_1674 = arith.constant 0 : i32
      %ne3A_1675 = arith.cmpi ne, %rem3A_1673, %ne3A_1674 : i32
      %and3A_1676 = arith.andi %ne3A_1672, %ne3A_1675 : i1
      %sub3A_1677 = arith.constant 1 : i32
      %sub3A_1678 = arith.subi %div3A_1657, %sub3A_1677 : i32
      %select_n3A_1679 = arith.select %and3A_1676, %sub3A_1678, %div3A_1657 : i32
      %jit3A_1680 = arith.constant 4 : i32
      %eq3A_1681 = arith.constant 0 : i32
      %eq3A_1682 = arith.cmpi eq, %jit3A_1680, %eq3A_1681 : i32
      %jit3A_1683 = arith.constant 1 : i32
      %select_n3A_1684 = arith.select %eq3A_1682, %jit3A_1683, %jit3A_1680 : i32
      %rem3A_1685 = arith.remsi %add3A_1648, %select_n3A_1684 : i32
      %ne3A_1686 = arith.constant 0 : i32
      %ne3A_1687 = arith.cmpi ne, %rem3A_1685, %ne3A_1686 : i32
      %lt3A_1688 = arith.constant 0 : i32
      %lt3A_1689 = arith.cmpi slt, %rem3A_1685, %lt3A_1688 : i32
      %lt3A_1690 = arith.constant 0 : i32
      %lt3A_1691 = arith.cmpi slt, %select_n3A_1684, %lt3A_1690 : i32
      %ne3A_1692 = arith.xori %lt3A_1689, %lt3A_1691 : i1
      %and3A_1693 = arith.andi %ne3A_1692, %ne3A_1687 : i1
      %add3A_1694 = arith.addi %rem3A_1685, %select_n3A_1684 : i32
      %select_n3A_1695 = arith.select %and3A_1693, %add3A_1694, %rem3A_1685 : i32
      %mul3A_1696 = arith.constant 32 : i32
      %mul3A_1697 = arith.muli %select_n3A_1695, %mul3A_1696 : i32
      %dma_wait3A_1698 = arith.constant 9 : i32
      %dma_wait3A_1699 = arith.constant 9 : i32
      %dma_wait3A_1700 = arith.constant 0 : i32
      %dma_wait3A_1701 = arith.constant 0 : i32
      %dma_wait3A_1702 = tpu.memref_slice %arg6[%dma_wait3A_1698, %dma_wait3A_1700, %dma_wait3A_1701] : memref<10x32x128xf32, #tpu.memory_space<vmem>> -> memref<1x32x128xf32, #tpu.memory_space<vmem>>
      %dma_wait3A_1703 = tpu.memref_squeeze %dma_wait3A_1702 : memref<1x32x128xf32, #tpu.memory_space<vmem>> -> memref<32x128xf32, #tpu.memory_space<vmem>>
      %dma_wait3A_1704 = tpu.memref_slice %arg5[%select_n3A_1679, %mul3A_1697] : memref<50x128xi32, #tpu.memory_space<vmem>> -> memref<1x32xi32, #tpu.memory_space<vmem>>
      %dma_wait3A_1705 = tpu.memref_squeeze %dma_wait3A_1704 : memref<1x32xi32, #tpu.memory_space<vmem>> -> memref<32xi32, #tpu.memory_space<vmem>>
      %dma_wait3A_1706 = arith.constant 0 : i32
      %dma_wait3A_1707 = arith.constant 0 : i32
      %dma_wait3A_1708 = tpu.memref_slice %arg3[%dma_wait3A_1706, %dma_wait3A_1707] : memref<100000x128xf32, #tpu.memory_space<hbm>> -> memref<100000x128xf32, #tpu.memory_space<hbm>>
      %dma_wait3A_1709 = tpu.memref_slice %arg7[%dma_wait3A_1699] : memref<10x!tpu.dma_semaphore, #tpu.memory_space<semaphore_mem>> -> memref<1x!tpu.dma_semaphore, #tpu.memory_space<semaphore_mem>>
      %dma_wait3A_1710 = tpu.memref_squeeze %dma_wait3A_1709 : memref<1x!tpu.dma_semaphore, #tpu.memory_space<semaphore_mem>> -> memref<!tpu.dma_semaphore, #tpu.memory_space<semaphore_mem>>
      tpu.wait_indirect_dma semaphore(%dma_wait3A_1710 : memref<!tpu.dma_semaphore, #tpu.memory_space<semaphore_mem>>) src(%dma_wait3A_1708 : memref<100000x128xf32, #tpu.memory_space<hbm>>) dst(%dma_wait3A_1703 : memref<32x128xf32, #tpu.memory_space<vmem>>)
      %scan3A_1711 = arith.constant 0 : i32
      %scan3A_1712 = arith.constant 9 : i32
      %scan3A_1713 = arith.constant 0 : i32
      %scan3A_1714 = arith.constant 32 : i32
      %scan3A_1715 = arith.addi %scan3A_1713, %scan3A_1714 : i32
      %scan3A_1716 = arith.constant 1 : i32
      scf.for %scan3A_1785 = %scan3A_1713 to %scan3A_1715 step %scan3A_1716  : i32 {
        %get3A = arith.constant 0 : i32
        %get3A_1786 = arith.constant 0 : i32
        %get3A_1787 = tpu.memref_slice %arg6[%scan3A_1712, %get3A, %get3A_1786] : memref<10x32x128xf32, #tpu.memory_space<vmem>> -> memref<1x32x128xf32, #tpu.memory_space<vmem>>
        %get3A_1788 = tpu.memref_squeeze %get3A_1787 : memref<1x32x128xf32, #tpu.memory_space<vmem>> -> memref<32x128xf32, #tpu.memory_space<vmem>>
        %get3A_1789 = arith.index_cast %scan3A_1785 : i32 to index
        %get3A_1790 = arith.constant 0 : index
        %get3A_1791 = tpu.vector_load %get3A_1788[%get3A_1789, %get3A_1790] {strides = array<i32>} : memref<32x128xf32, #tpu.memory_space<vmem>>, vector<1x16xf32>,
        %get3A_1792 = vector.shape_cast %get3A_1791 : vector<1x16xf32> to vector<16xf32>
        %mul3A_1793 = arith.constant 11.3137083 : f32
        %mul3A_1794 = vector.broadcast %mul3A_1793 : f32 to vector<16xf32>
        %mul3A_1795 = arith.mulf %get3A_1792, %mul3A_1794 : vector<16xf32>
        %swap3A = arith.constant 0 : i32
        %swap3A_1796 = arith.constant 0 : i32
        %swap3A_1797 = tpu.memref_slice %arg6[%scan3A_1712, %swap3A, %swap3A_1796] : memref<10x32x128xf32, #tpu.memory_space<vmem>> -> memref<1x32x128xf32, #tpu.memory_space<vmem>>
        %swap3A_1798 = tpu.memref_squeeze %swap3A_1797 : memref<1x32x128xf32, #tpu.memory_space<vmem>> -> memref<32x128xf32, #tpu.memory_space<vmem>>
        %swap3A_1799 = arith.index_cast %scan3A_1785 : i32 to index
        %swap3A_1800 = arith.constant 0 : index
        %swap3A_1801 = tpu.vector_load %swap3A_1798[%swap3A_1799, %swap3A_1800] {strides = array<i32>} : memref<32x128xf32, #tpu.memory_space<vmem>>, vector<1x16xf32>,
        %swap3A_1802 = vector.shape_cast %swap3A_1801 : vector<1x16xf32> to vector<16xf32>
        %swap3A_1803 = vector.shape_cast %mul3A_1795 : vector<16xf32> to vector<1x16xf32>
        tpu.vector_store %swap3A_1798[%swap3A_1799, %swap3A_1800], %swap3A_1803 {strides = array<i32>} : memref<32x128xf32, #tpu.memory_space<vmem>>, vector<1x16xf32>,
        %get3A_1804 = arith.constant 0 : i32
        %get3A_1805 = arith.constant 0 : i32
        %get3A_1806 = tpu.memref_slice %arg6[%scan3A_1712, %get3A_1804, %get3A_1805] : memref<10x32x128xf32, #tpu.memory_space<vmem>> -> memref<1x32x128xf32, #tpu.memory_space<vmem>>
        %get3A_1807 = tpu.memref_squeeze %get3A_1806 : memref<1x32x128xf32, #tpu.memory_space<vmem>> -> memref<32x128xf32, #tpu.memory_space<vmem>>
        %get3A_1808 = arith.index_cast %scan3A_1785 : i32 to index
        %get3A_1809 = arith.constant 16 : index
        %get3A_1810 = tpu.vector_load %get3A_1807[%get3A_1808, %get3A_1809] {strides = array<i32>} : memref<32x128xf32, #tpu.memory_space<vmem>>, vector<1x16xf32>,
        %get3A_1811 = vector.shape_cast %get3A_1810 : vector<1x16xf32> to vector<16xf32>
        %mul3A_1812 = arith.constant 11.3137083 : f32
        %mul3A_1813 = vector.broadcast %mul3A_1812 : f32 to vector<16xf32>
        %mul3A_1814 = arith.mulf %get3A_1811, %mul3A_1813 : vector<16xf32>
        %swap3A_1815 = arith.constant 0 : i32
        %swap3A_1816 = arith.constant 0 : i32
        %swap3A_1817 = tpu.memref_slice %arg6[%scan3A_1712, %swap3A_1815, %swap3A_1816] : memref<10x32x128xf32, #tpu.memory_space<vmem>> -> memref<1x32x128xf32, #tpu.memory_space<vmem>>
        %swap3A_1818 = tpu.memref_squeeze %swap3A_1817 : memref<1x32x128xf32, #tpu.memory_space<vmem>> -> memref<32x128xf32, #tpu.memory_space<vmem>>
        %swap3A_1819 = arith.index_cast %scan3A_1785 : i32 to index
        %swap3A_1820 = arith.constant 16 : index
        %swap3A_1821 = tpu.vector_load %swap3A_1818[%swap3A_1819, %swap3A_1820] {strides = array<i32>} : memref<32x128xf32, #tpu.memory_space<vmem>>, vector<1x16xf32>,
        %swap3A_1822 = vector.shape_cast %swap3A_1821 : vector<1x16xf32> to vector<16xf32>
        %swap3A_1823 = vector.shape_cast %mul3A_1814 : vector<16xf32> to vector<1x16xf32>
        tpu.vector_store %swap3A_1818[%swap3A_1819, %swap3A_1820], %swap3A_1823 {strides = array<i32>} : memref<32x128xf32, #tpu.memory_space<vmem>>, vector<1x16xf32>,
        %get3A_1824 = arith.constant 0 : i32
        %get3A_1825 = arith.constant 0 : i32
        %get3A_1826 = tpu.memref_slice %arg6[%scan3A_1712, %get3A_1824, %get3A_1825] : memref<10x32x128xf32, #tpu.memory_space<vmem>> -> memref<1x32x128xf32, #tpu.memory_space<vmem>>
        %get3A_1827 = tpu.memref_squeeze %get3A_1826 : memref<1x32x128xf32, #tpu.memory_space<vmem>> -> memref<32x128xf32, #tpu.memory_space<vmem>>
        %get3A_1828 = arith.index_cast %scan3A_1785 : i32 to index
        %get3A_1829 = arith.constant 32 : index
        %get3A_1830 = tpu.vector_load %get3A_1827[%get3A_1828, %get3A_1829] {strides = array<i32>} : memref<32x128xf32, #tpu.memory_space<vmem>>, vector<1x16xf32>,
        %get3A_1831 = vector.shape_cast %get3A_1830 : vector<1x16xf32> to vector<16xf32>
        %mul3A_1832 = arith.constant 11.3137083 : f32
        %mul3A_1833 = vector.broadcast %mul3A_1832 : f32 to vector<16xf32>
        %mul3A_1834 = arith.mulf %get3A_1831, %mul3A_1833 : vector<16xf32>
        %swap3A_1835 = arith.constant 0 : i32
        %swap3A_1836 = arith.constant 0 : i32
        %swap3A_1837 = tpu.memref_slice %arg6[%scan3A_1712, %swap3A_1835, %swap3A_1836] : memref<10x32x128xf32, #tpu.memory_space<vmem>> -> memref<1x32x128xf32, #tpu.memory_space<vmem>>
        %swap3A_1838 = tpu.memref_squeeze %swap3A_1837 : memref<1x32x128xf32, #tpu.memory_space<vmem>> -> memref<32x128xf32, #tpu.memory_space<vmem>>
        %swap3A_1839 = arith.index_cast %scan3A_1785 : i32 to index
        %swap3A_1840 = arith.constant 32 : index
        %swap3A_1841 = tpu.vector_load %swap3A_1838[%swap3A_1839, %swap3A_1840] {strides = array<i32>} : memref<32x128xf32, #tpu.memory_space<vmem>>, vector<1x16xf32>,
        %swap3A_1842 = vector.shape_cast %swap3A_1841 : vector<1x16xf32> to vector<16xf32>
        %swap3A_1843 = vector.shape_cast %mul3A_1834 : vector<16xf32> to vector<1x16xf32>
        tpu.vector_store %swap3A_1838[%swap3A_1839, %swap3A_1840], %swap3A_1843 {strides = array<i32>} : memref<32x128xf32, #tpu.memory_space<vmem>>, vector<1x16xf32>,
        %get3A_1844 = arith.constant 0 : i32
        %get3A_1845 = arith.constant 0 : i32
        %get3A_1846 = tpu.memref_slice %arg6[%scan3A_1712, %get3A_1844, %get3A_1845] : memref<10x32x128xf32, #tpu.memory_space<vmem>> -> memref<1x32x128xf32, #tpu.memory_space<vmem>>
        %get3A_1847 = tpu.memref_squeeze %get3A_1846 : memref<1x32x128xf32, #tpu.memory_space<vmem>> -> memref<32x128xf32, #tpu.memory_space<vmem>>
        %get3A_1848 = arith.index_cast %scan3A_1785 : i32 to index
        %get3A_1849 = arith.constant 48 : index
        %get3A_1850 = tpu.vector_load %get3A_1847[%get3A_1848, %get3A_1849] {strides = array<i32>} : memref<32x128xf32, #tpu.memory_space<vmem>>, vector<1x16xf32>,
        %get3A_1851 = vector.shape_cast %get3A_1850 : vector<1x16xf32> to vector<16xf32>
        %mul3A_1852 = arith.constant 11.3137083 : f32
        %mul3A_1853 = vector.broadcast %mul3A_1852 : f32 to vector<16xf32>
        %mul3A_1854 = arith.mulf %get3A_1851, %mul3A_1853 : vector<16xf32>
        %swap3A_1855 = arith.constant 0 : i32
        %swap3A_1856 = arith.constant 0 : i32
        %swap3A_1857 = tpu.memref_slice %arg6[%scan3A_1712, %swap3A_1855, %swap3A_1856] : memref<10x32x128xf32, #tpu.memory_space<vmem>> -> memref<1x32x128xf32, #tpu.memory_space<vmem>>
        %swap3A_1858 = tpu.memref_squeeze %swap3A_1857 : memref<1x32x128xf32, #tpu.memory_space<vmem>> -> memref<32x128xf32, #tpu.memory_space<vmem>>
        %swap3A_1859 = arith.index_cast %scan3A_1785 : i32 to index
        %swap3A_1860 = arith.constant 48 : index
        %swap3A_1861 = tpu.vector_load %swap3A_1858[%swap3A_1859, %swap3A_1860] {strides = array<i32>} : memref<32x128xf32, #tpu.memory_space<vmem>>, vector<1x16xf32>,
        %swap3A_1862 = vector.shape_cast %swap3A_1861 : vector<1x16xf32> to vector<16xf32>
        %swap3A_1863 = vector.shape_cast %mul3A_1854 : vector<16xf32> to vector<1x16xf32>
        tpu.vector_store %swap3A_1858[%swap3A_1859, %swap3A_1860], %swap3A_1863 {strides = array<i32>} : memref<32x128xf32, #tpu.memory_space<vmem>>, vector<1x16xf32>,
        %get3A_1864 = arith.constant 0 : i32
        %get3A_1865 = arith.constant 0 : i32
        %get3A_1866 = tpu.memref_slice %arg6[%scan3A_1712, %get3A_1864, %get3A_1865] : memref<10x32x128xf32, #tpu.memory_space<vmem>> -> memref<1x32x128xf32, #tpu.memory_space<vmem>>
        %get3A_1867 = tpu.memref_squeeze %get3A_1866 : memref<1x32x128xf32, #tpu.memory_space<vmem>> -> memref<32x128xf32, #tpu.memory_space<vmem>>
        %get3A_1868 = arith.index_cast %scan3A_1785 : i32 to index
        %get3A_1869 = arith.constant 64 : index
        %get3A_1870 = tpu.vector_load %get3A_1867[%get3A_1868, %get3A_1869] {strides = array<i32>} : memref<32x128xf32, #tpu.memory_space<vmem>>, vector<1x16xf32>,
        %get3A_1871 = vector.shape_cast %get3A_1870 : vector<1x16xf32> to vector<16xf32>
        %mul3A_1872 = arith.constant 11.3137083 : f32
        %mul3A_1873 = vector.broadcast %mul3A_1872 : f32 to vector<16xf32>
        %mul3A_1874 = arith.mulf %get3A_1871, %mul3A_1873 : vector<16xf32>
        %swap3A_1875 = arith.constant 0 : i32
        %swap3A_1876 = arith.constant 0 : i32
        %swap3A_1877 = tpu.memref_slice %arg6[%scan3A_1712, %swap3A_1875, %swap3A_1876] : memref<10x32x128xf32, #tpu.memory_space<vmem>> -> memref<1x32x128xf32, #tpu.memory_space<vmem>>
        %swap3A_1878 = tpu.memref_squeeze %swap3A_1877 : memref<1x32x128xf32, #tpu.memory_space<vmem>> -> memref<32x128xf32, #tpu.memory_space<vmem>>
        %swap3A_1879 = arith.index_cast %scan3A_1785 : i32 to index
        %swap3A_1880 = arith.constant 64 : index
        %swap3A_1881 = tpu.vector_load %swap3A_1878[%swap3A_1879, %swap3A_1880] {strides = array<i32>} : memref<32x128xf32, #tpu.memory_space<vmem>>, vector<1x16xf32>,
        %swap3A_1882 = vector.shape_cast %swap3A_1881 : vector<1x16xf32> to vector<16xf32>
        %swap3A_1883 = vector.shape_cast %mul3A_1874 : vector<16xf32> to vector<1x16xf32>
        tpu.vector_store %swap3A_1878[%swap3A_1879, %swap3A_1880], %swap3A_1883 {strides = array<i32>} : memref<32x128xf32, #tpu.memory_space<vmem>>, vector<1x16xf32>,
        %get3A_1884 = arith.constant 0 : i32
        %get3A_1885 = arith.constant 0 : i32
        %get3A_1886 = tpu.memref_slice %arg6[%scan3A_1712, %get3A_1884, %get3A_1885] : memref<10x32x128xf32, #tpu.memory_space<vmem>> -> memref<1x32x128xf32, #tpu.memory_space<vmem>>
        %get3A_1887 = tpu.memref_squeeze %get3A_1886 : memref<1x32x128xf32, #tpu.memory_space<vmem>> -> memref<32x128xf32, #tpu.memory_space<vmem>>
        %get3A_1888 = arith.index_cast %scan3A_1785 : i32 to index
        %get3A_1889 = arith.constant 80 : index
        %get3A_1890 = tpu.vector_load %get3A_1887[%get3A_1888, %get3A_1889] {strides = array<i32>} : memref<32x128xf32, #tpu.memory_space<vmem>>, vector<1x16xf32>,
        %get3A_1891 = vector.shape_cast %get3A_1890 : vector<1x16xf32> to vector<16xf32>
        %mul3A_1892 = arith.constant 11.3137083 : f32
        %mul3A_1893 = vector.broadcast %mul3A_1892 : f32 to vector<16xf32>
        %mul3A_1894 = arith.mulf %get3A_1891, %mul3A_1893 : vector<16xf32>
        %swap3A_1895 = arith.constant 0 : i32
        %swap3A_1896 = arith.constant 0 : i32
        %swap3A_1897 = tpu.memref_slice %arg6[%scan3A_1712, %swap3A_1895, %swap3A_1896] : memref<10x32x128xf32, #tpu.memory_space<vmem>> -> memref<1x32x128xf32, #tpu.memory_space<vmem>>
        %swap3A_1898 = tpu.memref_squeeze %swap3A_1897 : memref<1x32x128xf32, #tpu.memory_space<vmem>> -> memref<32x128xf32, #tpu.memory_space<vmem>>
        %swap3A_1899 = arith.index_cast %scan3A_1785 : i32 to index
        %swap3A_1900 = arith.constant 80 : index
        %swap3A_1901 = tpu.vector_load %swap3A_1898[%swap3A_1899, %swap3A_1900] {strides = array<i32>} : memref<32x128xf32, #tpu.memory_space<vmem>>, vector<1x16xf32>,
        %swap3A_1902 = vector.shape_cast %swap3A_1901 : vector<1x16xf32> to vector<16xf32>
        %swap3A_1903 = vector.shape_cast %mul3A_1894 : vector<16xf32> to vector<1x16xf32>
        tpu.vector_store %swap3A_1898[%swap3A_1899, %swap3A_1900], %swap3A_1903 {strides = array<i32>} : memref<32x128xf32, #tpu.memory_space<vmem>>, vector<1x16xf32>,
        %get3A_1904 = arith.constant 0 : i32
        %get3A_1905 = arith.constant 0 : i32
        %get3A_1906 = tpu.memref_slice %arg6[%scan3A_1712, %get3A_1904, %get3A_1905] : memref<10x32x128xf32, #tpu.memory_space<vmem>> -> memref<1x32x128xf32, #tpu.memory_space<vmem>>
        %get3A_1907 = tpu.memref_squeeze %get3A_1906 : memref<1x32x128xf32, #tpu.memory_space<vmem>> -> memref<32x128xf32, #tpu.memory_space<vmem>>
        %get3A_1908 = arith.index_cast %scan3A_1785 : i32 to index
        %get3A_1909 = arith.constant 96 : index
        %get3A_1910 = tpu.vector_load %get3A_1907[%get3A_1908, %get3A_1909] {strides = array<i32>} : memref<32x128xf32, #tpu.memory_space<vmem>>, vector<1x16xf32>,
        %get3A_1911 = vector.shape_cast %get3A_1910 : vector<1x16xf32> to vector<16xf32>
        %mul3A_1912 = arith.constant 11.3137083 : f32
        %mul3A_1913 = vector.broadcast %mul3A_1912 : f32 to vector<16xf32>
        %mul3A_1914 = arith.mulf %get3A_1911, %mul3A_1913 : vector<16xf32>
        %swap3A_1915 = arith.constant 0 : i32
        %swap3A_1916 = arith.constant 0 : i32
        %swap3A_1917 = tpu.memref_slice %arg6[%scan3A_1712, %swap3A_1915, %swap3A_1916] : memref<10x32x128xf32, #tpu.memory_space<vmem>> -> memref<1x32x128xf32, #tpu.memory_space<vmem>>
        %swap3A_1918 = tpu.memref_squeeze %swap3A_1917 : memref<1x32x128xf32, #tpu.memory_space<vmem>> -> memref<32x128xf32, #tpu.memory_space<vmem>>
        %swap3A_1919 = arith.index_cast %scan3A_1785 : i32 to index
        %swap3A_1920 = arith.constant 96 : index
        %swap3A_1921 = tpu.vector_load %swap3A_1918[%swap3A_1919, %swap3A_1920] {strides = array<i32>} : memref<32x128xf32, #tpu.memory_space<vmem>>, vector<1x16xf32>,
        %swap3A_1922 = vector.shape_cast %swap3A_1921 : vector<1x16xf32> to vector<16xf32>
        %swap3A_1923 = vector.shape_cast %mul3A_1914 : vector<16xf32> to vector<1x16xf32>
        tpu.vector_store %swap3A_1918[%swap3A_1919, %swap3A_1920], %swap3A_1923 {strides = array<i32>} : memref<32x128xf32, #tpu.memory_space<vmem>>, vector<1x16xf32>,
        %get3A_1924 = arith.constant 0 : i32
        %get3A_1925 = arith.constant 0 : i32
        %get3A_1926 = tpu.memref_slice %arg6[%scan3A_1712, %get3A_1924, %get3A_1925] : memref<10x32x128xf32, #tpu.memory_space<vmem>> -> memref<1x32x128xf32, #tpu.memory_space<vmem>>
        %get3A_1927 = tpu.memref_squeeze %get3A_1926 : memref<1x32x128xf32, #tpu.memory_space<vmem>> -> memref<32x128xf32, #tpu.memory_space<vmem>>
        %get3A_1928 = arith.index_cast %scan3A_1785 : i32 to index
        %get3A_1929 = arith.constant 112 : index
        %get3A_1930 = tpu.vector_load %get3A_1927[%get3A_1928, %get3A_1929] {strides = array<i32>} : memref<32x128xf32, #tpu.memory_space<vmem>>, vector<1x16xf32>,
        %get3A_1931 = vector.shape_cast %get3A_1930 : vector<1x16xf32> to vector<16xf32>
        %mul3A_1932 = arith.constant 11.3137083 : f32
        %mul3A_1933 = vector.broadcast %mul3A_1932 : f32 to vector<16xf32>
        %mul3A_1934 = arith.mulf %get3A_1931, %mul3A_1933 : vector<16xf32>
        %swap3A_1935 = arith.constant 0 : i32
        %swap3A_1936 = arith.constant 0 : i32
        %swap3A_1937 = tpu.memref_slice %arg6[%scan3A_1712, %swap3A_1935, %swap3A_1936] : memref<10x32x128xf32, #tpu.memory_space<vmem>> -> memref<1x32x128xf32, #tpu.memory_space<vmem>>
        %swap3A_1938 = tpu.memref_squeeze %swap3A_1937 : memref<1x32x128xf32, #tpu.memory_space<vmem>> -> memref<32x128xf32, #tpu.memory_space<vmem>>
        %swap3A_1939 = arith.index_cast %scan3A_1785 : i32 to index
        %swap3A_1940 = arith.constant 112 : index
        %swap3A_1941 = tpu.vector_load %swap3A_1938[%swap3A_1939, %swap3A_1940] {strides = array<i32>} : memref<32x128xf32, #tpu.memory_space<vmem>>, vector<1x16xf32>,
        %swap3A_1942 = vector.shape_cast %swap3A_1941 : vector<1x16xf32> to vector<16xf32>
        %swap3A_1943 = vector.shape_cast %mul3A_1934 : vector<16xf32> to vector<1x16xf32>
        tpu.vector_store %swap3A_1938[%swap3A_1939, %swap3A_1940], %swap3A_1943 {strides = array<i32>} : memref<32x128xf32, #tpu.memory_space<vmem>>, vector<1x16xf32>,
      }
      %scan3A_1717 = arith.constant 32 : i32
      %jit3A_1718 = arith.constant 4 : i32
      %div3A_1719 = arith.divsi %add3A_1648, %jit3A_1718 : i32
      %sign3A_1720 = arith.constant 0 : i32
      %sign3A_1721 = arith.cmpi sgt, %add3A_1648, %sign3A_1720 : i32
      %sign3A_1722 = arith.extui %sign3A_1721 : i1 to i32
      %sign3A_1723 = arith.constant 0 : i32
      %sign3A_1724 = arith.cmpi slt, %add3A_1648, %sign3A_1723 : i32
      %sign3A_1725 = arith.extui %sign3A_1724 : i1 to i32
      %sign3A_1726 = arith.subi %sign3A_1722, %sign3A_1725 : i32
      %sign3A_1727 = arith.constant 0 : i32
      %sign3A_1728 = arith.cmpi sgt, %jit3A_1718, %sign3A_1727 : i32
      %sign3A_1729 = arith.extui %sign3A_1728 : i1 to i32
      %sign3A_1730 = arith.constant 0 : i32
      %sign3A_1731 = arith.cmpi slt, %jit3A_1718, %sign3A_1730 : i32
      %sign3A_1732 = arith.extui %sign3A_1731 : i1 to i32
      %sign3A_1733 = arith.subi %sign3A_1729, %sign3A_1732 : i32
      %ne3A_1734 = arith.cmpi ne, %sign3A_1726, %sign3A_1733 : i32
      %rem3A_1735 = arith.remsi %add3A_1648, %jit3A_1718 : i32
      %ne3A_1736 = arith.constant 0 : i32
      %ne3A_1737 = arith.cmpi ne, %rem3A_1735, %ne3A_1736 : i32
      %and3A_1738 = arith.andi %ne3A_1734, %ne3A_1737 : i1
      %sub3A_1739 = arith.constant 1 : i32
      %sub3A_1740 = arith.subi %div3A_1719, %sub3A_1739 : i32
      %select_n3A_1741 = arith.select %and3A_1738, %sub3A_1740, %div3A_1719 : i32
      %jit3A_1742 = arith.constant 4 : i32
      %eq3A_1743 = arith.constant 0 : i32
      %eq3A_1744 = arith.cmpi eq, %jit3A_1742, %eq3A_1743 : i32
      %jit3A_1745 = arith.constant 1 : i32
      %select_n3A_1746 = arith.select %eq3A_1744, %jit3A_1745, %jit3A_1742 : i32
      %rem3A_1747 = arith.remsi %add3A_1648, %select_n3A_1746 : i32
      %ne3A_1748 = arith.constant 0 : i32
      %ne3A_1749 = arith.cmpi ne, %rem3A_1747, %ne3A_1748 : i32
      %lt3A_1750 = arith.constant 0 : i32
      %lt3A_1751 = arith.cmpi slt, %rem3A_1747, %lt3A_1750 : i32
      %lt3A_1752 = arith.constant 0 : i32
      %lt3A_1753 = arith.cmpi slt, %select_n3A_1746, %lt3A_1752 : i32
      %ne3A_1754 = arith.xori %lt3A_1751, %lt3A_1753 : i1
      %and3A_1755 = arith.andi %ne3A_1754, %ne3A_1749 : i1
      %add3A_1756 = arith.addi %rem3A_1747, %select_n3A_1746 : i32
      %select_n3A_1757 = arith.select %and3A_1755, %add3A_1756, %rem3A_1747 : i32
      %mul3A_1758 = arith.constant 32 : i32
      %mul3A_1759 = arith.muli %select_n3A_1757, %mul3A_1758 : i32
      %add3A_1760 = arith.addi %mul3A_2, %mul3A_1759 : i32
      %dma_start3A_1761 = arith.constant 9 : i32
      %dma_start3A_1762 = arith.constant 9 : i32
      %dma_start3A_1763 = arith.constant 0 : i32
      %dma_start3A_1764 = arith.constant 0 : i32
      %dma_start3A_1765 = tpu.memref_slice %arg6[%dma_start3A_1761, %dma_start3A_1763, %dma_start3A_1764] : memref<10x32x128xf32, #tpu.memory_space<vmem>> -> memref<1x32x128xf32, #tpu.memory_space<vmem>>
      %dma_start3A_1766 = tpu.memref_squeeze %dma_start3A_1765 : memref<1x32x128xf32, #tpu.memory_space<vmem>> -> memref<32x128xf32, #tpu.memory_space<vmem>>
      %dma_start3A_1767 = arith.constant 0 : i32
      %dma_start3A_1768 = arith.constant 0 : i32
      %dma_start3A_1769 = tpu.memref_slice %arg4[%select_n3A_1741, %dma_start3A_1767, %dma_start3A_1768] : memref<50x4096x128xf32, #tpu.memory_space<hbm>> -> memref<1x4096x128xf32, #tpu.memory_space<hbm>>
      %dma_start3A_1770 = tpu.memref_squeeze %dma_start3A_1769 : memref<1x4096x128xf32, #tpu.memory_space<hbm>> -> memref<4096x128xf32, #tpu.memory_space<hbm>>
      %dma_start3A_1771 = arith.constant 0 : i32
      %dma_start3A_1772 = tpu.memref_slice %dma_start3A_1770[%add3A_1760, %dma_start3A_1771] : memref<4096x128xf32, #tpu.memory_space<hbm>> -> memref<32x128xf32, #tpu.memory_space<hbm>>
      %dma_start3A_1773 = tpu.memref_slice %arg8[%dma_start3A_1762] : memref<10x!tpu.dma_semaphore, #tpu.memory_space<semaphore_mem>> -> memref<1x!tpu.dma_semaphore, #tpu.memory_space<semaphore_mem>>
      %dma_start3A_1774 = tpu.memref_squeeze %dma_start3A_1773 : memref<1x!tpu.dma_semaphore, #tpu.memory_space<semaphore_mem>> -> memref<!tpu.dma_semaphore, #tpu.memory_space<semaphore_mem>>
      %dma_start3A_1775 = arith.constant 0 : i32
      %dma_start3A_1776 = arith.constant 0 : i32
      %dma_start3A_1777 = tpu.memref_slice %arg4[%select_n3A_1741, %dma_start3A_1775, %dma_start3A_1776] : memref<50x4096x128xf32, #tpu.memory_space<hbm>> -> memref<1x4096x128xf32, #tpu.memory_space<hbm>>
      %dma_start3A_1778 = tpu.memref_squeeze %dma_start3A_1777 : memref<1x4096x128xf32, #tpu.memory_space<hbm>> -> memref<4096x128xf32, #tpu.memory_space<hbm>>
      %dma_start3A_1779 = arith.constant 0 : i32
      %dma_start3A_1780 = tpu.memref_slice %dma_start3A_1778[%add3A_1760, %dma_start3A_1779] : memref<4096x128xf32, #tpu.memory_space<hbm>> -> memref<32x128xf32, #tpu.memory_space<hbm>>
      %dma_start3A_1781 = arith.constant 0 : i32
      %dma_start3A_1782 = arith.constant 0 : i32
      %dma_start3A_1783 = tpu.memref_slice %arg6[%dma_start3A_1761, %dma_start3A_1781, %dma_start3A_1782] : memref<10x32x128xf32, #tpu.memory_space<vmem>> -> memref<1x32x128xf32, #tpu.memory_space<vmem>>
      %dma_start3A_1784 = tpu.memref_squeeze %dma_start3A_1783 : memref<1x32x128xf32, #tpu.memory_space<vmem>> -> memref<32x128xf32, #tpu.memory_space<vmem>>
      tpu.enqueue_dma source(%dma_start3A_1784 : memref<32x128xf32, #tpu.memory_space<vmem>>) target(%dma_start3A_1780 : memref<32x128xf32, #tpu.memory_space<hbm>>) target_semaphore(%dma_start3A_1774 : memref<!tpu.dma_semaphore, #tpu.memory_space<semaphore_mem>>)
    }
    %scan3A_126 = arith.constant 20 : i32
    %add3A_127 = arith.constant 64 : i32
    %add3A_128 = arith.addi %mul3A_2, %add3A_127 : i32
    %dma_wait3A = arith.constant 0 : i32
    %dma_wait3A_129 = arith.constant 47 : i32
    %dma_wait3A_130 = arith.constant 0 : i32
    %dma_wait3A_131 = arith.constant 0 : i32
    %dma_wait3A_132 = arith.constant 0 : i32
    %dma_wait3A_133 = tpu.memref_slice %arg6[%dma_wait3A, %dma_wait3A_131, %dma_wait3A_132] : memref<10x32x128xf32, #tpu.memory_space<vmem>> -> memref<1x32x128xf32, #tpu.memory_space<vmem>>
    %dma_wait3A_134 = tpu.memref_squeeze %dma_wait3A_133 : memref<1x32x128xf32, #tpu.memory_space<vmem>> -> memref<32x128xf32, #tpu.memory_space<vmem>>
    %dma_wait3A_135 = arith.constant 0 : i32
    %dma_wait3A_136 = arith.constant 0 : i32
    %dma_wait3A_137 = tpu.memref_slice %arg4[%dma_wait3A_129, %dma_wait3A_135, %dma_wait3A_136] : memref<50x4096x128xf32, #tpu.memory_space<hbm>> -> memref<1x4096x128xf32, #tpu.memory_space<hbm>>
    %dma_wait3A_138 = tpu.memref_squeeze %dma_wait3A_137 : memref<1x4096x128xf32, #tpu.memory_space<hbm>> -> memref<4096x128xf32, #tpu.memory_space<hbm>>
    %dma_wait3A_139 = arith.constant 0 : i32
    %dma_wait3A_140 = tpu.memref_slice %dma_wait3A_138[%add3A_128, %dma_wait3A_139] : memref<4096x128xf32, #tpu.memory_space<hbm>> -> memref<32x128xf32, #tpu.memory_space<hbm>>
    %dma_wait3A_141 = tpu.memref_slice %arg8[%dma_wait3A_130] : memref<10x!tpu.dma_semaphore, #tpu.memory_space<semaphore_mem>> -> memref<1x!tpu.dma_semaphore, #tpu.memory_space<semaphore_mem>>
    %dma_wait3A_142 = tpu.memref_squeeze %dma_wait3A_141 : memref<1x!tpu.dma_semaphore, #tpu.memory_space<semaphore_mem>> -> memref<!tpu.dma_semaphore, #tpu.memory_space<semaphore_mem>>
    %dma_wait3A_143 = arith.constant 0 : i32
    %dma_wait3A_144 = arith.constant 0 : i32
    %dma_wait3A_145 = tpu.memref_slice %arg4[%dma_wait3A_129, %dma_wait3A_143, %dma_wait3A_144] : memref<50x4096x128xf32, #tpu.memory_space<hbm>> -> memref<1x4096x128xf32, #tpu.memory_space<hbm>>
    %dma_wait3A_146 = tpu.memref_squeeze %dma_wait3A_145 : memref<1x4096x128xf32, #tpu.memory_space<hbm>> -> memref<4096x128xf32, #tpu.memory_space<hbm>>
    %dma_wait3A_147 = arith.constant 0 : i32
    %dma_wait3A_148 = tpu.memref_slice %dma_wait3A_146[%add3A_128, %dma_wait3A_147] : memref<4096x128xf32, #tpu.memory_space<hbm>> -> memref<32x128xf32, #tpu.memory_space<hbm>>
    %dma_wait3A_149 = arith.constant 0 : i32
    %dma_wait3A_150 = arith.constant 0 : i32
    %dma_wait3A_151 = tpu.memref_slice %arg6[%dma_wait3A, %dma_wait3A_149, %dma_wait3A_150] : memref<10x32x128xf32, #tpu.memory_space<vmem>> -> memref<1x32x128xf32, #tpu.memory_space<vmem>>
    %dma_wait3A_152 = tpu.memref_squeeze %dma_wait3A_151 : memref<1x32x128xf32, #tpu.memory_space<vmem>> -> memref<32x128xf32, #tpu.memory_space<vmem>>
    tpu.wait_dma2 semaphore(%dma_wait3A_142 : memref<!tpu.dma_semaphore, #tpu.memory_space<semaphore_mem>>) src(%dma_wait3A_152 : memref<32x128xf32, #tpu.memory_space<vmem>>) dst(%dma_wait3A_148 : memref<32x128xf32, #tpu.memory_space<hbm>>)
    %add3A_153 = arith.constant 96 : i32
    %add3A_154 = arith.addi %mul3A_2, %add3A_153 : i32
    %dma_wait3A_155 = arith.constant 1 : i32
    %dma_wait3A_156 = arith.constant 47 : i32
    %dma_wait3A_157 = arith.constant 1 : i32
    %dma_wait3A_158 = arith.constant 0 : i32
    %dma_wait3A_159 = arith.constant 0 : i32
    %dma_wait3A_160 = tpu.memref_slice %arg6[%dma_wait3A_155, %dma_wait3A_158, %dma_wait3A_159] : memref<10x32x128xf32, #tpu.memory_space<vmem>> -> memref<1x32x128xf32, #tpu.memory_space<vmem>>
    %dma_wait3A_161 = tpu.memref_squeeze %dma_wait3A_160 : memref<1x32x128xf32, #tpu.memory_space<vmem>> -> memref<32x128xf32, #tpu.memory_space<vmem>>
    %dma_wait3A_162 = arith.constant 0 : i32
    %dma_wait3A_163 = arith.constant 0 : i32
    %dma_wait3A_164 = tpu.memref_slice %arg4[%dma_wait3A_156, %dma_wait3A_162, %dma_wait3A_163] : memref<50x4096x128xf32, #tpu.memory_space<hbm>> -> memref<1x4096x128xf32, #tpu.memory_space<hbm>>
    %dma_wait3A_165 = tpu.memref_squeeze %dma_wait3A_164 : memref<1x4096x128xf32, #tpu.memory_space<hbm>> -> memref<4096x128xf32, #tpu.memory_space<hbm>>
    %dma_wait3A_166 = arith.constant 0 : i32
    %dma_wait3A_167 = tpu.memref_slice %dma_wait3A_165[%add3A_154, %dma_wait3A_166] : memref<4096x128xf32, #tpu.memory_space<hbm>> -> memref<32x128xf32, #tpu.memory_space<hbm>>
    %dma_wait3A_168 = tpu.memref_slice %arg8[%dma_wait3A_157] : memref<10x!tpu.dma_semaphore, #tpu.memory_space<semaphore_mem>> -> memref<1x!tpu.dma_semaphore, #tpu.memory_space<semaphore_mem>>
    %dma_wait3A_169 = tpu.memref_squeeze %dma_wait3A_168 : memref<1x!tpu.dma_semaphore, #tpu.memory_space<semaphore_mem>> -> memref<!tpu.dma_semaphore, #tpu.memory_space<semaphore_mem>>
    %dma_wait3A_170 = arith.constant 0 : i32
    %dma_wait3A_171 = arith.constant 0 : i32
    %dma_wait3A_172 = tpu.memref_slice %arg4[%dma_wait3A_156, %dma_wait3A_170, %dma_wait3A_171] : memref<50x4096x128xf32, #tpu.memory_space<hbm>> -> memref<1x4096x128xf32, #tpu.memory_space<hbm>>
    %dma_wait3A_173 = tpu.memref_squeeze %dma_wait3A_172 : memref<1x4096x128xf32, #tpu.memory_space<hbm>> -> memref<4096x128xf32, #tpu.memory_space<hbm>>
    %dma_wait3A_174 = arith.constant 0 : i32
    %dma_wait3A_175 = tpu.memref_slice %dma_wait3A_173[%add3A_154, %dma_wait3A_174] : memref<4096x128xf32, #tpu.memory_space<hbm>> -> memref<32x128xf32, #tpu.memory_space<hbm>>
    %dma_wait3A_176 = arith.constant 0 : i32
    %dma_wait3A_177 = arith.constant 0 : i32
    %dma_wait3A_178 = tpu.memref_slice %arg6[%dma_wait3A_155, %dma_wait3A_176, %dma_wait3A_177] : memref<10x32x128xf32, #tpu.memory_space<vmem>> -> memref<1x32x128xf32, #tpu.memory_space<vmem>>
    %dma_wait3A_179 = tpu.memref_squeeze %dma_wait3A_178 : memref<1x32x128xf32, #tpu.memory_space<vmem>> -> memref<32x128xf32, #tpu.memory_space<vmem>>
    tpu.wait_dma2 semaphore(%dma_wait3A_169 : memref<!tpu.dma_semaphore, #tpu.memory_space<semaphore_mem>>) src(%dma_wait3A_179 : memref<32x128xf32, #tpu.memory_space<vmem>>) dst(%dma_wait3A_175 : memref<32x128xf32, #tpu.memory_space<hbm>>)
    %add3A_180 = arith.constant 0 : i32
    %add3A_181 = arith.addi %mul3A_2, %add3A_180 : i32
    %dma_wait3A_182 = arith.constant 2 : i32
    %dma_wait3A_183 = arith.constant 48 : i32
    %dma_wait3A_184 = arith.constant 2 : i32
    %dma_wait3A_185 = arith.constant 0 : i32
    %dma_wait3A_186 = arith.constant 0 : i32
    %dma_wait3A_187 = tpu.memref_slice %arg6[%dma_wait3A_182, %dma_wait3A_185, %dma_wait3A_186] : memref<10x32x128xf32, #tpu.memory_space<vmem>> -> memref<1x32x128xf32, #tpu.memory_space<vmem>>
    %dma_wait3A_188 = tpu.memref_squeeze %dma_wait3A_187 : memref<1x32x128xf32, #tpu.memory_space<vmem>> -> memref<32x128xf32, #tpu.memory_space<vmem>>
    %dma_wait3A_189 = arith.constant 0 : i32
    %dma_wait3A_190 = arith.constant 0 : i32
    %dma_wait3A_191 = tpu.memref_slice %arg4[%dma_wait3A_183, %dma_wait3A_189, %dma_wait3A_190] : memref<50x4096x128xf32, #tpu.memory_space<hbm>> -> memref<1x4096x128xf32, #tpu.memory_space<hbm>>
    %dma_wait3A_192 = tpu.memref_squeeze %dma_wait3A_191 : memref<1x4096x128xf32, #tpu.memory_space<hbm>> -> memref<4096x128xf32, #tpu.memory_space<hbm>>
    %dma_wait3A_193 = arith.constant 0 : i32
    %dma_wait3A_194 = tpu.memref_slice %dma_wait3A_192[%add3A_181, %dma_wait3A_193] : memref<4096x128xf32, #tpu.memory_space<hbm>> -> memref<32x128xf32, #tpu.memory_space<hbm>>
    %dma_wait3A_195 = tpu.memref_slice %arg8[%dma_wait3A_184] : memref<10x!tpu.dma_semaphore, #tpu.memory_space<semaphore_mem>> -> memref<1x!tpu.dma_semaphore, #tpu.memory_space<semaphore_mem>>
    %dma_wait3A_196 = tpu.memref_squeeze %dma_wait3A_195 : memref<1x!tpu.dma_semaphore, #tpu.memory_space<semaphore_mem>> -> memref<!tpu.dma_semaphore, #tpu.memory_space<semaphore_mem>>
    %dma_wait3A_197 = arith.constant 0 : i32
    %dma_wait3A_198 = arith.constant 0 : i32
    %dma_wait3A_199 = tpu.memref_slice %arg4[%dma_wait3A_183, %dma_wait3A_197, %dma_wait3A_198] : memref<50x4096x128xf32, #tpu.memory_space<hbm>> -> memref<1x4096x128xf32, #tpu.memory_space<hbm>>
    %dma_wait3A_200 = tpu.memref_squeeze %dma_wait3A_199 : memref<1x4096x128xf32, #tpu.memory_space<hbm>> -> memref<4096x128xf32, #tpu.memory_space<hbm>>
    %dma_wait3A_201 = arith.constant 0 : i32
    %dma_wait3A_202 = tpu.memref_slice %dma_wait3A_200[%add3A_181, %dma_wait3A_201] : memref<4096x128xf32, #tpu.memory_space<hbm>> -> memref<32x128xf32, #tpu.memory_space<hbm>>
    %dma_wait3A_203 = arith.constant 0 : i32
    %dma_wait3A_204 = arith.constant 0 : i32
    %dma_wait3A_205 = tpu.memref_slice %arg6[%dma_wait3A_182, %dma_wait3A_203, %dma_wait3A_204] : memref<10x32x128xf32, #tpu.memory_space<vmem>> -> memref<1x32x128xf32, #tpu.memory_space<vmem>>
    %dma_wait3A_206 = tpu.memref_squeeze %dma_wait3A_205 : memref<1x32x128xf32, #tpu.memory_space<vmem>> -> memref<32x128xf32, #tpu.memory_space<vmem>>
    tpu.wait_dma2 semaphore(%dma_wait3A_196 : memref<!tpu.dma_semaphore, #tpu.memory_space<semaphore_mem>>) src(%dma_wait3A_206 : memref<32x128xf32, #tpu.memory_space<vmem>>) dst(%dma_wait3A_202 : memref<32x128xf32, #tpu.memory_space<hbm>>)
    %add3A_207 = arith.constant 32 : i32
    %add3A_208 = arith.addi %mul3A_2, %add3A_207 : i32
    %dma_wait3A_209 = arith.constant 3 : i32
    %dma_wait3A_210 = arith.constant 48 : i32
    %dma_wait3A_211 = arith.constant 3 : i32
    %dma_wait3A_212 = arith.constant 0 : i32
    %dma_wait3A_213 = arith.constant 0 : i32
    %dma_wait3A_214 = tpu.memref_slice %arg6[%dma_wait3A_209, %dma_wait3A_212, %dma_wait3A_213] : memref<10x32x128xf32, #tpu.memory_space<vmem>> -> memref<1x32x128xf32, #tpu.memory_space<vmem>>
    %dma_wait3A_215 = tpu.memref_squeeze %dma_wait3A_214 : memref<1x32x128xf32, #tpu.memory_space<vmem>> -> memref<32x128xf32, #tpu.memory_space<vmem>>
    %dma_wait3A_216 = arith.constant 0 : i32
    %dma_wait3A_217 = arith.constant 0 : i32
    %dma_wait3A_218 = tpu.memref_slice %arg4[%dma_wait3A_210, %dma_wait3A_216, %dma_wait3A_217] : memref<50x4096x128xf32, #tpu.memory_space<hbm>> -> memref<1x4096x128xf32, #tpu.memory_space<hbm>>
    %dma_wait3A_219 = tpu.memref_squeeze %dma_wait3A_218 : memref<1x4096x128xf32, #tpu.memory_space<hbm>> -> memref<4096x128xf32, #tpu.memory_space<hbm>>
    %dma_wait3A_220 = arith.constant 0 : i32
    %dma_wait3A_221 = tpu.memref_slice %dma_wait3A_219[%add3A_208, %dma_wait3A_220] : memref<4096x128xf32, #tpu.memory_space<hbm>> -> memref<32x128xf32, #tpu.memory_space<hbm>>
    %dma_wait3A_222 = tpu.memref_slice %arg8[%dma_wait3A_211] : memref<10x!tpu.dma_semaphore, #tpu.memory_space<semaphore_mem>> -> memref<1x!tpu.dma_semaphore, #tpu.memory_space<semaphore_mem>>
    %dma_wait3A_223 = tpu.memref_squeeze %dma_wait3A_222 : memref<1x!tpu.dma_semaphore, #tpu.memory_space<semaphore_mem>> -> memref<!tpu.dma_semaphore, #tpu.memory_space<semaphore_mem>>
    %dma_wait3A_224 = arith.constant 0 : i32
    %dma_wait3A_225 = arith.constant 0 : i32
    %dma_wait3A_226 = tpu.memref_slice %arg4[%dma_wait3A_210, %dma_wait3A_224, %dma_wait3A_225] : memref<50x4096x128xf32, #tpu.memory_space<hbm>> -> memref<1x4096x128xf32, #tpu.memory_space<hbm>>
    %dma_wait3A_227 = tpu.memref_squeeze %dma_wait3A_226 : memref<1x4096x128xf32, #tpu.memory_space<hbm>> -> memref<4096x128xf32, #tpu.memory_space<hbm>>
    %dma_wait3A_228 = arith.constant 0 : i32
    %dma_wait3A_229 = tpu.memref_slice %dma_wait3A_227[%add3A_208, %dma_wait3A_228] : memref<4096x128xf32, #tpu.memory_space<hbm>> -> memref<32x128xf32, #tpu.memory_space<hbm>>
    %dma_wait3A_230 = arith.constant 0 : i32
    %dma_wait3A_231 = arith.constant 0 : i32
    %dma_wait3A_232 = tpu.memref_slice %arg6[%dma_wait3A_209, %dma_wait3A_230, %dma_wait3A_231] : memref<10x32x128xf32, #tpu.memory_space<vmem>> -> memref<1x32x128xf32, #tpu.memory_space<vmem>>
    %dma_wait3A_233 = tpu.memref_squeeze %dma_wait3A_232 : memref<1x32x128xf32, #tpu.memory_space<vmem>> -> memref<32x128xf32, #tpu.memory_space<vmem>>
    tpu.wait_dma2 semaphore(%dma_wait3A_223 : memref<!tpu.dma_semaphore, #tpu.memory_space<semaphore_mem>>) src(%dma_wait3A_233 : memref<32x128xf32, #tpu.memory_space<vmem>>) dst(%dma_wait3A_229 : memref<32x128xf32, #tpu.memory_space<hbm>>)
    %add3A_234 = arith.constant 64 : i32
    %add3A_235 = arith.addi %mul3A_2, %add3A_234 : i32
    %dma_wait3A_236 = arith.constant 4 : i32
    %dma_wait3A_237 = arith.constant 48 : i32
    %dma_wait3A_238 = arith.constant 4 : i32
    %dma_wait3A_239 = arith.constant 0 : i32
    %dma_wait3A_240 = arith.constant 0 : i32
    %dma_wait3A_241 = tpu.memref_slice %arg6[%dma_wait3A_236, %dma_wait3A_239, %dma_wait3A_240] : memref<10x32x128xf32, #tpu.memory_space<vmem>> -> memref<1x32x128xf32, #tpu.memory_space<vmem>>
    %dma_wait3A_242 = tpu.memref_squeeze %dma_wait3A_241 : memref<1x32x128xf32, #tpu.memory_space<vmem>> -> memref<32x128xf32, #tpu.memory_space<vmem>>
    %dma_wait3A_243 = arith.constant 0 : i32
    %dma_wait3A_244 = arith.constant 0 : i32
    %dma_wait3A_245 = tpu.memref_slice %arg4[%dma_wait3A_237, %dma_wait3A_243, %dma_wait3A_244] : memref<50x4096x128xf32, #tpu.memory_space<hbm>> -> memref<1x4096x128xf32, #tpu.memory_space<hbm>>
    %dma_wait3A_246 = tpu.memref_squeeze %dma_wait3A_245 : memref<1x4096x128xf32, #tpu.memory_space<hbm>> -> memref<4096x128xf32, #tpu.memory_space<hbm>>
    %dma_wait3A_247 = arith.constant 0 : i32
    %dma_wait3A_248 = tpu.memref_slice %dma_wait3A_246[%add3A_235, %dma_wait3A_247] : memref<4096x128xf32, #tpu.memory_space<hbm>> -> memref<32x128xf32, #tpu.memory_space<hbm>>
    %dma_wait3A_249 = tpu.memref_slice %arg8[%dma_wait3A_238] : memref<10x!tpu.dma_semaphore, #tpu.memory_space<semaphore_mem>> -> memref<1x!tpu.dma_semaphore, #tpu.memory_space<semaphore_mem>>
    %dma_wait3A_250 = tpu.memref_squeeze %dma_wait3A_249 : memref<1x!tpu.dma_semaphore, #tpu.memory_space<semaphore_mem>> -> memref<!tpu.dma_semaphore, #tpu.memory_space<semaphore_mem>>
    %dma_wait3A_251 = arith.constant 0 : i32
    %dma_wait3A_252 = arith.constant 0 : i32
    %dma_wait3A_253 = tpu.memref_slice %arg4[%dma_wait3A_237, %dma_wait3A_251, %dma_wait3A_252] : memref<50x4096x128xf32, #tpu.memory_space<hbm>> -> memref<1x4096x128xf32, #tpu.memory_space<hbm>>
    %dma_wait3A_254 = tpu.memref_squeeze %dma_wait3A_253 : memref<1x4096x128xf32, #tpu.memory_space<hbm>> -> memref<4096x128xf32, #tpu.memory_space<hbm>>
    %dma_wait3A_255 = arith.constant 0 : i32
    %dma_wait3A_256 = tpu.memref_slice %dma_wait3A_254[%add3A_235, %dma_wait3A_255] : memref<4096x128xf32, #tpu.memory_space<hbm>> -> memref<32x128xf32, #tpu.memory_space<hbm>>
    %dma_wait3A_257 = arith.constant 0 : i32
    %dma_wait3A_258 = arith.constant 0 : i32
    %dma_wait3A_259 = tpu.memref_slice %arg6[%dma_wait3A_236, %dma_wait3A_257, %dma_wait3A_258] : memref<10x32x128xf32, #tpu.memory_space<vmem>> -> memref<1x32x128xf32, #tpu.memory_space<vmem>>
    %dma_wait3A_260 = tpu.memref_squeeze %dma_wait3A_259 : memref<1x32x128xf32, #tpu.memory_space<vmem>> -> memref<32x128xf32, #tpu.memory_space<vmem>>
    tpu.wait_dma2 semaphore(%dma_wait3A_250 : memref<!tpu.dma_semaphore, #tpu.memory_space<semaphore_mem>>) src(%dma_wait3A_260 : memref<32x128xf32, #tpu.memory_space<vmem>>) dst(%dma_wait3A_256 : memref<32x128xf32, #tpu.memory_space<hbm>>)
    %add3A_261 = arith.constant 96 : i32
    %add3A_262 = arith.addi %mul3A_2, %add3A_261 : i32
    %dma_wait3A_263 = arith.constant 5 : i32
    %dma_wait3A_264 = arith.constant 48 : i32
    %dma_wait3A_265 = arith.constant 5 : i32
    %dma_wait3A_266 = arith.constant 0 : i32
    %dma_wait3A_267 = arith.constant 0 : i32
    %dma_wait3A_268 = tpu.memref_slice %arg6[%dma_wait3A_263, %dma_wait3A_266, %dma_wait3A_267] : memref<10x32x128xf32, #tpu.memory_space<vmem>> -> memref<1x32x128xf32, #tpu.memory_space<vmem>>
    %dma_wait3A_269 = tpu.memref_squeeze %dma_wait3A_268 : memref<1x32x128xf32, #tpu.memory_space<vmem>> -> memref<32x128xf32, #tpu.memory_space<vmem>>
    %dma_wait3A_270 = arith.constant 0 : i32
    %dma_wait3A_271 = arith.constant 0 : i32
    %dma_wait3A_272 = tpu.memref_slice %arg4[%dma_wait3A_264, %dma_wait3A_270, %dma_wait3A_271] : memref<50x4096x128xf32, #tpu.memory_space<hbm>> -> memref<1x4096x128xf32, #tpu.memory_space<hbm>>
    %dma_wait3A_273 = tpu.memref_squeeze %dma_wait3A_272 : memref<1x4096x128xf32, #tpu.memory_space<hbm>> -> memref<4096x128xf32, #tpu.memory_space<hbm>>
    %dma_wait3A_274 = arith.constant 0 : i32
    %dma_wait3A_275 = tpu.memref_slice %dma_wait3A_273[%add3A_262, %dma_wait3A_274] : memref<4096x128xf32, #tpu.memory_space<hbm>> -> memref<32x128xf32, #tpu.memory_space<hbm>>
    %dma_wait3A_276 = tpu.memref_slice %arg8[%dma_wait3A_265] : memref<10x!tpu.dma_semaphore, #tpu.memory_space<semaphore_mem>> -> memref<1x!tpu.dma_semaphore, #tpu.memory_space<semaphore_mem>>
    %dma_wait3A_277 = tpu.memref_squeeze %dma_wait3A_276 : memref<1x!tpu.dma_semaphore, #tpu.memory_space<semaphore_mem>> -> memref<!tpu.dma_semaphore, #tpu.memory_space<semaphore_mem>>
    %dma_wait3A_278 = arith.constant 0 : i32
    %dma_wait3A_279 = arith.constant 0 : i32
    %dma_wait3A_280 = tpu.memref_slice %arg4[%dma_wait3A_264, %dma_wait3A_278, %dma_wait3A_279] : memref<50x4096x128xf32, #tpu.memory_space<hbm>> -> memref<1x4096x128xf32, #tpu.memory_space<hbm>>
    %dma_wait3A_281 = tpu.memref_squeeze %dma_wait3A_280 : memref<1x4096x128xf32, #tpu.memory_space<hbm>> -> memref<4096x128xf32, #tpu.memory_space<hbm>>
    %dma_wait3A_282 = arith.constant 0 : i32
    %dma_wait3A_283 = tpu.memref_slice %dma_wait3A_281[%add3A_262, %dma_wait3A_282] : memref<4096x128xf32, #tpu.memory_space<hbm>> -> memref<32x128xf32, #tpu.memory_space<hbm>>
    %dma_wait3A_284 = arith.constant 0 : i32
    %dma_wait3A_285 = arith.constant 0 : i32
    %dma_wait3A_286 = tpu.memref_slice %arg6[%dma_wait3A_263, %dma_wait3A_284, %dma_wait3A_285] : memref<10x32x128xf32, #tpu.memory_space<vmem>> -> memref<1x32x128xf32, #tpu.memory_space<vmem>>
    %dma_wait3A_287 = tpu.memref_squeeze %dma_wait3A_286 : memref<1x32x128xf32, #tpu.memory_space<vmem>> -> memref<32x128xf32, #tpu.memory_space<vmem>>
    tpu.wait_dma2 semaphore(%dma_wait3A_277 : memref<!tpu.dma_semaphore, #tpu.memory_space<semaphore_mem>>) src(%dma_wait3A_287 : memref<32x128xf32, #tpu.memory_space<vmem>>) dst(%dma_wait3A_283 : memref<32x128xf32, #tpu.memory_space<hbm>>)
    %add3A_288 = arith.constant 0 : i32
    %add3A_289 = arith.addi %mul3A_2, %add3A_288 : i32
    %dma_wait3A_290 = arith.constant 6 : i32
    %dma_wait3A_291 = arith.constant 49 : i32
    %dma_wait3A_292 = arith.constant 6 : i32
    %dma_wait3A_293 = arith.constant 0 : i32
    %dma_wait3A_294 = arith.constant 0 : i32
    %dma_wait3A_295 = tpu.memref_slice %arg6[%dma_wait3A_290, %dma_wait3A_293, %dma_wait3A_294] : memref<10x32x128xf32, #tpu.memory_space<vmem>> -> memref<1x32x128xf32, #tpu.memory_space<vmem>>
    %dma_wait3A_296 = tpu.memref_squeeze %dma_wait3A_295 : memref<1x32x128xf32, #tpu.memory_space<vmem>> -> memref<32x128xf32, #tpu.memory_space<vmem>>
    %dma_wait3A_297 = arith.constant 0 : i32
    %dma_wait3A_298 = arith.constant 0 : i32
    %dma_wait3A_299 = tpu.memref_slice %arg4[%dma_wait3A_291, %dma_wait3A_297, %dma_wait3A_298] : memref<50x4096x128xf32, #tpu.memory_space<hbm>> -> memref<1x4096x128xf32, #tpu.memory_space<hbm>>
    %dma_wait3A_300 = tpu.memref_squeeze %dma_wait3A_299 : memref<1x4096x128xf32, #tpu.memory_space<hbm>> -> memref<4096x128xf32, #tpu.memory_space<hbm>>
    %dma_wait3A_301 = arith.constant 0 : i32
    %dma_wait3A_302 = tpu.memref_slice %dma_wait3A_300[%add3A_289, %dma_wait3A_301] : memref<4096x128xf32, #tpu.memory_space<hbm>> -> memref<32x128xf32, #tpu.memory_space<hbm>>
    %dma_wait3A_303 = tpu.memref_slice %arg8[%dma_wait3A_292] : memref<10x!tpu.dma_semaphore, #tpu.memory_space<semaphore_mem>> -> memref<1x!tpu.dma_semaphore, #tpu.memory_space<semaphore_mem>>
    %dma_wait3A_304 = tpu.memref_squeeze %dma_wait3A_303 : memref<1x!tpu.dma_semaphore, #tpu.memory_space<semaphore_mem>> -> memref<!tpu.dma_semaphore, #tpu.memory_space<semaphore_mem>>
    %dma_wait3A_305 = arith.constant 0 : i32
    %dma_wait3A_306 = arith.constant 0 : i32
    %dma_wait3A_307 = tpu.memref_slice %arg4[%dma_wait3A_291, %dma_wait3A_305, %dma_wait3A_306] : memref<50x4096x128xf32, #tpu.memory_space<hbm>> -> memref<1x4096x128xf32, #tpu.memory_space<hbm>>
    %dma_wait3A_308 = tpu.memref_squeeze %dma_wait3A_307 : memref<1x4096x128xf32, #tpu.memory_space<hbm>> -> memref<4096x128xf32, #tpu.memory_space<hbm>>
    %dma_wait3A_309 = arith.constant 0 : i32
    %dma_wait3A_310 = tpu.memref_slice %dma_wait3A_308[%add3A_289, %dma_wait3A_309] : memref<4096x128xf32, #tpu.memory_space<hbm>> -> memref<32x128xf32, #tpu.memory_space<hbm>>
    %dma_wait3A_311 = arith.constant 0 : i32
    %dma_wait3A_312 = arith.constant 0 : i32
    %dma_wait3A_313 = tpu.memref_slice %arg6[%dma_wait3A_290, %dma_wait3A_311, %dma_wait3A_312] : memref<10x32x128xf32, #tpu.memory_space<vmem>> -> memref<1x32x128xf32, #tpu.memory_space<vmem>>
    %dma_wait3A_314 = tpu.memref_squeeze %dma_wait3A_313 : memref<1x32x128xf32, #tpu.memory_space<vmem>> -> memref<32x128xf32, #tpu.memory_space<vmem>>
    tpu.wait_dma2 semaphore(%dma_wait3A_304 : memref<!tpu.dma_semaphore, #tpu.memory_space<semaphore_mem>>) src(%dma_wait3A_314 : memref<32x128xf32, #tpu.memory_space<vmem>>) dst(%dma_wait3A_310 : memref<32x128xf32, #tpu.memory_space<hbm>>)
    %add3A_315 = arith.constant 32 : i32
    %add3A_316 = arith.addi %mul3A_2, %add3A_315 : i32
    %dma_wait3A_317 = arith.constant 7 : i32
    %dma_wait3A_318 = arith.constant 49 : i32
    %dma_wait3A_319 = arith.constant 7 : i32
    %dma_wait3A_320 = arith.constant 0 : i32
    %dma_wait3A_321 = arith.constant 0 : i32
    %dma_wait3A_322 = tpu.memref_slice %arg6[%dma_wait3A_317, %dma_wait3A_320, %dma_wait3A_321] : memref<10x32x128xf32, #tpu.memory_space<vmem>> -> memref<1x32x128xf32, #tpu.memory_space<vmem>>
    %dma_wait3A_323 = tpu.memref_squeeze %dma_wait3A_322 : memref<1x32x128xf32, #tpu.memory_space<vmem>> -> memref<32x128xf32, #tpu.memory_space<vmem>>
    %dma_wait3A_324 = arith.constant 0 : i32
    %dma_wait3A_325 = arith.constant 0 : i32
    %dma_wait3A_326 = tpu.memref_slice %arg4[%dma_wait3A_318, %dma_wait3A_324, %dma_wait3A_325] : memref<50x4096x128xf32, #tpu.memory_space<hbm>> -> memref<1x4096x128xf32, #tpu.memory_space<hbm>>
    %dma_wait3A_327 = tpu.memref_squeeze %dma_wait3A_326 : memref<1x4096x128xf32, #tpu.memory_space<hbm>> -> memref<4096x128xf32, #tpu.memory_space<hbm>>
    %dma_wait3A_328 = arith.constant 0 : i32
    %dma_wait3A_329 = tpu.memref_slice %dma_wait3A_327[%add3A_316, %dma_wait3A_328] : memref<4096x128xf32, #tpu.memory_space<hbm>> -> memref<32x128xf32, #tpu.memory_space<hbm>>
    %dma_wait3A_330 = tpu.memref_slice %arg8[%dma_wait3A_319] : memref<10x!tpu.dma_semaphore, #tpu.memory_space<semaphore_mem>> -> memref<1x!tpu.dma_semaphore, #tpu.memory_space<semaphore_mem>>
    %dma_wait3A_331 = tpu.memref_squeeze %dma_wait3A_330 : memref<1x!tpu.dma_semaphore, #tpu.memory_space<semaphore_mem>> -> memref<!tpu.dma_semaphore, #tpu.memory_space<semaphore_mem>>
    %dma_wait3A_332 = arith.constant 0 : i32
    %dma_wait3A_333 = arith.constant 0 : i32
    %dma_wait3A_334 = tpu.memref_slice %arg4[%dma_wait3A_318, %dma_wait3A_332, %dma_wait3A_333] : memref<50x4096x128xf32, #tpu.memory_space<hbm>> -> memref<1x4096x128xf32, #tpu.memory_space<hbm>>
    %dma_wait3A_335 = tpu.memref_squeeze %dma_wait3A_334 : memref<1x4096x128xf32, #tpu.memory_space<hbm>> -> memref<4096x128xf32, #tpu.memory_space<hbm>>
    %dma_wait3A_336 = arith.constant 0 : i32
    %dma_wait3A_337 = tpu.memref_slice %dma_wait3A_335[%add3A_316, %dma_wait3A_336] : memref<4096x128xf32, #tpu.memory_space<hbm>> -> memref<32x128xf32, #tpu.memory_space<hbm>>
    %dma_wait3A_338 = arith.constant 0 : i32
    %dma_wait3A_339 = arith.constant 0 : i32
    %dma_wait3A_340 = tpu.memref_slice %arg6[%dma_wait3A_317, %dma_wait3A_338, %dma_wait3A_339] : memref<10x32x128xf32, #tpu.memory_space<vmem>> -> memref<1x32x128xf32, #tpu.memory_space<vmem>>
    %dma_wait3A_341 = tpu.memref_squeeze %dma_wait3A_340 : memref<1x32x128xf32, #tpu.memory_space<vmem>> -> memref<32x128xf32, #tpu.memory_space<vmem>>
    tpu.wait_dma2 semaphore(%dma_wait3A_331 : memref<!tpu.dma_semaphore, #tpu.memory_space<semaphore_mem>>) src(%dma_wait3A_341 : memref<32x128xf32, #tpu.memory_space<vmem>>) dst(%dma_wait3A_337 : memref<32x128xf32, #tpu.memory_space<hbm>>)
    %add3A_342 = arith.constant 64 : i32
    %add3A_343 = arith.addi %mul3A_2, %add3A_342 : i32
    %dma_wait3A_344 = arith.constant 8 : i32
    %dma_wait3A_345 = arith.constant 49 : i32
    %dma_wait3A_346 = arith.constant 8 : i32
    %dma_wait3A_347 = arith.constant 0 : i32
    %dma_wait3A_348 = arith.constant 0 : i32
    %dma_wait3A_349 = tpu.memref_slice %arg6[%dma_wait3A_344, %dma_wait3A_347, %dma_wait3A_348] : memref<10x32x128xf32, #tpu.memory_space<vmem>> -> memref<1x32x128xf32, #tpu.memory_space<vmem>>
    %dma_wait3A_350 = tpu.memref_squeeze %dma_wait3A_349 : memref<1x32x128xf32, #tpu.memory_space<vmem>> -> memref<32x128xf32, #tpu.memory_space<vmem>>
    %dma_wait3A_351 = arith.constant 0 : i32
    %dma_wait3A_352 = arith.constant 0 : i32
    %dma_wait3A_353 = tpu.memref_slice %arg4[%dma_wait3A_345, %dma_wait3A_351, %dma_wait3A_352] : memref<50x4096x128xf32, #tpu.memory_space<hbm>> -> memref<1x4096x128xf32, #tpu.memory_space<hbm>>
    %dma_wait3A_354 = tpu.memref_squeeze %dma_wait3A_353 : memref<1x4096x128xf32, #tpu.memory_space<hbm>> -> memref<4096x128xf32, #tpu.memory_space<hbm>>
    %dma_wait3A_355 = arith.constant 0 : i32
    %dma_wait3A_356 = tpu.memref_slice %dma_wait3A_354[%add3A_343, %dma_wait3A_355] : memref<4096x128xf32, #tpu.memory_space<hbm>> -> memref<32x128xf32, #tpu.memory_space<hbm>>
    %dma_wait3A_357 = tpu.memref_slice %arg8[%dma_wait3A_346] : memref<10x!tpu.dma_semaphore, #tpu.memory_space<semaphore_mem>> -> memref<1x!tpu.dma_semaphore, #tpu.memory_space<semaphore_mem>>
    %dma_wait3A_358 = tpu.memref_squeeze %dma_wait3A_357 : memref<1x!tpu.dma_semaphore, #tpu.memory_space<semaphore_mem>> -> memref<!tpu.dma_semaphore, #tpu.memory_space<semaphore_mem>>
    %dma_wait3A_359 = arith.constant 0 : i32
    %dma_wait3A_360 = arith.constant 0 : i32
    %dma_wait3A_361 = tpu.memref_slice %arg4[%dma_wait3A_345, %dma_wait3A_359, %dma_wait3A_360] : memref<50x4096x128xf32, #tpu.memory_space<hbm>> -> memref<1x4096x128xf32, #tpu.memory_space<hbm>>
    %dma_wait3A_362 = tpu.memref_squeeze %dma_wait3A_361 : memref<1x4096x128xf32, #tpu.memory_space<hbm>> -> memref<4096x128xf32, #tpu.memory_space<hbm>>
    %dma_wait3A_363 = arith.constant 0 : i32
    %dma_wait3A_364 = tpu.memref_slice %dma_wait3A_362[%add3A_343, %dma_wait3A_363] : memref<4096x128xf32, #tpu.memory_space<hbm>> -> memref<32x128xf32, #tpu.memory_space<hbm>>
    %dma_wait3A_365 = arith.constant 0 : i32
    %dma_wait3A_366 = arith.constant 0 : i32
    %dma_wait3A_367 = tpu.memref_slice %arg6[%dma_wait3A_344, %dma_wait3A_365, %dma_wait3A_366] : memref<10x32x128xf32, #tpu.memory_space<vmem>> -> memref<1x32x128xf32, #tpu.memory_space<vmem>>
    %dma_wait3A_368 = tpu.memref_squeeze %dma_wait3A_367 : memref<1x32x128xf32, #tpu.memory_space<vmem>> -> memref<32x128xf32, #tpu.memory_space<vmem>>
    tpu.wait_dma2 semaphore(%dma_wait3A_358 : memref<!tpu.dma_semaphore, #tpu.memory_space<semaphore_mem>>) src(%dma_wait3A_368 : memref<32x128xf32, #tpu.memory_space<vmem>>) dst(%dma_wait3A_364 : memref<32x128xf32, #tpu.memory_space<hbm>>)
    %add3A_369 = arith.constant 96 : i32
    %add3A_370 = arith.addi %mul3A_2, %add3A_369 : i32
    %dma_wait3A_371 = arith.constant 9 : i32
    %dma_wait3A_372 = arith.constant 49 : i32
    %dma_wait3A_373 = arith.constant 9 : i32
    %dma_wait3A_374 = arith.constant 0 : i32
    %dma_wait3A_375 = arith.constant 0 : i32
    %dma_wait3A_376 = tpu.memref_slice %arg6[%dma_wait3A_371, %dma_wait3A_374, %dma_wait3A_375] : memref<10x32x128xf32, #tpu.memory_space<vmem>> -> memref<1x32x128xf32, #tpu.memory_space<vmem>>
    %dma_wait3A_377 = tpu.memref_squeeze %dma_wait3A_376 : memref<1x32x128xf32, #tpu.memory_space<vmem>> -> memref<32x128xf32, #tpu.memory_space<vmem>>
    %dma_wait3A_378 = arith.constant 0 : i32
    %dma_wait3A_379 = arith.constant 0 : i32
    %dma_wait3A_380 = tpu.memref_slice %arg4[%dma_wait3A_372, %dma_wait3A_378, %dma_wait3A_379] : memref<50x4096x128xf32, #tpu.memory_space<hbm>> -> memref<1x4096x128xf32, #tpu.memory_space<hbm>>
    %dma_wait3A_381 = tpu.memref_squeeze %dma_wait3A_380 : memref<1x4096x128xf32, #tpu.memory_space<hbm>> -> memref<4096x128xf32, #tpu.memory_space<hbm>>
    %dma_wait3A_382 = arith.constant 0 : i32
    %dma_wait3A_383 = tpu.memref_slice %dma_wait3A_381[%add3A_370, %dma_wait3A_382] : memref<4096x128xf32, #tpu.memory_space<hbm>> -> memref<32x128xf32, #tpu.memory_space<hbm>>
    %dma_wait3A_384 = tpu.memref_slice %arg8[%dma_wait3A_373] : memref<10x!tpu.dma_semaphore, #tpu.memory_space<semaphore_mem>> -> memref<1x!tpu.dma_semaphore, #tpu.memory_space<semaphore_mem>>
    %dma_wait3A_385 = tpu.memref_squeeze %dma_wait3A_384 : memref<1x!tpu.dma_semaphore, #tpu.memory_space<semaphore_mem>> -> memref<!tpu.dma_semaphore, #tpu.memory_space<semaphore_mem>>
    %dma_wait3A_386 = arith.constant 0 : i32
    %dma_wait3A_387 = arith.constant 0 : i32
    %dma_wait3A_388 = tpu.memref_slice %arg4[%dma_wait3A_372, %dma_wait3A_386, %dma_wait3A_387] : memref<50x4096x128xf32, #tpu.memory_space<hbm>> -> memref<1x4096x128xf32, #tpu.memory_space<hbm>>
    %dma_wait3A_389 = tpu.memref_squeeze %dma_wait3A_388 : memref<1x4096x128xf32, #tpu.memory_space<hbm>> -> memref<4096x128xf32, #tpu.memory_space<hbm>>
    %dma_wait3A_390 = arith.constant 0 : i32
    %dma_wait3A_391 = tpu.memref_slice %dma_wait3A_389[%add3A_370, %dma_wait3A_390] : memref<4096x128xf32, #tpu.memory_space<hbm>> -> memref<32x128xf32, #tpu.memory_space<hbm>>
    %dma_wait3A_392 = arith.constant 0 : i32
    %dma_wait3A_393 = arith.constant 0 : i32
    %dma_wait3A_394 = tpu.memref_slice %arg6[%dma_wait3A_371, %dma_wait3A_392, %dma_wait3A_393] : memref<10x32x128xf32, #tpu.memory_space<vmem>> -> memref<1x32x128xf32, #tpu.memory_space<vmem>>
    %dma_wait3A_395 = tpu.memref_squeeze %dma_wait3A_394 : memref<1x32x128xf32, #tpu.memory_space<vmem>> -> memref<32x128xf32, #tpu.memory_space<vmem>>
    tpu.wait_dma2 semaphore(%dma_wait3A_385 : memref<!tpu.dma_semaphore, #tpu.memory_space<semaphore_mem>>) src(%dma_wait3A_395 : memref<32x128xf32, #tpu.memory_space<vmem>>) dst(%dma_wait3A_391 : memref<32x128xf32, #tpu.memory_space<hbm>>)
    return
  }
}

</mosaic_0001>

<sc_bundles>
// kernel: kernel.3.cloned.1.call-start
scs
__scs_entry_jumppad:
0x0: {  	(pc) =	sbr.rel $0x88, $3  }
0x1: {  	(tag) =	ssettag $0x0;
	lr =	simm.s32 $0x1  }
0x2: {  	[smem:$0x3F9F] =	sst lr;
	_ =	strace $0xD0000000  }
0x3: {  	_ = 	snop  }
0x4: {  	_ = 	snop  }
0x5: {  	_ = 	snop  }
0x6: {  	_ = 	snop  }
0x7: {  	_ = 	snop  }
__scs_overlays_trampoline_lowered:
0x8: {  	[smem:$0x3FAE] =	sst s0  }
0x9: {  	[smem:$0x3FAF] =	sst s1  }
0xa: {  	[smem:$0x3FB0] =	sst s2  }
0xb: {  	[smem:$0x3FB1] =	sst s3  }
0xc: {  	[smem:$0x3FB2] =	sst s4  }
0xd: {  	[smem:$0x3FB3] =	sst s5  }
0xe: {  	[smem:$0x3FB4] =	sst s6  }
0xf: {  	[smem:$0x3FB5] =	sst s7  }
0x10: {  	[smem:$0x3FB6] =	sst s8  }
0x11: {  	[smem:$0x3FB7] =	sst s9;
	s0 =	simm.s32 @!p0 $0x0  }
0x12: {  	s1 =	sld [smem:$0x3F9D];
	s0 =	simm.s32 @p0 $0x1  }
0x13: {  	[smem:$0x3FB8] =	sst s0;
	s0 =	simm.s32 @!p1 $0x0  }
0x14: {  	s2 =	sld [smem:$0x3F9C];
	s0 =	simm.s32 @p1 $0x1  }
0x15: {  	[smem:$0x3FB9] =	sst s0;
	s0 =	simm.s32 @!p2 $0x0  }
0x16: {  	s3 =	sld [smem:$0x3FDB];
	s0 =	simm.s32 @p2 $0x1  }
0x17: {  	s4 =	simm.s32 $0x1BF5;
	[smem:$0x3FBB] =	sst s0  }
0x18: {  	s0 =	sld [smem:$0x3F9E];
	_ =	swait.ge [sflag:s4], $0x0  }
0x19: {  	s7 =	sld [smem:$0x3F9F]  }
0x1a: {  	s8 =	sadd.s32 $0xFFFFE003, lr  }
0x1b: {  	s9 =	sadd.s32 $0xFFFFFEF7, lr;
	s5 =	simm.s32 $0xFFFFFFFF;
	p2 =	slt.u32 s8, $0xFFFFF086  }
0x1c: {  	p1 =	slt.u32 s9, $0xF7A;
	s5 =	simm.s32 @!p2 $0x0  }
0x1d: {  	s5 =	simm.s32 @p1 $0x1;
	p0 =	seq.s32 s7, s2  }
0x1e: {  	s7 =	smul.u32 @!p0 $0xF7A, s2;
	p2 =	seq.s32 @!p0 s5, $0x0  }
0x1f: {  	s9 =	smul.u32 $0xF7A, s1;
	s8 =	simm.s32 @!p0 $0x1BF5;
	p2 =	por !p2, p0  }
0x20: {  	[sflag:s8] =	ssyncset.s32 @!p0 $0xFFFFF086;
	s6 =	sadd.s32 @!p0 s3, s7;
	s7 =	simm.s32 @!p0 $0x108  }
0x21: {  	s3 =	sadd.s32 s3, s9;
	s6 =	sadd.s32 @!p0 $0x88, s6;
	s7 =	simm.s32 @p2 $0x1082  }
0x22: {  	[simem:s7], [sflag:s8] =	dma.local @!p0 [hbm:s6], $0xF7A  }
0x23: {  	s9 =	sor.u32 $0xD0000000, s2;
	s6 =	simm.s32 $0x108;
	_ =	swait.ge @!p0 [sflag:s8], $0x0  }
0x24: {  	s3 =	sadd.s32 $0x88, s3;
	s6 =	simm.s32 @!p1 $0x1082;
	[sflag:s4] =	ssyncset.s32 $0xFFFFF086  }
0x25: {  	[simem:s6], [sflag:s4] =	dma.local [hbm:s3], $0xF7A  }
0x26: {  	[smem:$0x3F9F] =	sst s1;
	(tag) =	ssettag s2;
	_ =	strace s9  }
0x27: {  	s1 =	sld [smem:$0x3FAF]  }
0x28: {  	s2 =	sld [smem:$0x3FB0]  }
0x29: {  	s4 =	sld [smem:$0x3FB2]  }
0x2a: {  	p0 =	seq.s32 s5, $0x0;
	s5 =	sld [smem:$0x3FB3]  }
0x2b: {  	s6 =	sld [smem:$0x3FB4]  }
0x2c: {  	s7 =	sld [smem:$0x3FB5]  }
0x2d: {  	s3 =	simm.s32 $0x108;
	s8 =	sld [smem:$0x3FB6]  }
0x2e: {  	s3 =	simm.s32 @!p0 $0x1082;
	s9 =	sld [smem:$0x3FB7]  }
0x2f: {  	lr =	sadd.s32 s0, s3;
	s0 =	sld [smem:$0x3FAE]  }
0x30: {  	s3 =	sld [smem:$0x3FB1]  }
0x31: {  	[smem:$0x3FBA] =	sst s10  }
0x32: {  	s10 =	sld [smem:$0x3FB8];
	_ =	sdelay $0x3  }
0x33: {  	p0 =	seq.s32 s10, $0x1;
	s10 =	sld [smem:$0x3FBA];
	_ =	sdelay $0x3  }
0x34: {  	[smem:$0x3FBA] =	sst s10  }
0x35: {  	s10 =	sld [smem:$0x3FB9];
	_ =	sdelay $0x3  }
0x36: {  	p1 =	seq.s32 s10, $0x1;
	s10 =	sld [smem:$0x3FBA];
	_ =	sdelay $0x3  }
0x37: {  	[smem:$0x3FBA] =	sst s10  }
0x38: {  	s10 =	sld [smem:$0x3FBB]  }
0x39: {  	_ = 	snop;
	(pc) =	sbr.ind lr, $3  }
0x3a: {  	_ = 	snop  }
0x3b: {  	_ = 	snop  }
0x3c: {  	p2 =	seq.s32 s10, $0x1;
	s10 =	sld [smem:$0x3FBA]  }
0x3d: {  	_ =	shalt  }
0x3e: {  	_ =	shalt  }
0x3f: {  	_ =	shalt  }
0x40: {  	_ =	shalt  }
0x41: {  	_ =	shalt  }
0x42: {  	_ =	shalt  }
0x43: {  	_ =	shalt  }
0x44: {  	_ =	shalt  }
0x45: {  	_ =	shalt  }
0x46: {  	_ =	shalt  }
0x47: {  	_ =	shalt  }
0x48: {  	_ =	shalt  }
0x49: {  	_ =	shalt  }
0x4a: {  	_ =	shalt  }
0x4b: {  	_ =	shalt  }
0x4c: {  	_ =	shalt  }
0x4d: {  	_ =	shalt  }
0x4e: {  	_ =	shalt  }
0x4f: {  	_ =	shalt  }
0x50: {  	_ =	shalt  }
0x51: {  	_ =	shalt  }
0x52: {  	_ =	shalt  }
0x53: {  	_ =	shalt  }
0x54: {  	_ =	shalt  }
0x55: {  	_ =	shalt  }
0x56: {  	_ =	shalt  }
0x57: {  	_ =	shalt  }
0x58: {  	_ =	shalt  }
0x59: {  	_ =	shalt  }
0x5a: {  	_ =	shalt  }
0x5b: {  	_ =	shalt  }
0x5c: {  	_ =	shalt  }
0x5d: {  	_ =	shalt  }
0x5e: {  	_ =	shalt  }
0x5f: {  	_ =	shalt  }
0x60: {  	_ =	shalt  }
0x61: {  	_ =	shalt  }
0x62: {  	_ =	shalt  }
0x63: {  	_ =	shalt  }
0x64: {  	_ =	shalt  }
0x65: {  	_ =	shalt  }
0x66: {  	_ =	shalt  }
0x67: {  	_ =	shalt  }
0x68: {  	_ =	shalt  }
0x69: {  	_ =	shalt  }
0x6a: {  	_ =	shalt  }
0x6b: {  	_ =	shalt  }
0x6c: {  	_ =	shalt  }
0x6d: {  	_ =	shalt  }
0x6e: {  	_ =	shalt  }
0x6f: {  	_ =	shalt  }
0x70: {  	_ =	shalt  }
0x71: {  	_ =	shalt  }
0x72: {  	_ =	shalt  }
0x73: {  	_ =	shalt  }
0x74: {  	_ =	shalt  }
0x75: {  	_ =	shalt  }
0x76: {  	_ =	shalt  }
0x77: {  	_ =	shalt  }
0x78: {  	_ =	shalt  }
0x79: {  	_ =	shalt  }
0x7a: {  	_ =	shalt  }
0x7b: {  	_ =	shalt  }
0x7c: {  	_ =	shalt  }
0x7d: {  	_ =	shalt  }
0x7e: {  	_ =	shalt  }
0x7f: {  	_ =	shalt  }
0x80: {  	_ =	shalt  }
0x81: {  	_ =	shalt  }
0x82: {  	_ =	shalt  }
0x83: {  	_ =	shalt  }
0x84: {  	_ =	shalt  }
0x85: {  	_ =	shalt  }
0x86: {  	_ =	shalt  }
0x87: {  	_ =	shalt  }
.Lfunc_end0:
.L_simem_size_0:
called_computation_lowered:
.L_overlay_start_0:
0x88: {  	s2 =	sld [smem:$0x3FD9]  }
0x89: {  	s3 =	sld [smem:$0x3FFE];
	_ =	sdelay $0x1  }
0x8a: {  	s1 =	srdreg.scid  }
0x8b: {  	s0 =	sand.u32 $0x1, s1  }
0x8c: {  	s18 =	sshll.u32 s0, $0xA;
	s2 =	sadd.s32 s3, s2  }
0x8d: {  	s2 =	sadd.s32 s2, s18  }
0x8e: {  	[smem:$0x3FC6] =	sst s2  }
0x8f: {  	_ = 	snop  }
0x90: {  	s2 =	sld [smem:$0x3FC9]  }
0x91: {  	s19 =	sld [smem:$0x3FC8]  }
0x92: {  	s4 =	sld [smem:$0x3FD0];
	(tm) =	ssettm $0x1  }
0x93: {  	s5 =	sld [smem:$0x3FFB];
	_ =	sdelay $0x3  }
0x94: {  	_ =	strace s5  }
0x95: {  	s5 =	sld [smem:$0x3FFC];
	_ =	sdelay $0x3  }
0x96: {  	_ =	strace s5  }
0x97: {  	s5 =	sld [smem:$0x3FFD];
	_ =	sdelay $0x3  }
0x98: {  	_ =	strace s5  }
0x99: {  	_ =	strace $0x8FFFFFFF  }
0x9a: {  	s20 =	sld [smem:$0x3FDB];
	_ =	sdelay $0x1  }
0x9b: {  	s6 =	simm.s32 $_scs_section_size  }
0x9c: {  	s7 =	simm.s32 $_size__tile_overlayer_lowered;
	s8 =	simm.s32 $_tile_overlayer_lowered  }
0x9d: {  	s23 =	simm.s32 $0x1BFF;
	s22 =	sshll.u32 s8, $0x1;
	s5 =	sadd.s32 s6, s20  }
0x9e: {  	s9 =	simm.s32 $0x0;
	s21 =	sshll.u32 s7, $0x1;
	s7 =	sadd.s32 s22, s5  }
0x9f: {  	[timem:s9], [sflag:s23] =	dma.local [hbm:s7], s21  }
0xa0: {  	_ =	swait.ge [sflag:s23], s21  }
0xa1: {  	s6 =	ssub.s32 $0x0, s21;
	[sflag:s23] =	ssyncset.done $0x0  }
0xa2: {  	[sflag:s23] =	ssyncadd.s32 s6;
	_ =	sdelay $0x1  }
0xa3: {  	s24 =	simm.s32 $0x1B8B  }
0xa4: {  	_ =	swait.ge [sflag:s24], $0x1  }
0xa5: {  	[sflag:s24] =	ssyncset.done $0x0  }
0xa6: {  	s25 =	simm.s32 $0x1B8E;
	[sflag:s24] =	ssyncadd.s32 $0xFFFFFFFF  }
0xa7: {  	s26 =	simm.s32 $execute0_lowered;
	[smem:$0x3FD2] =	sst s25  }
0xa8: {  	s6 =	sshll.u32 s26, $0x1;
	_ =	strace $0x80000046;
	[dreg:$0x1] =	wrdreg $0xFFFFFFFF  }
0xa9: {  	s28 =	simm.s32 $_size_execute0_lowered;
	s5 =	sadd.s32 s5, s6;
	[dreg:$0x0] =	wrdreg $0x0  }
0xaa: {  	s6 =	sshll.u32 s28, $0x1;
	[dreg:$0x2] =	wrdreg s5  }
0xab: {  	[dreg:$0x3] =	wrdreg s6  }
0xac: {  	[dreg:$0x4] =	wrdreg $0xC0  }
0xad: {  	_ =	task [dreg:s9], $0x5FFFF  }
0xae: {  	[dreg:$0x1] =	wrdreg $0xFFFFFFFF  }
0xaf: {  	[dreg:$0x0] =	wrdreg $0x60  }
0xb0: {  	[dreg:$0x2] =	wrdreg s2  }
0xb1: {  	[dreg:$0x3] =	wrdreg s19  }
0xb2: {  	[dreg:$0x4] =	wrdreg s4  }
0xb3: {  	[dreg:$0x5] =	wrdreg $0x9  }
0xb4: {  	_ =	task.clear_ibuf [dreg:s9], $0x6FFFF;
	_ =	strace $0x90000046  }
0xb5: {  	s29 =	simm.s32 $0x9;
	_ =	strace $0x80000048  }
0xb6: {  	_ =	swait.ge [sflag:s29], $0x1  }
0xb7: {  	[sflag:s29] =	ssyncadd.s32 $0xFFFFFFFF  }
0xb8: {  	_ =	strace $0x90000048  }
0xb9: {  	_ =	sfence  }
0xba: {  	s30 =	sld [smem:$0x0];
	_ =	sdelay $0x2  }
0xbb: {  	s31 =	sshll.u32 s1, $0xD;
	s1 =	sshrl.u32 s1, $0x2  }
0xbc: {  	s3 =	sand.u32 $0x4000, s31;
	s1 =	sadd.s32 s1, s30  }
0xbd: {  	s0 =	sor.u32 s3, s0;
	s1 =	sshll.u32 s1, $0x11  }
0xbe: {  	s0 =	sor.u32 s1, s0  }
0xbf: {  	s0 =	sadd.s32 $0x8F2B, s0  }
0xc0: {  	[sflag:s0] =	ssyncadd.remote.s32 $0x1  }
0xc1: {  	_ =	sfence.sel $0xFFFF  }
0xc2: {  	[dreg:$0x0] =	wrdreg $0xFFFFFFFF;
	(pc) =	sbr.abs _section_cstart, $3  }
0xc3: {  	[dreg:$0x1] =	wrdreg $0xFFFFFFFF  }
0xc4: {  	_ =	task.clear_ibuf [dreg:s9], $0x2FFFF;
	_ =	strace $0x9FFFFFFF  }
0xc5: {  	(tm) =	ssettm $0x7FFFFFFF  }
tec
execute0_lowered:
.L_overlay_start_1:
0x0: {  	(tag) =	ssettag $0x1  }
0x1: {  	s0 =	rddreg [dreg:$0x0]  }
0x2: {  	s2 =	rddreg [dreg:$0x1]  }
0x3: {  	s3 =	rddreg [dreg:$0x2]  }
0x4: {  	s1 =	srdreg.scid;
	s4 =	stileid.u32;
	s13 =	simm.s32 $0x20  }
0x5: {  	s28 =	simm.s32 $0x8C00;
	s29 =	simm.s32 $0x9C00;
	s30 =	simm.s32 $0x1  }
0x6: {  	s31 =	simm.s32 $0xAC00;
	s9 =	simm.s32 $0x4;
	s10 =	simm.s32 $0x5  }
0x7: {  	s11 =	simm.s32 $0x6;
	s16 =	simm.s32 $0x7;
	s18 =	simm.s32 $0x8  }
0x8: {  	s20 =	simm.s32 $0x9;
	s1 =	sand.u32 $0x1, s1;
	s5 =	sshll.u32 s4, $0x8  }
0x9: {  	s4 =	simm.s32 $0x0;
	s6 =	ssub.s32 $0x2, s1;
	s1 =	sshll.u32 s1, $0x7  }
0xa: {  	s22 =	simm.s32 $0xA;
	[smem:$0x7FF] =	sst s4;
	s5 =	sor.u32 s1, s5  }
0xb: {  	s7 =	sshrl.u32 s6, $0x1;
	_ =	strace $0x80000047;
	s0 =	sadd.s32 s0, s5  }
0xc: {  	s25 =	ssub.s32 s6, s7;
	[dreg:$0x4] =	wrdreg s0;
	s0 =	sadd.s32 $0x6000, s0  }
0xd: {  	s8 =	simm.s32 $0x0;
	s26 =	smax.u32 s25, $0x1;
	[dreg:$0x5] =	wrdreg s0  }
0xe: {  	s1 =	simm.s32 $0x3;
	[dreg:$0x6] =	wrdreg s26;
	s0 =	simm.s32 $0x2  }
.LBB2_1:
0xf: {  	[dreg:$0x7] =	wrdreg s8  }
0x10: {  	s6 =	rddreg [dreg:$0x4];
	s7 =	simm.s32 $0x400;
	s21 =	simm.s32 $0x8000  }
0x11: {  	[tilespmem:s4], [sflag:$0x15] =	stream.strided.gather [hbm4b:s6+s7], $0x1800, s21, s7, $0x38;
	[tilespmem:$0xBC00] =	vst v63  }
0x12: {  	s23 =	rddreg [dreg:$0x5];
	s24 =	simm.s32 $0x1800;
	s25 =	simm.s32 $0x15  }
0x13: {  	[tilespmem:s24], [sflag:$0x15] =	stream.linear.gather [hbm4b:s23+s4], $0x100, $0x38;
	[tilespmem:$0xBC00] =	vst v63  }
0x14: {  	_ =	swait.ge [sflag:s25], $0x1900  }
0x15: {  	[sflag:s25] =	ssyncset.done $0x0  }
0x16: {  	s26 =	simm.s32 $0x1C00;
	[sflag:s25] =	ssyncadd.s32 $0xFFFFE700  }
0x17: {  	[tilespmem:s26], [sflag:$0x1] =	stream.indirect.gather [hbm4b:s2+s13], $0x80, s4, s13, $0xb8;
	[tilespmem:$0xBC00] =	vst v63  }
0x18: {  	s7 =	simm.s32 $0x2C00  }
0x19: {  	[tilespmem:s7], [sflag:$0x2] =	stream.indirect.gather [hbm4b:s2+s13], $0x80, s13, s13, $0xb8;
	[tilespmem:$0xBC00] =	vst v63  }
0x1a: {  	s8 =	simm.s32 $0x40;
	s12 =	simm.s32 $0x3C00  }
0x1b: {  	[tilespmem:s12], [sflag:$0x3] =	stream.indirect.gather [hbm4b:s2+s13], $0x80, s8, s13, $0xb8;
	[tilespmem:$0xBC00] =	vst v63  }
0x1c: {  	s14 =	simm.s32 $0x60;
	s15 =	simm.s32 $0x4C00  }
0x1d: {  	[tilespmem:s15], [sflag:$0x4] =	stream.indirect.gather [hbm4b:s2+s13], $0x80, s14, s13, $0xb8;
	[tilespmem:$0xBC00] =	vst v63  }
0x1e: {  	s17 =	simm.s32 $0x80;
	s19 =	simm.s32 $0x5C00  }
0x1f: {  	[tilespmem:s19], [sflag:$0x5] =	stream.indirect.gather [hbm4b:s2+s13], $0x80, s17, s13, $0xb8;
	[tilespmem:$0xBC00] =	vst v63  }
0x20: {  	s21 =	simm.s32 $0xA0;
	s23 =	simm.s32 $0x6C00  }
0x21: {  	[tilespmem:s23], [sflag:$0x6] =	stream.indirect.gather [hbm4b:s2+s13], $0x80, s21, s13, $0xb8;
	[tilespmem:$0xBC00] =	vst v63  }
0x22: {  	s24 =	simm.s32 $0xC0;
	s25 =	simm.s32 $0x7C00  }
0x23: {  	[tilespmem:s25], [sflag:$0x7] =	stream.indirect.gather [hbm4b:s2+s13], $0x80, s24, s13, $0xb8;
	[tilespmem:$0xBC00] =	vst v63  }
0x24: {  	s26 =	simm.s32 $0xE0;
	s12 =	simm.s32 $0x0  }
0x25: {  	[tilespmem:s28], [sflag:$0x8] =	stream.indirect.gather [hbm4b:s2+s13], $0x80, s26, s13, $0xb8;
	[tilespmem:$0xBC00] =	vst v63  }
.LBB2_2:
0x26: {  	s14 =	smul.u32 $0xA, s12  }
0x27: {  	p0 =	seq.s32 s12, $0x0  }
0x28: {  	s6 =	simm.s32 @!p0 $0x13;
	s24 =	sadd.s32 $0x8, s14  }
0x29: {  	s7 =	sshll.u32 s12, $0x6;
	_ =	swait.ge @!p0 [sflag:s6], $0x1000;
	s15 =	sshll.u32 s24, $0x5  }
0x2a: {  	s8 =	sand.u32 $0x40, s7;
	[sflag:s6] =	ssyncset.done @!p0 $0x0;
	s25 =	sand.u32 $0x7F80, s15  }
0x2b: {  	[sflag:s6] =	ssyncadd.s32 @!p0 $0xFFFFF000;
	s26 =	sor.u32 s8, s25  }
0x2c: {  	[tilespmem:s29], [sflag:$0x9] =	stream.indirect.gather [hbm4b:s2+s13], $0x80, s26, s13, $0xb8;
	[tilespmem:$0xBC00] =	vst v63  }
0x2d: {  	_ =	swait.ge [sflag:s30], $0x1000  }
0x2e: {  	[sflag:s30] =	ssyncset.done $0x0  }
0x2f: {  	s7 =	simm.s32 $0x0;
	[sflag:s30] =	ssyncadd.s32 $0xFFFFF000  }
0x30: {  	v2 =	vld [tilespmem:s7+$0x1C00]  }
0x31: {  	v5 =	vld [tilespmem:s7+$0x1C10]  }
0x32: {  	v4 =	vld [tilespmem:s7+$0x1C20]  }
0x33: {  	v3 =	vld [tilespmem:s7+$0x1C30]  }
0x34: {  	v0 =	vld [tilespmem:s7+$0x1C40]  }
0x35: {  	v1 =	vld [tilespmem:s7+$0x1C50];
	v6 =	vmul.f32 $1.131370830e+01, v2  }
0x36: {  	s6 =	simm.s32 $0x200;
	v5 =	vmul.f32 $1.131370830e+01, v5;
	v2 =	vld [tilespmem:s7+$0x1C60]  }
.LBB2_3:
0x37: {  	s15 =	sshra.s32 s6, $0x2;
	p1 =	sne.s32 s6, $0x3E00;
	[tilespmem:s7+$0x1C00] =	vst v6;
	v4 =	vmul.f32 $1.131370830e+01, v4;
	v6 =	vld [tilespmem:s7+$0x1C70]  }
0x38: {  	v7 =	vld [tilespmem:s15+$0x1C00];
	[tilespmem:s7+$0x1C10] =	vst v5;
	v3 =	vmul.f32 $1.131370830e+01, v3  }
0x39: {  	v5 =	vld [tilespmem:s15+$0x1C10];
	[tilespmem:s7+$0x1C20] =	vst v4;
	v0 =	vmul.f32 $1.131370830e+01, v0  }
.Ltmp0:
0x3a: {  	v4 =	vld [tilespmem:s15+$0x1C20];
	[tilespmem:s7+$0x1C30] =	vst v3;
	v1 =	vmul.f32 $1.131370830e+01, v1;
	(pc) =	sbr.rel @p1 .LBB2_3-.Ltmp0, $4  }
0x3b: {  	v3 =	vld [tilespmem:s15+$0x1C30];
	[tilespmem:s7+$0x1C40] =	vst v0;
	v2 =	vmul.f32 $1.131370830e+01, v2  }
0x3c: {  	v0 =	vld [tilespmem:s15+$0x1C40];
	[tilespmem:s7+$0x1C50] =	vst v1;
	v8 =	vmul.f32 $1.131370830e+01, v6  }
0x3d: {  	v6 =	vmul.f32 $1.131370830e+01, v7;
	v1 =	vld [tilespmem:s15+$0x1C50];
	[tilespmem:s7+$0x1C60] =	vst v2  }
0x3e: {  	s6 =	sadd.s32 $0x200, s6;
	v5 =	vmul.f32 $1.131370830e+01, v5;
	v2 =	vld [tilespmem:s15+$0x1C60];
	[tilespmem:s7+$0x1C70] =	vst v8;
	s7 =	smov.u32 s15  }
0x3f: {  	[tilespmem:s7+$0x1C00] =	vst v6;
	v4 =	vmul.f32 $1.131370830e+01, v4;
	v6 =	vld [tilespmem:s7+$0x1C70]  }
0x40: {  	[tilespmem:s7+$0x1C10] =	vst v5;
	v3 =	vmul.f32 $1.131370830e+01, v3  }
0x41: {  	[tilespmem:s7+$0x1C20] =	vst v4;
	v0 =	vmul.f32 $1.131370830e+01, v0  }
0x42: {  	s19 =	smul.u32 $0x28000, s12;
	[tilespmem:s7+$0x1C30] =	vst v3;
	v1 =	vmul.f32 $1.131370830e+01, v1  }
0x43: {  	[tilespmem:s7+$0x1C40] =	vst v0;
	v0 =	vmul.f32 $1.131370830e+01, v2  }
0x44: {  	s6 =	sor.u32 s5, s8;
	s15 =	sand.u32 $0x7F0000, s19;
	[tilespmem:s7+$0x1C50] =	vst v1;
	v1 =	vmul.f32 $1.131370830e+01, v6  }
0x45: {  	s6 =	sshll.u32 s6, $0x4;
	s15 =	sadd.s32 s3, s15;
	[tilespmem:s7+$0x1C60] =	vst v0  }
0x46: {  	s23 =	simm.s32 $0x1C00;
	s15 =	sadd.s32 s6, s15;
	[tilespmem:s7+$0x1C70] =	vst v1;
	s7 =	simm.s32 @!p0 $0x14  }
0x47: {  	[hbm4b:s15+s4] =	stream.linear.scatter [tilespmem:s23], [sflag:$0xB], $0x1000, $0x38;
	[tilespmem:$0xBC00] =	vst v63  }
0x48: {  	s26 =	sadd.s32 $0x9, s14;
	_ =	swait.ge @!p0 [sflag:s7], $0x1000  }
0x49: {  	s21 =	sshll.u32 s26, $0x5;
	[sflag:s7] =	ssyncset.done @!p0 $0x0  }
0x4a: {  	s25 =	sand.u32 $0x7FE0, s21;
	[sflag:s7] =	ssyncadd.s32 @!p0 $0xFFFFF000  }
0x4b: {  	[tilespmem:s31], [sflag:$0xA] =	stream.indirect.gather [hbm4b:s2+s13], $0x80, s25, s13, $0xb8;
	[tilespmem:$0xBC00] =	vst v63  }
0x4c: {  	_ =	swait.ge [sflag:s0], $0x1000  }
0x4d: {  	[sflag:s0] =	ssyncset.done $0x0  }
0x4e: {  	s17 =	simm.s32 $0x0;
	[sflag:s0] =	ssyncadd.s32 $0xFFFFF000  }
0x4f: {  	v3 =	vld [tilespmem:s17+$0x2C00]  }
0x50: {  	v5 =	vld [tilespmem:s17+$0x2C10]  }
0x51: {  	v4 =	vld [tilespmem:s17+$0x2C20]  }
0x52: {  	v2 =	vld [tilespmem:s17+$0x2C30]  }
0x53: {  	v0 =	vld [tilespmem:s17+$0x2C40]  }
0x54: {  	v1 =	vld [tilespmem:s17+$0x2C50];
	v6 =	vmul.f32 $1.131370830e+01, v3  }
0x55: {  	s7 =	sand.u32 $0x60, s21;
	s21 =	simm.s32 $0x200;
	v5 =	vmul.f32 $1.131370830e+01, v5;
	v3 =	vld [tilespmem:s17+$0x2C60]  }
.LBB2_5:
0x56: {  	s23 =	sshra.s32 s21, $0x2;
	p0 =	sne.s32 s21, $0x3E00;
	[tilespmem:s17+$0x2C00] =	vst v6;
	v4 =	vmul.f32 $1.131370830e+01, v4;
	v6 =	vld [tilespmem:s17+$0x2C70]  }
0x57: {  	v7 =	vld [tilespmem:s23+$0x2C00];
	[tilespmem:s17+$0x2C10] =	vst v5;
	v2 =	vmul.f32 $1.131370830e+01, v2  }
0x58: {  	v5 =	vld [tilespmem:s23+$0x2C10];
	[tilespmem:s17+$0x2C20] =	vst v4;
	v0 =	vmul.f32 $1.131370830e+01, v0  }
.Ltmp1:
0x59: {  	v4 =	vld [tilespmem:s23+$0x2C20];
	[tilespmem:s17+$0x2C30] =	vst v2;
	v1 =	vmul.f32 $1.131370830e+01, v1;
	(pc) =	sbr.rel @p0 .LBB2_5-.Ltmp1, $4  }
0x5a: {  	v2 =	vld [tilespmem:s23+$0x2C30];
	[tilespmem:s17+$0x2C40] =	vst v0;
	v3 =	vmul.f32 $1.131370830e+01, v3  }
0x5b: {  	v0 =	vld [tilespmem:s23+$0x2C40];
	[tilespmem:s17+$0x2C50] =	vst v1;
	v8 =	vmul.f32 $1.131370830e+01, v6  }
0x5c: {  	v6 =	vmul.f32 $1.131370830e+01, v7;
	v1 =	vld [tilespmem:s23+$0x2C50];
	[tilespmem:s17+$0x2C60] =	vst v3  }
0x5d: {  	s21 =	sadd.s32 $0x200, s21;
	v5 =	vmul.f32 $1.131370830e+01, v5;
	v3 =	vld [tilespmem:s23+$0x2C60];
	[tilespmem:s17+$0x2C70] =	vst v8;
	s17 =	smov.u32 s23  }
0x5e: {  	[tilespmem:s17+$0x2C00] =	vst v6;
	v4 =	vmul.f32 $1.131370830e+01, v4;
	v6 =	vld [tilespmem:s17+$0x2C70]  }
0x5f: {  	[tilespmem:s17+$0x2C10] =	vst v5;
	v2 =	vmul.f32 $1.131370830e+01, v2  }
0x60: {  	[tilespmem:s17+$0x2C20] =	vst v4;
	v0 =	vmul.f32 $1.131370830e+01, v0  }
0x61: {  	[tilespmem:s17+$0x2C30] =	vst v2;
	v1 =	vmul.f32 $1.131370830e+01, v1  }
0x62: {  	[tilespmem:s17+$0x2C40] =	vst v0;
	v0 =	vmul.f32 $1.131370830e+01, v3  }
0x63: {  	[tilespmem:s17+$0x2C50] =	vst v1;
	v1 =	vmul.f32 $1.131370830e+01, v6  }
0x64: {  	p0 =	seq.s32 s12, $0x13;
	[tilespmem:s17+$0x2C60] =	vst v0  }
0x65: {  	s15 =	sadd.s32 $0x200, s15;
	s25 =	simm.s32 $0x2C00;
	[tilespmem:s17+$0x2C70] =	vst v1;
	s17 =	simm.s32 @!p0 $0xB  }
0x66: {  	[hbm4b:s15+s4] =	stream.linear.scatter [tilespmem:s25], [sflag:$0xC], $0x1000, $0x38;
	[tilespmem:$0xBC00] =	vst v63  }
0x67: {  	_ =	swait.ge @!p0 [sflag:s17], $0x1000  }
0x68: {  	s15 =	sshll.u32 @!p0 s14, $0x5;
	[sflag:s17] =	ssyncset.done @!p0 $0x0  }
0x69: {  	[sflag:s17] =	ssyncadd.s32 @!p0 $0xFFFFF000;
	s17 =	sadd.s32 @!p0 $0x140, s15  }
0x6a: {  	s21 =	simm.s32 @!p0 $0x20;
	s23 =	simm.s32 @!p0 $0x1C00;
	s17 =	sand.u32 @!p0 $0x7FC0, s17  }
0x6b: {  	[tilespmem:s23], [sflag:$0x1] =	stream.indirect.gather @!p0 [hbm4b:s2+s21], $0x80, s17, s21, $0xb8;
	[tilespmem:$0xBC00] =	vst v63  }
0x6c: {  	_ =	swait.ge [sflag:s1], $0x1000  }
0x6d: {  	[sflag:s1] =	ssyncset.done $0x0  }
0x6e: {  	s17 =	simm.s32 $0x0;
	[sflag:s1] =	ssyncadd.s32 $0xFFFFF000  }
0x6f: {  	v3 =	vld [tilespmem:s17+$0x3C00]  }
0x70: {  	v5 =	vld [tilespmem:s17+$0x3C10]  }
0x71: {  	v4 =	vld [tilespmem:s17+$0x3C20]  }
0x72: {  	v2 =	vld [tilespmem:s17+$0x3C30]  }
0x73: {  	v0 =	vld [tilespmem:s17+$0x3C40]  }
0x74: {  	v1 =	vld [tilespmem:s17+$0x3C50];
	v6 =	vmul.f32 $1.131370830e+01, v3  }
0x75: {  	s21 =	sadd.s32 $0x2, s14;
	s23 =	simm.s32 $0x200;
	v5 =	vmul.f32 $1.131370830e+01, v5;
	v3 =	vld [tilespmem:s17+$0x3C60]  }
.LBB2_7:
0x76: {  	s25 =	sshra.s32 s23, $0x2;
	p1 =	sne.s32 s23, $0x3E00;
	[tilespmem:s17+$0x3C00] =	vst v6;
	v4 =	vmul.f32 $1.131370830e+01, v4;
	v6 =	vld [tilespmem:s17+$0x3C70]  }
0x77: {  	v7 =	vld [tilespmem:s25+$0x3C00];
	[tilespmem:s17+$0x3C10] =	vst v5;
	v2 =	vmul.f32 $1.131370830e+01, v2  }
0x78: {  	v5 =	vld [tilespmem:s25+$0x3C10];
	[tilespmem:s17+$0x3C20] =	vst v4;
	v0 =	vmul.f32 $1.131370830e+01, v0  }
.Ltmp2:
0x79: {  	v4 =	vld [tilespmem:s25+$0x3C20];
	[tilespmem:s17+$0x3C30] =	vst v2;
	v1 =	vmul.f32 $1.131370830e+01, v1;
	(pc) =	sbr.rel @p1 .LBB2_7-.Ltmp2, $4  }
0x7a: {  	v2 =	vld [tilespmem:s25+$0x3C30];
	[tilespmem:s17+$0x3C40] =	vst v0;
	v3 =	vmul.f32 $1.131370830e+01, v3  }
0x7b: {  	v0 =	vld [tilespmem:s25+$0x3C40];
	[tilespmem:s17+$0x3C50] =	vst v1;
	v8 =	vmul.f32 $1.131370830e+01, v6  }
0x7c: {  	v6 =	vmul.f32 $1.131370830e+01, v7;
	v1 =	vld [tilespmem:s25+$0x3C50];
	[tilespmem:s17+$0x3C60] =	vst v3  }
0x7d: {  	s23 =	sadd.s32 $0x200, s23;
	v5 =	vmul.f32 $1.131370830e+01, v5;
	v3 =	vld [tilespmem:s25+$0x3C60];
	[tilespmem:s17+$0x3C70] =	vst v8;
	s17 =	smov.u32 s25  }
0x7e: {  	[tilespmem:s17+$0x3C00] =	vst v6;
	v4 =	vmul.f32 $1.131370830e+01, v4;
	v6 =	vld [tilespmem:s17+$0x3C70]  }
0x7f: {  	[tilespmem:s17+$0x3C10] =	vst v5;
	v2 =	vmul.f32 $1.131370830e+01, v2  }
0x80: {  	[tilespmem:s17+$0x3C20] =	vst v4;
	v0 =	vmul.f32 $1.131370830e+01, v0  }
0x81: {  	s23 =	sshll.u32 s21, $0x5;
	[tilespmem:s17+$0x3C30] =	vst v2;
	v1 =	vmul.f32 $1.131370830e+01, v1  }
0x82: {  	s25 =	sshll.u32 s21, $0xE;
	s23 =	sand.u32 $0x40, s23;
	[tilespmem:s17+$0x3C40] =	vst v0;
	v0 =	vmul.f32 $1.131370830e+01, v3  }
0x83: {  	s21 =	sand.u32 $0xFF0000, s25;
	s23 =	sor.u32 s5, s23;
	[tilespmem:s17+$0x3C50] =	vst v1;
	v1 =	vmul.f32 $1.131370830e+01, v6  }
0x84: {  	s21 =	sadd.s32 s3, s21;
	s23 =	sshll.u32 s23, $0x4;
	[tilespmem:s17+$0x3C60] =	vst v0  }
0x85: {  	s25 =	simm.s32 $0x3C00;
	s23 =	sadd.s32 s23, s21;
	[tilespmem:s17+$0x3C70] =	vst v1;
	s17 =	simm.s32 @!p0 $0xC  }
0x86: {  	[hbm4b:s23+s4] =	stream.linear.scatter [tilespmem:s25], [sflag:$0xD], $0x1000, $0x38;
	[tilespmem:$0xBC00] =	vst v63  }
0x87: {  	_ =	swait.ge @!p0 [sflag:s17], $0x1000  }
0x88: {  	[sflag:s17] =	ssyncset.done @!p0 $0x0  }
0x89: {  	[sflag:s17] =	ssyncadd.s32 @!p0 $0xFFFFF000;
	s17 =	sadd.s32 @!p0 $0x160, s15  }
0x8a: {  	s21 =	simm.s32 @!p0 $0x20;
	s23 =	simm.s32 @!p0 $0x2C00;
	s17 =	sand.u32 @!p0 $0x7FE0, s17  }
0x8b: {  	[tilespmem:s23], [sflag:$0x2] =	stream.indirect.gather @!p0 [hbm4b:s2+s21], $0x80, s17, s21, $0xb8;
	[tilespmem:$0xBC00] =	vst v63  }
0x8c: {  	_ =	swait.ge [sflag:s9], $0x1000  }
0x8d: {  	[sflag:s9] =	ssyncset.done $0x0  }
0x8e: {  	s17 =	simm.s32 $0x0;
	[sflag:s9] =	ssyncadd.s32 $0xFFFFF000  }
0x8f: {  	v3 =	vld [tilespmem:s17+$0x4C00]  }
0x90: {  	v5 =	vld [tilespmem:s17+$0x4C10]  }
0x91: {  	v4 =	vld [tilespmem:s17+$0x4C20]  }
0x92: {  	v2 =	vld [tilespmem:s17+$0x4C30]  }
0x93: {  	v0 =	vld [tilespmem:s17+$0x4C40]  }
0x94: {  	v1 =	vld [tilespmem:s17+$0x4C50];
	v6 =	vmul.f32 $1.131370830e+01, v3  }
0x95: {  	s21 =	sadd.s32 $0x3, s14;
	s23 =	simm.s32 $0x200;
	v5 =	vmul.f32 $1.131370830e+01, v5;
	v3 =	vld [tilespmem:s17+$0x4C60]  }
.LBB2_9:
0x96: {  	s25 =	sshra.s32 s23, $0x2;
	p1 =	sne.s32 s23, $0x3E00;
	[tilespmem:s17+$0x4C00] =	vst v6;
	v4 =	vmul.f32 $1.131370830e+01, v4;
	v6 =	vld [tilespmem:s17+$0x4C70]  }
0x97: {  	v7 =	vld [tilespmem:s25+$0x4C00];
	[tilespmem:s17+$0x4C10] =	vst v5;
	v2 =	vmul.f32 $1.131370830e+01, v2  }
0x98: {  	v5 =	vld [tilespmem:s25+$0x4C10];
	[tilespmem:s17+$0x4C20] =	vst v4;
	v0 =	vmul.f32 $1.131370830e+01, v0  }
.Ltmp3:
0x99: {  	v4 =	vld [tilespmem:s25+$0x4C20];
	[tilespmem:s17+$0x4C30] =	vst v2;
	v1 =	vmul.f32 $1.131370830e+01, v1;
	(pc) =	sbr.rel @p1 .LBB2_9-.Ltmp3, $4  }
0x9a: {  	v2 =	vld [tilespmem:s25+$0x4C30];
	[tilespmem:s17+$0x4C40] =	vst v0;
	v3 =	vmul.f32 $1.131370830e+01, v3  }
0x9b: {  	v0 =	vld [tilespmem:s25+$0x4C40];
	[tilespmem:s17+$0x4C50] =	vst v1;
	v8 =	vmul.f32 $1.131370830e+01, v6  }
0x9c: {  	v6 =	vmul.f32 $1.131370830e+01, v7;
	v1 =	vld [tilespmem:s25+$0x4C50];
	[tilespmem:s17+$0x4C60] =	vst v3  }
0x9d: {  	s23 =	sadd.s32 $0x200, s23;
	v5 =	vmul.f32 $1.131370830e+01, v5;
	v3 =	vld [tilespmem:s25+$0x4C60];
	[tilespmem:s17+$0x4C70] =	vst v8;
	s17 =	smov.u32 s25  }
0x9e: {  	[tilespmem:s17+$0x4C00] =	vst v6;
	v4 =	vmul.f32 $1.131370830e+01, v4;
	v6 =	vld [tilespmem:s17+$0x4C70]  }
0x9f: {  	[tilespmem:s17+$0x4C10] =	vst v5;
	v2 =	vmul.f32 $1.131370830e+01, v2  }
0xa0: {  	[tilespmem:s17+$0x4C20] =	vst v4;
	v0 =	vmul.f32 $1.131370830e+01, v0  }
0xa1: {  	s23 =	sshll.u32 s21, $0x5;
	[tilespmem:s17+$0x4C30] =	vst v2;
	v1 =	vmul.f32 $1.131370830e+01, v1  }
0xa2: {  	s25 =	sshll.u32 s21, $0xE;
	s23 =	sand.u32 $0x60, s23;
	[tilespmem:s17+$0x4C40] =	vst v0;
	v0 =	vmul.f32 $1.131370830e+01, v3  }
0xa3: {  	s21 =	sand.u32 $0xFF0000, s25;
	s23 =	sor.u32 s5, s23;
	[tilespmem:s17+$0x4C50] =	vst v1;
	v1 =	vmul.f32 $1.131370830e+01, v6  }
0xa4: {  	s25 =	simm.s32 $0x4C00;
	s21 =	sadd.s32 s3, s21;
	s23 =	sshll.u32 s23, $0x4;
	[tilespmem:s17+$0x4C60] =	vst v0  }
0xa5: {  	s23 =	sadd.s32 s23, s21;
	s21 =	simm.s32 @!p0 $0xD;
	[tilespmem:s17+$0x4C70] =	vst v1;
	s17 =	smul.u32 @!p0 $0x500, s12  }
0xa6: {  	[hbm4b:s23+s4] =	stream.linear.scatter [tilespmem:s25], [sflag:$0xE], $0x1000, $0x38;
	[tilespmem:$0xBC00] =	vst v63  }
0xa7: {  	_ =	swait.ge @!p0 [sflag:s21], $0x1000;
	s23 =	sadd.s32 @!p0 $0x600, s17  }
0xa8: {  	[sflag:s21] =	ssyncset.done @!p0 $0x0;
	s23 =	sand.u32 @!p0 $0x1FE00, s23  }
0xa9: {  	[sflag:s21] =	ssyncadd.s32 @!p0 $0xFFFFF000;
	s21 =	sshrl.u32 @!p0 s23, $0x2  }
0xaa: {  	s25 =	simm.s32 @!p0 $0x3C00;
	s23 =	simm.s32 @!p0 $0x20;
	s21 =	sor.u32 @!p0 s8, s21  }
0xab: {  	[tilespmem:s25], [sflag:$0x3] =	stream.indirect.gather @!p0 [hbm4b:s2+s23], $0x80, s21, s23, $0xb8;
	[tilespmem:$0xBC00] =	vst v63  }
0xac: {  	_ =	swait.ge [sflag:s10], $0x1000  }
0xad: {  	[sflag:s10] =	ssyncset.done $0x0  }
0xae: {  	s21 =	simm.s32 $0x0;
	[sflag:s10] =	ssyncadd.s32 $0xFFFFF000  }
0xaf: {  	v3 =	vld [tilespmem:s21+$0x5C00]  }
0xb0: {  	v5 =	vld [tilespmem:s21+$0x5C10]  }
0xb1: {  	v4 =	vld [tilespmem:s21+$0x5C20]  }
0xb2: {  	v2 =	vld [tilespmem:s21+$0x5C30]  }
0xb3: {  	v0 =	vld [tilespmem:s21+$0x5C40]  }
0xb4: {  	v1 =	vld [tilespmem:s21+$0x5C50];
	v6 =	vmul.f32 $1.131370830e+01, v3  }
0xb5: {  	s23 =	simm.s32 $0x200;
	v5 =	vmul.f32 $1.131370830e+01, v5;
	v3 =	vld [tilespmem:s21+$0x5C60]  }
.LBB2_11:
0xb6: {  	s25 =	sshra.s32 s23, $0x2;
	p1 =	sne.s32 s23, $0x3E00;
	[tilespmem:s21+$0x5C00] =	vst v6;
	v4 =	vmul.f32 $1.131370830e+01, v4;
	v6 =	vld [tilespmem:s21+$0x5C70]  }
0xb7: {  	v7 =	vld [tilespmem:s25+$0x5C00];
	[tilespmem:s21+$0x5C10] =	vst v5;
	v2 =	vmul.f32 $1.131370830e+01, v2  }
0xb8: {  	v5 =	vld [tilespmem:s25+$0x5C10];
	[tilespmem:s21+$0x5C20] =	vst v4;
	v0 =	vmul.f32 $1.131370830e+01, v0  }
.Ltmp4:
0xb9: {  	v4 =	vld [tilespmem:s25+$0x5C20];
	[tilespmem:s21+$0x5C30] =	vst v2;
	v1 =	vmul.f32 $1.131370830e+01, v1;
	(pc) =	sbr.rel @p1 .LBB2_11-.Ltmp4, $4  }
0xba: {  	v2 =	vld [tilespmem:s25+$0x5C30];
	[tilespmem:s21+$0x5C40] =	vst v0;
	v3 =	vmul.f32 $1.131370830e+01, v3  }
0xbb: {  	v0 =	vld [tilespmem:s25+$0x5C40];
	[tilespmem:s21+$0x5C50] =	vst v1;
	v8 =	vmul.f32 $1.131370830e+01, v6  }
0xbc: {  	v6 =	vmul.f32 $1.131370830e+01, v7;
	v1 =	vld [tilespmem:s25+$0x5C50];
	[tilespmem:s21+$0x5C60] =	vst v3  }
0xbd: {  	s23 =	sadd.s32 $0x200, s23;
	v5 =	vmul.f32 $1.131370830e+01, v5;
	v3 =	vld [tilespmem:s25+$0x5C60];
	[tilespmem:s21+$0x5C70] =	vst v8;
	s21 =	smov.u32 s25  }
0xbe: {  	[tilespmem:s21+$0x5C00] =	vst v6;
	v4 =	vmul.f32 $1.131370830e+01, v4;
	v6 =	vld [tilespmem:s21+$0x5C70]  }
0xbf: {  	[tilespmem:s21+$0x5C10] =	vst v5;
	v2 =	vmul.f32 $1.131370830e+01, v2  }
0xc0: {  	[tilespmem:s21+$0x5C20] =	vst v4;
	v0 =	vmul.f32 $1.131370830e+01, v0  }
0xc1: {  	[tilespmem:s21+$0x5C30] =	vst v2;
	v1 =	vmul.f32 $1.131370830e+01, v1  }
0xc2: {  	s19 =	sadd.s32 $0x10000, s19;
	[tilespmem:s21+$0x5C40] =	vst v0;
	v0 =	vmul.f32 $1.131370830e+01, v3  }
0xc3: {  	s19 =	sand.u32 $0xFF0000, s19;
	[tilespmem:s21+$0x5C50] =	vst v1;
	v1 =	vmul.f32 $1.131370830e+01, v6  }
0xc4: {  	s19 =	sadd.s32 s3, s19;
	[tilespmem:s21+$0x5C60] =	vst v0  }
0xc5: {  	s25 =	simm.s32 $0x5C00;
	s19 =	sadd.s32 s6, s19;
	[tilespmem:s21+$0x5C70] =	vst v1  }
0xc6: {  	[hbm4b:s19+s4] =	stream.linear.scatter [tilespmem:s25], [sflag:$0xF], $0x1000, $0x38;
	[tilespmem:$0xBC00] =	vst v63  }
0xc7: {  	s19 =	simm.s32 @!p0 $0xE  }
0xc8: {  	_ =	swait.ge @!p0 [sflag:s19], $0x1000  }
0xc9: {  	[sflag:s19] =	ssyncset.done @!p0 $0x0  }
0xca: {  	[sflag:s19] =	ssyncadd.s32 @!p0 $0xFFFFF000;
	s19 =	sadd.s32 @!p0 $0x1A0, s15  }
0xcb: {  	s23 =	simm.s32 @!p0 $0x4C00;
	s21 =	simm.s32 @!p0 $0x20;
	s19 =	sand.u32 @!p0 $0x7FE0, s19  }
0xcc: {  	[tilespmem:s23], [sflag:$0x4] =	stream.indirect.gather @!p0 [hbm4b:s2+s21], $0x80, s19, s21, $0xb8;
	[tilespmem:$0xBC00] =	vst v63  }
0xcd: {  	_ =	swait.ge [sflag:s11], $0x1000  }
0xce: {  	[sflag:s11] =	ssyncset.done $0x0  }
0xcf: {  	s19 =	simm.s32 $0x0;
	[sflag:s11] =	ssyncadd.s32 $0xFFFFF000  }
0xd0: {  	v3 =	vld [tilespmem:s19+$0x6C00]  }
0xd1: {  	v5 =	vld [tilespmem:s19+$0x6C10]  }
0xd2: {  	v4 =	vld [tilespmem:s19+$0x6C20]  }
0xd3: {  	v2 =	vld [tilespmem:s19+$0x6C30]  }
0xd4: {  	v0 =	vld [tilespmem:s19+$0x6C40]  }
0xd5: {  	v1 =	vld [tilespmem:s19+$0x6C50];
	v6 =	vmul.f32 $1.131370830e+01, v3  }
0xd6: {  	s21 =	sadd.s32 $0x5, s14;
	s23 =	simm.s32 $0x200;
	v5 =	vmul.f32 $1.131370830e+01, v5;
	v3 =	vld [tilespmem:s19+$0x6C60]  }
.LBB2_13:
0xd7: {  	s25 =	sshra.s32 s23, $0x2;
	p1 =	sne.s32 s23, $0x3E00;
	[tilespmem:s19+$0x6C00] =	vst v6;
	v4 =	vmul.f32 $1.131370830e+01, v4;
	v6 =	vld [tilespmem:s19+$0x6C70]  }
0xd8: {  	v7 =	vld [tilespmem:s25+$0x6C00];
	[tilespmem:s19+$0x6C10] =	vst v5;
	v2 =	vmul.f32 $1.131370830e+01, v2  }
0xd9: {  	v5 =	vld [tilespmem:s25+$0x6C10];
	[tilespmem:s19+$0x6C20] =	vst v4;
	v0 =	vmul.f32 $1.131370830e+01, v0  }
.Ltmp5:
0xda: {  	v4 =	vld [tilespmem:s25+$0x6C20];
	[tilespmem:s19+$0x6C30] =	vst v2;
	v1 =	vmul.f32 $1.131370830e+01, v1;
	(pc) =	sbr.rel @p1 .LBB2_13-.Ltmp5, $4  }
0xdb: {  	v2 =	vld [tilespmem:s25+$0x6C30];
	[tilespmem:s19+$0x6C40] =	vst v0;
	v3 =	vmul.f32 $1.131370830e+01, v3  }
0xdc: {  	v0 =	vld [tilespmem:s25+$0x6C40];
	[tilespmem:s19+$0x6C50] =	vst v1;
	v8 =	vmul.f32 $1.131370830e+01, v6  }
0xdd: {  	v6 =	vmul.f32 $1.131370830e+01, v7;
	v1 =	vld [tilespmem:s25+$0x6C50];
	[tilespmem:s19+$0x6C60] =	vst v3  }
0xde: {  	s23 =	sadd.s32 $0x200, s23;
	v5 =	vmul.f32 $1.131370830e+01, v5;
	v3 =	vld [tilespmem:s25+$0x6C60];
	[tilespmem:s19+$0x6C70] =	vst v8;
	s19 =	smov.u32 s25  }
0xdf: {  	[tilespmem:s19+$0x6C00] =	vst v6;
	v4 =	vmul.f32 $1.131370830e+01, v4;
	v6 =	vld [tilespmem:s19+$0x6C70]  }
0xe0: {  	[tilespmem:s19+$0x6C10] =	vst v5;
	v2 =	vmul.f32 $1.131370830e+01, v2  }
0xe1: {  	[tilespmem:s19+$0x6C20] =	vst v4;
	v0 =	vmul.f32 $1.131370830e+01, v0  }
0xe2: {  	s23 =	sshll.u32 s21, $0x5;
	[tilespmem:s19+$0x6C30] =	vst v2;
	v1 =	vmul.f32 $1.131370830e+01, v1  }
0xe3: {  	s25 =	sshll.u32 s21, $0xE;
	s23 =	sand.u32 $0x60, s23;
	[tilespmem:s19+$0x6C40] =	vst v0;
	v0 =	vmul.f32 $1.131370830e+01, v3  }
0xe4: {  	s21 =	sand.u32 $0xFF0000, s25;
	s23 =	sor.u32 s5, s23;
	[tilespmem:s19+$0x6C50] =	vst v1;
	v1 =	vmul.f32 $1.131370830e+01, v6  }
0xe5: {  	s21 =	sadd.s32 s3, s21;
	s23 =	sshll.u32 s23, $0x4;
	[tilespmem:s19+$0x6C60] =	vst v0  }
0xe6: {  	s25 =	simm.s32 $0x6C00;
	s23 =	sadd.s32 s23, s21;
	[tilespmem:s19+$0x6C70] =	vst v1;
	s19 =	simm.s32 @!p0 $0xF  }
0xe7: {  	[hbm4b:s23+s4] =	stream.linear.scatter [tilespmem:s25], [sflag:$0x10], $0x1000, $0x38;
	[tilespmem:$0xBC00] =	vst v63  }
0xe8: {  	_ =	swait.ge @!p0 [sflag:s19], $0x1000  }
0xe9: {  	[sflag:s19] =	ssyncset.done @!p0 $0x0  }
0xea: {  	[sflag:s19] =	ssyncadd.s32 @!p0 $0xFFFFF000;
	s19 =	sadd.s32 @!p0 $0x1C0, s15  }
0xeb: {  	s21 =	simm.s32 @!p0 $0x20;
	s23 =	simm.s32 @!p0 $0x5C00;
	s19 =	sand.u32 @!p0 $0x7FC0, s19  }
0xec: {  	[tilespmem:s23], [sflag:$0x5] =	stream.indirect.gather @!p0 [hbm4b:s2+s21], $0x80, s19, s21, $0xb8;
	[tilespmem:$0xBC00] =	vst v63  }
0xed: {  	_ =	swait.ge [sflag:s16], $0x1000  }
0xee: {  	[sflag:s16] =	ssyncset.done $0x0  }
0xef: {  	s19 =	simm.s32 $0x0;
	[sflag:s16] =	ssyncadd.s32 $0xFFFFF000  }
0xf0: {  	v3 =	vld [tilespmem:s19+$0x7C00]  }
0xf1: {  	v5 =	vld [tilespmem:s19+$0x7C10]  }
0xf2: {  	v4 =	vld [tilespmem:s19+$0x7C20]  }
0xf3: {  	v2 =	vld [tilespmem:s19+$0x7C30]  }
0xf4: {  	v0 =	vld [tilespmem:s19+$0x7C40]  }
0xf5: {  	v1 =	vld [tilespmem:s19+$0x7C50];
	v6 =	vmul.f32 $1.131370830e+01, v3  }
0xf6: {  	s21 =	sadd.s32 $0x6, s14;
	s23 =	simm.s32 $0x200;
	v5 =	vmul.f32 $1.131370830e+01, v5;
	v3 =	vld [tilespmem:s19+$0x7C60]  }
.LBB2_15:
0xf7: {  	s25 =	sshra.s32 s23, $0x2;
	p1 =	sne.s32 s23, $0x3E00;
	[tilespmem:s19+$0x7C00] =	vst v6;
	v4 =	vmul.f32 $1.131370830e+01, v4;
	v6 =	vld [tilespmem:s19+$0x7C70]  }
0xf8: {  	v7 =	vld [tilespmem:s25+$0x7C00];
	[tilespmem:s19+$0x7C10] =	vst v5;
	v2 =	vmul.f32 $1.131370830e+01, v2  }
0xf9: {  	v5 =	vld [tilespmem:s25+$0x7C10];
	[tilespmem:s19+$0x7C20] =	vst v4;
	v0 =	vmul.f32 $1.131370830e+01, v0  }
.Ltmp6:
0xfa: {  	v4 =	vld [tilespmem:s25+$0x7C20];
	[tilespmem:s19+$0x7C30] =	vst v2;
	v1 =	vmul.f32 $1.131370830e+01, v1;
	(pc) =	sbr.rel @p1 .LBB2_15-.Ltmp6, $4  }
0xfb: {  	v2 =	vld [tilespmem:s25+$0x7C30];
	[tilespmem:s19+$0x7C40] =	vst v0;
	v3 =	vmul.f32 $1.131370830e+01, v3  }
0xfc: {  	v0 =	vld [tilespmem:s25+$0x7C40];
	[tilespmem:s19+$0x7C50] =	vst v1;
	v8 =	vmul.f32 $1.131370830e+01, v6  }
0xfd: {  	v6 =	vmul.f32 $1.131370830e+01, v7;
	v1 =	vld [tilespmem:s25+$0x7C50];
	[tilespmem:s19+$0x7C60] =	vst v3  }
0xfe: {  	s23 =	sadd.s32 $0x200, s23;
	v5 =	vmul.f32 $1.131370830e+01, v5;
	v3 =	vld [tilespmem:s25+$0x7C60];
	[tilespmem:s19+$0x7C70] =	vst v8;
	s19 =	smov.u32 s25  }
0xff: {  	[tilespmem:s19+$0x7C00] =	vst v6;
	v4 =	vmul.f32 $1.131370830e+01, v4;
	v6 =	vld [tilespmem:s19+$0x7C70]  }
0x100: {  	[tilespmem:s19+$0x7C10] =	vst v5;
	v2 =	vmul.f32 $1.131370830e+01, v2  }
0x101: {  	[tilespmem:s19+$0x7C20] =	vst v4;
	v0 =	vmul.f32 $1.131370830e+01, v0  }
0x102: {  	s23 =	sshll.u32 s21, $0x5;
	[tilespmem:s19+$0x7C30] =	vst v2;
	v1 =	vmul.f32 $1.131370830e+01, v1  }
0x103: {  	s25 =	sshll.u32 s21, $0xE;
	s23 =	sand.u32 $0x40, s23;
	[tilespmem:s19+$0x7C40] =	vst v0;
	v0 =	vmul.f32 $1.131370830e+01, v3  }
0x104: {  	s21 =	sand.u32 $0xFF0000, s25;
	s23 =	sor.u32 s5, s23;
	[tilespmem:s19+$0x7C50] =	vst v1;
	v1 =	vmul.f32 $1.131370830e+01, v6  }
0x105: {  	s21 =	sadd.s32 s3, s21;
	s23 =	sshll.u32 s23, $0x4;
	[tilespmem:s19+$0x7C60] =	vst v0  }
0x106: {  	s25 =	simm.s32 $0x7C00;
	s23 =	sadd.s32 s23, s21;
	[tilespmem:s19+$0x7C70] =	vst v1;
	s19 =	simm.s32 @!p0 $0x10  }
0x107: {  	[hbm4b:s23+s4] =	stream.linear.scatter [tilespmem:s25], [sflag:$0x11], $0x1000, $0x38;
	[tilespmem:$0xBC00] =	vst v63  }
0x108: {  	_ =	swait.ge @!p0 [sflag:s19], $0x1000  }
0x109: {  	[sflag:s19] =	ssyncset.done @!p0 $0x0  }
0x10a: {  	[sflag:s19] =	ssyncadd.s32 @!p0 $0xFFFFF000;
	s19 =	sadd.s32 @!p0 $0x1E0, s15  }
0x10b: {  	s21 =	simm.s32 @!p0 $0x20;
	s23 =	simm.s32 @!p0 $0x6C00;
	s19 =	sand.u32 @!p0 $0x7FE0, s19  }
0x10c: {  	[tilespmem:s23], [sflag:$0x6] =	stream.indirect.gather @!p0 [hbm4b:s2+s21], $0x80, s19, s21, $0xb8;
	[tilespmem:$0xBC00] =	vst v63  }
0x10d: {  	_ =	swait.ge [sflag:s18], $0x1000  }
0x10e: {  	[sflag:s18] =	ssyncset.done $0x0  }
0x10f: {  	s19 =	simm.s32 $0x0;
	[sflag:s18] =	ssyncadd.s32 $0xFFFFF000  }
0x110: {  	v3 =	vld [tilespmem:s19+$0x8C00]  }
0x111: {  	v5 =	vld [tilespmem:s19+$0x8C10]  }
0x112: {  	v4 =	vld [tilespmem:s19+$0x8C20]  }
0x113: {  	v2 =	vld [tilespmem:s19+$0x8C30]  }
0x114: {  	v0 =	vld [tilespmem:s19+$0x8C40]  }
0x115: {  	v1 =	vld [tilespmem:s19+$0x8C50];
	v6 =	vmul.f32 $1.131370830e+01, v3  }
0x116: {  	s14 =	sadd.s32 $0x7, s14;
	s21 =	simm.s32 $0x200;
	v5 =	vmul.f32 $1.131370830e+01, v5;
	v3 =	vld [tilespmem:s19+$0x8C60]  }
.LBB2_17:
0x117: {  	s23 =	sshra.s32 s21, $0x2;
	p1 =	sne.s32 s21, $0x3E00;
	[tilespmem:s19+$0x8C00] =	vst v6;
	v4 =	vmul.f32 $1.131370830e+01, v4;
	v6 =	vld [tilespmem:s19+$0x8C70]  }
0x118: {  	v7 =	vld [tilespmem:s23+$0x8C00];
	[tilespmem:s19+$0x8C10] =	vst v5;
	v2 =	vmul.f32 $1.131370830e+01, v2  }
0x119: {  	v5 =	vld [tilespmem:s23+$0x8C10];
	[tilespmem:s19+$0x8C20] =	vst v4;
	v0 =	vmul.f32 $1.131370830e+01, v0  }
.Ltmp7:
0x11a: {  	v4 =	vld [tilespmem:s23+$0x8C20];
	[tilespmem:s19+$0x8C30] =	vst v2;
	v1 =	vmul.f32 $1.131370830e+01, v1;
	(pc) =	sbr.rel @p1 .LBB2_17-.Ltmp7, $4  }
0x11b: {  	v2 =	vld [tilespmem:s23+$0x8C30];
	[tilespmem:s19+$0x8C40] =	vst v0;
	v3 =	vmul.f32 $1.131370830e+01, v3  }
0x11c: {  	v0 =	vld [tilespmem:s23+$0x8C40];
	[tilespmem:s19+$0x8C50] =	vst v1;
	v8 =	vmul.f32 $1.131370830e+01, v6  }
0x11d: {  	v6 =	vmul.f32 $1.131370830e+01, v7;
	v1 =	vld [tilespmem:s23+$0x8C50];
	[tilespmem:s19+$0x8C60] =	vst v3  }
0x11e: {  	s21 =	sadd.s32 $0x200, s21;
	v5 =	vmul.f32 $1.131370830e+01, v5;
	v3 =	vld [tilespmem:s23+$0x8C60];
	[tilespmem:s19+$0x8C70] =	vst v8;
	s19 =	smov.u32 s23  }
0x11f: {  	[tilespmem:s19+$0x8C00] =	vst v6;
	v4 =	vmul.f32 $1.131370830e+01, v4;
	v6 =	vld [tilespmem:s19+$0x8C70]  }
0x120: {  	[tilespmem:s19+$0x8C10] =	vst v5;
	v2 =	vmul.f32 $1.131370830e+01, v2  }
0x121: {  	[tilespmem:s19+$0x8C20] =	vst v4;
	v0 =	vmul.f32 $1.131370830e+01, v0  }
0x122: {  	s21 =	sshll.u32 s14, $0x5;
	[tilespmem:s19+$0x8C30] =	vst v2;
	v1 =	vmul.f32 $1.131370830e+01, v1  }
0x123: {  	s25 =	sshll.u32 s14, $0xE;
	s21 =	sand.u32 $0x60, s21;
	[tilespmem:s19+$0x8C40] =	vst v0;
	v0 =	vmul.f32 $1.131370830e+01, v3  }
0x124: {  	s14 =	sand.u32 $0xFF0000, s25;
	s21 =	sor.u32 s5, s21;
	[tilespmem:s19+$0x8C50] =	vst v1;
	v1 =	vmul.f32 $1.131370830e+01, v6  }
0x125: {  	s14 =	sadd.s32 s3, s14;
	s21 =	sshll.u32 s21, $0x4;
	[tilespmem:s19+$0x8C60] =	vst v0  }
0x126: {  	s14 =	sadd.s32 s21, s14;
	[tilespmem:s19+$0x8C70] =	vst v1  }
0x127: {  	[hbm4b:s14+s4] =	stream.linear.scatter [tilespmem:s28], [sflag:$0x12], $0x1000, $0x38;
	[tilespmem:$0xBC00] =	vst v63  }
0x128: {  	s14 =	simm.s32 @!p0 $0x11  }
0x129: {  	s17 =	sadd.s32 @!p0 $0x800, s17;
	_ =	swait.ge @!p0 [sflag:s14], $0x1000  }
0x12a: {  	s17 =	sand.u32 @!p0 $0x1FE00, s17;
	[sflag:s14] =	ssyncset.done @!p0 $0x0  }
0x12b: {  	[sflag:s14] =	ssyncadd.s32 @!p0 $0xFFFFF000;
	s14 =	sshrl.u32 @!p0 s17, $0x2  }
0x12c: {  	s17 =	simm.s32 @!p0 $0x7C00;
	s8 =	sor.u32 @!p0 s8, s14;
	s14 =	simm.s32 @!p0 $0x20  }
0x12d: {  	[tilespmem:s17], [sflag:$0x7] =	stream.indirect.gather @!p0 [hbm4b:s2+s14], $0x80, s8, s14, $0xb8;
	[tilespmem:$0xBC00] =	vst v63  }
0x12e: {  	_ =	swait.ge [sflag:s20], $0x1000  }
0x12f: {  	[sflag:s20] =	ssyncset.done $0x0  }
0x130: {  	s8 =	simm.s32 $0x0;
	[sflag:s20] =	ssyncadd.s32 $0xFFFFF000  }
0x131: {  	v3 =	vld [tilespmem:s8+$0x9C00]  }
0x132: {  	v5 =	vld [tilespmem:s8+$0x9C10]  }
0x133: {  	v4 =	vld [tilespmem:s8+$0x9C20]  }
0x134: {  	v2 =	vld [tilespmem:s8+$0x9C30]  }
0x135: {  	v0 =	vld [tilespmem:s8+$0x9C40]  }
0x136: {  	v1 =	vld [tilespmem:s8+$0x9C50];
	v6 =	vmul.f32 $1.131370830e+01, v3  }
0x137: {  	s14 =	simm.s32 $0x200;
	v5 =	vmul.f32 $1.131370830e+01, v5;
	v3 =	vld [tilespmem:s8+$0x9C60]  }
.LBB2_19:
0x138: {  	s17 =	sshra.s32 s14, $0x2;
	p1 =	sne.s32 s14, $0x3E00;
	[tilespmem:s8+$0x9C00] =	vst v6;
	v4 =	vmul.f32 $1.131370830e+01, v4;
	v6 =	vld [tilespmem:s8+$0x9C70]  }
0x139: {  	v7 =	vld [tilespmem:s17+$0x9C00];
	[tilespmem:s8+$0x9C10] =	vst v5;
	v2 =	vmul.f32 $1.131370830e+01, v2  }
0x13a: {  	v5 =	vld [tilespmem:s17+$0x9C10];
	[tilespmem:s8+$0x9C20] =	vst v4;
	v0 =	vmul.f32 $1.131370830e+01, v0  }
.Ltmp8:
0x13b: {  	v4 =	vld [tilespmem:s17+$0x9C20];
	[tilespmem:s8+$0x9C30] =	vst v2;
	v1 =	vmul.f32 $1.131370830e+01, v1;
	(pc) =	sbr.rel @p1 .LBB2_19-.Ltmp8, $4  }
0x13c: {  	v2 =	vld [tilespmem:s17+$0x9C30];
	[tilespmem:s8+$0x9C40] =	vst v0;
	v3 =	vmul.f32 $1.131370830e+01, v3  }
0x13d: {  	v0 =	vld [tilespmem:s17+$0x9C40];
	[tilespmem:s8+$0x9C50] =	vst v1;
	v8 =	vmul.f32 $1.131370830e+01, v6  }
0x13e: {  	v6 =	vmul.f32 $1.131370830e+01, v7;
	v1 =	vld [tilespmem:s17+$0x9C50];
	[tilespmem:s8+$0x9C60] =	vst v3  }
0x13f: {  	s14 =	sadd.s32 $0x200, s14;
	v5 =	vmul.f32 $1.131370830e+01, v5;
	v3 =	vld [tilespmem:s17+$0x9C60];
	[tilespmem:s8+$0x9C70] =	vst v8;
	s8 =	smov.u32 s17  }
0x140: {  	[tilespmem:s8+$0x9C00] =	vst v6;
	v4 =	vmul.f32 $1.131370830e+01, v4;
	v6 =	vld [tilespmem:s8+$0x9C70]  }
0x141: {  	[tilespmem:s8+$0x9C10] =	vst v5;
	v2 =	vmul.f32 $1.131370830e+01, v2  }
0x142: {  	[tilespmem:s8+$0x9C20] =	vst v4;
	v0 =	vmul.f32 $1.131370830e+01, v0  }
0x143: {  	[tilespmem:s8+$0x9C30] =	vst v2;
	v1 =	vmul.f32 $1.131370830e+01, v1  }
0x144: {  	s14 =	sshll.u32 s24, $0xE;
	[tilespmem:s8+$0x9C40] =	vst v0;
	v0 =	vmul.f32 $1.131370830e+01, v3  }
0x145: {  	s14 =	sand.u32 $0xFF0000, s14;
	[tilespmem:s8+$0x9C50] =	vst v1;
	v1 =	vmul.f32 $1.131370830e+01, v6  }
0x146: {  	s14 =	sadd.s32 s3, s14;
	[tilespmem:s8+$0x9C60] =	vst v0  }
0x147: {  	s6 =	sadd.s32 s6, s14;
	[tilespmem:s8+$0x9C70] =	vst v1  }
0x148: {  	[hbm4b:s6+s4] =	stream.linear.scatter [tilespmem:s29], [sflag:$0x13], $0x1000, $0x38;
	[tilespmem:$0xBC00] =	vst v63  }
0x149: {  	s6 =	simm.s32 @!p0 $0x12  }
0x14a: {  	_ =	swait.ge @!p0 [sflag:s6], $0x1000  }
0x14b: {  	[sflag:s6] =	ssyncset.done @!p0 $0x0  }
0x14c: {  	[sflag:s6] =	ssyncadd.s32 @!p0 $0xFFFFF000;
	s6 =	sadd.s32 @!p0 $0x220, s15  }
0x14d: {  	s14 =	simm.s32 @!p0 $0x8C00;
	s8 =	simm.s32 @!p0 $0x20;
	s6 =	sand.u32 @!p0 $0x7FE0, s6  }
0x14e: {  	[tilespmem:s14], [sflag:$0x8] =	stream.indirect.gather @!p0 [hbm4b:s2+s8], $0x80, s6, s8, $0xb8;
	[tilespmem:$0xBC00] =	vst v63  }
0x14f: {  	_ =	swait.ge [sflag:s22], $0x1000  }
0x150: {  	[sflag:s22] =	ssyncset.done $0x0  }
0x151: {  	s6 =	simm.s32 $0x0;
	[sflag:s22] =	ssyncadd.s32 $0xFFFFF000  }
0x152: {  	v3 =	vld [tilespmem:s6+$0xAC00]  }
0x153: {  	v5 =	vld [tilespmem:s6+$0xAC10]  }
0x154: {  	v4 =	vld [tilespmem:s6+$0xAC20]  }
0x155: {  	v2 =	vld [tilespmem:s6+$0xAC30]  }
0x156: {  	v0 =	vld [tilespmem:s6+$0xAC40]  }
0x157: {  	v1 =	vld [tilespmem:s6+$0xAC50];
	v6 =	vmul.f32 $1.131370830e+01, v3  }
0x158: {  	s8 =	simm.s32 $0x200;
	v5 =	vmul.f32 $1.131370830e+01, v5;
	v3 =	vld [tilespmem:s6+$0xAC60]  }
.LBB2_21:
0x159: {  	s14 =	sshra.s32 s8, $0x2;
	p0 =	sne.s32 s8, $0x3E00;
	[tilespmem:s6+$0xAC00] =	vst v6;
	v4 =	vmul.f32 $1.131370830e+01, v4;
	v6 =	vld [tilespmem:s6+$0xAC70]  }
0x15a: {  	v7 =	vld [tilespmem:s14+$0xAC00];
	[tilespmem:s6+$0xAC10] =	vst v5;
	v2 =	vmul.f32 $1.131370830e+01, v2  }
0x15b: {  	v5 =	vld [tilespmem:s14+$0xAC10];
	[tilespmem:s6+$0xAC20] =	vst v4;
	v0 =	vmul.f32 $1.131370830e+01, v0  }
.Ltmp9:
0x15c: {  	v4 =	vld [tilespmem:s14+$0xAC20];
	[tilespmem:s6+$0xAC30] =	vst v2;
	v1 =	vmul.f32 $1.131370830e+01, v1;
	(pc) =	sbr.rel @p0 .LBB2_21-.Ltmp9, $4  }
0x15d: {  	v2 =	vld [tilespmem:s14+$0xAC30];
	[tilespmem:s6+$0xAC40] =	vst v0;
	v3 =	vmul.f32 $1.131370830e+01, v3  }
0x15e: {  	v0 =	vld [tilespmem:s14+$0xAC40];
	[tilespmem:s6+$0xAC50] =	vst v1;
	v8 =	vmul.f32 $1.131370830e+01, v6  }
0x15f: {  	v6 =	vmul.f32 $1.131370830e+01, v7;
	v1 =	vld [tilespmem:s14+$0xAC50];
	[tilespmem:s6+$0xAC60] =	vst v3  }
0x160: {  	s8 =	sadd.s32 $0x200, s8;
	v5 =	vmul.f32 $1.131370830e+01, v5;
	v3 =	vld [tilespmem:s14+$0xAC60];
	[tilespmem:s6+$0xAC70] =	vst v8;
	s6 =	smov.u32 s14  }
0x161: {  	[tilespmem:s6+$0xAC00] =	vst v6;
	v4 =	vmul.f32 $1.131370830e+01, v4;
	v61 =	vld [tilespmem:s6+$0xAC70]  }
0x162: {  	[tilespmem:s6+$0xAC10] =	vst v5;
	v2 =	vmul.f32 $1.131370830e+01, v2  }
0x163: {  	s12 =	sadd.s32 $0x1, s12;
	[tilespmem:s6+$0xAC20] =	vst v4;
	v0 =	vmul.f32 $1.131370830e+01, v0  }
0x164: {  	p0 =	sne.s32 s12, $0x14;
	[tilespmem:s6+$0xAC30] =	vst v2;
	v1 =	vmul.f32 $1.131370830e+01, v1  }
.Ltmp10:
0x165: {  	s8 =	sshll.u32 s26, $0xE;
	[tilespmem:s6+$0xAC40] =	vst v0;
	v62 =	vmul.f32 $1.131370830e+01, v3;
	(pc) =	sbr.rel @p0 .LBB2_2-.Ltmp10, $4  }
0x166: {  	s7 =	sor.u32 s5, s7;
	s8 =	sand.u32 $0xFF0000, s8;
	[tilespmem:s6+$0xAC50] =	vst v1;
	v63 =	vmul.f32 $1.131370830e+01, v61  }
0x167: {  	s7 =	sshll.u32 s7, $0x4;
	s8 =	sadd.s32 s3, s8;
	[tilespmem:s6+$0xAC60] =	vst v62  }
0x168: {  	s26 =	sadd.s32 s7, s8;
	[tilespmem:s6+$0xAC70] =	vst v63  }
0x169: {  	[hbm4b:s26+s4] =	stream.linear.scatter [tilespmem:s31], [sflag:$0x14], $0x1000, $0x38;
	[tilespmem:$0xBC00] =	vst v63  }
0x16a: {  	s6 =	simm.s32 $0xB  }
0x16b: {  	_ =	swait.ge [sflag:s6], $0x1000  }
0x16c: {  	[sflag:s6] =	ssyncset.done $0x0  }
0x16d: {  	s14 =	simm.s32 $0xC;
	[sflag:s6] =	ssyncadd.s32 $0xFFFFF000  }
0x16e: {  	_ =	swait.ge [sflag:s14], $0x1000  }
0x16f: {  	[sflag:s14] =	ssyncset.done $0x0  }
0x170: {  	s15 =	simm.s32 $0xD;
	[sflag:s14] =	ssyncadd.s32 $0xFFFFF000  }
0x171: {  	_ =	swait.ge [sflag:s15], $0x1000  }
0x172: {  	[sflag:s15] =	ssyncset.done $0x0  }
0x173: {  	s17 =	simm.s32 $0xE;
	[sflag:s15] =	ssyncadd.s32 $0xFFFFF000  }
0x174: {  	_ =	swait.ge [sflag:s17], $0x1000  }
0x175: {  	[sflag:s17] =	ssyncset.done $0x0  }
0x176: {  	s19 =	simm.s32 $0xF;
	[sflag:s17] =	ssyncadd.s32 $0xFFFFF000  }
0x177: {  	_ =	swait.ge [sflag:s19], $0x1000  }
0x178: {  	[sflag:s19] =	ssyncset.done $0x0  }
0x179: {  	s21 =	simm.s32 $0x10;
	[sflag:s19] =	ssyncadd.s32 $0xFFFFF000  }
0x17a: {  	_ =	swait.ge [sflag:s21], $0x1000  }
0x17b: {  	[sflag:s21] =	ssyncset.done $0x0  }
0x17c: {  	s23 =	simm.s32 $0x11;
	[sflag:s21] =	ssyncadd.s32 $0xFFFFF000  }
0x17d: {  	_ =	swait.ge [sflag:s23], $0x1000  }
0x17e: {  	[sflag:s23] =	ssyncset.done $0x0  }
0x17f: {  	s24 =	simm.s32 $0x12;
	[sflag:s23] =	ssyncadd.s32 $0xFFFFF000  }
0x180: {  	_ =	swait.ge [sflag:s24], $0x1000  }
0x181: {  	[sflag:s24] =	ssyncset.done $0x0  }
0x182: {  	s25 =	simm.s32 $0x13;
	[sflag:s24] =	ssyncadd.s32 $0xFFFFF000  }
0x183: {  	_ =	swait.ge [sflag:s25], $0x1000  }
0x184: {  	[sflag:s25] =	ssyncset.done $0x0  }
0x185: {  	s7 =	simm.s32 $0x14;
	[sflag:s25] =	ssyncadd.s32 $0xFFFFF000  }
0x186: {  	_ =	swait.ge [sflag:s7], $0x1000  }
0x187: {  	s8 =	rddreg [dreg:$0x7]  }
0x188: {  	s26 =	rddreg [dreg:$0x6];
	s8 =	sadd.s32 $0x1, s8  }
0x189: {  	p0 =	sne.s32 s8, s26  }
.Ltmp11:
0x18a: {  	_ = 	snop;
	(pc) =	sbr.rel @p0 .LBB2_1-.Ltmp11, $3  }
0x18b: {  	_ =	sdelay $0x1  }
0x18c: {  	[sflag:s7] =	ssyncset.done $0x0  }
0x18d: {  	[sflag:s7] =	ssyncadd.s32 $0xFFFFF000  }
0x18e: {  	_ =	sfence.sel $0x180000  }
0x18f: {  	[bflag:$0x0] =	sbarrier.arrive $0xFFFF  }
0x190: {  	_ =	strace $0x90000047  }
0x191: {  	s0 =	stileid.u32;
	[bflag:$0x2] =	sbarrier.arrive $0xFFFF  }
0x192: {  	p0 =	sne.s32 s0, $0x0;
	s0 =	rddreg [dreg:$0x3]  }
0x193: {  	s0 =	sadd.s32 @!p0 $0x100000, s0  }
0x194: {  	[sflag:s0] =	ssyncadd.tile.s32 @!p0 $0x1;
	_ =	shalt  }
.Lfunc_end2:
_tile_overlayer_lowered:
.L_overlay_start_2:
0x195: {  	(tag) =	ssettag $0x2  }
0x196: {  	s0 =	rddreg [dreg:$0x0];
	s2 =	stileid.u32  }
0x197: {  	s1 =	rddreg [dreg:$0x1];
	p0 =	sne.s32 s2, $0x0  }
0x198: {  	s3 =	rddreg [dreg:$0x2];
	[bflag:$0x3] =	sbarrier.arrive $0xFFFF;
	s2 =	simm.s32 @!p0 $0x1C15  }
0x199: {  	[timem:s3], [sflag:s2] =	dma.local @!p0 [hbm:s0], s1  }
0x19a: {  	s0 =	simm.s32 @!p0 $0x15  }
0x19b: {  	_ =	swait.ge @!p0 [sflag:s0], s1  }
0x19c: {  	s1 =	ssub.s32 @!p0 $0x0, s1;
	[sflag:s0] =	ssyncset.done @!p0 $0x0  }
0x19d: {  	[sflag:s0] =	ssyncadd.s32 @!p0 s1  }
0x19e: {  	[bflag:$0x3] =	sbarrier.arrive $0xFFFF  }
0x19f: {  	_ =	shalt  }

</sc_bundles>
